<compile_context>
chip_gen: v7x
topology: tpu7x:2x2x1
jax: 0.10.2.dev20260603
libtpu: 0.0.44.dev20260713+nightly
codegen_flags: <defaults>
</compile_context>

<pallas_src>
import functools

import jax
import jax.numpy as jnp
from jax import lax
from jax.experimental import pallas as pl
from jax.experimental.pallas import tpu as pltpu
from jax.experimental.pallas import tpu_sc as plsc

N = 10000
E = 320000
D = 128
H = 128
P = 128
G = 64

INTERPRET = False

ROW_BLK = 1000
N_BLKS = N // ROW_BLK

NC = 2
NS = 16
NW = NC * NS

CHUNK = 128
IB = 8
EPAD = -(-E // (NW * CHUNK)) * (NW * CHUNK)
TOT_CHUNKS = EPAD // (NS * CHUNK)
NCH0 = 144
NB0 = NCH0 // IB
NCH1 = TOT_CHUNKS - NCH0
NPAD = 10240
ROWS_TILE = NPAD // NS
EH_TILE = E // NW

_vmesh = plsc.VectorSubcoreMesh(core_axis_name="c", subcore_axis_name="s")

import dataclasses as _dc

_sc_cp = pltpu.CompilerParams()
if "needs_layout_passes" in pltpu.CompilerParams.__dataclass_fields__:
    _sc_cp = _dc.replace(_sc_cp, needs_layout_passes=False)


def _dinv_body(hist_ref, o_ref):
    deg = jnp.sum(hist_ref[...], axis=0) + 1.0
    o_ref[...] = lax.rsqrt(deg)[:, None]


def _tc_dinv(hist):
    return pl.pallas_call(
        _dinv_body,
        out_shape=jax.ShapeDtypeStruct((N, 1), jnp.float32),
        interpret=INTERPRET,
    )(hist)


def _in_body(x_ref, win_ref, bin_ref, w1_ref, dinv_ref, h_ref, y_ref):
    h = jnp.dot(x_ref[...], win_ref[...],
                preferred_element_type=jnp.float32) + bin_ref[...]
    h_ref[...] = h
    y_ref[...] = dinv_ref[...] * jnp.dot(h, w1_ref[...],
                                         preferred_element_type=jnp.float32)


def _tc_in(x, W_in, b_in, W1, dinv):
    return pl.pallas_call(
        _in_body,
        grid=(N_BLKS,),
        in_specs=[
            pl.BlockSpec((ROW_BLK, D), lambda j: (j, 0)),
            pl.BlockSpec((D, H), lambda j: (0, 0)),
            pl.BlockSpec((1, H), lambda j: (0, 0)),
            pl.BlockSpec((H, H), lambda j: (0, 0)),
            pl.BlockSpec((ROW_BLK, 1), lambda j: (j, 0)),
        ],
        out_specs=[
            pl.BlockSpec((ROW_BLK, H), lambda j: (j, 0)),
            pl.BlockSpec((ROW_BLK, H), lambda j: (j, 0)),
        ],
        out_shape=[
            jax.ShapeDtypeStruct((N, H), jnp.float32),
            jax.ShapeDtypeStruct((N, H), jnp.float32),
        ],
        interpret=INTERPRET,
    )(x, W_in, b_in.reshape(1, H), W1, dinv)


def _layer_body(res_ref, acca_ref, accb_ref, y_ref, dinv_ref, b_ref, wn_ref,
                r_ref, yn_ref):
    dinv = dinv_ref[...]
    g = dinv * (acca_ref[...] + accb_ref[...] + y_ref[...]) + b_ref[...]
    r = jnp.maximum(res_ref[...] + g, 0.0)
    r_ref[...] = r
    yn_ref[...] = dinv * jnp.dot(r, wn_ref[...],
                                 preferred_element_type=jnp.float32)


def _tc_layer(res, acc_a, acc_b, y, dinv, b, W_next):
    return pl.pallas_call(
        _layer_body,
        grid=(N_BLKS,),
        in_specs=[
            pl.BlockSpec((ROW_BLK, H), lambda j: (j, 0)),
            pl.BlockSpec((ROW_BLK, H), lambda j: (j, 0)),
            pl.BlockSpec((ROW_BLK, H), lambda j: (j, 0)),
            pl.BlockSpec((ROW_BLK, H), lambda j: (j, 0)),
            pl.BlockSpec((ROW_BLK, 1), lambda j: (j, 0)),
            pl.BlockSpec((1, H), lambda j: (0, 0)),
            pl.BlockSpec((H, H), lambda j: (0, 0)),
        ],
        out_specs=[
            pl.BlockSpec((ROW_BLK, H), lambda j: (j, 0)),
            pl.BlockSpec((ROW_BLK, H), lambda j: (j, 0)),
        ],
        out_shape=[
            jax.ShapeDtypeStruct((N, H), jnp.float32),
            jax.ShapeDtypeStruct((N, H), jnp.float32),
        ],
        interpret=INTERPRET,
    )(res, acc_a, acc_b, y, dinv, b.reshape(1, H), W_next)


def _layer3_body(res_ref, acca_ref, accb_ref, y_ref, dinv_ref, b_ref, r_ref):
    g = dinv_ref[...] * (acca_ref[...] + accb_ref[...] + y_ref[...]) + b_ref[...]
    r_ref[...] = jnp.maximum(res_ref[...] + g, 0.0)


def _tc_layer3(res, acc_a, acc_b, y, dinv, b):
    return pl.pallas_call(
        _layer3_body,
        grid=(N_BLKS,),
        in_specs=[
            pl.BlockSpec((ROW_BLK, H), lambda j: (j, 0)),
            pl.BlockSpec((ROW_BLK, H), lambda j: (j, 0)),
            pl.BlockSpec((ROW_BLK, H), lambda j: (j, 0)),
            pl.BlockSpec((ROW_BLK, H), lambda j: (j, 0)),
            pl.BlockSpec((ROW_BLK, 1), lambda j: (j, 0)),
            pl.BlockSpec((1, H), lambda j: (0, 0)),
        ],
        out_specs=pl.BlockSpec((ROW_BLK, H), lambda j: (j, 0)),
        out_shape=jax.ShapeDtypeStruct((N, H), jnp.float32),
        interpret=INTERPRET,
    )(res, acc_a, acc_b, y, dinv, b.reshape(1, H))


def _pool_body(batch_ref, r1_ref, r2_ref, r3_ref, ps_ref, cnt_ref):
    j = pl.program_id(0)
    b = batch_ref[0, 0, :]
    gids = lax.broadcasted_iota(jnp.int32, (G, ROW_BLK), 0)
    mask = (b[None, :] == gids).astype(jnp.float32)

    @pl.when(j == 0)
    def _():
        ps_ref[...] = jnp.zeros_like(ps_ref)
        cnt_ref[...] = jnp.zeros_like(cnt_ref)

    ps_ref[:, 0:H] += jnp.dot(mask, r1_ref[...],
                              preferred_element_type=jnp.float32)
    ps_ref[:, H:2 * H] += jnp.dot(mask, r2_ref[...],
                                  preferred_element_type=jnp.float32)
    ps_ref[:, 2 * H:3 * H] += jnp.dot(mask, r3_ref[...],
                                      preferred_element_type=jnp.float32)
    cnt_ref[...] += jnp.sum(mask, axis=1, keepdims=True)


def _tc_pool(batch3, r1, r2, r3):
    return pl.pallas_call(
        _pool_body,
        grid=(N_BLKS,),
        in_specs=[
            pl.BlockSpec((1, 1, ROW_BLK), lambda j: (j, 0, 0)),
            pl.BlockSpec((ROW_BLK, H), lambda j: (j, 0)),
            pl.BlockSpec((ROW_BLK, H), lambda j: (j, 0)),
            pl.BlockSpec((ROW_BLK, H), lambda j: (j, 0)),
        ],
        out_specs=[
            pl.BlockSpec((G, 3 * H), lambda j: (0, 0)),
            pl.BlockSpec((G, 1), lambda j: (0, 0)),
        ],
        out_shape=[
            jax.ShapeDtypeStruct((G, 3 * H), jnp.float32),
            jax.ShapeDtypeStruct((G, 1), jnp.float32),
        ],
        interpret=INTERPRET,
    )(batch3, r1, r2, r3)


def _head_body(ps_ref, cnt_ref, wp1_ref, bp1_ref, wp2_ref, bp2_ref, o_ref):
    pooled = ps_ref[...] / jnp.maximum(cnt_ref[...], 1.0)
    t = jnp.maximum(jnp.dot(pooled, wp1_ref[...],
                            preferred_element_type=jnp.float32) + bp1_ref[...],
                    0.0)
    p = jnp.dot(t, wp2_ref[...],
                preferred_element_type=jnp.float32) + bp2_ref[...]
    nrm = jnp.sqrt(jnp.sum(p * p, axis=1, keepdims=True))
    o_ref[...] = p / jnp.maximum(nrm, 1e-12)


def _tc_head(ps, cnt, Wp1, bp1, Wp2, bp2):
    return pl.pallas_call(
        _head_body,
        out_shape=jax.ShapeDtypeStruct((G, P), jnp.float32),
        interpret=INTERPRET,
    )(ps, cnt, Wp1, bp1.reshape(1, H), Wp2, bp2.reshape(1, P))



def _sc_hist(dst):

    @functools.partial(
        pl.kernel,
        out_type=jax.ShapeDtypeStruct((NW, N), jnp.float32),
        mesh=_vmesh,
        compiler_params=_sc_cp,
        scratch_types=[
            pltpu.VMEM((EH_TILE,), jnp.int32),
            pltpu.VMEM((N,), jnp.float32),
        ],
    )
    def k(dst_hbm, out_hbm, idxs, hist):
        wid = lax.axis_index("c") * NS + lax.axis_index("s")
        pltpu.sync_copy(dst_hbm.at[pl.ds(wid * EH_TILE, EH_TILE)], idxs)

        zeros = jnp.zeros((16,), jnp.float32)

        @pl.loop(0, N // 16)
        def _(i):
            hist[pl.ds(i * 16, 16)] = zeros

        ones = jnp.ones((16,), jnp.float32)

        @pl.loop(0, EH_TILE // 16)
        def _(i):
            ii = idxs[pl.ds(i * 16, 16)]
            plsc.addupdate_scatter(hist, [ii], ones)

        pltpu.sync_copy(hist, out_hbm.at[wid])

    return k(dst)


def _sc_scatter(y, srcp, dstp):

    @functools.partial(
        pl.kernel,
        out_type=jax.ShapeDtypeStruct((NC, NPAD, H), jnp.float32),
        mesh=_vmesh,
        compiler_params=_sc_cp,
        scratch_types=[
            pltpu.VMEM((IB, CHUNK), jnp.int32),
            pltpu.VMEM((IB, CHUNK), jnp.int32),
            pltpu.VMEM((IB, CHUNK), jnp.int32),
            pltpu.VMEM((IB, CHUNK), jnp.int32),
            pltpu.VMEM((CHUNK,), jnp.int32),
            pltpu.VMEM((CHUNK,), jnp.int32),
            pltpu.VMEM((CHUNK, H), jnp.float32),
            pltpu.VMEM((CHUNK, H), jnp.float32),
            pltpu.VMEM_SHARED((NPAD, H), jnp.float32),
            pltpu.SemaphoreType.DMA,
            pltpu.SemaphoreType.DMA,
            pltpu.SemaphoreType.DMA,
        ],
    )
    def k(y_hbm, src_hbm, dst_hbm, out_hbm, s0, d0, s1, d1, sidx, didx,
          rows0, rows1, acc, gsem, ssem, isem):
        cid = lax.axis_index("c")
        sid = lax.axis_index("s")

        zeros = jnp.zeros((16,), jnp.float32)

        @pl.loop(0, CHUNK)
        def _(r):
            @pl.loop(0, H // 16)
            def _(q):
                rows0[r, pl.ds(q * 16, 16)] = zeros

        @pl.loop(0, ROWS_TILE // CHUNK)
        def _(z):
            pltpu.sync_copy(
                rows0, acc.at[pl.ds(sid * ROWS_TILE + z * CHUNK, CHUNK)])

        plsc.subcore_barrier()

        @pl.when(cid == 0)
        def _():
            base_row = sid * NCH0

            def i_start(b, sb, db):
                pltpu.async_copy(src_hbm.at[pl.ds(base_row + b * IB, IB)],
                                 sb, isem)
                pltpu.async_copy(dst_hbm.at[pl.ds(base_row + b * IB, IB)],
                                 db, isem)

            def i_wait(b, sb, db):
                pltpu.make_async_copy(
                    src_hbm.at[pl.ds(base_row + b * IB, IB)], sb, isem).wait()
                pltpu.make_async_copy(
                    dst_hbm.at[pl.ds(base_row + b * IB, IB)], db, isem).wait()

            def g_start(sb, j, buf):
                pltpu.async_copy(y_hbm.at[sb.at[j]], buf, gsem)

            def g_wait(sb, j, buf):
                pltpu.make_async_copy(y_hbm.at[sb.at[j]], buf, gsem).wait()

            def s_start(db, j, buf):
                pltpu.async_copy(buf, acc.at[db.at[j]], ssem, add=True)

            def s_wait(db, j, buf):
                pltpu.make_async_copy(buf, acc.at[db.at[j]], ssem).wait()

            def do_block(b, sb, db, sb_next, db_next):
                @pl.when(b + 1 < NB0)
                def _():
                    i_start(b + 1, sb_next, db_next)

                for j in range(0, IB, 2):
                    g_start(sb, j + 1, rows1)
                    g_wait(sb, j, rows0)
                    s_start(db, j, rows0)
                    g_wait(sb, j + 1, rows1)
                    s_wait(db, j, rows0)
                    if j + 2 < IB:
                        g_start(sb, j + 2, rows0)
                    else:
                        @pl.when(b + 1 < NB0)
                        def _():
                            i_wait(b + 1, sb_next, db_next)
                            g_start(sb_next, 0, rows0)

                    s_start(db, j + 1, rows1)
                    s_wait(db, j + 1, rows1)

            i_start(0, s0, d0)
            i_wait(0, s0, d0)
            g_start(s0, 0, rows0)

            @pl.loop(0, NB0 // 2)
            def _(p):
                do_block(2 * p, s0, d0, s1, d1)
                do_block(2 * p + 1, s1, d1, s0, d0)

        @pl.when(cid == 1)
        def _():
            base_row = NS * NCH0 + sid * NCH1

            @pl.loop(0, NCH1)
            def _(cnk):
                r = base_row + cnk
                pltpu.sync_copy(src_hbm.at[r], sidx)
                pltpu.sync_copy(dst_hbm.at[r], didx)
                pltpu.async_copy(y_hbm.at[sidx], rows0, gsem).wait()
                pltpu.sync_copy(rows0, acc.at[didx], add=True)

        plsc.subcore_barrier()

        pltpu.sync_copy(acc.at[pl.ds(sid * ROWS_TILE, ROWS_TILE)],
                        out_hbm.at[cid, pl.ds(sid * ROWS_TILE, ROWS_TILE)])

    out = k(y, srcp, dstp)
    return out[0, :N], out[1, :N]


def kernel(x, edge_index, batch, W_in, b_in, W1, b1, W2, b2, W3, b3,
           Wp1, bp1, Wp2, bp2):
    src, dst = edge_index[0], edge_index[1]

    srcp = jnp.concatenate([src, jnp.zeros(EPAD - E, jnp.int32)])
    dstp = jnp.concatenate([dst, jnp.full(EPAD - E, NPAD - 1, jnp.int32)])
    srcp = srcp.reshape(EPAD // CHUNK, CHUNK)
    dstp = dstp.reshape(EPAD // CHUNK, CHUNK)

    hist = _sc_hist(dst)
    dinv = _tc_dinv(hist)

    h, y1 = _tc_in(x, W_in, b_in, W1, dinv)
    a1, a1b = _sc_scatter(y1, srcp, dstp)
    r1, y2 = _tc_layer(h, a1, a1b, y1, dinv, b1, W2)
    a2, a2b = _sc_scatter(y2, srcp, dstp)
    r2, y3 = _tc_layer(r1, a2, a2b, y2, dinv, b2, W3)
    a3, a3b = _sc_scatter(y3, srcp, dstp)
    r3 = _tc_layer3(r2, a3, a3b, y3, dinv, b3)

    batch3 = batch.reshape(N_BLKS, 1, ROW_BLK)
    ps, cnt = _tc_pool(batch3, r1, r2, r3)
    return _tc_head(ps, cnt, Wp1, bp1, Wp2, bp2)

# --- scband reference (transcript-rebuilt; emitter-appended) ---
"""Pipeline reference for scband-encoder3-74998718923370 (READ-ONLY COPY).

The authoritative reference and input builder live on the scoring server;
editing this copy changes nothing except your own understanding.
"""

import jax, jax.numpy as jnp
import numpy as np

N = 10000
E = 320000
D = 128
H = 128
P = 128
G = 64


def _gcn(x, src, dst, W, b, n):
    loop = jnp.arange(n, dtype=src.dtype)
    s = jnp.concatenate([src, loop])
    d = jnp.concatenate([dst, loop])
    deg = jax.ops.segment_sum(jnp.ones(s.shape[0], jnp.float32), d, num_segments=n)
    dinv = jnp.where(deg > 0, deg ** -0.5, 0.0)
    norm = dinv[s] * dinv[d]
    xw = x @ W
    msg = xw[s] * norm[:, None]
    return jax.ops.segment_sum(msg, d, num_segments=n) + b


def setup_inputs(seed: int = 0):
    key = jax.random.key(seed)
    ks = jax.random.split(key, 16)

    def lin(k, fin, fout):
        k1, k2 = jax.random.split(k)
        bound = 1.0 / np.sqrt(fin)
        W = jax.random.uniform(k1, (fin, fout), jnp.float32, -bound, bound)
        b = jax.random.uniform(k2, (fout,), jnp.float32, -bound, bound)
        return W, b

    x = jax.random.normal(ks[0], (N, D), jnp.float32)
    edge_index = jax.random.randint(ks[1], (2, E), 0, N, dtype=jnp.int32)
    batch = jnp.sort(jax.random.randint(ks[2], (N,), 0, G, dtype=jnp.int32))
    W_in, b_in = lin(ks[3], D, H)
    W1, b1 = lin(ks[4], H, H)
    W2, b2 = lin(ks[5], H, H)
    W3, b3 = lin(ks[6], H, H)
    Wp1, bp1 = lin(ks[7], 3 * H, H)
    Wp2, bp2 = lin(ks[8], H, P)
    return {"x": x, "edge_index": edge_index, "batch": batch,
            "W_in": W_in, "b_in": b_in, "W1": W1, "b1": b1,
            "W2": W2, "b2": b2, "W3": W3, "b3": b3,
            "Wp1": Wp1, "bp1": bp1, "Wp2": Wp2, "bp2": bp2}


def reference(x, edge_index, batch, W_in, b_in, W1, b1, W2, b2, W3, b3, Wp1, bp1, Wp2, bp2):
    n = x.shape[0]
    src, dst = edge_index[0], edge_index[1]
    h = x @ W_in + b_in
    r1 = jax.nn.relu(h + _gcn(h, src, dst, W1, b1, n))
    r2 = jax.nn.relu(r1 + _gcn(r1, src, dst, W2, b2, n))
    r3 = jax.nn.relu(r2 + _gcn(r2, src, dst, W3, b3, n))
    xs = jnp.concatenate([r1, r2, r3], axis=1)
    counts = jax.ops.segment_sum(jnp.ones(n, jnp.float32), batch, num_segments=G)
    pooled = jax.ops.segment_sum(xs, batch, num_segments=G) / jnp.maximum(counts, 1.0)[:, None]
    p = jax.nn.relu(pooled @ Wp1 + bp1) @ Wp2 + bp2
    nrm = jnp.maximum(jnp.linalg.norm(p, axis=1, keepdims=True), 1e-12)
    return p / nrm

if __name__ == "__main__":
    import jax
    _d = setup_inputs()
    print(jax.jit(kernel)(*tuple(_d.values())))

</pallas_src>

<mosaic_0001>
#map = affine_map<(d0, d1) -> (0, 0)>
#map1 = affine_map<(d0, d1) -> (0, 0, 0)>
module attributes {stable_mosaic.version = 14 : i64} {
  func.func @k(%arg0: i32, %arg1: i32, %arg2: memref<10000x128xf32, #tpu.memory_space<hbm>>, %arg3: memref<2528x128xi32, #tpu.memory_space<hbm>>, %arg4: memref<2528x128xi32, #tpu.memory_space<hbm>>, %arg5: memref<2x10240x128xf32, #tpu.memory_space<hbm>>, %arg6: memref<8x128xi32, #tpu.memory_space<vmem>>, %arg7: memref<8x128xi32, #tpu.memory_space<vmem>>, %arg8: memref<8x128xi32, #tpu.memory_space<vmem>>, %arg9: memref<8x128xi32, #tpu.memory_space<vmem>>, %arg10: memref<128xi32, #tpu.memory_space<vmem>>, %arg11: memref<128xi32, #tpu.memory_space<vmem>>, %arg12: memref<128x128xf32, #tpu.memory_space<vmem>>, %arg13: memref<128x128xf32, #tpu.memory_space<vmem>>, %arg14: memref<10240x128xf32, #tpu.memory_space<vmem_shared>>, %arg15: memref<!tpu.dma_semaphore, #tpu.memory_space<semaphore_mem>>, %arg16: memref<!tpu.dma_semaphore, #tpu.memory_space<semaphore_mem>>, %arg17: memref<!tpu.dma_semaphore, #tpu.memory_space<semaphore_mem>>) attributes {dimension_semantics = [#tpu.dimension_semantics<core_parallel>, #tpu.dimension_semantics<subcore_parallel>], iteration_bounds = array<i64: 2, 16>, scalar_prefetch = 0 : i64, scratch_operands = 12 : i64, tpu.core_type = #tpu.core_type<sc_vector_subcore>, window_params = [{transform_indices = #map}, {transform_indices = #map}, {transform_indices = #map}, {transform_indices = #map1}]} {
    %broadcast_in_dim3A = arith.constant 0.000000e+00 : f32
    %broadcast_in_dim3A_0 = vector.broadcast %broadcast_in_dim3A : f32 to vector<16xf32>
    %scan3A = arith.constant 0 : i32
    %scan3A_1 = arith.constant 128 : i32
    %scan3A_2 = arith.addi %scan3A, %scan3A_1 : i32
    %scan3A_3 = arith.constant 1 : i32
    scf.for %scan3A_21 = %scan3A to %scan3A_2 step %scan3A_3  : i32 {
      %mul3A_22 = arith.constant 1 : i32
      %mul3A_23 = arith.muli %scan3A_21, %mul3A_22 : i32
      %add3A = arith.constant 0 : i32
      %add3A_24 = arith.addi %add3A, %mul3A_23 : i32
      %scan3A_25 = arith.constant 0 : i32
      %scan3A_26 = arith.constant 8 : i32
      %scan3A_27 = arith.addi %scan3A_25, %scan3A_26 : i32
      %scan3A_28 = arith.constant 1 : i32
      scf.for %scan3A_30 = %scan3A_25 to %scan3A_27 step %scan3A_28  : i32 {
        %mul3A_31 = arith.constant 1 : i32
        %mul3A_32 = arith.muli %scan3A_30, %mul3A_31 : i32
        %add3A_33 = arith.constant 0 : i32
        %add3A_34 = arith.addi %add3A_33, %mul3A_32 : i32
        %mul3A_35 = arith.constant 16 : i32
        %mul3A_36 = arith.muli %add3A_34, %mul3A_35 : i32
        %swap3A = arith.index_cast %add3A_24 : i32 to index
        %swap3A_37 = arith.index_cast %mul3A_36 : i32 to index
        %swap3A_38 = tpu.vector_load %arg12[%swap3A, %swap3A_37] {strides = array<i32>} : memref<128x128xf32, #tpu.memory_space<vmem>>, vector<16xf32>,
        tpu.vector_store %arg12[%swap3A, %swap3A_37], %broadcast_in_dim3A_0 {strides = array<i32>} : memref<128x128xf32, #tpu.memory_space<vmem>>, vector<16xf32>,
      }
      %scan3A_29 = arith.constant 8 : i32
    }
    %scan3A_4 = arith.constant 128 : i32
    %scan3A_5 = arith.constant 0 : i32
    %scan3A_6 = arith.constant 5 : i32
    %scan3A_7 = arith.addi %scan3A_5, %scan3A_6 : i32
    %scan3A_8 = arith.constant 1 : i32
    scf.for %scan3A_21 = %scan3A_5 to %scan3A_7 step %scan3A_8  : i32 {
      %mul3A_22 = arith.constant 1 : i32
      %mul3A_23 = arith.muli %scan3A_21, %mul3A_22 : i32
      %add3A = arith.constant 0 : i32
      %add3A_24 = arith.addi %add3A, %mul3A_23 : i32
      %mul3A_25 = arith.constant 640 : i32
      %mul3A_26 = arith.muli %arg1, %mul3A_25 : i32
      %mul3A_27 = arith.constant 128 : i32
      %mul3A_28 = arith.muli %add3A_24, %mul3A_27 : i32
      %add3A_29 = arith.addi %mul3A_26, %mul3A_28 : i32
      "tpu.region"() ({
        %run_scoped3A = tpu.sem_alloc : memref<!tpu.dma_semaphore, #tpu.memory_space<semaphore_mem>>
        %dma_start3A = arith.constant 0 : i32
        %dma_start3A_30 = tpu.memref_slice %arg14[%add3A_29, %dma_start3A] : memref<10240x128xf32, #tpu.memory_space<vmem_shared>> -> memref<128x128xf32, #tpu.memory_space<vmem_shared>>
        %dma_start3A_31 = arith.constant 0 : i32
        %dma_start3A_32 = tpu.memref_slice %arg14[%add3A_29, %dma_start3A_31] : memref<10240x128xf32, #tpu.memory_space<vmem_shared>> -> memref<128x128xf32, #tpu.memory_space<vmem_shared>>
        tpu.enqueue_dma source(%arg12 : memref<128x128xf32, #tpu.memory_space<vmem>>) target(%dma_start3A_32 : memref<128x128xf32, #tpu.memory_space<vmem_shared>>) target_semaphore(%run_scoped3A : memref<!tpu.dma_semaphore, #tpu.memory_space<semaphore_mem>>)
        %dma_wait3A = arith.constant 0 : i32
        %dma_wait3A_33 = tpu.memref_slice %arg14[%add3A_29, %dma_wait3A] : memref<10240x128xf32, #tpu.memory_space<vmem_shared>> -> memref<128x128xf32, #tpu.memory_space<vmem_shared>>
        %dma_wait3A_34 = arith.constant 0 : i32
        %dma_wait3A_35 = tpu.memref_slice %arg14[%add3A_29, %dma_wait3A_34] : memref<10240x128xf32, #tpu.memory_space<vmem_shared>> -> memref<128x128xf32, #tpu.memory_space<vmem_shared>>
        tpu.wait_dma2 semaphore(%run_scoped3A : memref<!tpu.dma_semaphore, #tpu.memory_space<semaphore_mem>>) src(%arg12 : memref<128x128xf32, #tpu.memory_space<vmem>>) dst(%dma_wait3A_35 : memref<128x128xf32, #tpu.memory_space<vmem_shared>>)
        tpu.yield
      }) : () -> ()
    }
    %scan3A_9 = arith.constant 5 : i32
    %barrier3A = arith.constant 0 : index
    tpu.barrier barrier_id(%barrier3A)
    %eq3A = arith.constant 0 : i32
    %eq3A_10 = arith.cmpi eq, %arg0, %eq3A : i32
    %convert_element_type3A = arith.extui %eq3A_10 : i1 to i32
    %cond3A = arith.constant 0 : i32
    %cond3A_11 = arith.cmpi ne, %convert_element_type3A, %cond3A : i32
    scf.if %cond3A_11 {
      %mul3A_21 = arith.constant 144 : i32
      %mul3A_22 = arith.muli %arg1, %mul3A_21 : i32
      %add3A = arith.constant 0 : i32
      %add3A_23 = arith.addi %mul3A_22, %add3A : i32
      %dma_start3A = arith.constant 0 : i32
      %dma_start3A_24 = tpu.memref_slice %arg3[%add3A_23, %dma_start3A] : memref<2528x128xi32, #tpu.memory_space<hbm>> -> memref<8x128xi32, #tpu.memory_space<hbm>>
      %dma_start3A_25 = arith.constant 0 : i32
      %dma_start3A_26 = tpu.memref_slice %arg3[%add3A_23, %dma_start3A_25] : memref<2528x128xi32, #tpu.memory_space<hbm>> -> memref<8x128xi32, #tpu.memory_space<hbm>>
      tpu.enqueue_dma source(%dma_start3A_26 : memref<8x128xi32, #tpu.memory_space<hbm>>) target(%arg6 : memref<8x128xi32, #tpu.memory_space<vmem>>) target_semaphore(%arg17 : memref<!tpu.dma_semaphore, #tpu.memory_space<semaphore_mem>>)
      %add3A_27 = arith.constant 0 : i32
      %add3A_28 = arith.addi %mul3A_22, %add3A_27 : i32
      %dma_start3A_29 = arith.constant 0 : i32
      %dma_start3A_30 = tpu.memref_slice %arg4[%add3A_28, %dma_start3A_29] : memref<2528x128xi32, #tpu.memory_space<hbm>> -> memref<8x128xi32, #tpu.memory_space<hbm>>
      %dma_start3A_31 = arith.constant 0 : i32
      %dma_start3A_32 = tpu.memref_slice %arg4[%add3A_28, %dma_start3A_31] : memref<2528x128xi32, #tpu.memory_space<hbm>> -> memref<8x128xi32, #tpu.memory_space<hbm>>
      tpu.enqueue_dma source(%dma_start3A_32 : memref<8x128xi32, #tpu.memory_space<hbm>>) target(%arg7 : memref<8x128xi32, #tpu.memory_space<vmem>>) target_semaphore(%arg17 : memref<!tpu.dma_semaphore, #tpu.memory_space<semaphore_mem>>)
      %add3A_33 = arith.constant 0 : i32
      %add3A_34 = arith.addi %mul3A_22, %add3A_33 : i32
      %dma_wait3A = arith.constant 0 : i32
      %dma_wait3A_35 = tpu.memref_slice %arg3[%add3A_34, %dma_wait3A] : memref<2528x128xi32, #tpu.memory_space<hbm>> -> memref<8x128xi32, #tpu.memory_space<hbm>>
      %dma_wait3A_36 = arith.constant 0 : i32
      %dma_wait3A_37 = tpu.memref_slice %arg3[%add3A_34, %dma_wait3A_36] : memref<2528x128xi32, #tpu.memory_space<hbm>> -> memref<8x128xi32, #tpu.memory_space<hbm>>
      tpu.wait_dma2 semaphore(%arg17 : memref<!tpu.dma_semaphore, #tpu.memory_space<semaphore_mem>>) src(%dma_wait3A_37 : memref<8x128xi32, #tpu.memory_space<hbm>>) dst(%arg6 : memref<8x128xi32, #tpu.memory_space<vmem>>)
      %add3A_38 = arith.constant 0 : i32
      %add3A_39 = arith.addi %mul3A_22, %add3A_38 : i32
      %dma_wait3A_40 = arith.constant 0 : i32
      %dma_wait3A_41 = tpu.memref_slice %arg4[%add3A_39, %dma_wait3A_40] : memref<2528x128xi32, #tpu.memory_space<hbm>> -> memref<8x128xi32, #tpu.memory_space<hbm>>
      %dma_wait3A_42 = arith.constant 0 : i32
      %dma_wait3A_43 = tpu.memref_slice %arg4[%add3A_39, %dma_wait3A_42] : memref<2528x128xi32, #tpu.memory_space<hbm>> -> memref<8x128xi32, #tpu.memory_space<hbm>>
      tpu.wait_dma2 semaphore(%arg17 : memref<!tpu.dma_semaphore, #tpu.memory_space<semaphore_mem>>) src(%dma_wait3A_43 : memref<8x128xi32, #tpu.memory_space<hbm>>) dst(%arg7 : memref<8x128xi32, #tpu.memory_space<vmem>>)
      %dma_start3A_44 = arith.constant 0 : i32
      %dma_start3A_45 = arith.constant 0 : i32
      %dma_start3A_46 = tpu.memref_slice %arg6[%dma_start3A_44, %dma_start3A_45] : memref<8x128xi32, #tpu.memory_space<vmem>> -> memref<1x128xi32, #tpu.memory_space<vmem>>
      %dma_start3A_47 = tpu.memref_squeeze %dma_start3A_46 : memref<1x128xi32, #tpu.memory_space<vmem>> -> memref<128xi32, #tpu.memory_space<vmem>>
      %dma_start3A_48 = arith.constant 0 : i32
      %dma_start3A_49 = arith.constant 0 : i32
      %dma_start3A_50 = tpu.memref_slice %arg2[%dma_start3A_48, %dma_start3A_49] : memref<10000x128xf32, #tpu.memory_space<hbm>> -> memref<10000x128xf32, #tpu.memory_space<hbm>>
      tpu.enqueue_indirect_dma source(%dma_start3A_50 : memref<10000x128xf32, #tpu.memory_space<hbm>>) target(%arg12 : memref<128x128xf32, #tpu.memory_space<vmem>>) offsets(%dma_start3A_47 : memref<128xi32, #tpu.memory_space<vmem>>) semaphore(%arg15 : memref<!tpu.dma_semaphore, #tpu.memory_space<semaphore_mem>>)
      %scan3A_51 = arith.constant 0 : i32
      %scan3A_52 = arith.constant 9 : i32
      %scan3A_53 = arith.addi %scan3A_51, %scan3A_52 : i32
      %scan3A_54 = arith.constant 1 : i32
      scf.for %scan3A_56 = %scan3A_51 to %scan3A_53 step %scan3A_54  : i32 {
        %mul3A_57 = arith.constant 1 : i32
        %mul3A_58 = arith.muli %scan3A_56, %mul3A_57 : i32
        %add3A_59 = arith.constant 0 : i32
        %add3A_60 = arith.addi %add3A_59, %mul3A_58 : i32
        %mul3A_61 = arith.constant 2 : i32
        %mul3A_62 = arith.muli %mul3A_61, %add3A_60 : i32
        %add3A_63 = arith.constant 1 : i32
        %add3A_64 = arith.addi %mul3A_62, %add3A_63 : i32
        %lt3A = arith.constant 18 : i32
        %lt3A_65 = arith.cmpi slt, %add3A_64, %lt3A : i32
        %convert_element_type3A_66 = arith.extui %lt3A_65 : i1 to i32
        %cond3A_67 = arith.constant 0 : i32
        %cond3A_68 = arith.cmpi ne, %convert_element_type3A_66, %cond3A_67 : i32
        scf.if %cond3A_68 {
          %add3A_528 = arith.constant 1 : i32
          %add3A_529 = arith.addi %mul3A_62, %add3A_528 : i32
          %mul3A_530 = arith.constant 8 : i32
          %mul3A_531 = arith.muli %add3A_529, %mul3A_530 : i32
          %add3A_532 = arith.addi %mul3A_22, %mul3A_531 : i32
          %dma_start3A_533 = arith.constant 0 : i32
          %dma_start3A_534 = tpu.memref_slice %arg3[%add3A_532, %dma_start3A_533] : memref<2528x128xi32, #tpu.memory_space<hbm>> -> memref<8x128xi32, #tpu.memory_space<hbm>>
          %dma_start3A_535 = arith.constant 0 : i32
          %dma_start3A_536 = tpu.memref_slice %arg3[%add3A_532, %dma_start3A_535] : memref<2528x128xi32, #tpu.memory_space<hbm>> -> memref<8x128xi32, #tpu.memory_space<hbm>>
          tpu.enqueue_dma source(%dma_start3A_536 : memref<8x128xi32, #tpu.memory_space<hbm>>) target(%arg8 : memref<8x128xi32, #tpu.memory_space<vmem>>) target_semaphore(%arg17 : memref<!tpu.dma_semaphore, #tpu.memory_space<semaphore_mem>>)
          %mul3A_537 = arith.constant 8 : i32
          %mul3A_538 = arith.muli %add3A_529, %mul3A_537 : i32
          %add3A_539 = arith.addi %mul3A_22, %mul3A_538 : i32
          %dma_start3A_540 = arith.constant 0 : i32
          %dma_start3A_541 = tpu.memref_slice %arg4[%add3A_539, %dma_start3A_540] : memref<2528x128xi32, #tpu.memory_space<hbm>> -> memref<8x128xi32, #tpu.memory_space<hbm>>
          %dma_start3A_542 = arith.constant 0 : i32
          %dma_start3A_543 = tpu.memref_slice %arg4[%add3A_539, %dma_start3A_542] : memref<2528x128xi32, #tpu.memory_space<hbm>> -> memref<8x128xi32, #tpu.memory_space<hbm>>
          tpu.enqueue_dma source(%dma_start3A_543 : memref<8x128xi32, #tpu.memory_space<hbm>>) target(%arg9 : memref<8x128xi32, #tpu.memory_space<vmem>>) target_semaphore(%arg17 : memref<!tpu.dma_semaphore, #tpu.memory_space<semaphore_mem>>)
        } else {
        }
        %dma_start3A_69 = arith.constant 1 : i32
        %dma_start3A_70 = arith.constant 0 : i32
        %dma_start3A_71 = tpu.memref_slice %arg6[%dma_start3A_69, %dma_start3A_70] : memref<8x128xi32, #tpu.memory_space<vmem>> -> memref<1x128xi32, #tpu.memory_space<vmem>>
        %dma_start3A_72 = tpu.memref_squeeze %dma_start3A_71 : memref<1x128xi32, #tpu.memory_space<vmem>> -> memref<128xi32, #tpu.memory_space<vmem>>
        %dma_start3A_73 = arith.constant 0 : i32
        %dma_start3A_74 = arith.constant 0 : i32
        %dma_start3A_75 = tpu.memref_slice %arg2[%dma_start3A_73, %dma_start3A_74] : memref<10000x128xf32, #tpu.memory_space<hbm>> -> memref<10000x128xf32, #tpu.memory_space<hbm>>
        tpu.enqueue_indirect_dma source(%dma_start3A_75 : memref<10000x128xf32, #tpu.memory_space<hbm>>) target(%arg13 : memref<128x128xf32, #tpu.memory_space<vmem>>) offsets(%dma_start3A_72 : memref<128xi32, #tpu.memory_space<vmem>>) semaphore(%arg15 : memref<!tpu.dma_semaphore, #tpu.memory_space<semaphore_mem>>)
        %dma_wait3A_76 = arith.constant 0 : i32
        %dma_wait3A_77 = arith.constant 0 : i32
        %dma_wait3A_78 = tpu.memref_slice %arg6[%dma_wait3A_76, %dma_wait3A_77] : memref<8x128xi32, #tpu.memory_space<vmem>> -> memref<1x128xi32, #tpu.memory_space<vmem>>
        %dma_wait3A_79 = tpu.memref_squeeze %dma_wait3A_78 : memref<1x128xi32, #tpu.memory_space<vmem>> -> memref<128xi32, #tpu.memory_space<vmem>>
        %dma_wait3A_80 = arith.constant 0 : i32
        %dma_wait3A_81 = arith.constant 0 : i32
        %dma_wait3A_82 = tpu.memref_slice %arg2[%dma_wait3A_80, %dma_wait3A_81] : memref<10000x128xf32, #tpu.memory_space<hbm>> -> memref<10000x128xf32, #tpu.memory_space<hbm>>
        tpu.wait_indirect_dma semaphore(%arg15 : memref<!tpu.dma_semaphore, #tpu.memory_space<semaphore_mem>>) src(%dma_wait3A_82 : memref<10000x128xf32, #tpu.memory_space<hbm>>) dst(%arg12 : memref<128x128xf32, #tpu.memory_space<vmem>>)
        %dma_start3A_83 = arith.constant 0 : i32
        %dma_start3A_84 = arith.constant 0 : i32
        %dma_start3A_85 = tpu.memref_slice %arg7[%dma_start3A_83, %dma_start3A_84] : memref<8x128xi32, #tpu.memory_space<vmem>> -> memref<1x128xi32, #tpu.memory_space<vmem>>
        %dma_start3A_86 = tpu.memref_squeeze %dma_start3A_85 : memref<1x128xi32, #tpu.memory_space<vmem>> -> memref<128xi32, #tpu.memory_space<vmem>>
        %dma_start3A_87 = arith.constant 0 : i32
        %dma_start3A_88 = arith.constant 0 : i32
        %dma_start3A_89 = tpu.memref_slice %arg14[%dma_start3A_87, %dma_start3A_88] : memref<10240x128xf32, #tpu.memory_space<vmem_shared>> -> memref<10240x128xf32, #tpu.memory_space<vmem_shared>>
        tpu.enqueue_indirect_dma source(%arg12 : memref<128x128xf32, #tpu.memory_space<vmem>>) target(%dma_start3A_89 : memref<10240x128xf32, #tpu.memory_space<vmem_shared>>) offsets(%dma_start3A_86 : memref<128xi32, #tpu.memory_space<vmem>>) semaphore(%arg16 : memref<!tpu.dma_semaphore, #tpu.memory_space<semaphore_mem>>) {add = true}
        %dma_wait3A_90 = arith.constant 1 : i32
        %dma_wait3A_91 = arith.constant 0 : i32
        %dma_wait3A_92 = tpu.memref_slice %arg6[%dma_wait3A_90, %dma_wait3A_91] : memref<8x128xi32, #tpu.memory_space<vmem>> -> memref<1x128xi32, #tpu.memory_space<vmem>>
        %dma_wait3A_93 = tpu.memref_squeeze %dma_wait3A_92 : memref<1x128xi32, #tpu.memory_space<vmem>> -> memref<128xi32, #tpu.memory_space<vmem>>
        %dma_wait3A_94 = arith.constant 0 : i32
        %dma_wait3A_95 = arith.constant 0 : i32
        %dma_wait3A_96 = tpu.memref_slice %arg2[%dma_wait3A_94, %dma_wait3A_95] : memref<10000x128xf32, #tpu.memory_space<hbm>> -> memref<10000x128xf32, #tpu.memory_space<hbm>>
        tpu.wait_indirect_dma semaphore(%arg15 : memref<!tpu.dma_semaphore, #tpu.memory_space<semaphore_mem>>) src(%dma_wait3A_96 : memref<10000x128xf32, #tpu.memory_space<hbm>>) dst(%arg13 : memref<128x128xf32, #tpu.memory_space<vmem>>)
        %dma_wait3A_97 = arith.constant 0 : i32
        %dma_wait3A_98 = arith.constant 0 : i32
        %dma_wait3A_99 = tpu.memref_slice %arg7[%dma_wait3A_97, %dma_wait3A_98] : memref<8x128xi32, #tpu.memory_space<vmem>> -> memref<1x128xi32, #tpu.memory_space<vmem>>
        %dma_wait3A_100 = tpu.memref_squeeze %dma_wait3A_99 : memref<1x128xi32, #tpu.memory_space<vmem>> -> memref<128xi32, #tpu.memory_space<vmem>>
        %dma_wait3A_101 = arith.constant 0 : i32
        %dma_wait3A_102 = arith.constant 0 : i32
        %dma_wait3A_103 = tpu.memref_slice %arg14[%dma_wait3A_101, %dma_wait3A_102] : memref<10240x128xf32, #tpu.memory_space<vmem_shared>> -> memref<10240x128xf32, #tpu.memory_space<vmem_shared>>
        tpu.wait_indirect_dma semaphore(%arg16 : memref<!tpu.dma_semaphore, #tpu.memory_space<semaphore_mem>>) src(%arg12 : memref<128x128xf32, #tpu.memory_space<vmem>>) dst(%dma_wait3A_103 : memref<10240x128xf32, #tpu.memory_space<vmem_shared>>)
        %dma_start3A_104 = arith.constant 2 : i32
        %dma_start3A_105 = arith.constant 0 : i32
        %dma_start3A_106 = tpu.memref_slice %arg6[%dma_start3A_104, %dma_start3A_105] : memref<8x128xi32, #tpu.memory_space<vmem>> -> memref<1x128xi32, #tpu.memory_space<vmem>>
        %dma_start3A_107 = tpu.memref_squeeze %dma_start3A_106 : memref<1x128xi32, #tpu.memory_space<vmem>> -> memref<128xi32, #tpu.memory_space<vmem>>
        %dma_start3A_108 = arith.constant 0 : i32
        %dma_start3A_109 = arith.constant 0 : i32
        %dma_start3A_110 = tpu.memref_slice %arg2[%dma_start3A_108, %dma_start3A_109] : memref<10000x128xf32, #tpu.memory_space<hbm>> -> memref<10000x128xf32, #tpu.memory_space<hbm>>
        tpu.enqueue_indirect_dma source(%dma_start3A_110 : memref<10000x128xf32, #tpu.memory_space<hbm>>) target(%arg12 : memref<128x128xf32, #tpu.memory_space<vmem>>) offsets(%dma_start3A_107 : memref<128xi32, #tpu.memory_space<vmem>>) semaphore(%arg15 : memref<!tpu.dma_semaphore, #tpu.memory_space<semaphore_mem>>)
        %dma_start3A_111 = arith.constant 1 : i32
        %dma_start3A_112 = arith.constant 0 : i32
        %dma_start3A_113 = tpu.memref_slice %arg7[%dma_start3A_111, %dma_start3A_112] : memref<8x128xi32, #tpu.memory_space<vmem>> -> memref<1x128xi32, #tpu.memory_space<vmem>>
        %dma_start3A_114 = tpu.memref_squeeze %dma_start3A_113 : memref<1x128xi32, #tpu.memory_space<vmem>> -> memref<128xi32, #tpu.memory_space<vmem>>
        %dma_start3A_115 = arith.constant 0 : i32
        %dma_start3A_116 = arith.constant 0 : i32
        %dma_start3A_117 = tpu.memref_slice %arg14[%dma_start3A_115, %dma_start3A_116] : memref<10240x128xf32, #tpu.memory_space<vmem_shared>> -> memref<10240x128xf32, #tpu.memory_space<vmem_shared>>
        tpu.enqueue_indirect_dma source(%arg13 : memref<128x128xf32, #tpu.memory_space<vmem>>) target(%dma_start3A_117 : memref<10240x128xf32, #tpu.memory_space<vmem_shared>>) offsets(%dma_start3A_114 : memref<128xi32, #tpu.memory_space<vmem>>) semaphore(%arg16 : memref<!tpu.dma_semaphore, #tpu.memory_space<semaphore_mem>>) {add = true}
        %dma_wait3A_118 = arith.constant 1 : i32
        %dma_wait3A_119 = arith.constant 0 : i32
        %dma_wait3A_120 = tpu.memref_slice %arg7[%dma_wait3A_118, %dma_wait3A_119] : memref<8x128xi32, #tpu.memory_space<vmem>> -> memref<1x128xi32, #tpu.memory_space<vmem>>
        %dma_wait3A_121 = tpu.memref_squeeze %dma_wait3A_120 : memref<1x128xi32, #tpu.memory_space<vmem>> -> memref<128xi32, #tpu.memory_space<vmem>>
        %dma_wait3A_122 = arith.constant 0 : i32
        %dma_wait3A_123 = arith.constant 0 : i32
        %dma_wait3A_124 = tpu.memref_slice %arg14[%dma_wait3A_122, %dma_wait3A_123] : memref<10240x128xf32, #tpu.memory_space<vmem_shared>> -> memref<10240x128xf32, #tpu.memory_space<vmem_shared>>
        tpu.wait_indirect_dma semaphore(%arg16 : memref<!tpu.dma_semaphore, #tpu.memory_space<semaphore_mem>>) src(%arg13 : memref<128x128xf32, #tpu.memory_space<vmem>>) dst(%dma_wait3A_124 : memref<10240x128xf32, #tpu.memory_space<vmem_shared>>)
        %dma_start3A_125 = arith.constant 3 : i32
        %dma_start3A_126 = arith.constant 0 : i32
        %dma_start3A_127 = tpu.memref_slice %arg6[%dma_start3A_125, %dma_start3A_126] : memref<8x128xi32, #tpu.memory_space<vmem>> -> memref<1x128xi32, #tpu.memory_space<vmem>>
        %dma_start3A_128 = tpu.memref_squeeze %dma_start3A_127 : memref<1x128xi32, #tpu.memory_space<vmem>> -> memref<128xi32, #tpu.memory_space<vmem>>
        %dma_start3A_129 = arith.constant 0 : i32
        %dma_start3A_130 = arith.constant 0 : i32
        %dma_start3A_131 = tpu.memref_slice %arg2[%dma_start3A_129, %dma_start3A_130] : memref<10000x128xf32, #tpu.memory_space<hbm>> -> memref<10000x128xf32, #tpu.memory_space<hbm>>
        tpu.enqueue_indirect_dma source(%dma_start3A_131 : memref<10000x128xf32, #tpu.memory_space<hbm>>) target(%arg13 : memref<128x128xf32, #tpu.memory_space<vmem>>) offsets(%dma_start3A_128 : memref<128xi32, #tpu.memory_space<vmem>>) semaphore(%arg15 : memref<!tpu.dma_semaphore, #tpu.memory_space<semaphore_mem>>)
        %dma_wait3A_132 = arith.constant 2 : i32
        %dma_wait3A_133 = arith.constant 0 : i32
        %dma_wait3A_134 = tpu.memref_slice %arg6[%dma_wait3A_132, %dma_wait3A_133] : memref<8x128xi32, #tpu.memory_space<vmem>> -> memref<1x128xi32, #tpu.memory_space<vmem>>
        %dma_wait3A_135 = tpu.memref_squeeze %dma_wait3A_134 : memref<1x128xi32, #tpu.memory_space<vmem>> -> memref<128xi32, #tpu.memory_space<vmem>>
        %dma_wait3A_136 = arith.constant 0 : i32
        %dma_wait3A_137 = arith.constant 0 : i32
        %dma_wait3A_138 = tpu.memref_slice %arg2[%dma_wait3A_136, %dma_wait3A_137] : memref<10000x128xf32, #tpu.memory_space<hbm>> -> memref<10000x128xf32, #tpu.memory_space<hbm>>
        tpu.wait_indirect_dma semaphore(%arg15 : memref<!tpu.dma_semaphore, #tpu.memory_space<semaphore_mem>>) src(%dma_wait3A_138 : memref<10000x128xf32, #tpu.memory_space<hbm>>) dst(%arg12 : memref<128x128xf32, #tpu.memory_space<vmem>>)
        %dma_start3A_139 = arith.constant 2 : i32
        %dma_start3A_140 = arith.constant 0 : i32
        %dma_start3A_141 = tpu.memref_slice %arg7[%dma_start3A_139, %dma_start3A_140] : memref<8x128xi32, #tpu.memory_space<vmem>> -> memref<1x128xi32, #tpu.memory_space<vmem>>
        %dma_start3A_142 = tpu.memref_squeeze %dma_start3A_141 : memref<1x128xi32, #tpu.memory_space<vmem>> -> memref<128xi32, #tpu.memory_space<vmem>>
        %dma_start3A_143 = arith.constant 0 : i32
        %dma_start3A_144 = arith.constant 0 : i32
        %dma_start3A_145 = tpu.memref_slice %arg14[%dma_start3A_143, %dma_start3A_144] : memref<10240x128xf32, #tpu.memory_space<vmem_shared>> -> memref<10240x128xf32, #tpu.memory_space<vmem_shared>>
        tpu.enqueue_indirect_dma source(%arg12 : memref<128x128xf32, #tpu.memory_space<vmem>>) target(%dma_start3A_145 : memref<10240x128xf32, #tpu.memory_space<vmem_shared>>) offsets(%dma_start3A_142 : memref<128xi32, #tpu.memory_space<vmem>>) semaphore(%arg16 : memref<!tpu.dma_semaphore, #tpu.memory_space<semaphore_mem>>) {add = true}
        %dma_wait3A_146 = arith.constant 3 : i32
        %dma_wait3A_147 = arith.constant 0 : i32
        %dma_wait3A_148 = tpu.memref_slice %arg6[%dma_wait3A_146, %dma_wait3A_147] : memref<8x128xi32, #tpu.memory_space<vmem>> -> memref<1x128xi32, #tpu.memory_space<vmem>>
        %dma_wait3A_149 = tpu.memref_squeeze %dma_wait3A_148 : memref<1x128xi32, #tpu.memory_space<vmem>> -> memref<128xi32, #tpu.memory_space<vmem>>
        %dma_wait3A_150 = arith.constant 0 : i32
        %dma_wait3A_151 = arith.constant 0 : i32
        %dma_wait3A_152 = tpu.memref_slice %arg2[%dma_wait3A_150, %dma_wait3A_151] : memref<10000x128xf32, #tpu.memory_space<hbm>> -> memref<10000x128xf32, #tpu.memory_space<hbm>>
        tpu.wait_indirect_dma semaphore(%arg15 : memref<!tpu.dma_semaphore, #tpu.memory_space<semaphore_mem>>) src(%dma_wait3A_152 : memref<10000x128xf32, #tpu.memory_space<hbm>>) dst(%arg13 : memref<128x128xf32, #tpu.memory_space<vmem>>)
        %dma_wait3A_153 = arith.constant 2 : i32
        %dma_wait3A_154 = arith.constant 0 : i32
        %dma_wait3A_155 = tpu.memref_slice %arg7[%dma_wait3A_153, %dma_wait3A_154] : memref<8x128xi32, #tpu.memory_space<vmem>> -> memref<1x128xi32, #tpu.memory_space<vmem>>
        %dma_wait3A_156 = tpu.memref_squeeze %dma_wait3A_155 : memref<1x128xi32, #tpu.memory_space<vmem>> -> memref<128xi32, #tpu.memory_space<vmem>>
        %dma_wait3A_157 = arith.constant 0 : i32
        %dma_wait3A_158 = arith.constant 0 : i32
        %dma_wait3A_159 = tpu.memref_slice %arg14[%dma_wait3A_157, %dma_wait3A_158] : memref<10240x128xf32, #tpu.memory_space<vmem_shared>> -> memref<10240x128xf32, #tpu.memory_space<vmem_shared>>
        tpu.wait_indirect_dma semaphore(%arg16 : memref<!tpu.dma_semaphore, #tpu.memory_space<semaphore_mem>>) src(%arg12 : memref<128x128xf32, #tpu.memory_space<vmem>>) dst(%dma_wait3A_159 : memref<10240x128xf32, #tpu.memory_space<vmem_shared>>)
        %dma_start3A_160 = arith.constant 4 : i32
        %dma_start3A_161 = arith.constant 0 : i32
        %dma_start3A_162 = tpu.memref_slice %arg6[%dma_start3A_160, %dma_start3A_161] : memref<8x128xi32, #tpu.memory_space<vmem>> -> memref<1x128xi32, #tpu.memory_space<vmem>>
        %dma_start3A_163 = tpu.memref_squeeze %dma_start3A_162 : memref<1x128xi32, #tpu.memory_space<vmem>> -> memref<128xi32, #tpu.memory_space<vmem>>
        %dma_start3A_164 = arith.constant 0 : i32
        %dma_start3A_165 = arith.constant 0 : i32
        %dma_start3A_166 = tpu.memref_slice %arg2[%dma_start3A_164, %dma_start3A_165] : memref<10000x128xf32, #tpu.memory_space<hbm>> -> memref<10000x128xf32, #tpu.memory_space<hbm>>
        tpu.enqueue_indirect_dma source(%dma_start3A_166 : memref<10000x128xf32, #tpu.memory_space<hbm>>) target(%arg12 : memref<128x128xf32, #tpu.memory_space<vmem>>) offsets(%dma_start3A_163 : memref<128xi32, #tpu.memory_space<vmem>>) semaphore(%arg15 : memref<!tpu.dma_semaphore, #tpu.memory_space<semaphore_mem>>)
        %dma_start3A_167 = arith.constant 3 : i32
        %dma_start3A_168 = arith.constant 0 : i32
        %dma_start3A_169 = tpu.memref_slice %arg7[%dma_start3A_167, %dma_start3A_168] : memref<8x128xi32, #tpu.memory_space<vmem>> -> memref<1x128xi32, #tpu.memory_space<vmem>>
        %dma_start3A_170 = tpu.memref_squeeze %dma_start3A_169 : memref<1x128xi32, #tpu.memory_space<vmem>> -> memref<128xi32, #tpu.memory_space<vmem>>
        %dma_start3A_171 = arith.constant 0 : i32
        %dma_start3A_172 = arith.constant 0 : i32
        %dma_start3A_173 = tpu.memref_slice %arg14[%dma_start3A_171, %dma_start3A_172] : memref<10240x128xf32, #tpu.memory_space<vmem_shared>> -> memref<10240x128xf32, #tpu.memory_space<vmem_shared>>
        tpu.enqueue_indirect_dma source(%arg13 : memref<128x128xf32, #tpu.memory_space<vmem>>) target(%dma_start3A_173 : memref<10240x128xf32, #tpu.memory_space<vmem_shared>>) offsets(%dma_start3A_170 : memref<128xi32, #tpu.memory_space<vmem>>) semaphore(%arg16 : memref<!tpu.dma_semaphore, #tpu.memory_space<semaphore_mem>>) {add = true}
        %dma_wait3A_174 = arith.constant 3 : i32
        %dma_wait3A_175 = arith.constant 0 : i32
        %dma_wait3A_176 = tpu.memref_slice %arg7[%dma_wait3A_174, %dma_wait3A_175] : memref<8x128xi32, #tpu.memory_space<vmem>> -> memref<1x128xi32, #tpu.memory_space<vmem>>
        %dma_wait3A_177 = tpu.memref_squeeze %dma_wait3A_176 : memref<1x128xi32, #tpu.memory_space<vmem>> -> memref<128xi32, #tpu.memory_space<vmem>>
        %dma_wait3A_178 = arith.constant 0 : i32
        %dma_wait3A_179 = arith.constant 0 : i32
        %dma_wait3A_180 = tpu.memref_slice %arg14[%dma_wait3A_178, %dma_wait3A_179] : memref<10240x128xf32, #tpu.memory_space<vmem_shared>> -> memref<10240x128xf32, #tpu.memory_space<vmem_shared>>
        tpu.wait_indirect_dma semaphore(%arg16 : memref<!tpu.dma_semaphore, #tpu.memory_space<semaphore_mem>>) src(%arg13 : memref<128x128xf32, #tpu.memory_space<vmem>>) dst(%dma_wait3A_180 : memref<10240x128xf32, #tpu.memory_space<vmem_shared>>)
        %dma_start3A_181 = arith.constant 5 : i32
        %dma_start3A_182 = arith.constant 0 : i32
        %dma_start3A_183 = tpu.memref_slice %arg6[%dma_start3A_181, %dma_start3A_182] : memref<8x128xi32, #tpu.memory_space<vmem>> -> memref<1x128xi32, #tpu.memory_space<vmem>>
        %dma_start3A_184 = tpu.memref_squeeze %dma_start3A_183 : memref<1x128xi32, #tpu.memory_space<vmem>> -> memref<128xi32, #tpu.memory_space<vmem>>
        %dma_start3A_185 = arith.constant 0 : i32
        %dma_start3A_186 = arith.constant 0 : i32
        %dma_start3A_187 = tpu.memref_slice %arg2[%dma_start3A_185, %dma_start3A_186] : memref<10000x128xf32, #tpu.memory_space<hbm>> -> memref<10000x128xf32, #tpu.memory_space<hbm>>
        tpu.enqueue_indirect_dma source(%dma_start3A_187 : memref<10000x128xf32, #tpu.memory_space<hbm>>) target(%arg13 : memref<128x128xf32, #tpu.memory_space<vmem>>) offsets(%dma_start3A_184 : memref<128xi32, #tpu.memory_space<vmem>>) semaphore(%arg15 : memref<!tpu.dma_semaphore, #tpu.memory_space<semaphore_mem>>)
        %dma_wait3A_188 = arith.constant 4 : i32
        %dma_wait3A_189 = arith.constant 0 : i32
        %dma_wait3A_190 = tpu.memref_slice %arg6[%dma_wait3A_188, %dma_wait3A_189] : memref<8x128xi32, #tpu.memory_space<vmem>> -> memref<1x128xi32, #tpu.memory_space<vmem>>
        %dma_wait3A_191 = tpu.memref_squeeze %dma_wait3A_190 : memref<1x128xi32, #tpu.memory_space<vmem>> -> memref<128xi32, #tpu.memory_space<vmem>>
        %dma_wait3A_192 = arith.constant 0 : i32
        %dma_wait3A_193 = arith.constant 0 : i32
        %dma_wait3A_194 = tpu.memref_slice %arg2[%dma_wait3A_192, %dma_wait3A_193] : memref<10000x128xf32, #tpu.memory_space<hbm>> -> memref<10000x128xf32, #tpu.memory_space<hbm>>
        tpu.wait_indirect_dma semaphore(%arg15 : memref<!tpu.dma_semaphore, #tpu.memory_space<semaphore_mem>>) src(%dma_wait3A_194 : memref<10000x128xf32, #tpu.memory_space<hbm>>) dst(%arg12 : memref<128x128xf32, #tpu.memory_space<vmem>>)
        %dma_start3A_195 = arith.constant 4 : i32
        %dma_start3A_196 = arith.constant 0 : i32
        %dma_start3A_197 = tpu.memref_slice %arg7[%dma_start3A_195, %dma_start3A_196] : memref<8x128xi32, #tpu.memory_space<vmem>> -> memref<1x128xi32, #tpu.memory_space<vmem>>
        %dma_start3A_198 = tpu.memref_squeeze %dma_start3A_197 : memref<1x128xi32, #tpu.memory_space<vmem>> -> memref<128xi32, #tpu.memory_space<vmem>>
        %dma_start3A_199 = arith.constant 0 : i32
        %dma_start3A_200 = arith.constant 0 : i32
        %dma_start3A_201 = tpu.memref_slice %arg14[%dma_start3A_199, %dma_start3A_200] : memref<10240x128xf32, #tpu.memory_space<vmem_shared>> -> memref<10240x128xf32, #tpu.memory_space<vmem_shared>>
        tpu.enqueue_indirect_dma source(%arg12 : memref<128x128xf32, #tpu.memory_space<vmem>>) target(%dma_start3A_201 : memref<10240x128xf32, #tpu.memory_space<vmem_shared>>) offsets(%dma_start3A_198 : memref<128xi32, #tpu.memory_space<vmem>>) semaphore(%arg16 : memref<!tpu.dma_semaphore, #tpu.memory_space<semaphore_mem>>) {add = true}
        %dma_wait3A_202 = arith.constant 5 : i32
        %dma_wait3A_203 = arith.constant 0 : i32
        %dma_wait3A_204 = tpu.memref_slice %arg6[%dma_wait3A_202, %dma_wait3A_203] : memref<8x128xi32, #tpu.memory_space<vmem>> -> memref<1x128xi32, #tpu.memory_space<vmem>>
        %dma_wait3A_205 = tpu.memref_squeeze %dma_wait3A_204 : memref<1x128xi32, #tpu.memory_space<vmem>> -> memref<128xi32, #tpu.memory_space<vmem>>
        %dma_wait3A_206 = arith.constant 0 : i32
        %dma_wait3A_207 = arith.constant 0 : i32
        %dma_wait3A_208 = tpu.memref_slice %arg2[%dma_wait3A_206, %dma_wait3A_207] : memref<10000x128xf32, #tpu.memory_space<hbm>> -> memref<10000x128xf32, #tpu.memory_space<hbm>>
        tpu.wait_indirect_dma semaphore(%arg15 : memref<!tpu.dma_semaphore, #tpu.memory_space<semaphore_mem>>) src(%dma_wait3A_208 : memref<10000x128xf32, #tpu.memory_space<hbm>>) dst(%arg13 : memref<128x128xf32, #tpu.memory_space<vmem>>)
        %dma_wait3A_209 = arith.constant 4 : i32
        %dma_wait3A_210 = arith.constant 0 : i32
        %dma_wait3A_211 = tpu.memref_slice %arg7[%dma_wait3A_209, %dma_wait3A_210] : memref<8x128xi32, #tpu.memory_space<vmem>> -> memref<1x128xi32, #tpu.memory_space<vmem>>
        %dma_wait3A_212 = tpu.memref_squeeze %dma_wait3A_211 : memref<1x128xi32, #tpu.memory_space<vmem>> -> memref<128xi32, #tpu.memory_space<vmem>>
        %dma_wait3A_213 = arith.constant 0 : i32
        %dma_wait3A_214 = arith.constant 0 : i32
        %dma_wait3A_215 = tpu.memref_slice %arg14[%dma_wait3A_213, %dma_wait3A_214] : memref<10240x128xf32, #tpu.memory_space<vmem_shared>> -> memref<10240x128xf32, #tpu.memory_space<vmem_shared>>
        tpu.wait_indirect_dma semaphore(%arg16 : memref<!tpu.dma_semaphore, #tpu.memory_space<semaphore_mem>>) src(%arg12 : memref<128x128xf32, #tpu.memory_space<vmem>>) dst(%dma_wait3A_215 : memref<10240x128xf32, #tpu.memory_space<vmem_shared>>)
        %dma_start3A_216 = arith.constant 6 : i32
        %dma_start3A_217 = arith.constant 0 : i32
        %dma_start3A_218 = tpu.memref_slice %arg6[%dma_start3A_216, %dma_start3A_217] : memref<8x128xi32, #tpu.memory_space<vmem>> -> memref<1x128xi32, #tpu.memory_space<vmem>>
        %dma_start3A_219 = tpu.memref_squeeze %dma_start3A_218 : memref<1x128xi32, #tpu.memory_space<vmem>> -> memref<128xi32, #tpu.memory_space<vmem>>
        %dma_start3A_220 = arith.constant 0 : i32
        %dma_start3A_221 = arith.constant 0 : i32
        %dma_start3A_222 = tpu.memref_slice %arg2[%dma_start3A_220, %dma_start3A_221] : memref<10000x128xf32, #tpu.memory_space<hbm>> -> memref<10000x128xf32, #tpu.memory_space<hbm>>
        tpu.enqueue_indirect_dma source(%dma_start3A_222 : memref<10000x128xf32, #tpu.memory_space<hbm>>) target(%arg12 : memref<128x128xf32, #tpu.memory_space<vmem>>) offsets(%dma_start3A_219 : memref<128xi32, #tpu.memory_space<vmem>>) semaphore(%arg15 : memref<!tpu.dma_semaphore, #tpu.memory_space<semaphore_mem>>)
        %dma_start3A_223 = arith.constant 5 : i32
        %dma_start3A_224 = arith.constant 0 : i32
        %dma_start3A_225 = tpu.memref_slice %arg7[%dma_start3A_223, %dma_start3A_224] : memref<8x128xi32, #tpu.memory_space<vmem>> -> memref<1x128xi32, #tpu.memory_space<vmem>>
        %dma_start3A_226 = tpu.memref_squeeze %dma_start3A_225 : memref<1x128xi32, #tpu.memory_space<vmem>> -> memref<128xi32, #tpu.memory_space<vmem>>
        %dma_start3A_227 = arith.constant 0 : i32
        %dma_start3A_228 = arith.constant 0 : i32
        %dma_start3A_229 = tpu.memref_slice %arg14[%dma_start3A_227, %dma_start3A_228] : memref<10240x128xf32, #tpu.memory_space<vmem_shared>> -> memref<10240x128xf32, #tpu.memory_space<vmem_shared>>
        tpu.enqueue_indirect_dma source(%arg13 : memref<128x128xf32, #tpu.memory_space<vmem>>) target(%dma_start3A_229 : memref<10240x128xf32, #tpu.memory_space<vmem_shared>>) offsets(%dma_start3A_226 : memref<128xi32, #tpu.memory_space<vmem>>) semaphore(%arg16 : memref<!tpu.dma_semaphore, #tpu.memory_space<semaphore_mem>>) {add = true}
        %dma_wait3A_230 = arith.constant 5 : i32
        %dma_wait3A_231 = arith.constant 0 : i32
        %dma_wait3A_232 = tpu.memref_slice %arg7[%dma_wait3A_230, %dma_wait3A_231] : memref<8x128xi32, #tpu.memory_space<vmem>> -> memref<1x128xi32, #tpu.memory_space<vmem>>
        %dma_wait3A_233 = tpu.memref_squeeze %dma_wait3A_232 : memref<1x128xi32, #tpu.memory_space<vmem>> -> memref<128xi32, #tpu.memory_space<vmem>>
        %dma_wait3A_234 = arith.constant 0 : i32
        %dma_wait3A_235 = arith.constant 0 : i32
        %dma_wait3A_236 = tpu.memref_slice %arg14[%dma_wait3A_234, %dma_wait3A_235] : memref<10240x128xf32, #tpu.memory_space<vmem_shared>> -> memref<10240x128xf32, #tpu.memory_space<vmem_shared>>
        tpu.wait_indirect_dma semaphore(%arg16 : memref<!tpu.dma_semaphore, #tpu.memory_space<semaphore_mem>>) src(%arg13 : memref<128x128xf32, #tpu.memory_space<vmem>>) dst(%dma_wait3A_236 : memref<10240x128xf32, #tpu.memory_space<vmem_shared>>)
        %dma_start3A_237 = arith.constant 7 : i32
        %dma_start3A_238 = arith.constant 0 : i32
        %dma_start3A_239 = tpu.memref_slice %arg6[%dma_start3A_237, %dma_start3A_238] : memref<8x128xi32, #tpu.memory_space<vmem>> -> memref<1x128xi32, #tpu.memory_space<vmem>>
        %dma_start3A_240 = tpu.memref_squeeze %dma_start3A_239 : memref<1x128xi32, #tpu.memory_space<vmem>> -> memref<128xi32, #tpu.memory_space<vmem>>
        %dma_start3A_241 = arith.constant 0 : i32
        %dma_start3A_242 = arith.constant 0 : i32
        %dma_start3A_243 = tpu.memref_slice %arg2[%dma_start3A_241, %dma_start3A_242] : memref<10000x128xf32, #tpu.memory_space<hbm>> -> memref<10000x128xf32, #tpu.memory_space<hbm>>
        tpu.enqueue_indirect_dma source(%dma_start3A_243 : memref<10000x128xf32, #tpu.memory_space<hbm>>) target(%arg13 : memref<128x128xf32, #tpu.memory_space<vmem>>) offsets(%dma_start3A_240 : memref<128xi32, #tpu.memory_space<vmem>>) semaphore(%arg15 : memref<!tpu.dma_semaphore, #tpu.memory_space<semaphore_mem>>)
        %dma_wait3A_244 = arith.constant 6 : i32
        %dma_wait3A_245 = arith.constant 0 : i32
        %dma_wait3A_246 = tpu.memref_slice %arg6[%dma_wait3A_244, %dma_wait3A_245] : memref<8x128xi32, #tpu.memory_space<vmem>> -> memref<1x128xi32, #tpu.memory_space<vmem>>
        %dma_wait3A_247 = tpu.memref_squeeze %dma_wait3A_246 : memref<1x128xi32, #tpu.memory_space<vmem>> -> memref<128xi32, #tpu.memory_space<vmem>>
        %dma_wait3A_248 = arith.constant 0 : i32
        %dma_wait3A_249 = arith.constant 0 : i32
        %dma_wait3A_250 = tpu.memref_slice %arg2[%dma_wait3A_248, %dma_wait3A_249] : memref<10000x128xf32, #tpu.memory_space<hbm>> -> memref<10000x128xf32, #tpu.memory_space<hbm>>
        tpu.wait_indirect_dma semaphore(%arg15 : memref<!tpu.dma_semaphore, #tpu.memory_space<semaphore_mem>>) src(%dma_wait3A_250 : memref<10000x128xf32, #tpu.memory_space<hbm>>) dst(%arg12 : memref<128x128xf32, #tpu.memory_space<vmem>>)
        %dma_start3A_251 = arith.constant 6 : i32
        %dma_start3A_252 = arith.constant 0 : i32
        %dma_start3A_253 = tpu.memref_slice %arg7[%dma_start3A_251, %dma_start3A_252] : memref<8x128xi32, #tpu.memory_space<vmem>> -> memref<1x128xi32, #tpu.memory_space<vmem>>
        %dma_start3A_254 = tpu.memref_squeeze %dma_start3A_253 : memref<1x128xi32, #tpu.memory_space<vmem>> -> memref<128xi32, #tpu.memory_space<vmem>>
        %dma_start3A_255 = arith.constant 0 : i32
        %dma_start3A_256 = arith.constant 0 : i32
        %dma_start3A_257 = tpu.memref_slice %arg14[%dma_start3A_255, %dma_start3A_256] : memref<10240x128xf32, #tpu.memory_space<vmem_shared>> -> memref<10240x128xf32, #tpu.memory_space<vmem_shared>>
        tpu.enqueue_indirect_dma source(%arg12 : memref<128x128xf32, #tpu.memory_space<vmem>>) target(%dma_start3A_257 : memref<10240x128xf32, #tpu.memory_space<vmem_shared>>) offsets(%dma_start3A_254 : memref<128xi32, #tpu.memory_space<vmem>>) semaphore(%arg16 : memref<!tpu.dma_semaphore, #tpu.memory_space<semaphore_mem>>) {add = true}
        %dma_wait3A_258 = arith.constant 7 : i32
        %dma_wait3A_259 = arith.constant 0 : i32
        %dma_wait3A_260 = tpu.memref_slice %arg6[%dma_wait3A_258, %dma_wait3A_259] : memref<8x128xi32, #tpu.memory_space<vmem>> -> memref<1x128xi32, #tpu.memory_space<vmem>>
        %dma_wait3A_261 = tpu.memref_squeeze %dma_wait3A_260 : memref<1x128xi32, #tpu.memory_space<vmem>> -> memref<128xi32, #tpu.memory_space<vmem>>
        %dma_wait3A_262 = arith.constant 0 : i32
        %dma_wait3A_263 = arith.constant 0 : i32
        %dma_wait3A_264 = tpu.memref_slice %arg2[%dma_wait3A_262, %dma_wait3A_263] : memref<10000x128xf32, #tpu.memory_space<hbm>> -> memref<10000x128xf32, #tpu.memory_space<hbm>>
        tpu.wait_indirect_dma semaphore(%arg15 : memref<!tpu.dma_semaphore, #tpu.memory_space<semaphore_mem>>) src(%dma_wait3A_264 : memref<10000x128xf32, #tpu.memory_space<hbm>>) dst(%arg13 : memref<128x128xf32, #tpu.memory_space<vmem>>)
        %dma_wait3A_265 = arith.constant 6 : i32
        %dma_wait3A_266 = arith.constant 0 : i32
        %dma_wait3A_267 = tpu.memref_slice %arg7[%dma_wait3A_265, %dma_wait3A_266] : memref<8x128xi32, #tpu.memory_space<vmem>> -> memref<1x128xi32, #tpu.memory_space<vmem>>
        %dma_wait3A_268 = tpu.memref_squeeze %dma_wait3A_267 : memref<1x128xi32, #tpu.memory_space<vmem>> -> memref<128xi32, #tpu.memory_space<vmem>>
        %dma_wait3A_269 = arith.constant 0 : i32
        %dma_wait3A_270 = arith.constant 0 : i32
        %dma_wait3A_271 = tpu.memref_slice %arg14[%dma_wait3A_269, %dma_wait3A_270] : memref<10240x128xf32, #tpu.memory_space<vmem_shared>> -> memref<10240x128xf32, #tpu.memory_space<vmem_shared>>
        tpu.wait_indirect_dma semaphore(%arg16 : memref<!tpu.dma_semaphore, #tpu.memory_space<semaphore_mem>>) src(%arg12 : memref<128x128xf32, #tpu.memory_space<vmem>>) dst(%dma_wait3A_271 : memref<10240x128xf32, #tpu.memory_space<vmem_shared>>)
        %add3A_272 = arith.constant 1 : i32
        %add3A_273 = arith.addi %mul3A_62, %add3A_272 : i32
        %lt3A_274 = arith.constant 18 : i32
        %lt3A_275 = arith.cmpi slt, %add3A_273, %lt3A_274 : i32
        %convert_element_type3A_276 = arith.extui %lt3A_275 : i1 to i32
        %cond3A_277 = arith.constant 0 : i32
        %cond3A_278 = arith.cmpi ne, %convert_element_type3A_276, %cond3A_277 : i32
        scf.if %cond3A_278 {
          %add3A_528 = arith.constant 1 : i32
          %add3A_529 = arith.addi %mul3A_62, %add3A_528 : i32
          %mul3A_530 = arith.constant 8 : i32
          %mul3A_531 = arith.muli %add3A_529, %mul3A_530 : i32
          %add3A_532 = arith.addi %mul3A_22, %mul3A_531 : i32
          %dma_wait3A_533 = arith.constant 0 : i32
          %dma_wait3A_534 = tpu.memref_slice %arg3[%add3A_532, %dma_wait3A_533] : memref<2528x128xi32, #tpu.memory_space<hbm>> -> memref<8x128xi32, #tpu.memory_space<hbm>>
          %dma_wait3A_535 = arith.constant 0 : i32
          %dma_wait3A_536 = tpu.memref_slice %arg3[%add3A_532, %dma_wait3A_535] : memref<2528x128xi32, #tpu.memory_space<hbm>> -> memref<8x128xi32, #tpu.memory_space<hbm>>
          tpu.wait_dma2 semaphore(%arg17 : memref<!tpu.dma_semaphore, #tpu.memory_space<semaphore_mem>>) src(%dma_wait3A_536 : memref<8x128xi32, #tpu.memory_space<hbm>>) dst(%arg8 : memref<8x128xi32, #tpu.memory_space<vmem>>)
          %mul3A_537 = arith.constant 8 : i32
          %mul3A_538 = arith.muli %add3A_529, %mul3A_537 : i32
          %add3A_539 = arith.addi %mul3A_22, %mul3A_538 : i32
          %dma_wait3A_540 = arith.constant 0 : i32
          %dma_wait3A_541 = tpu.memref_slice %arg4[%add3A_539, %dma_wait3A_540] : memref<2528x128xi32, #tpu.memory_space<hbm>> -> memref<8x128xi32, #tpu.memory_space<hbm>>
          %dma_wait3A_542 = arith.constant 0 : i32
          %dma_wait3A_543 = tpu.memref_slice %arg4[%add3A_539, %dma_wait3A_542] : memref<2528x128xi32, #tpu.memory_space<hbm>> -> memref<8x128xi32, #tpu.memory_space<hbm>>
          tpu.wait_dma2 semaphore(%arg17 : memref<!tpu.dma_semaphore, #tpu.memory_space<semaphore_mem>>) src(%dma_wait3A_543 : memref<8x128xi32, #tpu.memory_space<hbm>>) dst(%arg9 : memref<8x128xi32, #tpu.memory_space<vmem>>)
          %dma_start3A_544 = arith.constant 0 : i32
          %dma_start3A_545 = arith.constant 0 : i32
          %dma_start3A_546 = tpu.memref_slice %arg8[%dma_start3A_544, %dma_start3A_545] : memref<8x128xi32, #tpu.memory_space<vmem>> -> memref<1x128xi32, #tpu.memory_space<vmem>>
          %dma_start3A_547 = tpu.memref_squeeze %dma_start3A_546 : memref<1x128xi32, #tpu.memory_space<vmem>> -> memref<128xi32, #tpu.memory_space<vmem>>
          %dma_start3A_548 = arith.constant 0 : i32
          %dma_start3A_549 = arith.constant 0 : i32
          %dma_start3A_550 = tpu.memref_slice %arg2[%dma_start3A_548, %dma_start3A_549] : memref<10000x128xf32, #tpu.memory_space<hbm>> -> memref<10000x128xf32, #tpu.memory_space<hbm>>
          tpu.enqueue_indirect_dma source(%dma_start3A_550 : memref<10000x128xf32, #tpu.memory_space<hbm>>) target(%arg12 : memref<128x128xf32, #tpu.memory_space<vmem>>) offsets(%dma_start3A_547 : memref<128xi32, #tpu.memory_space<vmem>>) semaphore(%arg15 : memref<!tpu.dma_semaphore, #tpu.memory_space<semaphore_mem>>)
        } else {
        }
        %dma_start3A_279 = arith.constant 7 : i32
        %dma_start3A_280 = arith.constant 0 : i32
        %dma_start3A_281 = tpu.memref_slice %arg7[%dma_start3A_279, %dma_start3A_280] : memref<8x128xi32, #tpu.memory_space<vmem>> -> memref<1x128xi32, #tpu.memory_space<vmem>>
        %dma_start3A_282 = tpu.memref_squeeze %dma_start3A_281 : memref<1x128xi32, #tpu.memory_space<vmem>> -> memref<128xi32, #tpu.memory_space<vmem>>
        %dma_start3A_283 = arith.constant 0 : i32
        %dma_start3A_284 = arith.constant 0 : i32
        %dma_start3A_285 = tpu.memref_slice %arg14[%dma_start3A_283, %dma_start3A_284] : memref<10240x128xf32, #tpu.memory_space<vmem_shared>> -> memref<10240x128xf32, #tpu.memory_space<vmem_shared>>
        tpu.enqueue_indirect_dma source(%arg13 : memref<128x128xf32, #tpu.memory_space<vmem>>) target(%dma_start3A_285 : memref<10240x128xf32, #tpu.memory_space<vmem_shared>>) offsets(%dma_start3A_282 : memref<128xi32, #tpu.memory_space<vmem>>) semaphore(%arg16 : memref<!tpu.dma_semaphore, #tpu.memory_space<semaphore_mem>>) {add = true}
        %dma_wait3A_286 = arith.constant 7 : i32
        %dma_wait3A_287 = arith.constant 0 : i32
        %dma_wait3A_288 = tpu.memref_slice %arg7[%dma_wait3A_286, %dma_wait3A_287] : memref<8x128xi32, #tpu.memory_space<vmem>> -> memref<1x128xi32, #tpu.memory_space<vmem>>
        %dma_wait3A_289 = tpu.memref_squeeze %dma_wait3A_288 : memref<1x128xi32, #tpu.memory_space<vmem>> -> memref<128xi32, #tpu.memory_space<vmem>>
        %dma_wait3A_290 = arith.constant 0 : i32
        %dma_wait3A_291 = arith.constant 0 : i32
        %dma_wait3A_292 = tpu.memref_slice %arg14[%dma_wait3A_290, %dma_wait3A_291] : memref<10240x128xf32, #tpu.memory_space<vmem_shared>> -> memref<10240x128xf32, #tpu.memory_space<vmem_shared>>
        tpu.wait_indirect_dma semaphore(%arg16 : memref<!tpu.dma_semaphore, #tpu.memory_space<semaphore_mem>>) src(%arg13 : memref<128x128xf32, #tpu.memory_space<vmem>>) dst(%dma_wait3A_292 : memref<10240x128xf32, #tpu.memory_space<vmem_shared>>)
        %mul3A_293 = arith.constant 2 : i32
        %mul3A_294 = arith.muli %mul3A_293, %add3A_60 : i32
        %add3A_295 = arith.constant 1 : i32
        %add3A_296 = arith.addi %mul3A_294, %add3A_295 : i32
        %add3A_297 = arith.constant 1 : i32
        %add3A_298 = arith.addi %add3A_296, %add3A_297 : i32
        %lt3A_299 = arith.constant 18 : i32
        %lt3A_300 = arith.cmpi slt, %add3A_298, %lt3A_299 : i32
        %convert_element_type3A_301 = arith.extui %lt3A_300 : i1 to i32
        %cond3A_302 = arith.constant 0 : i32
        %cond3A_303 = arith.cmpi ne, %convert_element_type3A_301, %cond3A_302 : i32
        scf.if %cond3A_303 {
          %add3A_528 = arith.constant 1 : i32
          %add3A_529 = arith.addi %add3A_296, %add3A_528 : i32
          %mul3A_530 = arith.constant 8 : i32
          %mul3A_531 = arith.muli %add3A_529, %mul3A_530 : i32
          %add3A_532 = arith.addi %mul3A_22, %mul3A_531 : i32
          %dma_start3A_533 = arith.constant 0 : i32
          %dma_start3A_534 = tpu.memref_slice %arg3[%add3A_532, %dma_start3A_533] : memref<2528x128xi32, #tpu.memory_space<hbm>> -> memref<8x128xi32, #tpu.memory_space<hbm>>
          %dma_start3A_535 = arith.constant 0 : i32
          %dma_start3A_536 = tpu.memref_slice %arg3[%add3A_532, %dma_start3A_535] : memref<2528x128xi32, #tpu.memory_space<hbm>> -> memref<8x128xi32, #tpu.memory_space<hbm>>
          tpu.enqueue_dma source(%dma_start3A_536 : memref<8x128xi32, #tpu.memory_space<hbm>>) target(%arg6 : memref<8x128xi32, #tpu.memory_space<vmem>>) target_semaphore(%arg17 : memref<!tpu.dma_semaphore, #tpu.memory_space<semaphore_mem>>)
          %mul3A_537 = arith.constant 8 : i32
          %mul3A_538 = arith.muli %add3A_529, %mul3A_537 : i32
          %add3A_539 = arith.addi %mul3A_22, %mul3A_538 : i32
          %dma_start3A_540 = arith.constant 0 : i32
          %dma_start3A_541 = tpu.memref_slice %arg4[%add3A_539, %dma_start3A_540] : memref<2528x128xi32, #tpu.memory_space<hbm>> -> memref<8x128xi32, #tpu.memory_space<hbm>>
          %dma_start3A_542 = arith.constant 0 : i32
          %dma_start3A_543 = tpu.memref_slice %arg4[%add3A_539, %dma_start3A_542] : memref<2528x128xi32, #tpu.memory_space<hbm>> -> memref<8x128xi32, #tpu.memory_space<hbm>>
          tpu.enqueue_dma source(%dma_start3A_543 : memref<8x128xi32, #tpu.memory_space<hbm>>) target(%arg7 : memref<8x128xi32, #tpu.memory_space<vmem>>) target_semaphore(%arg17 : memref<!tpu.dma_semaphore, #tpu.memory_space<semaphore_mem>>)
        } else {
        }
        %dma_start3A_304 = arith.constant 1 : i32
        %dma_start3A_305 = arith.constant 0 : i32
        %dma_start3A_306 = tpu.memref_slice %arg8[%dma_start3A_304, %dma_start3A_305] : memref<8x128xi32, #tpu.memory_space<vmem>> -> memref<1x128xi32, #tpu.memory_space<vmem>>
        %dma_start3A_307 = tpu.memref_squeeze %dma_start3A_306 : memref<1x128xi32, #tpu.memory_space<vmem>> -> memref<128xi32, #tpu.memory_space<vmem>>
        %dma_start3A_308 = arith.constant 0 : i32
        %dma_start3A_309 = arith.constant 0 : i32
        %dma_start3A_310 = tpu.memref_slice %arg2[%dma_start3A_308, %dma_start3A_309] : memref<10000x128xf32, #tpu.memory_space<hbm>> -> memref<10000x128xf32, #tpu.memory_space<hbm>>
        tpu.enqueue_indirect_dma source(%dma_start3A_310 : memref<10000x128xf32, #tpu.memory_space<hbm>>) target(%arg13 : memref<128x128xf32, #tpu.memory_space<vmem>>) offsets(%dma_start3A_307 : memref<128xi32, #tpu.memory_space<vmem>>) semaphore(%arg15 : memref<!tpu.dma_semaphore, #tpu.memory_space<semaphore_mem>>)
        %dma_wait3A_311 = arith.constant 0 : i32
        %dma_wait3A_312 = arith.constant 0 : i32
        %dma_wait3A_313 = tpu.memref_slice %arg8[%dma_wait3A_311, %dma_wait3A_312] : memref<8x128xi32, #tpu.memory_space<vmem>> -> memref<1x128xi32, #tpu.memory_space<vmem>>
        %dma_wait3A_314 = tpu.memref_squeeze %dma_wait3A_313 : memref<1x128xi32, #tpu.memory_space<vmem>> -> memref<128xi32, #tpu.memory_space<vmem>>
        %dma_wait3A_315 = arith.constant 0 : i32
        %dma_wait3A_316 = arith.constant 0 : i32
        %dma_wait3A_317 = tpu.memref_slice %arg2[%dma_wait3A_315, %dma_wait3A_316] : memref<10000x128xf32, #tpu.memory_space<hbm>> -> memref<10000x128xf32, #tpu.memory_space<hbm>>
        tpu.wait_indirect_dma semaphore(%arg15 : memref<!tpu.dma_semaphore, #tpu.memory_space<semaphore_mem>>) src(%dma_wait3A_317 : memref<10000x128xf32, #tpu.memory_space<hbm>>) dst(%arg12 : memref<128x128xf32, #tpu.memory_space<vmem>>)
        %dma_start3A_318 = arith.constant 0 : i32
        %dma_start3A_319 = arith.constant 0 : i32
        %dma_start3A_320 = tpu.memref_slice %arg9[%dma_start3A_318, %dma_start3A_319] : memref<8x128xi32, #tpu.memory_space<vmem>> -> memref<1x128xi32, #tpu.memory_space<vmem>>
        %dma_start3A_321 = tpu.memref_squeeze %dma_start3A_320 : memref<1x128xi32, #tpu.memory_space<vmem>> -> memref<128xi32, #tpu.memory_space<vmem>>
        %dma_start3A_322 = arith.constant 0 : i32
        %dma_start3A_323 = arith.constant 0 : i32
        %dma_start3A_324 = tpu.memref_slice %arg14[%dma_start3A_322, %dma_start3A_323] : memref<10240x128xf32, #tpu.memory_space<vmem_shared>> -> memref<10240x128xf32, #tpu.memory_space<vmem_shared>>
        tpu.enqueue_indirect_dma source(%arg12 : memref<128x128xf32, #tpu.memory_space<vmem>>) target(%dma_start3A_324 : memref<10240x128xf32, #tpu.memory_space<vmem_shared>>) offsets(%dma_start3A_321 : memref<128xi32, #tpu.memory_space<vmem>>) semaphore(%arg16 : memref<!tpu.dma_semaphore, #tpu.memory_space<semaphore_mem>>) {add = true}
        %dma_wait3A_325 = arith.constant 1 : i32
        %dma_wait3A_326 = arith.constant 0 : i32
        %dma_wait3A_327 = tpu.memref_slice %arg8[%dma_wait3A_325, %dma_wait3A_326] : memref<8x128xi32, #tpu.memory_space<vmem>> -> memref<1x128xi32, #tpu.memory_space<vmem>>
        %dma_wait3A_328 = tpu.memref_squeeze %dma_wait3A_327 : memref<1x128xi32, #tpu.memory_space<vmem>> -> memref<128xi32, #tpu.memory_space<vmem>>
        %dma_wait3A_329 = arith.constant 0 : i32
        %dma_wait3A_330 = arith.constant 0 : i32
        %dma_wait3A_331 = tpu.memref_slice %arg2[%dma_wait3A_329, %dma_wait3A_330] : memref<10000x128xf32, #tpu.memory_space<hbm>> -> memref<10000x128xf32, #tpu.memory_space<hbm>>
        tpu.wait_indirect_dma semaphore(%arg15 : memref<!tpu.dma_semaphore, #tpu.memory_space<semaphore_mem>>) src(%dma_wait3A_331 : memref<10000x128xf32, #tpu.memory_space<hbm>>) dst(%arg13 : memref<128x128xf32, #tpu.memory_space<vmem>>)
        %dma_wait3A_332 = arith.constant 0 : i32
        %dma_wait3A_333 = arith.constant 0 : i32
        %dma_wait3A_334 = tpu.memref_slice %arg9[%dma_wait3A_332, %dma_wait3A_333] : memref<8x128xi32, #tpu.memory_space<vmem>> -> memref<1x128xi32, #tpu.memory_space<vmem>>
        %dma_wait3A_335 = tpu.memref_squeeze %dma_wait3A_334 : memref<1x128xi32, #tpu.memory_space<vmem>> -> memref<128xi32, #tpu.memory_space<vmem>>
        %dma_wait3A_336 = arith.constant 0 : i32
        %dma_wait3A_337 = arith.constant 0 : i32
        %dma_wait3A_338 = tpu.memref_slice %arg14[%dma_wait3A_336, %dma_wait3A_337] : memref<10240x128xf32, #tpu.memory_space<vmem_shared>> -> memref<10240x128xf32, #tpu.memory_space<vmem_shared>>
        tpu.wait_indirect_dma semaphore(%arg16 : memref<!tpu.dma_semaphore, #tpu.memory_space<semaphore_mem>>) src(%arg12 : memref<128x128xf32, #tpu.memory_space<vmem>>) dst(%dma_wait3A_338 : memref<10240x128xf32, #tpu.memory_space<vmem_shared>>)
        %dma_start3A_339 = arith.constant 2 : i32
        %dma_start3A_340 = arith.constant 0 : i32
        %dma_start3A_341 = tpu.memref_slice %arg8[%dma_start3A_339, %dma_start3A_340] : memref<8x128xi32, #tpu.memory_space<vmem>> -> memref<1x128xi32, #tpu.memory_space<vmem>>
        %dma_start3A_342 = tpu.memref_squeeze %dma_start3A_341 : memref<1x128xi32, #tpu.memory_space<vmem>> -> memref<128xi32, #tpu.memory_space<vmem>>
        %dma_start3A_343 = arith.constant 0 : i32
        %dma_start3A_344 = arith.constant 0 : i32
        %dma_start3A_345 = tpu.memref_slice %arg2[%dma_start3A_343, %dma_start3A_344] : memref<10000x128xf32, #tpu.memory_space<hbm>> -> memref<10000x128xf32, #tpu.memory_space<hbm>>
        tpu.enqueue_indirect_dma source(%dma_start3A_345 : memref<10000x128xf32, #tpu.memory_space<hbm>>) target(%arg12 : memref<128x128xf32, #tpu.memory_space<vmem>>) offsets(%dma_start3A_342 : memref<128xi32, #tpu.memory_space<vmem>>) semaphore(%arg15 : memref<!tpu.dma_semaphore, #tpu.memory_space<semaphore_mem>>)
        %dma_start3A_346 = arith.constant 1 : i32
        %dma_start3A_347 = arith.constant 0 : i32
        %dma_start3A_348 = tpu.memref_slice %arg9[%dma_start3A_346, %dma_start3A_347] : memref<8x128xi32, #tpu.memory_space<vmem>> -> memref<1x128xi32, #tpu.memory_space<vmem>>
        %dma_start3A_349 = tpu.memref_squeeze %dma_start3A_348 : memref<1x128xi32, #tpu.memory_space<vmem>> -> memref<128xi32, #tpu.memory_space<vmem>>
        %dma_start3A_350 = arith.constant 0 : i32
        %dma_start3A_351 = arith.constant 0 : i32
        %dma_start3A_352 = tpu.memref_slice %arg14[%dma_start3A_350, %dma_start3A_351] : memref<10240x128xf32, #tpu.memory_space<vmem_shared>> -> memref<10240x128xf32, #tpu.memory_space<vmem_shared>>
        tpu.enqueue_indirect_dma source(%arg13 : memref<128x128xf32, #tpu.memory_space<vmem>>) target(%dma_start3A_352 : memref<10240x128xf32, #tpu.memory_space<vmem_shared>>) offsets(%dma_start3A_349 : memref<128xi32, #tpu.memory_space<vmem>>) semaphore(%arg16 : memref<!tpu.dma_semaphore, #tpu.memory_space<semaphore_mem>>) {add = true}
        %dma_wait3A_353 = arith.constant 1 : i32
        %dma_wait3A_354 = arith.constant 0 : i32
        %dma_wait3A_355 = tpu.memref_slice %arg9[%dma_wait3A_353, %dma_wait3A_354] : memref<8x128xi32, #tpu.memory_space<vmem>> -> memref<1x128xi32, #tpu.memory_space<vmem>>
        %dma_wait3A_356 = tpu.memref_squeeze %dma_wait3A_355 : memref<1x128xi32, #tpu.memory_space<vmem>> -> memref<128xi32, #tpu.memory_space<vmem>>
        %dma_wait3A_357 = arith.constant 0 : i32
        %dma_wait3A_358 = arith.constant 0 : i32
        %dma_wait3A_359 = tpu.memref_slice %arg14[%dma_wait3A_357, %dma_wait3A_358] : memref<10240x128xf32, #tpu.memory_space<vmem_shared>> -> memref<10240x128xf32, #tpu.memory_space<vmem_shared>>
        tpu.wait_indirect_dma semaphore(%arg16 : memref<!tpu.dma_semaphore, #tpu.memory_space<semaphore_mem>>) src(%arg13 : memref<128x128xf32, #tpu.memory_space<vmem>>) dst(%dma_wait3A_359 : memref<10240x128xf32, #tpu.memory_space<vmem_shared>>)
        %dma_start3A_360 = arith.constant 3 : i32
        %dma_start3A_361 = arith.constant 0 : i32
        %dma_start3A_362 = tpu.memref_slice %arg8[%dma_start3A_360, %dma_start3A_361] : memref<8x128xi32, #tpu.memory_space<vmem>> -> memref<1x128xi32, #tpu.memory_space<vmem>>
        %dma_start3A_363 = tpu.memref_squeeze %dma_start3A_362 : memref<1x128xi32, #tpu.memory_space<vmem>> -> memref<128xi32, #tpu.memory_space<vmem>>
        %dma_start3A_364 = arith.constant 0 : i32
        %dma_start3A_365 = arith.constant 0 : i32
        %dma_start3A_366 = tpu.memref_slice %arg2[%dma_start3A_364, %dma_start3A_365] : memref<10000x128xf32, #tpu.memory_space<hbm>> -> memref<10000x128xf32, #tpu.memory_space<hbm>>
        tpu.enqueue_indirect_dma source(%dma_start3A_366 : memref<10000x128xf32, #tpu.memory_space<hbm>>) target(%arg13 : memref<128x128xf32, #tpu.memory_space<vmem>>) offsets(%dma_start3A_363 : memref<128xi32, #tpu.memory_space<vmem>>) semaphore(%arg15 : memref<!tpu.dma_semaphore, #tpu.memory_space<semaphore_mem>>)
        %dma_wait3A_367 = arith.constant 2 : i32
        %dma_wait3A_368 = arith.constant 0 : i32
        %dma_wait3A_369 = tpu.memref_slice %arg8[%dma_wait3A_367, %dma_wait3A_368] : memref<8x128xi32, #tpu.memory_space<vmem>> -> memref<1x128xi32, #tpu.memory_space<vmem>>
        %dma_wait3A_370 = tpu.memref_squeeze %dma_wait3A_369 : memref<1x128xi32, #tpu.memory_space<vmem>> -> memref<128xi32, #tpu.memory_space<vmem>>
        %dma_wait3A_371 = arith.constant 0 : i32
        %dma_wait3A_372 = arith.constant 0 : i32
        %dma_wait3A_373 = tpu.memref_slice %arg2[%dma_wait3A_371, %dma_wait3A_372] : memref<10000x128xf32, #tpu.memory_space<hbm>> -> memref<10000x128xf32, #tpu.memory_space<hbm>>
        tpu.wait_indirect_dma semaphore(%arg15 : memref<!tpu.dma_semaphore, #tpu.memory_space<semaphore_mem>>) src(%dma_wait3A_373 : memref<10000x128xf32, #tpu.memory_space<hbm>>) dst(%arg12 : memref<128x128xf32, #tpu.memory_space<vmem>>)
        %dma_start3A_374 = arith.constant 2 : i32
        %dma_start3A_375 = arith.constant 0 : i32
        %dma_start3A_376 = tpu.memref_slice %arg9[%dma_start3A_374, %dma_start3A_375] : memref<8x128xi32, #tpu.memory_space<vmem>> -> memref<1x128xi32, #tpu.memory_space<vmem>>
        %dma_start3A_377 = tpu.memref_squeeze %dma_start3A_376 : memref<1x128xi32, #tpu.memory_space<vmem>> -> memref<128xi32, #tpu.memory_space<vmem>>
        %dma_start3A_378 = arith.constant 0 : i32
        %dma_start3A_379 = arith.constant 0 : i32
        %dma_start3A_380 = tpu.memref_slice %arg14[%dma_start3A_378, %dma_start3A_379] : memref<10240x128xf32, #tpu.memory_space<vmem_shared>> -> memref<10240x128xf32, #tpu.memory_space<vmem_shared>>
        tpu.enqueue_indirect_dma source(%arg12 : memref<128x128xf32, #tpu.memory_space<vmem>>) target(%dma_start3A_380 : memref<10240x128xf32, #tpu.memory_space<vmem_shared>>) offsets(%dma_start3A_377 : memref<128xi32, #tpu.memory_space<vmem>>) semaphore(%arg16 : memref<!tpu.dma_semaphore, #tpu.memory_space<semaphore_mem>>) {add = true}
        %dma_wait3A_381 = arith.constant 3 : i32
        %dma_wait3A_382 = arith.constant 0 : i32
        %dma_wait3A_383 = tpu.memref_slice %arg8[%dma_wait3A_381, %dma_wait3A_382] : memref<8x128xi32, #tpu.memory_space<vmem>> -> memref<1x128xi32, #tpu.memory_space<vmem>>
        %dma_wait3A_384 = tpu.memref_squeeze %dma_wait3A_383 : memref<1x128xi32, #tpu.memory_space<vmem>> -> memref<128xi32, #tpu.memory_space<vmem>>
        %dma_wait3A_385 = arith.constant 0 : i32
        %dma_wait3A_386 = arith.constant 0 : i32
        %dma_wait3A_387 = tpu.memref_slice %arg2[%dma_wait3A_385, %dma_wait3A_386] : memref<10000x128xf32, #tpu.memory_space<hbm>> -> memref<10000x128xf32, #tpu.memory_space<hbm>>
        tpu.wait_indirect_dma semaphore(%arg15 : memref<!tpu.dma_semaphore, #tpu.memory_space<semaphore_mem>>) src(%dma_wait3A_387 : memref<10000x128xf32, #tpu.memory_space<hbm>>) dst(%arg13 : memref<128x128xf32, #tpu.memory_space<vmem>>)
        %dma_wait3A_388 = arith.constant 2 : i32
        %dma_wait3A_389 = arith.constant 0 : i32
        %dma_wait3A_390 = tpu.memref_slice %arg9[%dma_wait3A_388, %dma_wait3A_389] : memref<8x128xi32, #tpu.memory_space<vmem>> -> memref<1x128xi32, #tpu.memory_space<vmem>>
        %dma_wait3A_391 = tpu.memref_squeeze %dma_wait3A_390 : memref<1x128xi32, #tpu.memory_space<vmem>> -> memref<128xi32, #tpu.memory_space<vmem>>
        %dma_wait3A_392 = arith.constant 0 : i32
        %dma_wait3A_393 = arith.constant 0 : i32
        %dma_wait3A_394 = tpu.memref_slice %arg14[%dma_wait3A_392, %dma_wait3A_393] : memref<10240x128xf32, #tpu.memory_space<vmem_shared>> -> memref<10240x128xf32, #tpu.memory_space<vmem_shared>>
        tpu.wait_indirect_dma semaphore(%arg16 : memref<!tpu.dma_semaphore, #tpu.memory_space<semaphore_mem>>) src(%arg12 : memref<128x128xf32, #tpu.memory_space<vmem>>) dst(%dma_wait3A_394 : memref<10240x128xf32, #tpu.memory_space<vmem_shared>>)
        %dma_start3A_395 = arith.constant 4 : i32
        %dma_start3A_396 = arith.constant 0 : i32
        %dma_start3A_397 = tpu.memref_slice %arg8[%dma_start3A_395, %dma_start3A_396] : memref<8x128xi32, #tpu.memory_space<vmem>> -> memref<1x128xi32, #tpu.memory_space<vmem>>
        %dma_start3A_398 = tpu.memref_squeeze %dma_start3A_397 : memref<1x128xi32, #tpu.memory_space<vmem>> -> memref<128xi32, #tpu.memory_space<vmem>>
        %dma_start3A_399 = arith.constant 0 : i32
        %dma_start3A_400 = arith.constant 0 : i32
        %dma_start3A_401 = tpu.memref_slice %arg2[%dma_start3A_399, %dma_start3A_400] : memref<10000x128xf32, #tpu.memory_space<hbm>> -> memref<10000x128xf32, #tpu.memory_space<hbm>>
        tpu.enqueue_indirect_dma source(%dma_start3A_401 : memref<10000x128xf32, #tpu.memory_space<hbm>>) target(%arg12 : memref<128x128xf32, #tpu.memory_space<vmem>>) offsets(%dma_start3A_398 : memref<128xi32, #tpu.memory_space<vmem>>) semaphore(%arg15 : memref<!tpu.dma_semaphore, #tpu.memory_space<semaphore_mem>>)
        %dma_start3A_402 = arith.constant 3 : i32
        %dma_start3A_403 = arith.constant 0 : i32
        %dma_start3A_404 = tpu.memref_slice %arg9[%dma_start3A_402, %dma_start3A_403] : memref<8x128xi32, #tpu.memory_space<vmem>> -> memref<1x128xi32, #tpu.memory_space<vmem>>
        %dma_start3A_405 = tpu.memref_squeeze %dma_start3A_404 : memref<1x128xi32, #tpu.memory_space<vmem>> -> memref<128xi32, #tpu.memory_space<vmem>>
        %dma_start3A_406 = arith.constant 0 : i32
        %dma_start3A_407 = arith.constant 0 : i32
        %dma_start3A_408 = tpu.memref_slice %arg14[%dma_start3A_406, %dma_start3A_407] : memref<10240x128xf32, #tpu.memory_space<vmem_shared>> -> memref<10240x128xf32, #tpu.memory_space<vmem_shared>>
        tpu.enqueue_indirect_dma source(%arg13 : memref<128x128xf32, #tpu.memory_space<vmem>>) target(%dma_start3A_408 : memref<10240x128xf32, #tpu.memory_space<vmem_shared>>) offsets(%dma_start3A_405 : memref<128xi32, #tpu.memory_space<vmem>>) semaphore(%arg16 : memref<!tpu.dma_semaphore, #tpu.memory_space<semaphore_mem>>) {add = true}
        %dma_wait3A_409 = arith.constant 3 : i32
        %dma_wait3A_410 = arith.constant 0 : i32
        %dma_wait3A_411 = tpu.memref_slice %arg9[%dma_wait3A_409, %dma_wait3A_410] : memref<8x128xi32, #tpu.memory_space<vmem>> -> memref<1x128xi32, #tpu.memory_space<vmem>>
        %dma_wait3A_412 = tpu.memref_squeeze %dma_wait3A_411 : memref<1x128xi32, #tpu.memory_space<vmem>> -> memref<128xi32, #tpu.memory_space<vmem>>
        %dma_wait3A_413 = arith.constant 0 : i32
        %dma_wait3A_414 = arith.constant 0 : i32
        %dma_wait3A_415 = tpu.memref_slice %arg14[%dma_wait3A_413, %dma_wait3A_414] : memref<10240x128xf32, #tpu.memory_space<vmem_shared>> -> memref<10240x128xf32, #tpu.memory_space<vmem_shared>>
        tpu.wait_indirect_dma semaphore(%arg16 : memref<!tpu.dma_semaphore, #tpu.memory_space<semaphore_mem>>) src(%arg13 : memref<128x128xf32, #tpu.memory_space<vmem>>) dst(%dma_wait3A_415 : memref<10240x128xf32, #tpu.memory_space<vmem_shared>>)
        %dma_start3A_416 = arith.constant 5 : i32
        %dma_start3A_417 = arith.constant 0 : i32
        %dma_start3A_418 = tpu.memref_slice %arg8[%dma_start3A_416, %dma_start3A_417] : memref<8x128xi32, #tpu.memory_space<vmem>> -> memref<1x128xi32, #tpu.memory_space<vmem>>
        %dma_start3A_419 = tpu.memref_squeeze %dma_start3A_418 : memref<1x128xi32, #tpu.memory_space<vmem>> -> memref<128xi32, #tpu.memory_space<vmem>>
        %dma_start3A_420 = arith.constant 0 : i32
        %dma_start3A_421 = arith.constant 0 : i32
        %dma_start3A_422 = tpu.memref_slice %arg2[%dma_start3A_420, %dma_start3A_421] : memref<10000x128xf32, #tpu.memory_space<hbm>> -> memref<10000x128xf32, #tpu.memory_space<hbm>>
        tpu.enqueue_indirect_dma source(%dma_start3A_422 : memref<10000x128xf32, #tpu.memory_space<hbm>>) target(%arg13 : memref<128x128xf32, #tpu.memory_space<vmem>>) offsets(%dma_start3A_419 : memref<128xi32, #tpu.memory_space<vmem>>) semaphore(%arg15 : memref<!tpu.dma_semaphore, #tpu.memory_space<semaphore_mem>>)
        %dma_wait3A_423 = arith.constant 4 : i32
        %dma_wait3A_424 = arith.constant 0 : i32
        %dma_wait3A_425 = tpu.memref_slice %arg8[%dma_wait3A_423, %dma_wait3A_424] : memref<8x128xi32, #tpu.memory_space<vmem>> -> memref<1x128xi32, #tpu.memory_space<vmem>>
        %dma_wait3A_426 = tpu.memref_squeeze %dma_wait3A_425 : memref<1x128xi32, #tpu.memory_space<vmem>> -> memref<128xi32, #tpu.memory_space<vmem>>
        %dma_wait3A_427 = arith.constant 0 : i32
        %dma_wait3A_428 = arith.constant 0 : i32
        %dma_wait3A_429 = tpu.memref_slice %arg2[%dma_wait3A_427, %dma_wait3A_428] : memref<10000x128xf32, #tpu.memory_space<hbm>> -> memref<10000x128xf32, #tpu.memory_space<hbm>>
        tpu.wait_indirect_dma semaphore(%arg15 : memref<!tpu.dma_semaphore, #tpu.memory_space<semaphore_mem>>) src(%dma_wait3A_429 : memref<10000x128xf32, #tpu.memory_space<hbm>>) dst(%arg12 : memref<128x128xf32, #tpu.memory_space<vmem>>)
        %dma_start3A_430 = arith.constant 4 : i32
        %dma_start3A_431 = arith.constant 0 : i32
        %dma_start3A_432 = tpu.memref_slice %arg9[%dma_start3A_430, %dma_start3A_431] : memref<8x128xi32, #tpu.memory_space<vmem>> -> memref<1x128xi32, #tpu.memory_space<vmem>>
        %dma_start3A_433 = tpu.memref_squeeze %dma_start3A_432 : memref<1x128xi32, #tpu.memory_space<vmem>> -> memref<128xi32, #tpu.memory_space<vmem>>
        %dma_start3A_434 = arith.constant 0 : i32
        %dma_start3A_435 = arith.constant 0 : i32
        %dma_start3A_436 = tpu.memref_slice %arg14[%dma_start3A_434, %dma_start3A_435] : memref<10240x128xf32, #tpu.memory_space<vmem_shared>> -> memref<10240x128xf32, #tpu.memory_space<vmem_shared>>
        tpu.enqueue_indirect_dma source(%arg12 : memref<128x128xf32, #tpu.memory_space<vmem>>) target(%dma_start3A_436 : memref<10240x128xf32, #tpu.memory_space<vmem_shared>>) offsets(%dma_start3A_433 : memref<128xi32, #tpu.memory_space<vmem>>) semaphore(%arg16 : memref<!tpu.dma_semaphore, #tpu.memory_space<semaphore_mem>>) {add = true}
        %dma_wait3A_437 = arith.constant 5 : i32
        %dma_wait3A_438 = arith.constant 0 : i32
        %dma_wait3A_439 = tpu.memref_slice %arg8[%dma_wait3A_437, %dma_wait3A_438] : memref<8x128xi32, #tpu.memory_space<vmem>> -> memref<1x128xi32, #tpu.memory_space<vmem>>
        %dma_wait3A_440 = tpu.memref_squeeze %dma_wait3A_439 : memref<1x128xi32, #tpu.memory_space<vmem>> -> memref<128xi32, #tpu.memory_space<vmem>>
        %dma_wait3A_441 = arith.constant 0 : i32
        %dma_wait3A_442 = arith.constant 0 : i32
        %dma_wait3A_443 = tpu.memref_slice %arg2[%dma_wait3A_441, %dma_wait3A_442] : memref<10000x128xf32, #tpu.memory_space<hbm>> -> memref<10000x128xf32, #tpu.memory_space<hbm>>
        tpu.wait_indirect_dma semaphore(%arg15 : memref<!tpu.dma_semaphore, #tpu.memory_space<semaphore_mem>>) src(%dma_wait3A_443 : memref<10000x128xf32, #tpu.memory_space<hbm>>) dst(%arg13 : memref<128x128xf32, #tpu.memory_space<vmem>>)
        %dma_wait3A_444 = arith.constant 4 : i32
        %dma_wait3A_445 = arith.constant 0 : i32
        %dma_wait3A_446 = tpu.memref_slice %arg9[%dma_wait3A_444, %dma_wait3A_445] : memref<8x128xi32, #tpu.memory_space<vmem>> -> memref<1x128xi32, #tpu.memory_space<vmem>>
        %dma_wait3A_447 = tpu.memref_squeeze %dma_wait3A_446 : memref<1x128xi32, #tpu.memory_space<vmem>> -> memref<128xi32, #tpu.memory_space<vmem>>
        %dma_wait3A_448 = arith.constant 0 : i32
        %dma_wait3A_449 = arith.constant 0 : i32
        %dma_wait3A_450 = tpu.memref_slice %arg14[%dma_wait3A_448, %dma_wait3A_449] : memref<10240x128xf32, #tpu.memory_space<vmem_shared>> -> memref<10240x128xf32, #tpu.memory_space<vmem_shared>>
        tpu.wait_indirect_dma semaphore(%arg16 : memref<!tpu.dma_semaphore, #tpu.memory_space<semaphore_mem>>) src(%arg12 : memref<128x128xf32, #tpu.memory_space<vmem>>) dst(%dma_wait3A_450 : memref<10240x128xf32, #tpu.memory_space<vmem_shared>>)
        %dma_start3A_451 = arith.constant 6 : i32
        %dma_start3A_452 = arith.constant 0 : i32
        %dma_start3A_453 = tpu.memref_slice %arg8[%dma_start3A_451, %dma_start3A_452] : memref<8x128xi32, #tpu.memory_space<vmem>> -> memref<1x128xi32, #tpu.memory_space<vmem>>
        %dma_start3A_454 = tpu.memref_squeeze %dma_start3A_453 : memref<1x128xi32, #tpu.memory_space<vmem>> -> memref<128xi32, #tpu.memory_space<vmem>>
        %dma_start3A_455 = arith.constant 0 : i32
        %dma_start3A_456 = arith.constant 0 : i32
        %dma_start3A_457 = tpu.memref_slice %arg2[%dma_start3A_455, %dma_start3A_456] : memref<10000x128xf32, #tpu.memory_space<hbm>> -> memref<10000x128xf32, #tpu.memory_space<hbm>>
        tpu.enqueue_indirect_dma source(%dma_start3A_457 : memref<10000x128xf32, #tpu.memory_space<hbm>>) target(%arg12 : memref<128x128xf32, #tpu.memory_space<vmem>>) offsets(%dma_start3A_454 : memref<128xi32, #tpu.memory_space<vmem>>) semaphore(%arg15 : memref<!tpu.dma_semaphore, #tpu.memory_space<semaphore_mem>>)
        %dma_start3A_458 = arith.constant 5 : i32
        %dma_start3A_459 = arith.constant 0 : i32
        %dma_start3A_460 = tpu.memref_slice %arg9[%dma_start3A_458, %dma_start3A_459] : memref<8x128xi32, #tpu.memory_space<vmem>> -> memref<1x128xi32, #tpu.memory_space<vmem>>
        %dma_start3A_461 = tpu.memref_squeeze %dma_start3A_460 : memref<1x128xi32, #tpu.memory_space<vmem>> -> memref<128xi32, #tpu.memory_space<vmem>>
        %dma_start3A_462 = arith.constant 0 : i32
        %dma_start3A_463 = arith.constant 0 : i32
        %dma_start3A_464 = tpu.memref_slice %arg14[%dma_start3A_462, %dma_start3A_463] : memref<10240x128xf32, #tpu.memory_space<vmem_shared>> -> memref<10240x128xf32, #tpu.memory_space<vmem_shared>>
        tpu.enqueue_indirect_dma source(%arg13 : memref<128x128xf32, #tpu.memory_space<vmem>>) target(%dma_start3A_464 : memref<10240x128xf32, #tpu.memory_space<vmem_shared>>) offsets(%dma_start3A_461 : memref<128xi32, #tpu.memory_space<vmem>>) semaphore(%arg16 : memref<!tpu.dma_semaphore, #tpu.memory_space<semaphore_mem>>) {add = true}
        %dma_wait3A_465 = arith.constant 5 : i32
        %dma_wait3A_466 = arith.constant 0 : i32
        %dma_wait3A_467 = tpu.memref_slice %arg9[%dma_wait3A_465, %dma_wait3A_466] : memref<8x128xi32, #tpu.memory_space<vmem>> -> memref<1x128xi32, #tpu.memory_space<vmem>>
        %dma_wait3A_468 = tpu.memref_squeeze %dma_wait3A_467 : memref<1x128xi32, #tpu.memory_space<vmem>> -> memref<128xi32, #tpu.memory_space<vmem>>
        %dma_wait3A_469 = arith.constant 0 : i32
        %dma_wait3A_470 = arith.constant 0 : i32
        %dma_wait3A_471 = tpu.memref_slice %arg14[%dma_wait3A_469, %dma_wait3A_470] : memref<10240x128xf32, #tpu.memory_space<vmem_shared>> -> memref<10240x128xf32, #tpu.memory_space<vmem_shared>>
        tpu.wait_indirect_dma semaphore(%arg16 : memref<!tpu.dma_semaphore, #tpu.memory_space<semaphore_mem>>) src(%arg13 : memref<128x128xf32, #tpu.memory_space<vmem>>) dst(%dma_wait3A_471 : memref<10240x128xf32, #tpu.memory_space<vmem_shared>>)
        %dma_start3A_472 = arith.constant 7 : i32
        %dma_start3A_473 = arith.constant 0 : i32
        %dma_start3A_474 = tpu.memref_slice %arg8[%dma_start3A_472, %dma_start3A_473] : memref<8x128xi32, #tpu.memory_space<vmem>> -> memref<1x128xi32, #tpu.memory_space<vmem>>
        %dma_start3A_475 = tpu.memref_squeeze %dma_start3A_474 : memref<1x128xi32, #tpu.memory_space<vmem>> -> memref<128xi32, #tpu.memory_space<vmem>>
        %dma_start3A_476 = arith.constant 0 : i32
        %dma_start3A_477 = arith.constant 0 : i32
        %dma_start3A_478 = tpu.memref_slice %arg2[%dma_start3A_476, %dma_start3A_477] : memref<10000x128xf32, #tpu.memory_space<hbm>> -> memref<10000x128xf32, #tpu.memory_space<hbm>>
        tpu.enqueue_indirect_dma source(%dma_start3A_478 : memref<10000x128xf32, #tpu.memory_space<hbm>>) target(%arg13 : memref<128x128xf32, #tpu.memory_space<vmem>>) offsets(%dma_start3A_475 : memref<128xi32, #tpu.memory_space<vmem>>) semaphore(%arg15 : memref<!tpu.dma_semaphore, #tpu.memory_space<semaphore_mem>>)
        %dma_wait3A_479 = arith.constant 6 : i32
        %dma_wait3A_480 = arith.constant 0 : i32
        %dma_wait3A_481 = tpu.memref_slice %arg8[%dma_wait3A_479, %dma_wait3A_480] : memref<8x128xi32, #tpu.memory_space<vmem>> -> memref<1x128xi32, #tpu.memory_space<vmem>>
        %dma_wait3A_482 = tpu.memref_squeeze %dma_wait3A_481 : memref<1x128xi32, #tpu.memory_space<vmem>> -> memref<128xi32, #tpu.memory_space<vmem>>
        %dma_wait3A_483 = arith.constant 0 : i32
        %dma_wait3A_484 = arith.constant 0 : i32
        %dma_wait3A_485 = tpu.memref_slice %arg2[%dma_wait3A_483, %dma_wait3A_484] : memref<10000x128xf32, #tpu.memory_space<hbm>> -> memref<10000x128xf32, #tpu.memory_space<hbm>>
        tpu.wait_indirect_dma semaphore(%arg15 : memref<!tpu.dma_semaphore, #tpu.memory_space<semaphore_mem>>) src(%dma_wait3A_485 : memref<10000x128xf32, #tpu.memory_space<hbm>>) dst(%arg12 : memref<128x128xf32, #tpu.memory_space<vmem>>)
        %dma_start3A_486 = arith.constant 6 : i32
        %dma_start3A_487 = arith.constant 0 : i32
        %dma_start3A_488 = tpu.memref_slice %arg9[%dma_start3A_486, %dma_start3A_487] : memref<8x128xi32, #tpu.memory_space<vmem>> -> memref<1x128xi32, #tpu.memory_space<vmem>>
        %dma_start3A_489 = tpu.memref_squeeze %dma_start3A_488 : memref<1x128xi32, #tpu.memory_space<vmem>> -> memref<128xi32, #tpu.memory_space<vmem>>
        %dma_start3A_490 = arith.constant 0 : i32
        %dma_start3A_491 = arith.constant 0 : i32
        %dma_start3A_492 = tpu.memref_slice %arg14[%dma_start3A_490, %dma_start3A_491] : memref<10240x128xf32, #tpu.memory_space<vmem_shared>> -> memref<10240x128xf32, #tpu.memory_space<vmem_shared>>
        tpu.enqueue_indirect_dma source(%arg12 : memref<128x128xf32, #tpu.memory_space<vmem>>) target(%dma_start3A_492 : memref<10240x128xf32, #tpu.memory_space<vmem_shared>>) offsets(%dma_start3A_489 : memref<128xi32, #tpu.memory_space<vmem>>) semaphore(%arg16 : memref<!tpu.dma_semaphore, #tpu.memory_space<semaphore_mem>>) {add = true}
        %dma_wait3A_493 = arith.constant 7 : i32
        %dma_wait3A_494 = arith.constant 0 : i32
        %dma_wait3A_495 = tpu.memref_slice %arg8[%dma_wait3A_493, %dma_wait3A_494] : memref<8x128xi32, #tpu.memory_space<vmem>> -> memref<1x128xi32, #tpu.memory_space<vmem>>
        %dma_wait3A_496 = tpu.memref_squeeze %dma_wait3A_495 : memref<1x128xi32, #tpu.memory_space<vmem>> -> memref<128xi32, #tpu.memory_space<vmem>>
        %dma_wait3A_497 = arith.constant 0 : i32
        %dma_wait3A_498 = arith.constant 0 : i32
        %dma_wait3A_499 = tpu.memref_slice %arg2[%dma_wait3A_497, %dma_wait3A_498] : memref<10000x128xf32, #tpu.memory_space<hbm>> -> memref<10000x128xf32, #tpu.memory_space<hbm>>
        tpu.wait_indirect_dma semaphore(%arg15 : memref<!tpu.dma_semaphore, #tpu.memory_space<semaphore_mem>>) src(%dma_wait3A_499 : memref<10000x128xf32, #tpu.memory_space<hbm>>) dst(%arg13 : memref<128x128xf32, #tpu.memory_space<vmem>>)
        %dma_wait3A_500 = arith.constant 6 : i32
        %dma_wait3A_501 = arith.constant 0 : i32
        %dma_wait3A_502 = tpu.memref_slice %arg9[%dma_wait3A_500, %dma_wait3A_501] : memref<8x128xi32, #tpu.memory_space<vmem>> -> memref<1x128xi32, #tpu.memory_space<vmem>>
        %dma_wait3A_503 = tpu.memref_squeeze %dma_wait3A_502 : memref<1x128xi32, #tpu.memory_space<vmem>> -> memref<128xi32, #tpu.memory_space<vmem>>
        %dma_wait3A_504 = arith.constant 0 : i32
        %dma_wait3A_505 = arith.constant 0 : i32
        %dma_wait3A_506 = tpu.memref_slice %arg14[%dma_wait3A_504, %dma_wait3A_505] : memref<10240x128xf32, #tpu.memory_space<vmem_shared>> -> memref<10240x128xf32, #tpu.memory_space<vmem_shared>>
        tpu.wait_indirect_dma semaphore(%arg16 : memref<!tpu.dma_semaphore, #tpu.memory_space<semaphore_mem>>) src(%arg12 : memref<128x128xf32, #tpu.memory_space<vmem>>) dst(%dma_wait3A_506 : memref<10240x128xf32, #tpu.memory_space<vmem_shared>>)
        %add3A_507 = arith.constant 1 : i32
        %add3A_508 = arith.addi %add3A_296, %add3A_507 : i32
        %lt3A_509 = arith.constant 18 : i32
        %lt3A_510 = arith.cmpi slt, %add3A_508, %lt3A_509 : i32
        %convert_element_type3A_511 = arith.extui %lt3A_510 : i1 to i32
        %cond3A_512 = arith.constant 0 : i32
        %cond3A_513 = arith.cmpi ne, %convert_element_type3A_511, %cond3A_512 : i32
        scf.if %cond3A_513 {
          %add3A_528 = arith.constant 1 : i32
          %add3A_529 = arith.addi %add3A_296, %add3A_528 : i32
          %mul3A_530 = arith.constant 8 : i32
          %mul3A_531 = arith.muli %add3A_529, %mul3A_530 : i32
          %add3A_532 = arith.addi %mul3A_22, %mul3A_531 : i32
          %dma_wait3A_533 = arith.constant 0 : i32
          %dma_wait3A_534 = tpu.memref_slice %arg3[%add3A_532, %dma_wait3A_533] : memref<2528x128xi32, #tpu.memory_space<hbm>> -> memref<8x128xi32, #tpu.memory_space<hbm>>
          %dma_wait3A_535 = arith.constant 0 : i32
          %dma_wait3A_536 = tpu.memref_slice %arg3[%add3A_532, %dma_wait3A_535] : memref<2528x128xi32, #tpu.memory_space<hbm>> -> memref<8x128xi32, #tpu.memory_space<hbm>>
          tpu.wait_dma2 semaphore(%arg17 : memref<!tpu.dma_semaphore, #tpu.memory_space<semaphore_mem>>) src(%dma_wait3A_536 : memref<8x128xi32, #tpu.memory_space<hbm>>) dst(%arg6 : memref<8x128xi32, #tpu.memory_space<vmem>>)
          %mul3A_537 = arith.constant 8 : i32
          %mul3A_538 = arith.muli %add3A_529, %mul3A_537 : i32
          %add3A_539 = arith.addi %mul3A_22, %mul3A_538 : i32
          %dma_wait3A_540 = arith.constant 0 : i32
          %dma_wait3A_541 = tpu.memref_slice %arg4[%add3A_539, %dma_wait3A_540] : memref<2528x128xi32, #tpu.memory_space<hbm>> -> memref<8x128xi32, #tpu.memory_space<hbm>>
          %dma_wait3A_542 = arith.constant 0 : i32
          %dma_wait3A_543 = tpu.memref_slice %arg4[%add3A_539, %dma_wait3A_542] : memref<2528x128xi32, #tpu.memory_space<hbm>> -> memref<8x128xi32, #tpu.memory_space<hbm>>
          tpu.wait_dma2 semaphore(%arg17 : memref<!tpu.dma_semaphore, #tpu.memory_space<semaphore_mem>>) src(%dma_wait3A_543 : memref<8x128xi32, #tpu.memory_space<hbm>>) dst(%arg7 : memref<8x128xi32, #tpu.memory_space<vmem>>)
          %dma_start3A_544 = arith.constant 0 : i32
          %dma_start3A_545 = arith.constant 0 : i32
          %dma_start3A_546 = tpu.memref_slice %arg6[%dma_start3A_544, %dma_start3A_545] : memref<8x128xi32, #tpu.memory_space<vmem>> -> memref<1x128xi32, #tpu.memory_space<vmem>>
          %dma_start3A_547 = tpu.memref_squeeze %dma_start3A_546 : memref<1x128xi32, #tpu.memory_space<vmem>> -> memref<128xi32, #tpu.memory_space<vmem>>
          %dma_start3A_548 = arith.constant 0 : i32
          %dma_start3A_549 = arith.constant 0 : i32
          %dma_start3A_550 = tpu.memref_slice %arg2[%dma_start3A_548, %dma_start3A_549] : memref<10000x128xf32, #tpu.memory_space<hbm>> -> memref<10000x128xf32, #tpu.memory_space<hbm>>
          tpu.enqueue_indirect_dma source(%dma_start3A_550 : memref<10000x128xf32, #tpu.memory_space<hbm>>) target(%arg12 : memref<128x128xf32, #tpu.memory_space<vmem>>) offsets(%dma_start3A_547 : memref<128xi32, #tpu.memory_space<vmem>>) semaphore(%arg15 : memref<!tpu.dma_semaphore, #tpu.memory_space<semaphore_mem>>)
        } else {
        }
        %dma_start3A_514 = arith.constant 7 : i32
        %dma_start3A_515 = arith.constant 0 : i32
        %dma_start3A_516 = tpu.memref_slice %arg9[%dma_start3A_514, %dma_start3A_515] : memref<8x128xi32, #tpu.memory_space<vmem>> -> memref<1x128xi32, #tpu.memory_space<vmem>>
        %dma_start3A_517 = tpu.memref_squeeze %dma_start3A_516 : memref<1x128xi32, #tpu.memory_space<vmem>> -> memref<128xi32, #tpu.memory_space<vmem>>
        %dma_start3A_518 = arith.constant 0 : i32
        %dma_start3A_519 = arith.constant 0 : i32
        %dma_start3A_520 = tpu.memref_slice %arg14[%dma_start3A_518, %dma_start3A_519] : memref<10240x128xf32, #tpu.memory_space<vmem_shared>> -> memref<10240x128xf32, #tpu.memory_space<vmem_shared>>
        tpu.enqueue_indirect_dma source(%arg13 : memref<128x128xf32, #tpu.memory_space<vmem>>) target(%dma_start3A_520 : memref<10240x128xf32, #tpu.memory_space<vmem_shared>>) offsets(%dma_start3A_517 : memref<128xi32, #tpu.memory_space<vmem>>) semaphore(%arg16 : memref<!tpu.dma_semaphore, #tpu.memory_space<semaphore_mem>>) {add = true}
        %dma_wait3A_521 = arith.constant 7 : i32
        %dma_wait3A_522 = arith.constant 0 : i32
        %dma_wait3A_523 = tpu.memref_slice %arg9[%dma_wait3A_521, %dma_wait3A_522] : memref<8x128xi32, #tpu.memory_space<vmem>> -> memref<1x128xi32, #tpu.memory_space<vmem>>
        %dma_wait3A_524 = tpu.memref_squeeze %dma_wait3A_523 : memref<1x128xi32, #tpu.memory_space<vmem>> -> memref<128xi32, #tpu.memory_space<vmem>>
        %dma_wait3A_525 = arith.constant 0 : i32
        %dma_wait3A_526 = arith.constant 0 : i32
        %dma_wait3A_527 = tpu.memref_slice %arg14[%dma_wait3A_525, %dma_wait3A_526] : memref<10240x128xf32, #tpu.memory_space<vmem_shared>> -> memref<10240x128xf32, #tpu.memory_space<vmem_shared>>
        tpu.wait_indirect_dma semaphore(%arg16 : memref<!tpu.dma_semaphore, #tpu.memory_space<semaphore_mem>>) src(%arg13 : memref<128x128xf32, #tpu.memory_space<vmem>>) dst(%dma_wait3A_527 : memref<10240x128xf32, #tpu.memory_space<vmem_shared>>)
      }
      %scan3A_55 = arith.constant 9 : i32
    } else {
    }
    %eq3A_12 = arith.constant 1 : i32
    %eq3A_13 = arith.cmpi eq, %arg0, %eq3A_12 : i32
    %convert_element_type3A_14 = arith.extui %eq3A_13 : i1 to i32
    %cond3A_15 = arith.constant 0 : i32
    %cond3A_16 = arith.cmpi ne, %convert_element_type3A_14, %cond3A_15 : i32
    scf.if %cond3A_16 {
      %mul3A_21 = arith.constant 14 : i32
      %mul3A_22 = arith.muli %arg1, %mul3A_21 : i32
      %add3A = arith.constant 2304 : i32
      %add3A_23 = arith.addi %add3A, %mul3A_22 : i32
      %scan3A_24 = arith.constant 0 : i32
      %scan3A_25 = arith.constant 14 : i32
      %scan3A_26 = arith.addi %scan3A_24, %scan3A_25 : i32
      %scan3A_27 = arith.constant 1 : i32
      scf.for %scan3A_29 = %scan3A_24 to %scan3A_26 step %scan3A_27  : i32 {
        %mul3A_30 = arith.constant 1 : i32
        %mul3A_31 = arith.muli %scan3A_29, %mul3A_30 : i32
        %add3A_32 = arith.constant 0 : i32
        %add3A_33 = arith.addi %add3A_32, %mul3A_31 : i32
        %add3A_34 = arith.addi %add3A_23, %add3A_33 : i32
        "tpu.region"() ({
          %run_scoped3A = tpu.sem_alloc : memref<!tpu.dma_semaphore, #tpu.memory_space<semaphore_mem>>
          %dma_start3A_39 = arith.constant 0 : i32
          %dma_start3A_40 = tpu.memref_slice %arg3[%add3A_34, %dma_start3A_39] : memref<2528x128xi32, #tpu.memory_space<hbm>> -> memref<1x128xi32, #tpu.memory_space<hbm>>
          %dma_start3A_41 = tpu.memref_squeeze %dma_start3A_40 : memref<1x128xi32, #tpu.memory_space<hbm>> -> memref<128xi32, #tpu.memory_space<hbm>>
          %dma_start3A_42 = arith.constant 0 : i32
          %dma_start3A_43 = tpu.memref_slice %arg3[%add3A_34, %dma_start3A_42] : memref<2528x128xi32, #tpu.memory_space<hbm>> -> memref<1x128xi32, #tpu.memory_space<hbm>>
          %dma_start3A_44 = tpu.memref_squeeze %dma_start3A_43 : memref<1x128xi32, #tpu.memory_space<hbm>> -> memref<128xi32, #tpu.memory_space<hbm>>
          tpu.enqueue_dma source(%dma_start3A_44 : memref<128xi32, #tpu.memory_space<hbm>>) target(%arg10 : memref<128xi32, #tpu.memory_space<vmem>>) target_semaphore(%run_scoped3A : memref<!tpu.dma_semaphore, #tpu.memory_space<semaphore_mem>>)
          %dma_wait3A_45 = arith.constant 0 : i32
          %dma_wait3A_46 = tpu.memref_slice %arg3[%add3A_34, %dma_wait3A_45] : memref<2528x128xi32, #tpu.memory_space<hbm>> -> memref<1x128xi32, #tpu.memory_space<hbm>>
          %dma_wait3A_47 = tpu.memref_squeeze %dma_wait3A_46 : memref<1x128xi32, #tpu.memory_space<hbm>> -> memref<128xi32, #tpu.memory_space<hbm>>
          %dma_wait3A_48 = arith.constant 0 : i32
          %dma_wait3A_49 = tpu.memref_slice %arg3[%add3A_34, %dma_wait3A_48] : memref<2528x128xi32, #tpu.memory_space<hbm>> -> memref<1x128xi32, #tpu.memory_space<hbm>>
          %dma_wait3A_50 = tpu.memref_squeeze %dma_wait3A_49 : memref<1x128xi32, #tpu.memory_space<hbm>> -> memref<128xi32, #tpu.memory_space<hbm>>
          tpu.wait_dma2 semaphore(%run_scoped3A : memref<!tpu.dma_semaphore, #tpu.memory_space<semaphore_mem>>) src(%dma_wait3A_50 : memref<128xi32, #tpu.memory_space<hbm>>) dst(%arg10 : memref<128xi32, #tpu.memory_space<vmem>>)
          tpu.yield
        }) : () -> ()
        "tpu.region"() ({
          %run_scoped3A = tpu.sem_alloc : memref<!tpu.dma_semaphore, #tpu.memory_space<semaphore_mem>>
          %dma_start3A_39 = arith.constant 0 : i32
          %dma_start3A_40 = tpu.memref_slice %arg4[%add3A_34, %dma_start3A_39] : memref<2528x128xi32, #tpu.memory_space<hbm>> -> memref<1x128xi32, #tpu.memory_space<hbm>>
          %dma_start3A_41 = tpu.memref_squeeze %dma_start3A_40 : memref<1x128xi32, #tpu.memory_space<hbm>> -> memref<128xi32, #tpu.memory_space<hbm>>
          %dma_start3A_42 = arith.constant 0 : i32
          %dma_start3A_43 = tpu.memref_slice %arg4[%add3A_34, %dma_start3A_42] : memref<2528x128xi32, #tpu.memory_space<hbm>> -> memref<1x128xi32, #tpu.memory_space<hbm>>
          %dma_start3A_44 = tpu.memref_squeeze %dma_start3A_43 : memref<1x128xi32, #tpu.memory_space<hbm>> -> memref<128xi32, #tpu.memory_space<hbm>>
          tpu.enqueue_dma source(%dma_start3A_44 : memref<128xi32, #tpu.memory_space<hbm>>) target(%arg11 : memref<128xi32, #tpu.memory_space<vmem>>) target_semaphore(%run_scoped3A : memref<!tpu.dma_semaphore, #tpu.memory_space<semaphore_mem>>)
          %dma_wait3A_45 = arith.constant 0 : i32
          %dma_wait3A_46 = tpu.memref_slice %arg4[%add3A_34, %dma_wait3A_45] : memref<2528x128xi32, #tpu.memory_space<hbm>> -> memref<1x128xi32, #tpu.memory_space<hbm>>
          %dma_wait3A_47 = tpu.memref_squeeze %dma_wait3A_46 : memref<1x128xi32, #tpu.memory_space<hbm>> -> memref<128xi32, #tpu.memory_space<hbm>>
          %dma_wait3A_48 = arith.constant 0 : i32
          %dma_wait3A_49 = tpu.memref_slice %arg4[%add3A_34, %dma_wait3A_48] : memref<2528x128xi32, #tpu.memory_space<hbm>> -> memref<1x128xi32, #tpu.memory_space<hbm>>
          %dma_wait3A_50 = tpu.memref_squeeze %dma_wait3A_49 : memref<1x128xi32, #tpu.memory_space<hbm>> -> memref<128xi32, #tpu.memory_space<hbm>>
          tpu.wait_dma2 semaphore(%run_scoped3A : memref<!tpu.dma_semaphore, #tpu.memory_space<semaphore_mem>>) src(%dma_wait3A_50 : memref<128xi32, #tpu.memory_space<hbm>>) dst(%arg11 : memref<128xi32, #tpu.memory_space<vmem>>)
          tpu.yield
        }) : () -> ()
        %dma_start3A = arith.constant 0 : i32
        %dma_start3A_35 = arith.constant 0 : i32
        %dma_start3A_36 = tpu.memref_slice %arg2[%dma_start3A, %dma_start3A_35] : memref<10000x128xf32, #tpu.memory_space<hbm>> -> memref<10000x128xf32, #tpu.memory_space<hbm>>
        tpu.enqueue_indirect_dma source(%dma_start3A_36 : memref<10000x128xf32, #tpu.memory_space<hbm>>) target(%arg12 : memref<128x128xf32, #tpu.memory_space<vmem>>) offsets(%arg10 : memref<128xi32, #tpu.memory_space<vmem>>) semaphore(%arg15 : memref<!tpu.dma_semaphore, #tpu.memory_space<semaphore_mem>>)
        %dma_wait3A = arith.constant 0 : i32
        %dma_wait3A_37 = arith.constant 0 : i32
        %dma_wait3A_38 = tpu.memref_slice %arg2[%dma_wait3A, %dma_wait3A_37] : memref<10000x128xf32, #tpu.memory_space<hbm>> -> memref<10000x128xf32, #tpu.memory_space<hbm>>
        tpu.wait_indirect_dma semaphore(%arg15 : memref<!tpu.dma_semaphore, #tpu.memory_space<semaphore_mem>>) src(%dma_wait3A_38 : memref<10000x128xf32, #tpu.memory_space<hbm>>) dst(%arg12 : memref<128x128xf32, #tpu.memory_space<vmem>>)
        "tpu.region"() ({
          %run_scoped3A = tpu.sem_alloc : memref<!tpu.dma_semaphore, #tpu.memory_space<semaphore_mem>>
          %dma_start3A_39 = arith.constant 0 : i32
          %dma_start3A_40 = arith.constant 0 : i32
          %dma_start3A_41 = tpu.memref_slice %arg14[%dma_start3A_39, %dma_start3A_40] : memref<10240x128xf32, #tpu.memory_space<vmem_shared>> -> memref<10240x128xf32, #tpu.memory_space<vmem_shared>>
          tpu.enqueue_indirect_dma source(%arg12 : memref<128x128xf32, #tpu.memory_space<vmem>>) target(%dma_start3A_41 : memref<10240x128xf32, #tpu.memory_space<vmem_shared>>) offsets(%arg11 : memref<128xi32, #tpu.memory_space<vmem>>) semaphore(%run_scoped3A : memref<!tpu.dma_semaphore, #tpu.memory_space<semaphore_mem>>) {add = true}
          %dma_wait3A_42 = arith.constant 0 : i32
          %dma_wait3A_43 = arith.constant 0 : i32
          %dma_wait3A_44 = tpu.memref_slice %arg14[%dma_wait3A_42, %dma_wait3A_43] : memref<10240x128xf32, #tpu.memory_space<vmem_shared>> -> memref<10240x128xf32, #tpu.memory_space<vmem_shared>>
          tpu.wait_indirect_dma semaphore(%run_scoped3A : memref<!tpu.dma_semaphore, #tpu.memory_space<semaphore_mem>>) src(%arg12 : memref<128x128xf32, #tpu.memory_space<vmem>>) dst(%dma_wait3A_44 : memref<10240x128xf32, #tpu.memory_space<vmem_shared>>)
          tpu.yield
        }) : () -> ()
      }
      %scan3A_28 = arith.constant 14 : i32
    } else {
    }
    %barrier3A_17 = arith.constant 0 : index
    tpu.barrier barrier_id(%barrier3A_17)
    %mul3A = arith.constant 640 : i32
    %mul3A_18 = arith.muli %arg1, %mul3A : i32
    %mul3A_19 = arith.constant 640 : i32
    %mul3A_20 = arith.muli %arg1, %mul3A_19 : i32
    "tpu.region"() ({
      %run_scoped3A = tpu.sem_alloc : memref<!tpu.dma_semaphore, #tpu.memory_space<semaphore_mem>>
      %dma_start3A = arith.constant 0 : i32
      %dma_start3A_21 = tpu.memref_slice %arg5[%arg0, %mul3A_20, %dma_start3A] : memref<2x10240x128xf32, #tpu.memory_space<hbm>> -> memref<1x640x128xf32, #tpu.memory_space<hbm>>
      %dma_start3A_22 = tpu.memref_squeeze %dma_start3A_21 : memref<1x640x128xf32, #tpu.memory_space<hbm>> -> memref<640x128xf32, #tpu.memory_space<hbm>>
      %dma_start3A_23 = arith.constant 0 : i32
      %dma_start3A_24 = tpu.memref_slice %arg14[%mul3A_18, %dma_start3A_23] : memref<10240x128xf32, #tpu.memory_space<vmem_shared>> -> memref<640x128xf32, #tpu.memory_space<vmem_shared>>
      tpu.enqueue_dma source(%dma_start3A_24 : memref<640x128xf32, #tpu.memory_space<vmem_shared>>) target(%dma_start3A_22 : memref<640x128xf32, #tpu.memory_space<hbm>>) target_semaphore(%run_scoped3A : memref<!tpu.dma_semaphore, #tpu.memory_space<semaphore_mem>>)
      %dma_wait3A = arith.constant 0 : i32
      %dma_wait3A_25 = tpu.memref_slice %arg5[%arg0, %mul3A_20, %dma_wait3A] : memref<2x10240x128xf32, #tpu.memory_space<hbm>> -> memref<1x640x128xf32, #tpu.memory_space<hbm>>
      %dma_wait3A_26 = tpu.memref_squeeze %dma_wait3A_25 : memref<1x640x128xf32, #tpu.memory_space<hbm>> -> memref<640x128xf32, #tpu.memory_space<hbm>>
      %dma_wait3A_27 = arith.constant 0 : i32
      %dma_wait3A_28 = tpu.memref_slice %arg14[%mul3A_18, %dma_wait3A_27] : memref<10240x128xf32, #tpu.memory_space<vmem_shared>> -> memref<640x128xf32, #tpu.memory_space<vmem_shared>>
      tpu.wait_dma2 semaphore(%run_scoped3A : memref<!tpu.dma_semaphore, #tpu.memory_space<semaphore_mem>>) src(%dma_wait3A_28 : memref<640x128xf32, #tpu.memory_space<vmem_shared>>) dst(%dma_wait3A_26 : memref<640x128xf32, #tpu.memory_space<hbm>>)
      tpu.yield
    }) : () -> ()
    return
  }
}

#map = affine_map<(d0, d1) -> (0)>
#map1 = affine_map<(d0, d1) -> (0, 0)>
module attributes {stable_mosaic.version = 14 : i64} {
  func.func @k(%arg0: i32, %arg1: i32, %arg2: memref<320000xi32, #tpu.memory_space<hbm>>, %arg3: memref<32x10000xf32, #tpu.memory_space<hbm>>, %arg4: memref<10000xi32, #tpu.memory_space<vmem>>, %arg5: memref<10000xf32, #tpu.memory_space<vmem>>) attributes {dimension_semantics = [#tpu.dimension_semantics<core_parallel>, #tpu.dimension_semantics<subcore_parallel>], iteration_bounds = array<i64: 2, 16>, scalar_prefetch = 0 : i64, scratch_operands = 2 : i64, tpu.core_type = #tpu.core_type<sc_vector_subcore>, window_params = [{transform_indices = #map}, {transform_indices = #map1}]} {
    %mul3A = arith.constant 16 : i32
    %mul3A_0 = arith.muli %arg0, %mul3A : i32
    %add3A = arith.addi %mul3A_0, %arg1 : i32
    %mul3A_1 = arith.constant 10000 : i32
    %mul3A_2 = arith.muli %add3A, %mul3A_1 : i32
    "tpu.region"() ({
      %run_scoped3A = tpu.sem_alloc : memref<!tpu.dma_semaphore, #tpu.memory_space<semaphore_mem>>
      %dma_start3A = tpu.memref_slice %arg2[%mul3A_2] : memref<320000xi32, #tpu.memory_space<hbm>> -> memref<10000xi32, #tpu.memory_space<hbm>>
      %dma_start3A_15 = tpu.memref_slice %arg2[%mul3A_2] : memref<320000xi32, #tpu.memory_space<hbm>> -> memref<10000xi32, #tpu.memory_space<hbm>>
      tpu.enqueue_dma source(%dma_start3A_15 : memref<10000xi32, #tpu.memory_space<hbm>>) target(%arg4 : memref<10000xi32, #tpu.memory_space<vmem>>) target_semaphore(%run_scoped3A : memref<!tpu.dma_semaphore, #tpu.memory_space<semaphore_mem>>)
      %dma_wait3A = tpu.memref_slice %arg2[%mul3A_2] : memref<320000xi32, #tpu.memory_space<hbm>> -> memref<10000xi32, #tpu.memory_space<hbm>>
      %dma_wait3A_16 = tpu.memref_slice %arg2[%mul3A_2] : memref<320000xi32, #tpu.memory_space<hbm>> -> memref<10000xi32, #tpu.memory_space<hbm>>
      tpu.wait_dma2 semaphore(%run_scoped3A : memref<!tpu.dma_semaphore, #tpu.memory_space<semaphore_mem>>) src(%dma_wait3A_16 : memref<10000xi32, #tpu.memory_space<hbm>>) dst(%arg4 : memref<10000xi32, #tpu.memory_space<vmem>>)
      tpu.yield
    }) : () -> ()
    %broadcast_in_dim3A = arith.constant 0.000000e+00 : f32
    %broadcast_in_dim3A_3 = vector.broadcast %broadcast_in_dim3A : f32 to vector<16xf32>
    %scan3A = arith.constant 0 : i32
    %scan3A_4 = arith.constant 625 : i32
    %scan3A_5 = arith.addi %scan3A, %scan3A_4 : i32
    %scan3A_6 = arith.constant 1 : i32
    scf.for %scan3A_15 = %scan3A to %scan3A_5 step %scan3A_6  : i32 {
      %mul3A_16 = arith.constant 1 : i32
      %mul3A_17 = arith.muli %scan3A_15, %mul3A_16 : i32
      %add3A_18 = arith.constant 0 : i32
      %add3A_19 = arith.addi %add3A_18, %mul3A_17 : i32
      %mul3A_20 = arith.constant 16 : i32
      %mul3A_21 = arith.muli %add3A_19, %mul3A_20 : i32
      %swap3A = arith.index_cast %mul3A_21 : i32 to index
      %swap3A_22 = tpu.vector_load %arg5[%swap3A] {strides = array<i32>} : memref<10000xf32, #tpu.memory_space<vmem>>, vector<16xf32>,
      tpu.vector_store %arg5[%swap3A], %broadcast_in_dim3A_3 {strides = array<i32>} : memref<10000xf32, #tpu.memory_space<vmem>>, vector<16xf32>,
    }
    %scan3A_7 = arith.constant 625 : i32
    %broadcast_in_dim3A_8 = arith.constant 1.000000e+00 : f32
    %broadcast_in_dim3A_9 = vector.broadcast %broadcast_in_dim3A_8 : f32 to vector<16xf32>
    %scan3A_10 = arith.constant 0 : i32
    %scan3A_11 = arith.constant 625 : i32
    %scan3A_12 = arith.addi %scan3A_10, %scan3A_11 : i32
    %scan3A_13 = arith.constant 1 : i32
    scf.for %scan3A_15 = %scan3A_10 to %scan3A_12 step %scan3A_13  : i32 {
      %mul3A_16 = arith.constant 1 : i32
      %mul3A_17 = arith.muli %scan3A_15, %mul3A_16 : i32
      %add3A_18 = arith.constant 0 : i32
      %add3A_19 = arith.addi %add3A_18, %mul3A_17 : i32
      %mul3A_20 = arith.constant 16 : i32
      %mul3A_21 = arith.muli %add3A_19, %mul3A_20 : i32
      %get3A = arith.index_cast %mul3A_21 : i32 to index
      %get3A_22 = tpu.vector_load %arg4[%get3A] {strides = array<i32>} : memref<10000xi32, #tpu.memory_space<vmem>>, vector<16xi32>,
      tpu.vector_store_idx %arg5[%get3A_22], %broadcast_in_dim3A_9 {add = true} : memref<10000xf32, #tpu.memory_space<vmem>>[vector<16xi32>], vector<16xf32>,
    }
    %scan3A_14 = arith.constant 625 : i32
    "tpu.region"() ({
      %run_scoped3A = tpu.sem_alloc : memref<!tpu.dma_semaphore, #tpu.memory_space<semaphore_mem>>
      %dma_start3A = arith.constant 0 : i32
      %dma_start3A_15 = tpu.memref_slice %arg3[%add3A, %dma_start3A] : memref<32x10000xf32, #tpu.memory_space<hbm>> -> memref<1x10000xf32, #tpu.memory_space<hbm>>
      %dma_start3A_16 = tpu.memref_squeeze %dma_start3A_15 : memref<1x10000xf32, #tpu.memory_space<hbm>> -> memref<10000xf32, #tpu.memory_space<hbm>>
      %dma_start3A_17 = arith.constant 0 : i32
      %dma_start3A_18 = tpu.memref_slice %arg3[%add3A, %dma_start3A_17] : memref<32x10000xf32, #tpu.memory_space<hbm>> -> memref<1x10000xf32, #tpu.memory_space<hbm>>
      %dma_start3A_19 = tpu.memref_squeeze %dma_start3A_18 : memref<1x10000xf32, #tpu.memory_space<hbm>> -> memref<10000xf32, #tpu.memory_space<hbm>>
      tpu.enqueue_dma source(%arg5 : memref<10000xf32, #tpu.memory_space<vmem>>) target(%dma_start3A_19 : memref<10000xf32, #tpu.memory_space<hbm>>) target_semaphore(%run_scoped3A : memref<!tpu.dma_semaphore, #tpu.memory_space<semaphore_mem>>)
      %dma_wait3A = arith.constant 0 : i32
      %dma_wait3A_20 = tpu.memref_slice %arg3[%add3A, %dma_wait3A] : memref<32x10000xf32, #tpu.memory_space<hbm>> -> memref<1x10000xf32, #tpu.memory_space<hbm>>
      %dma_wait3A_21 = tpu.memref_squeeze %dma_wait3A_20 : memref<1x10000xf32, #tpu.memory_space<hbm>> -> memref<10000xf32, #tpu.memory_space<hbm>>
      %dma_wait3A_22 = arith.constant 0 : i32
      %dma_wait3A_23 = tpu.memref_slice %arg3[%add3A, %dma_wait3A_22] : memref<32x10000xf32, #tpu.memory_space<hbm>> -> memref<1x10000xf32, #tpu.memory_space<hbm>>
      %dma_wait3A_24 = tpu.memref_squeeze %dma_wait3A_23 : memref<1x10000xf32, #tpu.memory_space<hbm>> -> memref<10000xf32, #tpu.memory_space<hbm>>
      tpu.wait_dma2 semaphore(%run_scoped3A : memref<!tpu.dma_semaphore, #tpu.memory_space<semaphore_mem>>) src(%arg5 : memref<10000xf32, #tpu.memory_space<vmem>>) dst(%dma_wait3A_24 : memref<10000xf32, #tpu.memory_space<hbm>>)
      tpu.yield
    }) : () -> ()
    return
  }
}

#map = affine_map<(d0, d1) -> (0, 0)>
#map1 = affine_map<(d0, d1) -> (0, 0, 0)>
module attributes {stable_mosaic.version = 14 : i64} {
  func.func @k(%arg0: i32, %arg1: i32, %arg2: memref<10000x128xf32, #tpu.memory_space<hbm>>, %arg3: memref<2528x128xi32, #tpu.memory_space<hbm>>, %arg4: memref<2528x128xi32, #tpu.memory_space<hbm>>, %arg5: memref<2x10240x128xf32, #tpu.memory_space<hbm>>, %arg6: memref<8x128xi32, #tpu.memory_space<vmem>>, %arg7: memref<8x128xi32, #tpu.memory_space<vmem>>, %arg8: memref<8x128xi32, #tpu.memory_space<vmem>>, %arg9: memref<8x128xi32, #tpu.memory_space<vmem>>, %arg10: memref<128xi32, #tpu.memory_space<vmem>>, %arg11: memref<128xi32, #tpu.memory_space<vmem>>, %arg12: memref<128x128xf32, #tpu.memory_space<vmem>>, %arg13: memref<128x128xf32, #tpu.memory_space<vmem>>, %arg14: memref<10240x128xf32, #tpu.memory_space<vmem_shared>>, %arg15: memref<!tpu.dma_semaphore, #tpu.memory_space<semaphore_mem>>, %arg16: memref<!tpu.dma_semaphore, #tpu.memory_space<semaphore_mem>>, %arg17: memref<!tpu.dma_semaphore, #tpu.memory_space<semaphore_mem>>) attributes {dimension_semantics = [#tpu.dimension_semantics<core_parallel>, #tpu.dimension_semantics<subcore_parallel>], iteration_bounds = array<i64: 2, 16>, scalar_prefetch = 0 : i64, scratch_operands = 12 : i64, tpu.core_type = #tpu.core_type<sc_vector_subcore>, window_params = [{transform_indices = #map}, {transform_indices = #map}, {transform_indices = #map}, {transform_indices = #map1}]} {
    %broadcast_in_dim3A = arith.constant 0.000000e+00 : f32
    %broadcast_in_dim3A_0 = vector.broadcast %broadcast_in_dim3A : f32 to vector<16xf32>
    %scan3A = arith.constant 0 : i32
    %scan3A_1 = arith.constant 128 : i32
    %scan3A_2 = arith.addi %scan3A, %scan3A_1 : i32
    %scan3A_3 = arith.constant 1 : i32
    scf.for %scan3A_21 = %scan3A to %scan3A_2 step %scan3A_3  : i32 {
      %mul3A_22 = arith.constant 1 : i32
      %mul3A_23 = arith.muli %scan3A_21, %mul3A_22 : i32
      %add3A = arith.constant 0 : i32
      %add3A_24 = arith.addi %add3A, %mul3A_23 : i32
      %scan3A_25 = arith.constant 0 : i32
      %scan3A_26 = arith.constant 8 : i32
      %scan3A_27 = arith.addi %scan3A_25, %scan3A_26 : i32
      %scan3A_28 = arith.constant 1 : i32
      scf.for %scan3A_30 = %scan3A_25 to %scan3A_27 step %scan3A_28  : i32 {
        %mul3A_31 = arith.constant 1 : i32
        %mul3A_32 = arith.muli %scan3A_30, %mul3A_31 : i32
        %add3A_33 = arith.constant 0 : i32
        %add3A_34 = arith.addi %add3A_33, %mul3A_32 : i32
        %mul3A_35 = arith.constant 16 : i32
        %mul3A_36 = arith.muli %add3A_34, %mul3A_35 : i32
        %swap3A = arith.index_cast %add3A_24 : i32 to index
        %swap3A_37 = arith.index_cast %mul3A_36 : i32 to index
        %swap3A_38 = tpu.vector_load %arg12[%swap3A, %swap3A_37] {strides = array<i32>} : memref<128x128xf32, #tpu.memory_space<vmem>>, vector<16xf32>,
        tpu.vector_store %arg12[%swap3A, %swap3A_37], %broadcast_in_dim3A_0 {strides = array<i32>} : memref<128x128xf32, #tpu.memory_space<vmem>>, vector<16xf32>,
      }
      %scan3A_29 = arith.constant 8 : i32
    }
    %scan3A_4 = arith.constant 128 : i32
    %scan3A_5 = arith.constant 0 : i32
    %scan3A_6 = arith.constant 5 : i32
    %scan3A_7 = arith.addi %scan3A_5, %scan3A_6 : i32
    %scan3A_8 = arith.constant 1 : i32
    scf.for %scan3A_21 = %scan3A_5 to %scan3A_7 step %scan3A_8  : i32 {
      %mul3A_22 = arith.constant 1 : i32
      %mul3A_23 = arith.muli %scan3A_21, %mul3A_22 : i32
      %add3A = arith.constant 0 : i32
      %add3A_24 = arith.addi %add3A, %mul3A_23 : i32
      %mul3A_25 = arith.constant 640 : i32
      %mul3A_26 = arith.muli %arg1, %mul3A_25 : i32
      %mul3A_27 = arith.constant 128 : i32
      %mul3A_28 = arith.muli %add3A_24, %mul3A_27 : i32
      %add3A_29 = arith.addi %mul3A_26, %mul3A_28 : i32
      "tpu.region"() ({
        %run_scoped3A = tpu.sem_alloc : memref<!tpu.dma_semaphore, #tpu.memory_space<semaphore_mem>>
        %dma_start3A = arith.constant 0 : i32
        %dma_start3A_30 = tpu.memref_slice %arg14[%add3A_29, %dma_start3A] : memref<10240x128xf32, #tpu.memory_space<vmem_shared>> -> memref<128x128xf32, #tpu.memory_space<vmem_shared>>
        %dma_start3A_31 = arith.constant 0 : i32
        %dma_start3A_32 = tpu.memref_slice %arg14[%add3A_29, %dma_start3A_31] : memref<10240x128xf32, #tpu.memory_space<vmem_shared>> -> memref<128x128xf32, #tpu.memory_space<vmem_shared>>
        tpu.enqueue_dma source(%arg12 : memref<128x128xf32, #tpu.memory_space<vmem>>) target(%dma_start3A_32 : memref<128x128xf32, #tpu.memory_space<vmem_shared>>) target_semaphore(%run_scoped3A : memref<!tpu.dma_semaphore, #tpu.memory_space<semaphore_mem>>)
        %dma_wait3A = arith.constant 0 : i32
        %dma_wait3A_33 = tpu.memref_slice %arg14[%add3A_29, %dma_wait3A] : memref<10240x128xf32, #tpu.memory_space<vmem_shared>> -> memref<128x128xf32, #tpu.memory_space<vmem_shared>>
        %dma_wait3A_34 = arith.constant 0 : i32
        %dma_wait3A_35 = tpu.memref_slice %arg14[%add3A_29, %dma_wait3A_34] : memref<10240x128xf32, #tpu.memory_space<vmem_shared>> -> memref<128x128xf32, #tpu.memory_space<vmem_shared>>
        tpu.wait_dma2 semaphore(%run_scoped3A : memref<!tpu.dma_semaphore, #tpu.memory_space<semaphore_mem>>) src(%arg12 : memref<128x128xf32, #tpu.memory_space<vmem>>) dst(%dma_wait3A_35 : memref<128x128xf32, #tpu.memory_space<vmem_shared>>)
        tpu.yield
      }) : () -> ()
    }
    %scan3A_9 = arith.constant 5 : i32
    %barrier3A = arith.constant 0 : index
    tpu.barrier barrier_id(%barrier3A)
    %eq3A = arith.constant 0 : i32
    %eq3A_10 = arith.cmpi eq, %arg0, %eq3A : i32
    %convert_element_type3A = arith.extui %eq3A_10 : i1 to i32
    %cond3A = arith.constant 0 : i32
    %cond3A_11 = arith.cmpi ne, %convert_element_type3A, %cond3A : i32
    scf.if %cond3A_11 {
      %mul3A_21 = arith.constant 144 : i32
      %mul3A_22 = arith.muli %arg1, %mul3A_21 : i32
      %add3A = arith.constant 0 : i32
      %add3A_23 = arith.addi %mul3A_22, %add3A : i32
      %dma_start3A = arith.constant 0 : i32
      %dma_start3A_24 = tpu.memref_slice %arg3[%add3A_23, %dma_start3A] : memref<2528x128xi32, #tpu.memory_space<hbm>> -> memref<8x128xi32, #tpu.memory_space<hbm>>
      %dma_start3A_25 = arith.constant 0 : i32
      %dma_start3A_26 = tpu.memref_slice %arg3[%add3A_23, %dma_start3A_25] : memref<2528x128xi32, #tpu.memory_space<hbm>> -> memref<8x128xi32, #tpu.memory_space<hbm>>
      tpu.enqueue_dma source(%dma_start3A_26 : memref<8x128xi32, #tpu.memory_space<hbm>>) target(%arg6 : memref<8x128xi32, #tpu.memory_space<vmem>>) target_semaphore(%arg17 : memref<!tpu.dma_semaphore, #tpu.memory_space<semaphore_mem>>)
      %add3A_27 = arith.constant 0 : i32
      %add3A_28 = arith.addi %mul3A_22, %add3A_27 : i32
      %dma_start3A_29 = arith.constant 0 : i32
      %dma_start3A_30 = tpu.memref_slice %arg4[%add3A_28, %dma_start3A_29] : memref<2528x128xi32, #tpu.memory_space<hbm>> -> memref<8x128xi32, #tpu.memory_space<hbm>>
      %dma_start3A_31 = arith.constant 0 : i32
      %dma_start3A_32 = tpu.memref_slice %arg4[%add3A_28, %dma_start3A_31] : memref<2528x128xi32, #tpu.memory_space<hbm>> -> memref<8x128xi32, #tpu.memory_space<hbm>>
      tpu.enqueue_dma source(%dma_start3A_32 : memref<8x128xi32, #tpu.memory_space<hbm>>) target(%arg7 : memref<8x128xi32, #tpu.memory_space<vmem>>) target_semaphore(%arg17 : memref<!tpu.dma_semaphore, #tpu.memory_space<semaphore_mem>>)
      %add3A_33 = arith.constant 0 : i32
      %add3A_34 = arith.addi %mul3A_22, %add3A_33 : i32
      %dma_wait3A = arith.constant 0 : i32
      %dma_wait3A_35 = tpu.memref_slice %arg3[%add3A_34, %dma_wait3A] : memref<2528x128xi32, #tpu.memory_space<hbm>> -> memref<8x128xi32, #tpu.memory_space<hbm>>
      %dma_wait3A_36 = arith.constant 0 : i32
      %dma_wait3A_37 = tpu.memref_slice %arg3[%add3A_34, %dma_wait3A_36] : memref<2528x128xi32, #tpu.memory_space<hbm>> -> memref<8x128xi32, #tpu.memory_space<hbm>>
      tpu.wait_dma2 semaphore(%arg17 : memref<!tpu.dma_semaphore, #tpu.memory_space<semaphore_mem>>) src(%dma_wait3A_37 : memref<8x128xi32, #tpu.memory_space<hbm>>) dst(%arg6 : memref<8x128xi32, #tpu.memory_space<vmem>>)
      %add3A_38 = arith.constant 0 : i32
      %add3A_39 = arith.addi %mul3A_22, %add3A_38 : i32
      %dma_wait3A_40 = arith.constant 0 : i32
      %dma_wait3A_41 = tpu.memref_slice %arg4[%add3A_39, %dma_wait3A_40] : memref<2528x128xi32, #tpu.memory_space<hbm>> -> memref<8x128xi32, #tpu.memory_space<hbm>>
      %dma_wait3A_42 = arith.constant 0 : i32
      %dma_wait3A_43 = tpu.memref_slice %arg4[%add3A_39, %dma_wait3A_42] : memref<2528x128xi32, #tpu.memory_space<hbm>> -> memref<8x128xi32, #tpu.memory_space<hbm>>
      tpu.wait_dma2 semaphore(%arg17 : memref<!tpu.dma_semaphore, #tpu.memory_space<semaphore_mem>>) src(%dma_wait3A_43 : memref<8x128xi32, #tpu.memory_space<hbm>>) dst(%arg7 : memref<8x128xi32, #tpu.memory_space<vmem>>)
      %dma_start3A_44 = arith.constant 0 : i32
      %dma_start3A_45 = arith.constant 0 : i32
      %dma_start3A_46 = tpu.memref_slice %arg6[%dma_start3A_44, %dma_start3A_45] : memref<8x128xi32, #tpu.memory_space<vmem>> -> memref<1x128xi32, #tpu.memory_space<vmem>>
      %dma_start3A_47 = tpu.memref_squeeze %dma_start3A_46 : memref<1x128xi32, #tpu.memory_space<vmem>> -> memref<128xi32, #tpu.memory_space<vmem>>
      %dma_start3A_48 = arith.constant 0 : i32
      %dma_start3A_49 = arith.constant 0 : i32
      %dma_start3A_50 = tpu.memref_slice %arg2[%dma_start3A_48, %dma_start3A_49] : memref<10000x128xf32, #tpu.memory_space<hbm>> -> memref<10000x128xf32, #tpu.memory_space<hbm>>
      tpu.enqueue_indirect_dma source(%dma_start3A_50 : memref<10000x128xf32, #tpu.memory_space<hbm>>) target(%arg12 : memref<128x128xf32, #tpu.memory_space<vmem>>) offsets(%dma_start3A_47 : memref<128xi32, #tpu.memory_space<vmem>>) semaphore(%arg15 : memref<!tpu.dma_semaphore, #tpu.memory_space<semaphore_mem>>)
      %scan3A_51 = arith.constant 0 : i32
      %scan3A_52 = arith.constant 9 : i32
      %scan3A_53 = arith.addi %scan3A_51, %scan3A_52 : i32
      %scan3A_54 = arith.constant 1 : i32
      scf.for %scan3A_56 = %scan3A_51 to %scan3A_53 step %scan3A_54  : i32 {
        %mul3A_57 = arith.constant 1 : i32
        %mul3A_58 = arith.muli %scan3A_56, %mul3A_57 : i32
        %add3A_59 = arith.constant 0 : i32
        %add3A_60 = arith.addi %add3A_59, %mul3A_58 : i32
        %mul3A_61 = arith.constant 2 : i32
        %mul3A_62 = arith.muli %mul3A_61, %add3A_60 : i32
        %add3A_63 = arith.constant 1 : i32
        %add3A_64 = arith.addi %mul3A_62, %add3A_63 : i32
        %lt3A = arith.constant 18 : i32
        %lt3A_65 = arith.cmpi slt, %add3A_64, %lt3A : i32
        %convert_element_type3A_66 = arith.extui %lt3A_65 : i1 to i32
        %cond3A_67 = arith.constant 0 : i32
        %cond3A_68 = arith.cmpi ne, %convert_element_type3A_66, %cond3A_67 : i32
        scf.if %cond3A_68 {
          %add3A_528 = arith.constant 1 : i32
          %add3A_529 = arith.addi %mul3A_62, %add3A_528 : i32
          %mul3A_530 = arith.constant 8 : i32
          %mul3A_531 = arith.muli %add3A_529, %mul3A_530 : i32
          %add3A_532 = arith.addi %mul3A_22, %mul3A_531 : i32
          %dma_start3A_533 = arith.constant 0 : i32
          %dma_start3A_534 = tpu.memref_slice %arg3[%add3A_532, %dma_start3A_533] : memref<2528x128xi32, #tpu.memory_space<hbm>> -> memref<8x128xi32, #tpu.memory_space<hbm>>
          %dma_start3A_535 = arith.constant 0 : i32
          %dma_start3A_536 = tpu.memref_slice %arg3[%add3A_532, %dma_start3A_535] : memref<2528x128xi32, #tpu.memory_space<hbm>> -> memref<8x128xi32, #tpu.memory_space<hbm>>
          tpu.enqueue_dma source(%dma_start3A_536 : memref<8x128xi32, #tpu.memory_space<hbm>>) target(%arg8 : memref<8x128xi32, #tpu.memory_space<vmem>>) target_semaphore(%arg17 : memref<!tpu.dma_semaphore, #tpu.memory_space<semaphore_mem>>)
          %mul3A_537 = arith.constant 8 : i32
          %mul3A_538 = arith.muli %add3A_529, %mul3A_537 : i32
          %add3A_539 = arith.addi %mul3A_22, %mul3A_538 : i32
          %dma_start3A_540 = arith.constant 0 : i32
          %dma_start3A_541 = tpu.memref_slice %arg4[%add3A_539, %dma_start3A_540] : memref<2528x128xi32, #tpu.memory_space<hbm>> -> memref<8x128xi32, #tpu.memory_space<hbm>>
          %dma_start3A_542 = arith.constant 0 : i32
          %dma_start3A_543 = tpu.memref_slice %arg4[%add3A_539, %dma_start3A_542] : memref<2528x128xi32, #tpu.memory_space<hbm>> -> memref<8x128xi32, #tpu.memory_space<hbm>>
          tpu.enqueue_dma source(%dma_start3A_543 : memref<8x128xi32, #tpu.memory_space<hbm>>) target(%arg9 : memref<8x128xi32, #tpu.memory_space<vmem>>) target_semaphore(%arg17 : memref<!tpu.dma_semaphore, #tpu.memory_space<semaphore_mem>>)
        } else {
        }
        %dma_start3A_69 = arith.constant 1 : i32
        %dma_start3A_70 = arith.constant 0 : i32
        %dma_start3A_71 = tpu.memref_slice %arg6[%dma_start3A_69, %dma_start3A_70] : memref<8x128xi32, #tpu.memory_space<vmem>> -> memref<1x128xi32, #tpu.memory_space<vmem>>
        %dma_start3A_72 = tpu.memref_squeeze %dma_start3A_71 : memref<1x128xi32, #tpu.memory_space<vmem>> -> memref<128xi32, #tpu.memory_space<vmem>>
        %dma_start3A_73 = arith.constant 0 : i32
        %dma_start3A_74 = arith.constant 0 : i32
        %dma_start3A_75 = tpu.memref_slice %arg2[%dma_start3A_73, %dma_start3A_74] : memref<10000x128xf32, #tpu.memory_space<hbm>> -> memref<10000x128xf32, #tpu.memory_space<hbm>>
        tpu.enqueue_indirect_dma source(%dma_start3A_75 : memref<10000x128xf32, #tpu.memory_space<hbm>>) target(%arg13 : memref<128x128xf32, #tpu.memory_space<vmem>>) offsets(%dma_start3A_72 : memref<128xi32, #tpu.memory_space<vmem>>) semaphore(%arg15 : memref<!tpu.dma_semaphore, #tpu.memory_space<semaphore_mem>>)
        %dma_wait3A_76 = arith.constant 0 : i32
        %dma_wait3A_77 = arith.constant 0 : i32
        %dma_wait3A_78 = tpu.memref_slice %arg6[%dma_wait3A_76, %dma_wait3A_77] : memref<8x128xi32, #tpu.memory_space<vmem>> -> memref<1x128xi32, #tpu.memory_space<vmem>>
        %dma_wait3A_79 = tpu.memref_squeeze %dma_wait3A_78 : memref<1x128xi32, #tpu.memory_space<vmem>> -> memref<128xi32, #tpu.memory_space<vmem>>
        %dma_wait3A_80 = arith.constant 0 : i32
        %dma_wait3A_81 = arith.constant 0 : i32
        %dma_wait3A_82 = tpu.memref_slice %arg2[%dma_wait3A_80, %dma_wait3A_81] : memref<10000x128xf32, #tpu.memory_space<hbm>> -> memref<10000x128xf32, #tpu.memory_space<hbm>>
        tpu.wait_indirect_dma semaphore(%arg15 : memref<!tpu.dma_semaphore, #tpu.memory_space<semaphore_mem>>) src(%dma_wait3A_82 : memref<10000x128xf32, #tpu.memory_space<hbm>>) dst(%arg12 : memref<128x128xf32, #tpu.memory_space<vmem>>)
        %dma_start3A_83 = arith.constant 0 : i32
        %dma_start3A_84 = arith.constant 0 : i32
        %dma_start3A_85 = tpu.memref_slice %arg7[%dma_start3A_83, %dma_start3A_84] : memref<8x128xi32, #tpu.memory_space<vmem>> -> memref<1x128xi32, #tpu.memory_space<vmem>>
        %dma_start3A_86 = tpu.memref_squeeze %dma_start3A_85 : memref<1x128xi32, #tpu.memory_space<vmem>> -> memref<128xi32, #tpu.memory_space<vmem>>
        %dma_start3A_87 = arith.constant 0 : i32
        %dma_start3A_88 = arith.constant 0 : i32
        %dma_start3A_89 = tpu.memref_slice %arg14[%dma_start3A_87, %dma_start3A_88] : memref<10240x128xf32, #tpu.memory_space<vmem_shared>> -> memref<10240x128xf32, #tpu.memory_space<vmem_shared>>
        tpu.enqueue_indirect_dma source(%arg12 : memref<128x128xf32, #tpu.memory_space<vmem>>) target(%dma_start3A_89 : memref<10240x128xf32, #tpu.memory_space<vmem_shared>>) offsets(%dma_start3A_86 : memref<128xi32, #tpu.memory_space<vmem>>) semaphore(%arg16 : memref<!tpu.dma_semaphore, #tpu.memory_space<semaphore_mem>>) {add = true}
        %dma_wait3A_90 = arith.constant 1 : i32
        %dma_wait3A_91 = arith.constant 0 : i32
        %dma_wait3A_92 = tpu.memref_slice %arg6[%dma_wait3A_90, %dma_wait3A_91] : memref<8x128xi32, #tpu.memory_space<vmem>> -> memref<1x128xi32, #tpu.memory_space<vmem>>
        %dma_wait3A_93 = tpu.memref_squeeze %dma_wait3A_92 : memref<1x128xi32, #tpu.memory_space<vmem>> -> memref<128xi32, #tpu.memory_space<vmem>>
        %dma_wait3A_94 = arith.constant 0 : i32
        %dma_wait3A_95 = arith.constant 0 : i32
        %dma_wait3A_96 = tpu.memref_slice %arg2[%dma_wait3A_94, %dma_wait3A_95] : memref<10000x128xf32, #tpu.memory_space<hbm>> -> memref<10000x128xf32, #tpu.memory_space<hbm>>
        tpu.wait_indirect_dma semaphore(%arg15 : memref<!tpu.dma_semaphore, #tpu.memory_space<semaphore_mem>>) src(%dma_wait3A_96 : memref<10000x128xf32, #tpu.memory_space<hbm>>) dst(%arg13 : memref<128x128xf32, #tpu.memory_space<vmem>>)
        %dma_wait3A_97 = arith.constant 0 : i32
        %dma_wait3A_98 = arith.constant 0 : i32
        %dma_wait3A_99 = tpu.memref_slice %arg7[%dma_wait3A_97, %dma_wait3A_98] : memref<8x128xi32, #tpu.memory_space<vmem>> -> memref<1x128xi32, #tpu.memory_space<vmem>>
        %dma_wait3A_100 = tpu.memref_squeeze %dma_wait3A_99 : memref<1x128xi32, #tpu.memory_space<vmem>> -> memref<128xi32, #tpu.memory_space<vmem>>
        %dma_wait3A_101 = arith.constant 0 : i32
        %dma_wait3A_102 = arith.constant 0 : i32
        %dma_wait3A_103 = tpu.memref_slice %arg14[%dma_wait3A_101, %dma_wait3A_102] : memref<10240x128xf32, #tpu.memory_space<vmem_shared>> -> memref<10240x128xf32, #tpu.memory_space<vmem_shared>>
        tpu.wait_indirect_dma semaphore(%arg16 : memref<!tpu.dma_semaphore, #tpu.memory_space<semaphore_mem>>) src(%arg12 : memref<128x128xf32, #tpu.memory_space<vmem>>) dst(%dma_wait3A_103 : memref<10240x128xf32, #tpu.memory_space<vmem_shared>>)
        %dma_start3A_104 = arith.constant 2 : i32
        %dma_start3A_105 = arith.constant 0 : i32
        %dma_start3A_106 = tpu.memref_slice %arg6[%dma_start3A_104, %dma_start3A_105] : memref<8x128xi32, #tpu.memory_space<vmem>> -> memref<1x128xi32, #tpu.memory_space<vmem>>
        %dma_start3A_107 = tpu.memref_squeeze %dma_start3A_106 : memref<1x128xi32, #tpu.memory_space<vmem>> -> memref<128xi32, #tpu.memory_space<vmem>>
        %dma_start3A_108 = arith.constant 0 : i32
        %dma_start3A_109 = arith.constant 0 : i32
        %dma_start3A_110 = tpu.memref_slice %arg2[%dma_start3A_108, %dma_start3A_109] : memref<10000x128xf32, #tpu.memory_space<hbm>> -> memref<10000x128xf32, #tpu.memory_space<hbm>>
        tpu.enqueue_indirect_dma source(%dma_start3A_110 : memref<10000x128xf32, #tpu.memory_space<hbm>>) target(%arg12 : memref<128x128xf32, #tpu.memory_space<vmem>>) offsets(%dma_start3A_107 : memref<128xi32, #tpu.memory_space<vmem>>) semaphore(%arg15 : memref<!tpu.dma_semaphore, #tpu.memory_space<semaphore_mem>>)
        %dma_start3A_111 = arith.constant 1 : i32
        %dma_start3A_112 = arith.constant 0 : i32
        %dma_start3A_113 = tpu.memref_slice %arg7[%dma_start3A_111, %dma_start3A_112] : memref<8x128xi32, #tpu.memory_space<vmem>> -> memref<1x128xi32, #tpu.memory_space<vmem>>
        %dma_start3A_114 = tpu.memref_squeeze %dma_start3A_113 : memref<1x128xi32, #tpu.memory_space<vmem>> -> memref<128xi32, #tpu.memory_space<vmem>>
        %dma_start3A_115 = arith.constant 0 : i32
        %dma_start3A_116 = arith.constant 0 : i32
        %dma_start3A_117 = tpu.memref_slice %arg14[%dma_start3A_115, %dma_start3A_116] : memref<10240x128xf32, #tpu.memory_space<vmem_shared>> -> memref<10240x128xf32, #tpu.memory_space<vmem_shared>>
        tpu.enqueue_indirect_dma source(%arg13 : memref<128x128xf32, #tpu.memory_space<vmem>>) target(%dma_start3A_117 : memref<10240x128xf32, #tpu.memory_space<vmem_shared>>) offsets(%dma_start3A_114 : memref<128xi32, #tpu.memory_space<vmem>>) semaphore(%arg16 : memref<!tpu.dma_semaphore, #tpu.memory_space<semaphore_mem>>) {add = true}
        %dma_wait3A_118 = arith.constant 1 : i32
        %dma_wait3A_119 = arith.constant 0 : i32
        %dma_wait3A_120 = tpu.memref_slice %arg7[%dma_wait3A_118, %dma_wait3A_119] : memref<8x128xi32, #tpu.memory_space<vmem>> -> memref<1x128xi32, #tpu.memory_space<vmem>>
        %dma_wait3A_121 = tpu.memref_squeeze %dma_wait3A_120 : memref<1x128xi32, #tpu.memory_space<vmem>> -> memref<128xi32, #tpu.memory_space<vmem>>
        %dma_wait3A_122 = arith.constant 0 : i32
        %dma_wait3A_123 = arith.constant 0 : i32
        %dma_wait3A_124 = tpu.memref_slice %arg14[%dma_wait3A_122, %dma_wait3A_123] : memref<10240x128xf32, #tpu.memory_space<vmem_shared>> -> memref<10240x128xf32, #tpu.memory_space<vmem_shared>>
        tpu.wait_indirect_dma semaphore(%arg16 : memref<!tpu.dma_semaphore, #tpu.memory_space<semaphore_mem>>) src(%arg13 : memref<128x128xf32, #tpu.memory_space<vmem>>) dst(%dma_wait3A_124 : memref<10240x128xf32, #tpu.memory_space<vmem_shared>>)
        %dma_start3A_125 = arith.constant 3 : i32
        %dma_start3A_126 = arith.constant 0 : i32
        %dma_start3A_127 = tpu.memref_slice %arg6[%dma_start3A_125, %dma_start3A_126] : memref<8x128xi32, #tpu.memory_space<vmem>> -> memref<1x128xi32, #tpu.memory_space<vmem>>
        %dma_start3A_128 = tpu.memref_squeeze %dma_start3A_127 : memref<1x128xi32, #tpu.memory_space<vmem>> -> memref<128xi32, #tpu.memory_space<vmem>>
        %dma_start3A_129 = arith.constant 0 : i32
        %dma_start3A_130 = arith.constant 0 : i32
        %dma_start3A_131 = tpu.memref_slice %arg2[%dma_start3A_129, %dma_start3A_130] : memref<10000x128xf32, #tpu.memory_space<hbm>> -> memref<10000x128xf32, #tpu.memory_space<hbm>>
        tpu.enqueue_indirect_dma source(%dma_start3A_131 : memref<10000x128xf32, #tpu.memory_space<hbm>>) target(%arg13 : memref<128x128xf32, #tpu.memory_space<vmem>>) offsets(%dma_start3A_128 : memref<128xi32, #tpu.memory_space<vmem>>) semaphore(%arg15 : memref<!tpu.dma_semaphore, #tpu.memory_space<semaphore_mem>>)
        %dma_wait3A_132 = arith.constant 2 : i32
        %dma_wait3A_133 = arith.constant 0 : i32
        %dma_wait3A_134 = tpu.memref_slice %arg6[%dma_wait3A_132, %dma_wait3A_133] : memref<8x128xi32, #tpu.memory_space<vmem>> -> memref<1x128xi32, #tpu.memory_space<vmem>>
        %dma_wait3A_135 = tpu.memref_squeeze %dma_wait3A_134 : memref<1x128xi32, #tpu.memory_space<vmem>> -> memref<128xi32, #tpu.memory_space<vmem>>
        %dma_wait3A_136 = arith.constant 0 : i32
        %dma_wait3A_137 = arith.constant 0 : i32
        %dma_wait3A_138 = tpu.memref_slice %arg2[%dma_wait3A_136, %dma_wait3A_137] : memref<10000x128xf32, #tpu.memory_space<hbm>> -> memref<10000x128xf32, #tpu.memory_space<hbm>>
        tpu.wait_indirect_dma semaphore(%arg15 : memref<!tpu.dma_semaphore, #tpu.memory_space<semaphore_mem>>) src(%dma_wait3A_138 : memref<10000x128xf32, #tpu.memory_space<hbm>>) dst(%arg12 : memref<128x128xf32, #tpu.memory_space<vmem>>)
        %dma_start3A_139 = arith.constant 2 : i32
        %dma_start3A_140 = arith.constant 0 : i32
        %dma_start3A_141 = tpu.memref_slice %arg7[%dma_start3A_139, %dma_start3A_140] : memref<8x128xi32, #tpu.memory_space<vmem>> -> memref<1x128xi32, #tpu.memory_space<vmem>>
        %dma_start3A_142 = tpu.memref_squeeze %dma_start3A_141 : memref<1x128xi32, #tpu.memory_space<vmem>> -> memref<128xi32, #tpu.memory_space<vmem>>
        %dma_start3A_143 = arith.constant 0 : i32
        %dma_start3A_144 = arith.constant 0 : i32
        %dma_start3A_145 = tpu.memref_slice %arg14[%dma_start3A_143, %dma_start3A_144] : memref<10240x128xf32, #tpu.memory_space<vmem_shared>> -> memref<10240x128xf32, #tpu.memory_space<vmem_shared>>
        tpu.enqueue_indirect_dma source(%arg12 : memref<128x128xf32, #tpu.memory_space<vmem>>) target(%dma_start3A_145 : memref<10240x128xf32, #tpu.memory_space<vmem_shared>>) offsets(%dma_start3A_142 : memref<128xi32, #tpu.memory_space<vmem>>) semaphore(%arg16 : memref<!tpu.dma_semaphore, #tpu.memory_space<semaphore_mem>>) {add = true}
        %dma_wait3A_146 = arith.constant 3 : i32
        %dma_wait3A_147 = arith.constant 0 : i32
        %dma_wait3A_148 = tpu.memref_slice %arg6[%dma_wait3A_146, %dma_wait3A_147] : memref<8x128xi32, #tpu.memory_space<vmem>> -> memref<1x128xi32, #tpu.memory_space<vmem>>
        %dma_wait3A_149 = tpu.memref_squeeze %dma_wait3A_148 : memref<1x128xi32, #tpu.memory_space<vmem>> -> memref<128xi32, #tpu.memory_space<vmem>>
        %dma_wait3A_150 = arith.constant 0 : i32
        %dma_wait3A_151 = arith.constant 0 : i32
        %dma_wait3A_152 = tpu.memref_slice %arg2[%dma_wait3A_150, %dma_wait3A_151] : memref<10000x128xf32, #tpu.memory_space<hbm>> -> memref<10000x128xf32, #tpu.memory_space<hbm>>
        tpu.wait_indirect_dma semaphore(%arg15 : memref<!tpu.dma_semaphore, #tpu.memory_space<semaphore_mem>>) src(%dma_wait3A_152 : memref<10000x128xf32, #tpu.memory_space<hbm>>) dst(%arg13 : memref<128x128xf32, #tpu.memory_space<vmem>>)
        %dma_wait3A_153 = arith.constant 2 : i32
        %dma_wait3A_154 = arith.constant 0 : i32
        %dma_wait3A_155 = tpu.memref_slice %arg7[%dma_wait3A_153, %dma_wait3A_154] : memref<8x128xi32, #tpu.memory_space<vmem>> -> memref<1x128xi32, #tpu.memory_space<vmem>>
        %dma_wait3A_156 = tpu.memref_squeeze %dma_wait3A_155 : memref<1x128xi32, #tpu.memory_space<vmem>> -> memref<128xi32, #tpu.memory_space<vmem>>
        %dma_wait3A_157 = arith.constant 0 : i32
        %dma_wait3A_158 = arith.constant 0 : i32
        %dma_wait3A_159 = tpu.memref_slice %arg14[%dma_wait3A_157, %dma_wait3A_158] : memref<10240x128xf32, #tpu.memory_space<vmem_shared>> -> memref<10240x128xf32, #tpu.memory_space<vmem_shared>>
        tpu.wait_indirect_dma semaphore(%arg16 : memref<!tpu.dma_semaphore, #tpu.memory_space<semaphore_mem>>) src(%arg12 : memref<128x128xf32, #tpu.memory_space<vmem>>) dst(%dma_wait3A_159 : memref<10240x128xf32, #tpu.memory_space<vmem_shared>>)
        %dma_start3A_160 = arith.constant 4 : i32
        %dma_start3A_161 = arith.constant 0 : i32
        %dma_start3A_162 = tpu.memref_slice %arg6[%dma_start3A_160, %dma_start3A_161] : memref<8x128xi32, #tpu.memory_space<vmem>> -> memref<1x128xi32, #tpu.memory_space<vmem>>
        %dma_start3A_163 = tpu.memref_squeeze %dma_start3A_162 : memref<1x128xi32, #tpu.memory_space<vmem>> -> memref<128xi32, #tpu.memory_space<vmem>>
        %dma_start3A_164 = arith.constant 0 : i32
        %dma_start3A_165 = arith.constant 0 : i32
        %dma_start3A_166 = tpu.memref_slice %arg2[%dma_start3A_164, %dma_start3A_165] : memref<10000x128xf32, #tpu.memory_space<hbm>> -> memref<10000x128xf32, #tpu.memory_space<hbm>>
        tpu.enqueue_indirect_dma source(%dma_start3A_166 : memref<10000x128xf32, #tpu.memory_space<hbm>>) target(%arg12 : memref<128x128xf32, #tpu.memory_space<vmem>>) offsets(%dma_start3A_163 : memref<128xi32, #tpu.memory_space<vmem>>) semaphore(%arg15 : memref<!tpu.dma_semaphore, #tpu.memory_space<semaphore_mem>>)
        %dma_start3A_167 = arith.constant 3 : i32
        %dma_start3A_168 = arith.constant 0 : i32
        %dma_start3A_169 = tpu.memref_slice %arg7[%dma_start3A_167, %dma_start3A_168] : memref<8x128xi32, #tpu.memory_space<vmem>> -> memref<1x128xi32, #tpu.memory_space<vmem>>
        %dma_start3A_170 = tpu.memref_squeeze %dma_start3A_169 : memref<1x128xi32, #tpu.memory_space<vmem>> -> memref<128xi32, #tpu.memory_space<vmem>>
        %dma_start3A_171 = arith.constant 0 : i32
        %dma_start3A_172 = arith.constant 0 : i32
        %dma_start3A_173 = tpu.memref_slice %arg14[%dma_start3A_171, %dma_start3A_172] : memref<10240x128xf32, #tpu.memory_space<vmem_shared>> -> memref<10240x128xf32, #tpu.memory_space<vmem_shared>>
        tpu.enqueue_indirect_dma source(%arg13 : memref<128x128xf32, #tpu.memory_space<vmem>>) target(%dma_start3A_173 : memref<10240x128xf32, #tpu.memory_space<vmem_shared>>) offsets(%dma_start3A_170 : memref<128xi32, #tpu.memory_space<vmem>>) semaphore(%arg16 : memref<!tpu.dma_semaphore, #tpu.memory_space<semaphore_mem>>) {add = true}
        %dma_wait3A_174 = arith.constant 3 : i32
        %dma_wait3A_175 = arith.constant 0 : i32
        %dma_wait3A_176 = tpu.memref_slice %arg7[%dma_wait3A_174, %dma_wait3A_175] : memref<8x128xi32, #tpu.memory_space<vmem>> -> memref<1x128xi32, #tpu.memory_space<vmem>>
        %dma_wait3A_177 = tpu.memref_squeeze %dma_wait3A_176 : memref<1x128xi32, #tpu.memory_space<vmem>> -> memref<128xi32, #tpu.memory_space<vmem>>
        %dma_wait3A_178 = arith.constant 0 : i32
        %dma_wait3A_179 = arith.constant 0 : i32
        %dma_wait3A_180 = tpu.memref_slice %arg14[%dma_wait3A_178, %dma_wait3A_179] : memref<10240x128xf32, #tpu.memory_space<vmem_shared>> -> memref<10240x128xf32, #tpu.memory_space<vmem_shared>>
        tpu.wait_indirect_dma semaphore(%arg16 : memref<!tpu.dma_semaphore, #tpu.memory_space<semaphore_mem>>) src(%arg13 : memref<128x128xf32, #tpu.memory_space<vmem>>) dst(%dma_wait3A_180 : memref<10240x128xf32, #tpu.memory_space<vmem_shared>>)
        %dma_start3A_181 = arith.constant 5 : i32
        %dma_start3A_182 = arith.constant 0 : i32
        %dma_start3A_183 = tpu.memref_slice %arg6[%dma_start3A_181, %dma_start3A_182] : memref<8x128xi32, #tpu.memory_space<vmem>> -> memref<1x128xi32, #tpu.memory_space<vmem>>
        %dma_start3A_184 = tpu.memref_squeeze %dma_start3A_183 : memref<1x128xi32, #tpu.memory_space<vmem>> -> memref<128xi32, #tpu.memory_space<vmem>>
        %dma_start3A_185 = arith.constant 0 : i32
        %dma_start3A_186 = arith.constant 0 : i32
        %dma_start3A_187 = tpu.memref_slice %arg2[%dma_start3A_185, %dma_start3A_186] : memref<10000x128xf32, #tpu.memory_space<hbm>> -> memref<10000x128xf32, #tpu.memory_space<hbm>>
        tpu.enqueue_indirect_dma source(%dma_start3A_187 : memref<10000x128xf32, #tpu.memory_space<hbm>>) target(%arg13 : memref<128x128xf32, #tpu.memory_space<vmem>>) offsets(%dma_start3A_184 : memref<128xi32, #tpu.memory_space<vmem>>) semaphore(%arg15 : memref<!tpu.dma_semaphore, #tpu.memory_space<semaphore_mem>>)
        %dma_wait3A_188 = arith.constant 4 : i32
        %dma_wait3A_189 = arith.constant 0 : i32
        %dma_wait3A_190 = tpu.memref_slice %arg6[%dma_wait3A_188, %dma_wait3A_189] : memref<8x128xi32, #tpu.memory_space<vmem>> -> memref<1x128xi32, #tpu.memory_space<vmem>>
        %dma_wait3A_191 = tpu.memref_squeeze %dma_wait3A_190 : memref<1x128xi32, #tpu.memory_space<vmem>> -> memref<128xi32, #tpu.memory_space<vmem>>
        %dma_wait3A_192 = arith.constant 0 : i32
        %dma_wait3A_193 = arith.constant 0 : i32
        %dma_wait3A_194 = tpu.memref_slice %arg2[%dma_wait3A_192, %dma_wait3A_193] : memref<10000x128xf32, #tpu.memory_space<hbm>> -> memref<10000x128xf32, #tpu.memory_space<hbm>>
        tpu.wait_indirect_dma semaphore(%arg15 : memref<!tpu.dma_semaphore, #tpu.memory_space<semaphore_mem>>) src(%dma_wait3A_194 : memref<10000x128xf32, #tpu.memory_space<hbm>>) dst(%arg12 : memref<128x128xf32, #tpu.memory_space<vmem>>)
        %dma_start3A_195 = arith.constant 4 : i32
        %dma_start3A_196 = arith.constant 0 : i32
        %dma_start3A_197 = tpu.memref_slice %arg7[%dma_start3A_195, %dma_start3A_196] : memref<8x128xi32, #tpu.memory_space<vmem>> -> memref<1x128xi32, #tpu.memory_space<vmem>>
        %dma_start3A_198 = tpu.memref_squeeze %dma_start3A_197 : memref<1x128xi32, #tpu.memory_space<vmem>> -> memref<128xi32, #tpu.memory_space<vmem>>
        %dma_start3A_199 = arith.constant 0 : i32
        %dma_start3A_200 = arith.constant 0 : i32
        %dma_start3A_201 = tpu.memref_slice %arg14[%dma_start3A_199, %dma_start3A_200] : memref<10240x128xf32, #tpu.memory_space<vmem_shared>> -> memref<10240x128xf32, #tpu.memory_space<vmem_shared>>
        tpu.enqueue_indirect_dma source(%arg12 : memref<128x128xf32, #tpu.memory_space<vmem>>) target(%dma_start3A_201 : memref<10240x128xf32, #tpu.memory_space<vmem_shared>>) offsets(%dma_start3A_198 : memref<128xi32, #tpu.memory_space<vmem>>) semaphore(%arg16 : memref<!tpu.dma_semaphore, #tpu.memory_space<semaphore_mem>>) {add = true}
        %dma_wait3A_202 = arith.constant 5 : i32
        %dma_wait3A_203 = arith.constant 0 : i32
        %dma_wait3A_204 = tpu.memref_slice %arg6[%dma_wait3A_202, %dma_wait3A_203] : memref<8x128xi32, #tpu.memory_space<vmem>> -> memref<1x128xi32, #tpu.memory_space<vmem>>
        %dma_wait3A_205 = tpu.memref_squeeze %dma_wait3A_204 : memref<1x128xi32, #tpu.memory_space<vmem>> -> memref<128xi32, #tpu.memory_space<vmem>>
        %dma_wait3A_206 = arith.constant 0 : i32
        %dma_wait3A_207 = arith.constant 0 : i32
        %dma_wait3A_208 = tpu.memref_slice %arg2[%dma_wait3A_206, %dma_wait3A_207] : memref<10000x128xf32, #tpu.memory_space<hbm>> -> memref<10000x128xf32, #tpu.memory_space<hbm>>
        tpu.wait_indirect_dma semaphore(%arg15 : memref<!tpu.dma_semaphore, #tpu.memory_space<semaphore_mem>>) src(%dma_wait3A_208 : memref<10000x128xf32, #tpu.memory_space<hbm>>) dst(%arg13 : memref<128x128xf32, #tpu.memory_space<vmem>>)
        %dma_wait3A_209 = arith.constant 4 : i32
        %dma_wait3A_210 = arith.constant 0 : i32
        %dma_wait3A_211 = tpu.memref_slice %arg7[%dma_wait3A_209, %dma_wait3A_210] : memref<8x128xi32, #tpu.memory_space<vmem>> -> memref<1x128xi32, #tpu.memory_space<vmem>>
        %dma_wait3A_212 = tpu.memref_squeeze %dma_wait3A_211 : memref<1x128xi32, #tpu.memory_space<vmem>> -> memref<128xi32, #tpu.memory_space<vmem>>
        %dma_wait3A_213 = arith.constant 0 : i32
        %dma_wait3A_214 = arith.constant 0 : i32
        %dma_wait3A_215 = tpu.memref_slice %arg14[%dma_wait3A_213, %dma_wait3A_214] : memref<10240x128xf32, #tpu.memory_space<vmem_shared>> -> memref<10240x128xf32, #tpu.memory_space<vmem_shared>>
        tpu.wait_indirect_dma semaphore(%arg16 : memref<!tpu.dma_semaphore, #tpu.memory_space<semaphore_mem>>) src(%arg12 : memref<128x128xf32, #tpu.memory_space<vmem>>) dst(%dma_wait3A_215 : memref<10240x128xf32, #tpu.memory_space<vmem_shared>>)
        %dma_start3A_216 = arith.constant 6 : i32
        %dma_start3A_217 = arith.constant 0 : i32
        %dma_start3A_218 = tpu.memref_slice %arg6[%dma_start3A_216, %dma_start3A_217] : memref<8x128xi32, #tpu.memory_space<vmem>> -> memref<1x128xi32, #tpu.memory_space<vmem>>
        %dma_start3A_219 = tpu.memref_squeeze %dma_start3A_218 : memref<1x128xi32, #tpu.memory_space<vmem>> -> memref<128xi32, #tpu.memory_space<vmem>>
        %dma_start3A_220 = arith.constant 0 : i32
        %dma_start3A_221 = arith.constant 0 : i32
        %dma_start3A_222 = tpu.memref_slice %arg2[%dma_start3A_220, %dma_start3A_221] : memref<10000x128xf32, #tpu.memory_space<hbm>> -> memref<10000x128xf32, #tpu.memory_space<hbm>>
        tpu.enqueue_indirect_dma source(%dma_start3A_222 : memref<10000x128xf32, #tpu.memory_space<hbm>>) target(%arg12 : memref<128x128xf32, #tpu.memory_space<vmem>>) offsets(%dma_start3A_219 : memref<128xi32, #tpu.memory_space<vmem>>) semaphore(%arg15 : memref<!tpu.dma_semaphore, #tpu.memory_space<semaphore_mem>>)
        %dma_start3A_223 = arith.constant 5 : i32
        %dma_start3A_224 = arith.constant 0 : i32
        %dma_start3A_225 = tpu.memref_slice %arg7[%dma_start3A_223, %dma_start3A_224] : memref<8x128xi32, #tpu.memory_space<vmem>> -> memref<1x128xi32, #tpu.memory_space<vmem>>
        %dma_start3A_226 = tpu.memref_squeeze %dma_start3A_225 : memref<1x128xi32, #tpu.memory_space<vmem>> -> memref<128xi32, #tpu.memory_space<vmem>>
        %dma_start3A_227 = arith.constant 0 : i32
        %dma_start3A_228 = arith.constant 0 : i32
        %dma_start3A_229 = tpu.memref_slice %arg14[%dma_start3A_227, %dma_start3A_228] : memref<10240x128xf32, #tpu.memory_space<vmem_shared>> -> memref<10240x128xf32, #tpu.memory_space<vmem_shared>>
        tpu.enqueue_indirect_dma source(%arg13 : memref<128x128xf32, #tpu.memory_space<vmem>>) target(%dma_start3A_229 : memref<10240x128xf32, #tpu.memory_space<vmem_shared>>) offsets(%dma_start3A_226 : memref<128xi32, #tpu.memory_space<vmem>>) semaphore(%arg16 : memref<!tpu.dma_semaphore, #tpu.memory_space<semaphore_mem>>) {add = true}
        %dma_wait3A_230 = arith.constant 5 : i32
        %dma_wait3A_231 = arith.constant 0 : i32
        %dma_wait3A_232 = tpu.memref_slice %arg7[%dma_wait3A_230, %dma_wait3A_231] : memref<8x128xi32, #tpu.memory_space<vmem>> -> memref<1x128xi32, #tpu.memory_space<vmem>>
        %dma_wait3A_233 = tpu.memref_squeeze %dma_wait3A_232 : memref<1x128xi32, #tpu.memory_space<vmem>> -> memref<128xi32, #tpu.memory_space<vmem>>
        %dma_wait3A_234 = arith.constant 0 : i32
        %dma_wait3A_235 = arith.constant 0 : i32
        %dma_wait3A_236 = tpu.memref_slice %arg14[%dma_wait3A_234, %dma_wait3A_235] : memref<10240x128xf32, #tpu.memory_space<vmem_shared>> -> memref<10240x128xf32, #tpu.memory_space<vmem_shared>>
        tpu.wait_indirect_dma semaphore(%arg16 : memref<!tpu.dma_semaphore, #tpu.memory_space<semaphore_mem>>) src(%arg13 : memref<128x128xf32, #tpu.memory_space<vmem>>) dst(%dma_wait3A_236 : memref<10240x128xf32, #tpu.memory_space<vmem_shared>>)
        %dma_start3A_237 = arith.constant 7 : i32
        %dma_start3A_238 = arith.constant 0 : i32
        %dma_start3A_239 = tpu.memref_slice %arg6[%dma_start3A_237, %dma_start3A_238] : memref<8x128xi32, #tpu.memory_space<vmem>> -> memref<1x128xi32, #tpu.memory_space<vmem>>
        %dma_start3A_240 = tpu.memref_squeeze %dma_start3A_239 : memref<1x128xi32, #tpu.memory_space<vmem>> -> memref<128xi32, #tpu.memory_space<vmem>>
        %dma_start3A_241 = arith.constant 0 : i32
        %dma_start3A_242 = arith.constant 0 : i32
        %dma_start3A_243 = tpu.memref_slice %arg2[%dma_start3A_241, %dma_start3A_242] : memref<10000x128xf32, #tpu.memory_space<hbm>> -> memref<10000x128xf32, #tpu.memory_space<hbm>>
        tpu.enqueue_indirect_dma source(%dma_start3A_243 : memref<10000x128xf32, #tpu.memory_space<hbm>>) target(%arg13 : memref<128x128xf32, #tpu.memory_space<vmem>>) offsets(%dma_start3A_240 : memref<128xi32, #tpu.memory_space<vmem>>) semaphore(%arg15 : memref<!tpu.dma_semaphore, #tpu.memory_space<semaphore_mem>>)
        %dma_wait3A_244 = arith.constant 6 : i32
        %dma_wait3A_245 = arith.constant 0 : i32
        %dma_wait3A_246 = tpu.memref_slice %arg6[%dma_wait3A_244, %dma_wait3A_245] : memref<8x128xi32, #tpu.memory_space<vmem>> -> memref<1x128xi32, #tpu.memory_space<vmem>>
        %dma_wait3A_247 = tpu.memref_squeeze %dma_wait3A_246 : memref<1x128xi32, #tpu.memory_space<vmem>> -> memref<128xi32, #tpu.memory_space<vmem>>
        %dma_wait3A_248 = arith.constant 0 : i32
        %dma_wait3A_249 = arith.constant 0 : i32
        %dma_wait3A_250 = tpu.memref_slice %arg2[%dma_wait3A_248, %dma_wait3A_249] : memref<10000x128xf32, #tpu.memory_space<hbm>> -> memref<10000x128xf32, #tpu.memory_space<hbm>>
        tpu.wait_indirect_dma semaphore(%arg15 : memref<!tpu.dma_semaphore, #tpu.memory_space<semaphore_mem>>) src(%dma_wait3A_250 : memref<10000x128xf32, #tpu.memory_space<hbm>>) dst(%arg12 : memref<128x128xf32, #tpu.memory_space<vmem>>)
        %dma_start3A_251 = arith.constant 6 : i32
        %dma_start3A_252 = arith.constant 0 : i32
        %dma_start3A_253 = tpu.memref_slice %arg7[%dma_start3A_251, %dma_start3A_252] : memref<8x128xi32, #tpu.memory_space<vmem>> -> memref<1x128xi32, #tpu.memory_space<vmem>>
        %dma_start3A_254 = tpu.memref_squeeze %dma_start3A_253 : memref<1x128xi32, #tpu.memory_space<vmem>> -> memref<128xi32, #tpu.memory_space<vmem>>
        %dma_start3A_255 = arith.constant 0 : i32
        %dma_start3A_256 = arith.constant 0 : i32
        %dma_start3A_257 = tpu.memref_slice %arg14[%dma_start3A_255, %dma_start3A_256] : memref<10240x128xf32, #tpu.memory_space<vmem_shared>> -> memref<10240x128xf32, #tpu.memory_space<vmem_shared>>
        tpu.enqueue_indirect_dma source(%arg12 : memref<128x128xf32, #tpu.memory_space<vmem>>) target(%dma_start3A_257 : memref<10240x128xf32, #tpu.memory_space<vmem_shared>>) offsets(%dma_start3A_254 : memref<128xi32, #tpu.memory_space<vmem>>) semaphore(%arg16 : memref<!tpu.dma_semaphore, #tpu.memory_space<semaphore_mem>>) {add = true}
        %dma_wait3A_258 = arith.constant 7 : i32
        %dma_wait3A_259 = arith.constant 0 : i32
        %dma_wait3A_260 = tpu.memref_slice %arg6[%dma_wait3A_258, %dma_wait3A_259] : memref<8x128xi32, #tpu.memory_space<vmem>> -> memref<1x128xi32, #tpu.memory_space<vmem>>
        %dma_wait3A_261 = tpu.memref_squeeze %dma_wait3A_260 : memref<1x128xi32, #tpu.memory_space<vmem>> -> memref<128xi32, #tpu.memory_space<vmem>>
        %dma_wait3A_262 = arith.constant 0 : i32
        %dma_wait3A_263 = arith.constant 0 : i32
        %dma_wait3A_264 = tpu.memref_slice %arg2[%dma_wait3A_262, %dma_wait3A_263] : memref<10000x128xf32, #tpu.memory_space<hbm>> -> memref<10000x128xf32, #tpu.memory_space<hbm>>
        tpu.wait_indirect_dma semaphore(%arg15 : memref<!tpu.dma_semaphore, #tpu.memory_space<semaphore_mem>>) src(%dma_wait3A_264 : memref<10000x128xf32, #tpu.memory_space<hbm>>) dst(%arg13 : memref<128x128xf32, #tpu.memory_space<vmem>>)
        %dma_wait3A_265 = arith.constant 6 : i32
        %dma_wait3A_266 = arith.constant 0 : i32
        %dma_wait3A_267 = tpu.memref_slice %arg7[%dma_wait3A_265, %dma_wait3A_266] : memref<8x128xi32, #tpu.memory_space<vmem>> -> memref<1x128xi32, #tpu.memory_space<vmem>>
        %dma_wait3A_268 = tpu.memref_squeeze %dma_wait3A_267 : memref<1x128xi32, #tpu.memory_space<vmem>> -> memref<128xi32, #tpu.memory_space<vmem>>
        %dma_wait3A_269 = arith.constant 0 : i32
        %dma_wait3A_270 = arith.constant 0 : i32
        %dma_wait3A_271 = tpu.memref_slice %arg14[%dma_wait3A_269, %dma_wait3A_270] : memref<10240x128xf32, #tpu.memory_space<vmem_shared>> -> memref<10240x128xf32, #tpu.memory_space<vmem_shared>>
        tpu.wait_indirect_dma semaphore(%arg16 : memref<!tpu.dma_semaphore, #tpu.memory_space<semaphore_mem>>) src(%arg12 : memref<128x128xf32, #tpu.memory_space<vmem>>) dst(%dma_wait3A_271 : memref<10240x128xf32, #tpu.memory_space<vmem_shared>>)
        %add3A_272 = arith.constant 1 : i32
        %add3A_273 = arith.addi %mul3A_62, %add3A_272 : i32
        %lt3A_274 = arith.constant 18 : i32
        %lt3A_275 = arith.cmpi slt, %add3A_273, %lt3A_274 : i32
        %convert_element_type3A_276 = arith.extui %lt3A_275 : i1 to i32
        %cond3A_277 = arith.constant 0 : i32
        %cond3A_278 = arith.cmpi ne, %convert_element_type3A_276, %cond3A_277 : i32
        scf.if %cond3A_278 {
          %add3A_528 = arith.constant 1 : i32
          %add3A_529 = arith.addi %mul3A_62, %add3A_528 : i32
          %mul3A_530 = arith.constant 8 : i32
          %mul3A_531 = arith.muli %add3A_529, %mul3A_530 : i32
          %add3A_532 = arith.addi %mul3A_22, %mul3A_531 : i32
          %dma_wait3A_533 = arith.constant 0 : i32
          %dma_wait3A_534 = tpu.memref_slice %arg3[%add3A_532, %dma_wait3A_533] : memref<2528x128xi32, #tpu.memory_space<hbm>> -> memref<8x128xi32, #tpu.memory_space<hbm>>
          %dma_wait3A_535 = arith.constant 0 : i32
          %dma_wait3A_536 = tpu.memref_slice %arg3[%add3A_532, %dma_wait3A_535] : memref<2528x128xi32, #tpu.memory_space<hbm>> -> memref<8x128xi32, #tpu.memory_space<hbm>>
          tpu.wait_dma2 semaphore(%arg17 : memref<!tpu.dma_semaphore, #tpu.memory_space<semaphore_mem>>) src(%dma_wait3A_536 : memref<8x128xi32, #tpu.memory_space<hbm>>) dst(%arg8 : memref<8x128xi32, #tpu.memory_space<vmem>>)
          %mul3A_537 = arith.constant 8 : i32
          %mul3A_538 = arith.muli %add3A_529, %mul3A_537 : i32
          %add3A_539 = arith.addi %mul3A_22, %mul3A_538 : i32
          %dma_wait3A_540 = arith.constant 0 : i32
          %dma_wait3A_541 = tpu.memref_slice %arg4[%add3A_539, %dma_wait3A_540] : memref<2528x128xi32, #tpu.memory_space<hbm>> -> memref<8x128xi32, #tpu.memory_space<hbm>>
          %dma_wait3A_542 = arith.constant 0 : i32
          %dma_wait3A_543 = tpu.memref_slice %arg4[%add3A_539, %dma_wait3A_542] : memref<2528x128xi32, #tpu.memory_space<hbm>> -> memref<8x128xi32, #tpu.memory_space<hbm>>
          tpu.wait_dma2 semaphore(%arg17 : memref<!tpu.dma_semaphore, #tpu.memory_space<semaphore_mem>>) src(%dma_wait3A_543 : memref<8x128xi32, #tpu.memory_space<hbm>>) dst(%arg9 : memref<8x128xi32, #tpu.memory_space<vmem>>)
          %dma_start3A_544 = arith.constant 0 : i32
          %dma_start3A_545 = arith.constant 0 : i32
          %dma_start3A_546 = tpu.memref_slice %arg8[%dma_start3A_544, %dma_start3A_545] : memref<8x128xi32, #tpu.memory_space<vmem>> -> memref<1x128xi32, #tpu.memory_space<vmem>>
          %dma_start3A_547 = tpu.memref_squeeze %dma_start3A_546 : memref<1x128xi32, #tpu.memory_space<vmem>> -> memref<128xi32, #tpu.memory_space<vmem>>
          %dma_start3A_548 = arith.constant 0 : i32
          %dma_start3A_549 = arith.constant 0 : i32
          %dma_start3A_550 = tpu.memref_slice %arg2[%dma_start3A_548, %dma_start3A_549] : memref<10000x128xf32, #tpu.memory_space<hbm>> -> memref<10000x128xf32, #tpu.memory_space<hbm>>
          tpu.enqueue_indirect_dma source(%dma_start3A_550 : memref<10000x128xf32, #tpu.memory_space<hbm>>) target(%arg12 : memref<128x128xf32, #tpu.memory_space<vmem>>) offsets(%dma_start3A_547 : memref<128xi32, #tpu.memory_space<vmem>>) semaphore(%arg15 : memref<!tpu.dma_semaphore, #tpu.memory_space<semaphore_mem>>)
        } else {
        }
        %dma_start3A_279 = arith.constant 7 : i32
        %dma_start3A_280 = arith.constant 0 : i32
        %dma_start3A_281 = tpu.memref_slice %arg7[%dma_start3A_279, %dma_start3A_280] : memref<8x128xi32, #tpu.memory_space<vmem>> -> memref<1x128xi32, #tpu.memory_space<vmem>>
        %dma_start3A_282 = tpu.memref_squeeze %dma_start3A_281 : memref<1x128xi32, #tpu.memory_space<vmem>> -> memref<128xi32, #tpu.memory_space<vmem>>
        %dma_start3A_283 = arith.constant 0 : i32
        %dma_start3A_284 = arith.constant 0 : i32
        %dma_start3A_285 = tpu.memref_slice %arg14[%dma_start3A_283, %dma_start3A_284] : memref<10240x128xf32, #tpu.memory_space<vmem_shared>> -> memref<10240x128xf32, #tpu.memory_space<vmem_shared>>
        tpu.enqueue_indirect_dma source(%arg13 : memref<128x128xf32, #tpu.memory_space<vmem>>) target(%dma_start3A_285 : memref<10240x128xf32, #tpu.memory_space<vmem_shared>>) offsets(%dma_start3A_282 : memref<128xi32, #tpu.memory_space<vmem>>) semaphore(%arg16 : memref<!tpu.dma_semaphore, #tpu.memory_space<semaphore_mem>>) {add = true}
        %dma_wait3A_286 = arith.constant 7 : i32
        %dma_wait3A_287 = arith.constant 0 : i32
        %dma_wait3A_288 = tpu.memref_slice %arg7[%dma_wait3A_286, %dma_wait3A_287] : memref<8x128xi32, #tpu.memory_space<vmem>> -> memref<1x128xi32, #tpu.memory_space<vmem>>
        %dma_wait3A_289 = tpu.memref_squeeze %dma_wait3A_288 : memref<1x128xi32, #tpu.memory_space<vmem>> -> memref<128xi32, #tpu.memory_space<vmem>>
        %dma_wait3A_290 = arith.constant 0 : i32
        %dma_wait3A_291 = arith.constant 0 : i32
        %dma_wait3A_292 = tpu.memref_slice %arg14[%dma_wait3A_290, %dma_wait3A_291] : memref<10240x128xf32, #tpu.memory_space<vmem_shared>> -> memref<10240x128xf32, #tpu.memory_space<vmem_shared>>
        tpu.wait_indirect_dma semaphore(%arg16 : memref<!tpu.dma_semaphore, #tpu.memory_space<semaphore_mem>>) src(%arg13 : memref<128x128xf32, #tpu.memory_space<vmem>>) dst(%dma_wait3A_292 : memref<10240x128xf32, #tpu.memory_space<vmem_shared>>)
        %mul3A_293 = arith.constant 2 : i32
        %mul3A_294 = arith.muli %mul3A_293, %add3A_60 : i32
        %add3A_295 = arith.constant 1 : i32
        %add3A_296 = arith.addi %mul3A_294, %add3A_295 : i32
        %add3A_297 = arith.constant 1 : i32
        %add3A_298 = arith.addi %add3A_296, %add3A_297 : i32
        %lt3A_299 = arith.constant 18 : i32
        %lt3A_300 = arith.cmpi slt, %add3A_298, %lt3A_299 : i32
        %convert_element_type3A_301 = arith.extui %lt3A_300 : i1 to i32
        %cond3A_302 = arith.constant 0 : i32
        %cond3A_303 = arith.cmpi ne, %convert_element_type3A_301, %cond3A_302 : i32
        scf.if %cond3A_303 {
          %add3A_528 = arith.constant 1 : i32
          %add3A_529 = arith.addi %add3A_296, %add3A_528 : i32
          %mul3A_530 = arith.constant 8 : i32
          %mul3A_531 = arith.muli %add3A_529, %mul3A_530 : i32
          %add3A_532 = arith.addi %mul3A_22, %mul3A_531 : i32
          %dma_start3A_533 = arith.constant 0 : i32
          %dma_start3A_534 = tpu.memref_slice %arg3[%add3A_532, %dma_start3A_533] : memref<2528x128xi32, #tpu.memory_space<hbm>> -> memref<8x128xi32, #tpu.memory_space<hbm>>
          %dma_start3A_535 = arith.constant 0 : i32
          %dma_start3A_536 = tpu.memref_slice %arg3[%add3A_532, %dma_start3A_535] : memref<2528x128xi32, #tpu.memory_space<hbm>> -> memref<8x128xi32, #tpu.memory_space<hbm>>
          tpu.enqueue_dma source(%dma_start3A_536 : memref<8x128xi32, #tpu.memory_space<hbm>>) target(%arg6 : memref<8x128xi32, #tpu.memory_space<vmem>>) target_semaphore(%arg17 : memref<!tpu.dma_semaphore, #tpu.memory_space<semaphore_mem>>)
          %mul3A_537 = arith.constant 8 : i32
          %mul3A_538 = arith.muli %add3A_529, %mul3A_537 : i32
          %add3A_539 = arith.addi %mul3A_22, %mul3A_538 : i32
          %dma_start3A_540 = arith.constant 0 : i32
          %dma_start3A_541 = tpu.memref_slice %arg4[%add3A_539, %dma_start3A_540] : memref<2528x128xi32, #tpu.memory_space<hbm>> -> memref<8x128xi32, #tpu.memory_space<hbm>>
          %dma_start3A_542 = arith.constant 0 : i32
          %dma_start3A_543 = tpu.memref_slice %arg4[%add3A_539, %dma_start3A_542] : memref<2528x128xi32, #tpu.memory_space<hbm>> -> memref<8x128xi32, #tpu.memory_space<hbm>>
          tpu.enqueue_dma source(%dma_start3A_543 : memref<8x128xi32, #tpu.memory_space<hbm>>) target(%arg7 : memref<8x128xi32, #tpu.memory_space<vmem>>) target_semaphore(%arg17 : memref<!tpu.dma_semaphore, #tpu.memory_space<semaphore_mem>>)
        } else {
        }
        %dma_start3A_304 = arith.constant 1 : i32
        %dma_start3A_305 = arith.constant 0 : i32
        %dma_start3A_306 = tpu.memref_slice %arg8[%dma_start3A_304, %dma_start3A_305] : memref<8x128xi32, #tpu.memory_space<vmem>> -> memref<1x128xi32, #tpu.memory_space<vmem>>
        %dma_start3A_307 = tpu.memref_squeeze %dma_start3A_306 : memref<1x128xi32, #tpu.memory_space<vmem>> -> memref<128xi32, #tpu.memory_space<vmem>>
        %dma_start3A_308 = arith.constant 0 : i32
        %dma_start3A_309 = arith.constant 0 : i32
        %dma_start3A_310 = tpu.memref_slice %arg2[%dma_start3A_308, %dma_start3A_309] : memref<10000x128xf32, #tpu.memory_space<hbm>> -> memref<10000x128xf32, #tpu.memory_space<hbm>>
        tpu.enqueue_indirect_dma source(%dma_start3A_310 : memref<10000x128xf32, #tpu.memory_space<hbm>>) target(%arg13 : memref<128x128xf32, #tpu.memory_space<vmem>>) offsets(%dma_start3A_307 : memref<128xi32, #tpu.memory_space<vmem>>) semaphore(%arg15 : memref<!tpu.dma_semaphore, #tpu.memory_space<semaphore_mem>>)
        %dma_wait3A_311 = arith.constant 0 : i32
        %dma_wait3A_312 = arith.constant 0 : i32
        %dma_wait3A_313 = tpu.memref_slice %arg8[%dma_wait3A_311, %dma_wait3A_312] : memref<8x128xi32, #tpu.memory_space<vmem>> -> memref<1x128xi32, #tpu.memory_space<vmem>>
        %dma_wait3A_314 = tpu.memref_squeeze %dma_wait3A_313 : memref<1x128xi32, #tpu.memory_space<vmem>> -> memref<128xi32, #tpu.memory_space<vmem>>
        %dma_wait3A_315 = arith.constant 0 : i32
        %dma_wait3A_316 = arith.constant 0 : i32
        %dma_wait3A_317 = tpu.memref_slice %arg2[%dma_wait3A_315, %dma_wait3A_316] : memref<10000x128xf32, #tpu.memory_space<hbm>> -> memref<10000x128xf32, #tpu.memory_space<hbm>>
        tpu.wait_indirect_dma semaphore(%arg15 : memref<!tpu.dma_semaphore, #tpu.memory_space<semaphore_mem>>) src(%dma_wait3A_317 : memref<10000x128xf32, #tpu.memory_space<hbm>>) dst(%arg12 : memref<128x128xf32, #tpu.memory_space<vmem>>)
        %dma_start3A_318 = arith.constant 0 : i32
        %dma_start3A_319 = arith.constant 0 : i32
        %dma_start3A_320 = tpu.memref_slice %arg9[%dma_start3A_318, %dma_start3A_319] : memref<8x128xi32, #tpu.memory_space<vmem>> -> memref<1x128xi32, #tpu.memory_space<vmem>>
        %dma_start3A_321 = tpu.memref_squeeze %dma_start3A_320 : memref<1x128xi32, #tpu.memory_space<vmem>> -> memref<128xi32, #tpu.memory_space<vmem>>
        %dma_start3A_322 = arith.constant 0 : i32
        %dma_start3A_323 = arith.constant 0 : i32
        %dma_start3A_324 = tpu.memref_slice %arg14[%dma_start3A_322, %dma_start3A_323] : memref<10240x128xf32, #tpu.memory_space<vmem_shared>> -> memref<10240x128xf32, #tpu.memory_space<vmem_shared>>
        tpu.enqueue_indirect_dma source(%arg12 : memref<128x128xf32, #tpu.memory_space<vmem>>) target(%dma_start3A_324 : memref<10240x128xf32, #tpu.memory_space<vmem_shared>>) offsets(%dma_start3A_321 : memref<128xi32, #tpu.memory_space<vmem>>) semaphore(%arg16 : memref<!tpu.dma_semaphore, #tpu.memory_space<semaphore_mem>>) {add = true}
        %dma_wait3A_325 = arith.constant 1 : i32
        %dma_wait3A_326 = arith.constant 0 : i32
        %dma_wait3A_327 = tpu.memref_slice %arg8[%dma_wait3A_325, %dma_wait3A_326] : memref<8x128xi32, #tpu.memory_space<vmem>> -> memref<1x128xi32, #tpu.memory_space<vmem>>
        %dma_wait3A_328 = tpu.memref_squeeze %dma_wait3A_327 : memref<1x128xi32, #tpu.memory_space<vmem>> -> memref<128xi32, #tpu.memory_space<vmem>>
        %dma_wait3A_329 = arith.constant 0 : i32
        %dma_wait3A_330 = arith.constant 0 : i32
        %dma_wait3A_331 = tpu.memref_slice %arg2[%dma_wait3A_329, %dma_wait3A_330] : memref<10000x128xf32, #tpu.memory_space<hbm>> -> memref<10000x128xf32, #tpu.memory_space<hbm>>
        tpu.wait_indirect_dma semaphore(%arg15 : memref<!tpu.dma_semaphore, #tpu.memory_space<semaphore_mem>>) src(%dma_wait3A_331 : memref<10000x128xf32, #tpu.memory_space<hbm>>) dst(%arg13 : memref<128x128xf32, #tpu.memory_space<vmem>>)
        %dma_wait3A_332 = arith.constant 0 : i32
        %dma_wait3A_333 = arith.constant 0 : i32
        %dma_wait3A_334 = tpu.memref_slice %arg9[%dma_wait3A_332, %dma_wait3A_333] : memref<8x128xi32, #tpu.memory_space<vmem>> -> memref<1x128xi32, #tpu.memory_space<vmem>>
        %dma_wait3A_335 = tpu.memref_squeeze %dma_wait3A_334 : memref<1x128xi32, #tpu.memory_space<vmem>> -> memref<128xi32, #tpu.memory_space<vmem>>
        %dma_wait3A_336 = arith.constant 0 : i32
        %dma_wait3A_337 = arith.constant 0 : i32
        %dma_wait3A_338 = tpu.memref_slice %arg14[%dma_wait3A_336, %dma_wait3A_337] : memref<10240x128xf32, #tpu.memory_space<vmem_shared>> -> memref<10240x128xf32, #tpu.memory_space<vmem_shared>>
        tpu.wait_indirect_dma semaphore(%arg16 : memref<!tpu.dma_semaphore, #tpu.memory_space<semaphore_mem>>) src(%arg12 : memref<128x128xf32, #tpu.memory_space<vmem>>) dst(%dma_wait3A_338 : memref<10240x128xf32, #tpu.memory_space<vmem_shared>>)
        %dma_start3A_339 = arith.constant 2 : i32
        %dma_start3A_340 = arith.constant 0 : i32
        %dma_start3A_341 = tpu.memref_slice %arg8[%dma_start3A_339, %dma_start3A_340] : memref<8x128xi32, #tpu.memory_space<vmem>> -> memref<1x128xi32, #tpu.memory_space<vmem>>
        %dma_start3A_342 = tpu.memref_squeeze %dma_start3A_341 : memref<1x128xi32, #tpu.memory_space<vmem>> -> memref<128xi32, #tpu.memory_space<vmem>>
        %dma_start3A_343 = arith.constant 0 : i32
        %dma_start3A_344 = arith.constant 0 : i32
        %dma_start3A_345 = tpu.memref_slice %arg2[%dma_start3A_343, %dma_start3A_344] : memref<10000x128xf32, #tpu.memory_space<hbm>> -> memref<10000x128xf32, #tpu.memory_space<hbm>>
        tpu.enqueue_indirect_dma source(%dma_start3A_345 : memref<10000x128xf32, #tpu.memory_space<hbm>>) target(%arg12 : memref<128x128xf32, #tpu.memory_space<vmem>>) offsets(%dma_start3A_342 : memref<128xi32, #tpu.memory_space<vmem>>) semaphore(%arg15 : memref<!tpu.dma_semaphore, #tpu.memory_space<semaphore_mem>>)
        %dma_start3A_346 = arith.constant 1 : i32
        %dma_start3A_347 = arith.constant 0 : i32
        %dma_start3A_348 = tpu.memref_slice %arg9[%dma_start3A_346, %dma_start3A_347] : memref<8x128xi32, #tpu.memory_space<vmem>> -> memref<1x128xi32, #tpu.memory_space<vmem>>
        %dma_start3A_349 = tpu.memref_squeeze %dma_start3A_348 : memref<1x128xi32, #tpu.memory_space<vmem>> -> memref<128xi32, #tpu.memory_space<vmem>>
        %dma_start3A_350 = arith.constant 0 : i32
        %dma_start3A_351 = arith.constant 0 : i32
        %dma_start3A_352 = tpu.memref_slice %arg14[%dma_start3A_350, %dma_start3A_351] : memref<10240x128xf32, #tpu.memory_space<vmem_shared>> -> memref<10240x128xf32, #tpu.memory_space<vmem_shared>>
        tpu.enqueue_indirect_dma source(%arg13 : memref<128x128xf32, #tpu.memory_space<vmem>>) target(%dma_start3A_352 : memref<10240x128xf32, #tpu.memory_space<vmem_shared>>) offsets(%dma_start3A_349 : memref<128xi32, #tpu.memory_space<vmem>>) semaphore(%arg16 : memref<!tpu.dma_semaphore, #tpu.memory_space<semaphore_mem>>) {add = true}
        %dma_wait3A_353 = arith.constant 1 : i32
        %dma_wait3A_354 = arith.constant 0 : i32
        %dma_wait3A_355 = tpu.memref_slice %arg9[%dma_wait3A_353, %dma_wait3A_354] : memref<8x128xi32, #tpu.memory_space<vmem>> -> memref<1x128xi32, #tpu.memory_space<vmem>>
        %dma_wait3A_356 = tpu.memref_squeeze %dma_wait3A_355 : memref<1x128xi32, #tpu.memory_space<vmem>> -> memref<128xi32, #tpu.memory_space<vmem>>
        %dma_wait3A_357 = arith.constant 0 : i32
        %dma_wait3A_358 = arith.constant 0 : i32
        %dma_wait3A_359 = tpu.memref_slice %arg14[%dma_wait3A_357, %dma_wait3A_358] : memref<10240x128xf32, #tpu.memory_space<vmem_shared>> -> memref<10240x128xf32, #tpu.memory_space<vmem_shared>>
        tpu.wait_indirect_dma semaphore(%arg16 : memref<!tpu.dma_semaphore, #tpu.memory_space<semaphore_mem>>) src(%arg13 : memref<128x128xf32, #tpu.memory_space<vmem>>) dst(%dma_wait3A_359 : memref<10240x128xf32, #tpu.memory_space<vmem_shared>>)
        %dma_start3A_360 = arith.constant 3 : i32
        %dma_start3A_361 = arith.constant 0 : i32
        %dma_start3A_362 = tpu.memref_slice %arg8[%dma_start3A_360, %dma_start3A_361] : memref<8x128xi32, #tpu.memory_space<vmem>> -> memref<1x128xi32, #tpu.memory_space<vmem>>
        %dma_start3A_363 = tpu.memref_squeeze %dma_start3A_362 : memref<1x128xi32, #tpu.memory_space<vmem>> -> memref<128xi32, #tpu.memory_space<vmem>>
        %dma_start3A_364 = arith.constant 0 : i32
        %dma_start3A_365 = arith.constant 0 : i32
        %dma_start3A_366 = tpu.memref_slice %arg2[%dma_start3A_364, %dma_start3A_365] : memref<10000x128xf32, #tpu.memory_space<hbm>> -> memref<10000x128xf32, #tpu.memory_space<hbm>>
        tpu.enqueue_indirect_dma source(%dma_start3A_366 : memref<10000x128xf32, #tpu.memory_space<hbm>>) target(%arg13 : memref<128x128xf32, #tpu.memory_space<vmem>>) offsets(%dma_start3A_363 : memref<128xi32, #tpu.memory_space<vmem>>) semaphore(%arg15 : memref<!tpu.dma_semaphore, #tpu.memory_space<semaphore_mem>>)
        %dma_wait3A_367 = arith.constant 2 : i32
        %dma_wait3A_368 = arith.constant 0 : i32
        %dma_wait3A_369 = tpu.memref_slice %arg8[%dma_wait3A_367, %dma_wait3A_368] : memref<8x128xi32, #tpu.memory_space<vmem>> -> memref<1x128xi32, #tpu.memory_space<vmem>>
        %dma_wait3A_370 = tpu.memref_squeeze %dma_wait3A_369 : memref<1x128xi32, #tpu.memory_space<vmem>> -> memref<128xi32, #tpu.memory_space<vmem>>
        %dma_wait3A_371 = arith.constant 0 : i32
        %dma_wait3A_372 = arith.constant 0 : i32
        %dma_wait3A_373 = tpu.memref_slice %arg2[%dma_wait3A_371, %dma_wait3A_372] : memref<10000x128xf32, #tpu.memory_space<hbm>> -> memref<10000x128xf32, #tpu.memory_space<hbm>>
        tpu.wait_indirect_dma semaphore(%arg15 : memref<!tpu.dma_semaphore, #tpu.memory_space<semaphore_mem>>) src(%dma_wait3A_373 : memref<10000x128xf32, #tpu.memory_space<hbm>>) dst(%arg12 : memref<128x128xf32, #tpu.memory_space<vmem>>)
        %dma_start3A_374 = arith.constant 2 : i32
        %dma_start3A_375 = arith.constant 0 : i32
        %dma_start3A_376 = tpu.memref_slice %arg9[%dma_start3A_374, %dma_start3A_375] : memref<8x128xi32, #tpu.memory_space<vmem>> -> memref<1x128xi32, #tpu.memory_space<vmem>>
        %dma_start3A_377 = tpu.memref_squeeze %dma_start3A_376 : memref<1x128xi32, #tpu.memory_space<vmem>> -> memref<128xi32, #tpu.memory_space<vmem>>
        %dma_start3A_378 = arith.constant 0 : i32
        %dma_start3A_379 = arith.constant 0 : i32
        %dma_start3A_380 = tpu.memref_slice %arg14[%dma_start3A_378, %dma_start3A_379] : memref<10240x128xf32, #tpu.memory_space<vmem_shared>> -> memref<10240x128xf32, #tpu.memory_space<vmem_shared>>
        tpu.enqueue_indirect_dma source(%arg12 : memref<128x128xf32, #tpu.memory_space<vmem>>) target(%dma_start3A_380 : memref<10240x128xf32, #tpu.memory_space<vmem_shared>>) offsets(%dma_start3A_377 : memref<128xi32, #tpu.memory_space<vmem>>) semaphore(%arg16 : memref<!tpu.dma_semaphore, #tpu.memory_space<semaphore_mem>>) {add = true}
        %dma_wait3A_381 = arith.constant 3 : i32
        %dma_wait3A_382 = arith.constant 0 : i32
        %dma_wait3A_383 = tpu.memref_slice %arg8[%dma_wait3A_381, %dma_wait3A_382] : memref<8x128xi32, #tpu.memory_space<vmem>> -> memref<1x128xi32, #tpu.memory_space<vmem>>
        %dma_wait3A_384 = tpu.memref_squeeze %dma_wait3A_383 : memref<1x128xi32, #tpu.memory_space<vmem>> -> memref<128xi32, #tpu.memory_space<vmem>>
        %dma_wait3A_385 = arith.constant 0 : i32
        %dma_wait3A_386 = arith.constant 0 : i32
        %dma_wait3A_387 = tpu.memref_slice %arg2[%dma_wait3A_385, %dma_wait3A_386] : memref<10000x128xf32, #tpu.memory_space<hbm>> -> memref<10000x128xf32, #tpu.memory_space<hbm>>
        tpu.wait_indirect_dma semaphore(%arg15 : memref<!tpu.dma_semaphore, #tpu.memory_space<semaphore_mem>>) src(%dma_wait3A_387 : memref<10000x128xf32, #tpu.memory_space<hbm>>) dst(%arg13 : memref<128x128xf32, #tpu.memory_space<vmem>>)
        %dma_wait3A_388 = arith.constant 2 : i32
        %dma_wait3A_389 = arith.constant 0 : i32
        %dma_wait3A_390 = tpu.memref_slice %arg9[%dma_wait3A_388, %dma_wait3A_389] : memref<8x128xi32, #tpu.memory_space<vmem>> -> memref<1x128xi32, #tpu.memory_space<vmem>>
        %dma_wait3A_391 = tpu.memref_squeeze %dma_wait3A_390 : memref<1x128xi32, #tpu.memory_space<vmem>> -> memref<128xi32, #tpu.memory_space<vmem>>
        %dma_wait3A_392 = arith.constant 0 : i32
        %dma_wait3A_393 = arith.constant 0 : i32
        %dma_wait3A_394 = tpu.memref_slice %arg14[%dma_wait3A_392, %dma_wait3A_393] : memref<10240x128xf32, #tpu.memory_space<vmem_shared>> -> memref<10240x128xf32, #tpu.memory_space<vmem_shared>>
        tpu.wait_indirect_dma semaphore(%arg16 : memref<!tpu.dma_semaphore, #tpu.memory_space<semaphore_mem>>) src(%arg12 : memref<128x128xf32, #tpu.memory_space<vmem>>) dst(%dma_wait3A_394 : memref<10240x128xf32, #tpu.memory_space<vmem_shared>>)
        %dma_start3A_395 = arith.constant 4 : i32
        %dma_start3A_396 = arith.constant 0 : i32
        %dma_start3A_397 = tpu.memref_slice %arg8[%dma_start3A_395, %dma_start3A_396] : memref<8x128xi32, #tpu.memory_space<vmem>> -> memref<1x128xi32, #tpu.memory_space<vmem>>
        %dma_start3A_398 = tpu.memref_squeeze %dma_start3A_397 : memref<1x128xi32, #tpu.memory_space<vmem>> -> memref<128xi32, #tpu.memory_space<vmem>>
        %dma_start3A_399 = arith.constant 0 : i32
        %dma_start3A_400 = arith.constant 0 : i32
        %dma_start3A_401 = tpu.memref_slice %arg2[%dma_start3A_399, %dma_start3A_400] : memref<10000x128xf32, #tpu.memory_space<hbm>> -> memref<10000x128xf32, #tpu.memory_space<hbm>>
        tpu.enqueue_indirect_dma source(%dma_start3A_401 : memref<10000x128xf32, #tpu.memory_space<hbm>>) target(%arg12 : memref<128x128xf32, #tpu.memory_space<vmem>>) offsets(%dma_start3A_398 : memref<128xi32, #tpu.memory_space<vmem>>) semaphore(%arg15 : memref<!tpu.dma_semaphore, #tpu.memory_space<semaphore_mem>>)
        %dma_start3A_402 = arith.constant 3 : i32
        %dma_start3A_403 = arith.constant 0 : i32
        %dma_start3A_404 = tpu.memref_slice %arg9[%dma_start3A_402, %dma_start3A_403] : memref<8x128xi32, #tpu.memory_space<vmem>> -> memref<1x128xi32, #tpu.memory_space<vmem>>
        %dma_start3A_405 = tpu.memref_squeeze %dma_start3A_404 : memref<1x128xi32, #tpu.memory_space<vmem>> -> memref<128xi32, #tpu.memory_space<vmem>>
        %dma_start3A_406 = arith.constant 0 : i32
        %dma_start3A_407 = arith.constant 0 : i32
        %dma_start3A_408 = tpu.memref_slice %arg14[%dma_start3A_406, %dma_start3A_407] : memref<10240x128xf32, #tpu.memory_space<vmem_shared>> -> memref<10240x128xf32, #tpu.memory_space<vmem_shared>>
        tpu.enqueue_indirect_dma source(%arg13 : memref<128x128xf32, #tpu.memory_space<vmem>>) target(%dma_start3A_408 : memref<10240x128xf32, #tpu.memory_space<vmem_shared>>) offsets(%dma_start3A_405 : memref<128xi32, #tpu.memory_space<vmem>>) semaphore(%arg16 : memref<!tpu.dma_semaphore, #tpu.memory_space<semaphore_mem>>) {add = true}
        %dma_wait3A_409 = arith.constant 3 : i32
        %dma_wait3A_410 = arith.constant 0 : i32
        %dma_wait3A_411 = tpu.memref_slice %arg9[%dma_wait3A_409, %dma_wait3A_410] : memref<8x128xi32, #tpu.memory_space<vmem>> -> memref<1x128xi32, #tpu.memory_space<vmem>>
        %dma_wait3A_412 = tpu.memref_squeeze %dma_wait3A_411 : memref<1x128xi32, #tpu.memory_space<vmem>> -> memref<128xi32, #tpu.memory_space<vmem>>
        %dma_wait3A_413 = arith.constant 0 : i32
        %dma_wait3A_414 = arith.constant 0 : i32
        %dma_wait3A_415 = tpu.memref_slice %arg14[%dma_wait3A_413, %dma_wait3A_414] : memref<10240x128xf32, #tpu.memory_space<vmem_shared>> -> memref<10240x128xf32, #tpu.memory_space<vmem_shared>>
        tpu.wait_indirect_dma semaphore(%arg16 : memref<!tpu.dma_semaphore, #tpu.memory_space<semaphore_mem>>) src(%arg13 : memref<128x128xf32, #tpu.memory_space<vmem>>) dst(%dma_wait3A_415 : memref<10240x128xf32, #tpu.memory_space<vmem_shared>>)
        %dma_start3A_416 = arith.constant 5 : i32
        %dma_start3A_417 = arith.constant 0 : i32
        %dma_start3A_418 = tpu.memref_slice %arg8[%dma_start3A_416, %dma_start3A_417] : memref<8x128xi32, #tpu.memory_space<vmem>> -> memref<1x128xi32, #tpu.memory_space<vmem>>
        %dma_start3A_419 = tpu.memref_squeeze %dma_start3A_418 : memref<1x128xi32, #tpu.memory_space<vmem>> -> memref<128xi32, #tpu.memory_space<vmem>>
        %dma_start3A_420 = arith.constant 0 : i32
        %dma_start3A_421 = arith.constant 0 : i32
        %dma_start3A_422 = tpu.memref_slice %arg2[%dma_start3A_420, %dma_start3A_421] : memref<10000x128xf32, #tpu.memory_space<hbm>> -> memref<10000x128xf32, #tpu.memory_space<hbm>>
        tpu.enqueue_indirect_dma source(%dma_start3A_422 : memref<10000x128xf32, #tpu.memory_space<hbm>>) target(%arg13 : memref<128x128xf32, #tpu.memory_space<vmem>>) offsets(%dma_start3A_419 : memref<128xi32, #tpu.memory_space<vmem>>) semaphore(%arg15 : memref<!tpu.dma_semaphore, #tpu.memory_space<semaphore_mem>>)
        %dma_wait3A_423 = arith.constant 4 : i32
        %dma_wait3A_424 = arith.constant 0 : i32
        %dma_wait3A_425 = tpu.memref_slice %arg8[%dma_wait3A_423, %dma_wait3A_424] : memref<8x128xi32, #tpu.memory_space<vmem>> -> memref<1x128xi32, #tpu.memory_space<vmem>>
        %dma_wait3A_426 = tpu.memref_squeeze %dma_wait3A_425 : memref<1x128xi32, #tpu.memory_space<vmem>> -> memref<128xi32, #tpu.memory_space<vmem>>
        %dma_wait3A_427 = arith.constant 0 : i32
        %dma_wait3A_428 = arith.constant 0 : i32
        %dma_wait3A_429 = tpu.memref_slice %arg2[%dma_wait3A_427, %dma_wait3A_428] : memref<10000x128xf32, #tpu.memory_space<hbm>> -> memref<10000x128xf32, #tpu.memory_space<hbm>>
        tpu.wait_indirect_dma semaphore(%arg15 : memref<!tpu.dma_semaphore, #tpu.memory_space<semaphore_mem>>) src(%dma_wait3A_429 : memref<10000x128xf32, #tpu.memory_space<hbm>>) dst(%arg12 : memref<128x128xf32, #tpu.memory_space<vmem>>)
        %dma_start3A_430 = arith.constant 4 : i32
        %dma_start3A_431 = arith.constant 0 : i32
        %dma_start3A_432 = tpu.memref_slice %arg9[%dma_start3A_430, %dma_start3A_431] : memref<8x128xi32, #tpu.memory_space<vmem>> -> memref<1x128xi32, #tpu.memory_space<vmem>>
        %dma_start3A_433 = tpu.memref_squeeze %dma_start3A_432 : memref<1x128xi32, #tpu.memory_space<vmem>> -> memref<128xi32, #tpu.memory_space<vmem>>
        %dma_start3A_434 = arith.constant 0 : i32
        %dma_start3A_435 = arith.constant 0 : i32
        %dma_start3A_436 = tpu.memref_slice %arg14[%dma_start3A_434, %dma_start3A_435] : memref<10240x128xf32, #tpu.memory_space<vmem_shared>> -> memref<10240x128xf32, #tpu.memory_space<vmem_shared>>
        tpu.enqueue_indirect_dma source(%arg12 : memref<128x128xf32, #tpu.memory_space<vmem>>) target(%dma_start3A_436 : memref<10240x128xf32, #tpu.memory_space<vmem_shared>>) offsets(%dma_start3A_433 : memref<128xi32, #tpu.memory_space<vmem>>) semaphore(%arg16 : memref<!tpu.dma_semaphore, #tpu.memory_space<semaphore_mem>>) {add = true}
        %dma_wait3A_437 = arith.constant 5 : i32
        %dma_wait3A_438 = arith.constant 0 : i32
        %dma_wait3A_439 = tpu.memref_slice %arg8[%dma_wait3A_437, %dma_wait3A_438] : memref<8x128xi32, #tpu.memory_space<vmem>> -> memref<1x128xi32, #tpu.memory_space<vmem>>
        %dma_wait3A_440 = tpu.memref_squeeze %dma_wait3A_439 : memref<1x128xi32, #tpu.memory_space<vmem>> -> memref<128xi32, #tpu.memory_space<vmem>>
        %dma_wait3A_441 = arith.constant 0 : i32
        %dma_wait3A_442 = arith.constant 0 : i32
        %dma_wait3A_443 = tpu.memref_slice %arg2[%dma_wait3A_441, %dma_wait3A_442] : memref<10000x128xf32, #tpu.memory_space<hbm>> -> memref<10000x128xf32, #tpu.memory_space<hbm>>
        tpu.wait_indirect_dma semaphore(%arg15 : memref<!tpu.dma_semaphore, #tpu.memory_space<semaphore_mem>>) src(%dma_wait3A_443 : memref<10000x128xf32, #tpu.memory_space<hbm>>) dst(%arg13 : memref<128x128xf32, #tpu.memory_space<vmem>>)
        %dma_wait3A_444 = arith.constant 4 : i32
        %dma_wait3A_445 = arith.constant 0 : i32
        %dma_wait3A_446 = tpu.memref_slice %arg9[%dma_wait3A_444, %dma_wait3A_445] : memref<8x128xi32, #tpu.memory_space<vmem>> -> memref<1x128xi32, #tpu.memory_space<vmem>>
        %dma_wait3A_447 = tpu.memref_squeeze %dma_wait3A_446 : memref<1x128xi32, #tpu.memory_space<vmem>> -> memref<128xi32, #tpu.memory_space<vmem>>
        %dma_wait3A_448 = arith.constant 0 : i32
        %dma_wait3A_449 = arith.constant 0 : i32
        %dma_wait3A_450 = tpu.memref_slice %arg14[%dma_wait3A_448, %dma_wait3A_449] : memref<10240x128xf32, #tpu.memory_space<vmem_shared>> -> memref<10240x128xf32, #tpu.memory_space<vmem_shared>>
        tpu.wait_indirect_dma semaphore(%arg16 : memref<!tpu.dma_semaphore, #tpu.memory_space<semaphore_mem>>) src(%arg12 : memref<128x128xf32, #tpu.memory_space<vmem>>) dst(%dma_wait3A_450 : memref<10240x128xf32, #tpu.memory_space<vmem_shared>>)
        %dma_start3A_451 = arith.constant 6 : i32
        %dma_start3A_452 = arith.constant 0 : i32
        %dma_start3A_453 = tpu.memref_slice %arg8[%dma_start3A_451, %dma_start3A_452] : memref<8x128xi32, #tpu.memory_space<vmem>> -> memref<1x128xi32, #tpu.memory_space<vmem>>
        %dma_start3A_454 = tpu.memref_squeeze %dma_start3A_453 : memref<1x128xi32, #tpu.memory_space<vmem>> -> memref<128xi32, #tpu.memory_space<vmem>>
        %dma_start3A_455 = arith.constant 0 : i32
        %dma_start3A_456 = arith.constant 0 : i32
        %dma_start3A_457 = tpu.memref_slice %arg2[%dma_start3A_455, %dma_start3A_456] : memref<10000x128xf32, #tpu.memory_space<hbm>> -> memref<10000x128xf32, #tpu.memory_space<hbm>>
        tpu.enqueue_indirect_dma source(%dma_start3A_457 : memref<10000x128xf32, #tpu.memory_space<hbm>>) target(%arg12 : memref<128x128xf32, #tpu.memory_space<vmem>>) offsets(%dma_start3A_454 : memref<128xi32, #tpu.memory_space<vmem>>) semaphore(%arg15 : memref<!tpu.dma_semaphore, #tpu.memory_space<semaphore_mem>>)
        %dma_start3A_458 = arith.constant 5 : i32
        %dma_start3A_459 = arith.constant 0 : i32
        %dma_start3A_460 = tpu.memref_slice %arg9[%dma_start3A_458, %dma_start3A_459] : memref<8x128xi32, #tpu.memory_space<vmem>> -> memref<1x128xi32, #tpu.memory_space<vmem>>
        %dma_start3A_461 = tpu.memref_squeeze %dma_start3A_460 : memref<1x128xi32, #tpu.memory_space<vmem>> -> memref<128xi32, #tpu.memory_space<vmem>>
        %dma_start3A_462 = arith.constant 0 : i32
        %dma_start3A_463 = arith.constant 0 : i32
        %dma_start3A_464 = tpu.memref_slice %arg14[%dma_start3A_462, %dma_start3A_463] : memref<10240x128xf32, #tpu.memory_space<vmem_shared>> -> memref<10240x128xf32, #tpu.memory_space<vmem_shared>>
        tpu.enqueue_indirect_dma source(%arg13 : memref<128x128xf32, #tpu.memory_space<vmem>>) target(%dma_start3A_464 : memref<10240x128xf32, #tpu.memory_space<vmem_shared>>) offsets(%dma_start3A_461 : memref<128xi32, #tpu.memory_space<vmem>>) semaphore(%arg16 : memref<!tpu.dma_semaphore, #tpu.memory_space<semaphore_mem>>) {add = true}
        %dma_wait3A_465 = arith.constant 5 : i32
        %dma_wait3A_466 = arith.constant 0 : i32
        %dma_wait3A_467 = tpu.memref_slice %arg9[%dma_wait3A_465, %dma_wait3A_466] : memref<8x128xi32, #tpu.memory_space<vmem>> -> memref<1x128xi32, #tpu.memory_space<vmem>>
        %dma_wait3A_468 = tpu.memref_squeeze %dma_wait3A_467 : memref<1x128xi32, #tpu.memory_space<vmem>> -> memref<128xi32, #tpu.memory_space<vmem>>
        %dma_wait3A_469 = arith.constant 0 : i32
        %dma_wait3A_470 = arith.constant 0 : i32
        %dma_wait3A_471 = tpu.memref_slice %arg14[%dma_wait3A_469, %dma_wait3A_470] : memref<10240x128xf32, #tpu.memory_space<vmem_shared>> -> memref<10240x128xf32, #tpu.memory_space<vmem_shared>>
        tpu.wait_indirect_dma semaphore(%arg16 : memref<!tpu.dma_semaphore, #tpu.memory_space<semaphore_mem>>) src(%arg13 : memref<128x128xf32, #tpu.memory_space<vmem>>) dst(%dma_wait3A_471 : memref<10240x128xf32, #tpu.memory_space<vmem_shared>>)
        %dma_start3A_472 = arith.constant 7 : i32
        %dma_start3A_473 = arith.constant 0 : i32
        %dma_start3A_474 = tpu.memref_slice %arg8[%dma_start3A_472, %dma_start3A_473] : memref<8x128xi32, #tpu.memory_space<vmem>> -> memref<1x128xi32, #tpu.memory_space<vmem>>
        %dma_start3A_475 = tpu.memref_squeeze %dma_start3A_474 : memref<1x128xi32, #tpu.memory_space<vmem>> -> memref<128xi32, #tpu.memory_space<vmem>>
        %dma_start3A_476 = arith.constant 0 : i32
        %dma_start3A_477 = arith.constant 0 : i32
        %dma_start3A_478 = tpu.memref_slice %arg2[%dma_start3A_476, %dma_start3A_477] : memref<10000x128xf32, #tpu.memory_space<hbm>> -> memref<10000x128xf32, #tpu.memory_space<hbm>>
        tpu.enqueue_indirect_dma source(%dma_start3A_478 : memref<10000x128xf32, #tpu.memory_space<hbm>>) target(%arg13 : memref<128x128xf32, #tpu.memory_space<vmem>>) offsets(%dma_start3A_475 : memref<128xi32, #tpu.memory_space<vmem>>) semaphore(%arg15 : memref<!tpu.dma_semaphore, #tpu.memory_space<semaphore_mem>>)
        %dma_wait3A_479 = arith.constant 6 : i32
        %dma_wait3A_480 = arith.constant 0 : i32
        %dma_wait3A_481 = tpu.memref_slice %arg8[%dma_wait3A_479, %dma_wait3A_480] : memref<8x128xi32, #tpu.memory_space<vmem>> -> memref<1x128xi32, #tpu.memory_space<vmem>>
        %dma_wait3A_482 = tpu.memref_squeeze %dma_wait3A_481 : memref<1x128xi32, #tpu.memory_space<vmem>> -> memref<128xi32, #tpu.memory_space<vmem>>
        %dma_wait3A_483 = arith.constant 0 : i32
        %dma_wait3A_484 = arith.constant 0 : i32
        %dma_wait3A_485 = tpu.memref_slice %arg2[%dma_wait3A_483, %dma_wait3A_484] : memref<10000x128xf32, #tpu.memory_space<hbm>> -> memref<10000x128xf32, #tpu.memory_space<hbm>>
        tpu.wait_indirect_dma semaphore(%arg15 : memref<!tpu.dma_semaphore, #tpu.memory_space<semaphore_mem>>) src(%dma_wait3A_485 : memref<10000x128xf32, #tpu.memory_space<hbm>>) dst(%arg12 : memref<128x128xf32, #tpu.memory_space<vmem>>)
        %dma_start3A_486 = arith.constant 6 : i32
        %dma_start3A_487 = arith.constant 0 : i32
        %dma_start3A_488 = tpu.memref_slice %arg9[%dma_start3A_486, %dma_start3A_487] : memref<8x128xi32, #tpu.memory_space<vmem>> -> memref<1x128xi32, #tpu.memory_space<vmem>>
        %dma_start3A_489 = tpu.memref_squeeze %dma_start3A_488 : memref<1x128xi32, #tpu.memory_space<vmem>> -> memref<128xi32, #tpu.memory_space<vmem>>
        %dma_start3A_490 = arith.constant 0 : i32
        %dma_start3A_491 = arith.constant 0 : i32
        %dma_start3A_492 = tpu.memref_slice %arg14[%dma_start3A_490, %dma_start3A_491] : memref<10240x128xf32, #tpu.memory_space<vmem_shared>> -> memref<10240x128xf32, #tpu.memory_space<vmem_shared>>
        tpu.enqueue_indirect_dma source(%arg12 : memref<128x128xf32, #tpu.memory_space<vmem>>) target(%dma_start3A_492 : memref<10240x128xf32, #tpu.memory_space<vmem_shared>>) offsets(%dma_start3A_489 : memref<128xi32, #tpu.memory_space<vmem>>) semaphore(%arg16 : memref<!tpu.dma_semaphore, #tpu.memory_space<semaphore_mem>>) {add = true}
        %dma_wait3A_493 = arith.constant 7 : i32
        %dma_wait3A_494 = arith.constant 0 : i32
        %dma_wait3A_495 = tpu.memref_slice %arg8[%dma_wait3A_493, %dma_wait3A_494] : memref<8x128xi32, #tpu.memory_space<vmem>> -> memref<1x128xi32, #tpu.memory_space<vmem>>
        %dma_wait3A_496 = tpu.memref_squeeze %dma_wait3A_495 : memref<1x128xi32, #tpu.memory_space<vmem>> -> memref<128xi32, #tpu.memory_space<vmem>>
        %dma_wait3A_497 = arith.constant 0 : i32
        %dma_wait3A_498 = arith.constant 0 : i32
        %dma_wait3A_499 = tpu.memref_slice %arg2[%dma_wait3A_497, %dma_wait3A_498] : memref<10000x128xf32, #tpu.memory_space<hbm>> -> memref<10000x128xf32, #tpu.memory_space<hbm>>
        tpu.wait_indirect_dma semaphore(%arg15 : memref<!tpu.dma_semaphore, #tpu.memory_space<semaphore_mem>>) src(%dma_wait3A_499 : memref<10000x128xf32, #tpu.memory_space<hbm>>) dst(%arg13 : memref<128x128xf32, #tpu.memory_space<vmem>>)
        %dma_wait3A_500 = arith.constant 6 : i32
        %dma_wait3A_501 = arith.constant 0 : i32
        %dma_wait3A_502 = tpu.memref_slice %arg9[%dma_wait3A_500, %dma_wait3A_501] : memref<8x128xi32, #tpu.memory_space<vmem>> -> memref<1x128xi32, #tpu.memory_space<vmem>>
        %dma_wait3A_503 = tpu.memref_squeeze %dma_wait3A_502 : memref<1x128xi32, #tpu.memory_space<vmem>> -> memref<128xi32, #tpu.memory_space<vmem>>
        %dma_wait3A_504 = arith.constant 0 : i32
        %dma_wait3A_505 = arith.constant 0 : i32
        %dma_wait3A_506 = tpu.memref_slice %arg14[%dma_wait3A_504, %dma_wait3A_505] : memref<10240x128xf32, #tpu.memory_space<vmem_shared>> -> memref<10240x128xf32, #tpu.memory_space<vmem_shared>>
        tpu.wait_indirect_dma semaphore(%arg16 : memref<!tpu.dma_semaphore, #tpu.memory_space<semaphore_mem>>) src(%arg12 : memref<128x128xf32, #tpu.memory_space<vmem>>) dst(%dma_wait3A_506 : memref<10240x128xf32, #tpu.memory_space<vmem_shared>>)
        %add3A_507 = arith.constant 1 : i32
        %add3A_508 = arith.addi %add3A_296, %add3A_507 : i32
        %lt3A_509 = arith.constant 18 : i32
        %lt3A_510 = arith.cmpi slt, %add3A_508, %lt3A_509 : i32
        %convert_element_type3A_511 = arith.extui %lt3A_510 : i1 to i32
        %cond3A_512 = arith.constant 0 : i32
        %cond3A_513 = arith.cmpi ne, %convert_element_type3A_511, %cond3A_512 : i32
        scf.if %cond3A_513 {
          %add3A_528 = arith.constant 1 : i32
          %add3A_529 = arith.addi %add3A_296, %add3A_528 : i32
          %mul3A_530 = arith.constant 8 : i32
          %mul3A_531 = arith.muli %add3A_529, %mul3A_530 : i32
          %add3A_532 = arith.addi %mul3A_22, %mul3A_531 : i32
          %dma_wait3A_533 = arith.constant 0 : i32
          %dma_wait3A_534 = tpu.memref_slice %arg3[%add3A_532, %dma_wait3A_533] : memref<2528x128xi32, #tpu.memory_space<hbm>> -> memref<8x128xi32, #tpu.memory_space<hbm>>
          %dma_wait3A_535 = arith.constant 0 : i32
          %dma_wait3A_536 = tpu.memref_slice %arg3[%add3A_532, %dma_wait3A_535] : memref<2528x128xi32, #tpu.memory_space<hbm>> -> memref<8x128xi32, #tpu.memory_space<hbm>>
          tpu.wait_dma2 semaphore(%arg17 : memref<!tpu.dma_semaphore, #tpu.memory_space<semaphore_mem>>) src(%dma_wait3A_536 : memref<8x128xi32, #tpu.memory_space<hbm>>) dst(%arg6 : memref<8x128xi32, #tpu.memory_space<vmem>>)
          %mul3A_537 = arith.constant 8 : i32
          %mul3A_538 = arith.muli %add3A_529, %mul3A_537 : i32
          %add3A_539 = arith.addi %mul3A_22, %mul3A_538 : i32
          %dma_wait3A_540 = arith.constant 0 : i32
          %dma_wait3A_541 = tpu.memref_slice %arg4[%add3A_539, %dma_wait3A_540] : memref<2528x128xi32, #tpu.memory_space<hbm>> -> memref<8x128xi32, #tpu.memory_space<hbm>>
          %dma_wait3A_542 = arith.constant 0 : i32
          %dma_wait3A_543 = tpu.memref_slice %arg4[%add3A_539, %dma_wait3A_542] : memref<2528x128xi32, #tpu.memory_space<hbm>> -> memref<8x128xi32, #tpu.memory_space<hbm>>
          tpu.wait_dma2 semaphore(%arg17 : memref<!tpu.dma_semaphore, #tpu.memory_space<semaphore_mem>>) src(%dma_wait3A_543 : memref<8x128xi32, #tpu.memory_space<hbm>>) dst(%arg7 : memref<8x128xi32, #tpu.memory_space<vmem>>)
          %dma_start3A_544 = arith.constant 0 : i32
          %dma_start3A_545 = arith.constant 0 : i32
          %dma_start3A_546 = tpu.memref_slice %arg6[%dma_start3A_544, %dma_start3A_545] : memref<8x128xi32, #tpu.memory_space<vmem>> -> memref<1x128xi32, #tpu.memory_space<vmem>>
          %dma_start3A_547 = tpu.memref_squeeze %dma_start3A_546 : memref<1x128xi32, #tpu.memory_space<vmem>> -> memref<128xi32, #tpu.memory_space<vmem>>
          %dma_start3A_548 = arith.constant 0 : i32
          %dma_start3A_549 = arith.constant 0 : i32
          %dma_start3A_550 = tpu.memref_slice %arg2[%dma_start3A_548, %dma_start3A_549] : memref<10000x128xf32, #tpu.memory_space<hbm>> -> memref<10000x128xf32, #tpu.memory_space<hbm>>
          tpu.enqueue_indirect_dma source(%dma_start3A_550 : memref<10000x128xf32, #tpu.memory_space<hbm>>) target(%arg12 : memref<128x128xf32, #tpu.memory_space<vmem>>) offsets(%dma_start3A_547 : memref<128xi32, #tpu.memory_space<vmem>>) semaphore(%arg15 : memref<!tpu.dma_semaphore, #tpu.memory_space<semaphore_mem>>)
        } else {
        }
        %dma_start3A_514 = arith.constant 7 : i32
        %dma_start3A_515 = arith.constant 0 : i32
        %dma_start3A_516 = tpu.memref_slice %arg9[%dma_start3A_514, %dma_start3A_515] : memref<8x128xi32, #tpu.memory_space<vmem>> -> memref<1x128xi32, #tpu.memory_space<vmem>>
        %dma_start3A_517 = tpu.memref_squeeze %dma_start3A_516 : memref<1x128xi32, #tpu.memory_space<vmem>> -> memref<128xi32, #tpu.memory_space<vmem>>
        %dma_start3A_518 = arith.constant 0 : i32
        %dma_start3A_519 = arith.constant 0 : i32
        %dma_start3A_520 = tpu.memref_slice %arg14[%dma_start3A_518, %dma_start3A_519] : memref<10240x128xf32, #tpu.memory_space<vmem_shared>> -> memref<10240x128xf32, #tpu.memory_space<vmem_shared>>
        tpu.enqueue_indirect_dma source(%arg13 : memref<128x128xf32, #tpu.memory_space<vmem>>) target(%dma_start3A_520 : memref<10240x128xf32, #tpu.memory_space<vmem_shared>>) offsets(%dma_start3A_517 : memref<128xi32, #tpu.memory_space<vmem>>) semaphore(%arg16 : memref<!tpu.dma_semaphore, #tpu.memory_space<semaphore_mem>>) {add = true}
        %dma_wait3A_521 = arith.constant 7 : i32
        %dma_wait3A_522 = arith.constant 0 : i32
        %dma_wait3A_523 = tpu.memref_slice %arg9[%dma_wait3A_521, %dma_wait3A_522] : memref<8x128xi32, #tpu.memory_space<vmem>> -> memref<1x128xi32, #tpu.memory_space<vmem>>
        %dma_wait3A_524 = tpu.memref_squeeze %dma_wait3A_523 : memref<1x128xi32, #tpu.memory_space<vmem>> -> memref<128xi32, #tpu.memory_space<vmem>>
        %dma_wait3A_525 = arith.constant 0 : i32
        %dma_wait3A_526 = arith.constant 0 : i32
        %dma_wait3A_527 = tpu.memref_slice %arg14[%dma_wait3A_525, %dma_wait3A_526] : memref<10240x128xf32, #tpu.memory_space<vmem_shared>> -> memref<10240x128xf32, #tpu.memory_space<vmem_shared>>
        tpu.wait_indirect_dma semaphore(%arg16 : memref<!tpu.dma_semaphore, #tpu.memory_space<semaphore_mem>>) src(%arg13 : memref<128x128xf32, #tpu.memory_space<vmem>>) dst(%dma_wait3A_527 : memref<10240x128xf32, #tpu.memory_space<vmem_shared>>)
      }
      %scan3A_55 = arith.constant 9 : i32
    } else {
    }
    %eq3A_12 = arith.constant 1 : i32
    %eq3A_13 = arith.cmpi eq, %arg0, %eq3A_12 : i32
    %convert_element_type3A_14 = arith.extui %eq3A_13 : i1 to i32
    %cond3A_15 = arith.constant 0 : i32
    %cond3A_16 = arith.cmpi ne, %convert_element_type3A_14, %cond3A_15 : i32
    scf.if %cond3A_16 {
      %mul3A_21 = arith.constant 14 : i32
      %mul3A_22 = arith.muli %arg1, %mul3A_21 : i32
      %add3A = arith.constant 2304 : i32
      %add3A_23 = arith.addi %add3A, %mul3A_22 : i32
      %scan3A_24 = arith.constant 0 : i32
      %scan3A_25 = arith.constant 14 : i32
      %scan3A_26 = arith.addi %scan3A_24, %scan3A_25 : i32
      %scan3A_27 = arith.constant 1 : i32
      scf.for %scan3A_29 = %scan3A_24 to %scan3A_26 step %scan3A_27  : i32 {
        %mul3A_30 = arith.constant 1 : i32
        %mul3A_31 = arith.muli %scan3A_29, %mul3A_30 : i32
        %add3A_32 = arith.constant 0 : i32
        %add3A_33 = arith.addi %add3A_32, %mul3A_31 : i32
        %add3A_34 = arith.addi %add3A_23, %add3A_33 : i32
        "tpu.region"() ({
          %run_scoped3A = tpu.sem_alloc : memref<!tpu.dma_semaphore, #tpu.memory_space<semaphore_mem>>
          %dma_start3A_39 = arith.constant 0 : i32
          %dma_start3A_40 = tpu.memref_slice %arg3[%add3A_34, %dma_start3A_39] : memref<2528x128xi32, #tpu.memory_space<hbm>> -> memref<1x128xi32, #tpu.memory_space<hbm>>
          %dma_start3A_41 = tpu.memref_squeeze %dma_start3A_40 : memref<1x128xi32, #tpu.memory_space<hbm>> -> memref<128xi32, #tpu.memory_space<hbm>>
          %dma_start3A_42 = arith.constant 0 : i32
          %dma_start3A_43 = tpu.memref_slice %arg3[%add3A_34, %dma_start3A_42] : memref<2528x128xi32, #tpu.memory_space<hbm>> -> memref<1x128xi32, #tpu.memory_space<hbm>>
          %dma_start3A_44 = tpu.memref_squeeze %dma_start3A_43 : memref<1x128xi32, #tpu.memory_space<hbm>> -> memref<128xi32, #tpu.memory_space<hbm>>
          tpu.enqueue_dma source(%dma_start3A_44 : memref<128xi32, #tpu.memory_space<hbm>>) target(%arg10 : memref<128xi32, #tpu.memory_space<vmem>>) target_semaphore(%run_scoped3A : memref<!tpu.dma_semaphore, #tpu.memory_space<semaphore_mem>>)
          %dma_wait3A_45 = arith.constant 0 : i32
          %dma_wait3A_46 = tpu.memref_slice %arg3[%add3A_34, %dma_wait3A_45] : memref<2528x128xi32, #tpu.memory_space<hbm>> -> memref<1x128xi32, #tpu.memory_space<hbm>>
          %dma_wait3A_47 = tpu.memref_squeeze %dma_wait3A_46 : memref<1x128xi32, #tpu.memory_space<hbm>> -> memref<128xi32, #tpu.memory_space<hbm>>
          %dma_wait3A_48 = arith.constant 0 : i32
          %dma_wait3A_49 = tpu.memref_slice %arg3[%add3A_34, %dma_wait3A_48] : memref<2528x128xi32, #tpu.memory_space<hbm>> -> memref<1x128xi32, #tpu.memory_space<hbm>>
          %dma_wait3A_50 = tpu.memref_squeeze %dma_wait3A_49 : memref<1x128xi32, #tpu.memory_space<hbm>> -> memref<128xi32, #tpu.memory_space<hbm>>
          tpu.wait_dma2 semaphore(%run_scoped3A : memref<!tpu.dma_semaphore, #tpu.memory_space<semaphore_mem>>) src(%dma_wait3A_50 : memref<128xi32, #tpu.memory_space<hbm>>) dst(%arg10 : memref<128xi32, #tpu.memory_space<vmem>>)
          tpu.yield
        }) : () -> ()
        "tpu.region"() ({
          %run_scoped3A = tpu.sem_alloc : memref<!tpu.dma_semaphore, #tpu.memory_space<semaphore_mem>>
          %dma_start3A_39 = arith.constant 0 : i32
          %dma_start3A_40 = tpu.memref_slice %arg4[%add3A_34, %dma_start3A_39] : memref<2528x128xi32, #tpu.memory_space<hbm>> -> memref<1x128xi32, #tpu.memory_space<hbm>>
          %dma_start3A_41 = tpu.memref_squeeze %dma_start3A_40 : memref<1x128xi32, #tpu.memory_space<hbm>> -> memref<128xi32, #tpu.memory_space<hbm>>
          %dma_start3A_42 = arith.constant 0 : i32
          %dma_start3A_43 = tpu.memref_slice %arg4[%add3A_34, %dma_start3A_42] : memref<2528x128xi32, #tpu.memory_space<hbm>> -> memref<1x128xi32, #tpu.memory_space<hbm>>
          %dma_start3A_44 = tpu.memref_squeeze %dma_start3A_43 : memref<1x128xi32, #tpu.memory_space<hbm>> -> memref<128xi32, #tpu.memory_space<hbm>>
          tpu.enqueue_dma source(%dma_start3A_44 : memref<128xi32, #tpu.memory_space<hbm>>) target(%arg11 : memref<128xi32, #tpu.memory_space<vmem>>) target_semaphore(%run_scoped3A : memref<!tpu.dma_semaphore, #tpu.memory_space<semaphore_mem>>)
          %dma_wait3A_45 = arith.constant 0 : i32
          %dma_wait3A_46 = tpu.memref_slice %arg4[%add3A_34, %dma_wait3A_45] : memref<2528x128xi32, #tpu.memory_space<hbm>> -> memref<1x128xi32, #tpu.memory_space<hbm>>
          %dma_wait3A_47 = tpu.memref_squeeze %dma_wait3A_46 : memref<1x128xi32, #tpu.memory_space<hbm>> -> memref<128xi32, #tpu.memory_space<hbm>>
          %dma_wait3A_48 = arith.constant 0 : i32
          %dma_wait3A_49 = tpu.memref_slice %arg4[%add3A_34, %dma_wait3A_48] : memref<2528x128xi32, #tpu.memory_space<hbm>> -> memref<1x128xi32, #tpu.memory_space<hbm>>
          %dma_wait3A_50 = tpu.memref_squeeze %dma_wait3A_49 : memref<1x128xi32, #tpu.memory_space<hbm>> -> memref<128xi32, #tpu.memory_space<hbm>>
          tpu.wait_dma2 semaphore(%run_scoped3A : memref<!tpu.dma_semaphore, #tpu.memory_space<semaphore_mem>>) src(%dma_wait3A_50 : memref<128xi32, #tpu.memory_space<hbm>>) dst(%arg11 : memref<128xi32, #tpu.memory_space<vmem>>)
          tpu.yield
        }) : () -> ()
        %dma_start3A = arith.constant 0 : i32
        %dma_start3A_35 = arith.constant 0 : i32
        %dma_start3A_36 = tpu.memref_slice %arg2[%dma_start3A, %dma_start3A_35] : memref<10000x128xf32, #tpu.memory_space<hbm>> -> memref<10000x128xf32, #tpu.memory_space<hbm>>
        tpu.enqueue_indirect_dma source(%dma_start3A_36 : memref<10000x128xf32, #tpu.memory_space<hbm>>) target(%arg12 : memref<128x128xf32, #tpu.memory_space<vmem>>) offsets(%arg10 : memref<128xi32, #tpu.memory_space<vmem>>) semaphore(%arg15 : memref<!tpu.dma_semaphore, #tpu.memory_space<semaphore_mem>>)
        %dma_wait3A = arith.constant 0 : i32
        %dma_wait3A_37 = arith.constant 0 : i32
        %dma_wait3A_38 = tpu.memref_slice %arg2[%dma_wait3A, %dma_wait3A_37] : memref<10000x128xf32, #tpu.memory_space<hbm>> -> memref<10000x128xf32, #tpu.memory_space<hbm>>
        tpu.wait_indirect_dma semaphore(%arg15 : memref<!tpu.dma_semaphore, #tpu.memory_space<semaphore_mem>>) src(%dma_wait3A_38 : memref<10000x128xf32, #tpu.memory_space<hbm>>) dst(%arg12 : memref<128x128xf32, #tpu.memory_space<vmem>>)
        "tpu.region"() ({
          %run_scoped3A = tpu.sem_alloc : memref<!tpu.dma_semaphore, #tpu.memory_space<semaphore_mem>>
          %dma_start3A_39 = arith.constant 0 : i32
          %dma_start3A_40 = arith.constant 0 : i32
          %dma_start3A_41 = tpu.memref_slice %arg14[%dma_start3A_39, %dma_start3A_40] : memref<10240x128xf32, #tpu.memory_space<vmem_shared>> -> memref<10240x128xf32, #tpu.memory_space<vmem_shared>>
          tpu.enqueue_indirect_dma source(%arg12 : memref<128x128xf32, #tpu.memory_space<vmem>>) target(%dma_start3A_41 : memref<10240x128xf32, #tpu.memory_space<vmem_shared>>) offsets(%arg11 : memref<128xi32, #tpu.memory_space<vmem>>) semaphore(%run_scoped3A : memref<!tpu.dma_semaphore, #tpu.memory_space<semaphore_mem>>) {add = true}
          %dma_wait3A_42 = arith.constant 0 : i32
          %dma_wait3A_43 = arith.constant 0 : i32
          %dma_wait3A_44 = tpu.memref_slice %arg14[%dma_wait3A_42, %dma_wait3A_43] : memref<10240x128xf32, #tpu.memory_space<vmem_shared>> -> memref<10240x128xf32, #tpu.memory_space<vmem_shared>>
          tpu.wait_indirect_dma semaphore(%run_scoped3A : memref<!tpu.dma_semaphore, #tpu.memory_space<semaphore_mem>>) src(%arg12 : memref<128x128xf32, #tpu.memory_space<vmem>>) dst(%dma_wait3A_44 : memref<10240x128xf32, #tpu.memory_space<vmem_shared>>)
          tpu.yield
        }) : () -> ()
      }
      %scan3A_28 = arith.constant 14 : i32
    } else {
    }
    %barrier3A_17 = arith.constant 0 : index
    tpu.barrier barrier_id(%barrier3A_17)
    %mul3A = arith.constant 640 : i32
    %mul3A_18 = arith.muli %arg1, %mul3A : i32
    %mul3A_19 = arith.constant 640 : i32
    %mul3A_20 = arith.muli %arg1, %mul3A_19 : i32
    "tpu.region"() ({
      %run_scoped3A = tpu.sem_alloc : memref<!tpu.dma_semaphore, #tpu.memory_space<semaphore_mem>>
      %dma_start3A = arith.constant 0 : i32
      %dma_start3A_21 = tpu.memref_slice %arg5[%arg0, %mul3A_20, %dma_start3A] : memref<2x10240x128xf32, #tpu.memory_space<hbm>> -> memref<1x640x128xf32, #tpu.memory_space<hbm>>
      %dma_start3A_22 = tpu.memref_squeeze %dma_start3A_21 : memref<1x640x128xf32, #tpu.memory_space<hbm>> -> memref<640x128xf32, #tpu.memory_space<hbm>>
      %dma_start3A_23 = arith.constant 0 : i32
      %dma_start3A_24 = tpu.memref_slice %arg14[%mul3A_18, %dma_start3A_23] : memref<10240x128xf32, #tpu.memory_space<vmem_shared>> -> memref<640x128xf32, #tpu.memory_space<vmem_shared>>
      tpu.enqueue_dma source(%dma_start3A_24 : memref<640x128xf32, #tpu.memory_space<vmem_shared>>) target(%dma_start3A_22 : memref<640x128xf32, #tpu.memory_space<hbm>>) target_semaphore(%run_scoped3A : memref<!tpu.dma_semaphore, #tpu.memory_space<semaphore_mem>>)
      %dma_wait3A = arith.constant 0 : i32
      %dma_wait3A_25 = tpu.memref_slice %arg5[%arg0, %mul3A_20, %dma_wait3A] : memref<2x10240x128xf32, #tpu.memory_space<hbm>> -> memref<1x640x128xf32, #tpu.memory_space<hbm>>
      %dma_wait3A_26 = tpu.memref_squeeze %dma_wait3A_25 : memref<1x640x128xf32, #tpu.memory_space<hbm>> -> memref<640x128xf32, #tpu.memory_space<hbm>>
      %dma_wait3A_27 = arith.constant 0 : i32
      %dma_wait3A_28 = tpu.memref_slice %arg14[%mul3A_18, %dma_wait3A_27] : memref<10240x128xf32, #tpu.memory_space<vmem_shared>> -> memref<640x128xf32, #tpu.memory_space<vmem_shared>>
      tpu.wait_dma2 semaphore(%run_scoped3A : memref<!tpu.dma_semaphore, #tpu.memory_space<semaphore_mem>>) src(%dma_wait3A_28 : memref<640x128xf32, #tpu.memory_space<vmem_shared>>) dst(%dma_wait3A_26 : memref<640x128xf32, #tpu.memory_space<hbm>>)
      tpu.yield
    }) : () -> ()
    return
  }
}

#map = affine_map<(d0, d1) -> (0, 0)>
#map1 = affine_map<(d0, d1) -> (0, 0, 0)>
module attributes {stable_mosaic.version = 14 : i64} {
  func.func @k(%arg0: i32, %arg1: i32, %arg2: memref<10000x128xf32, #tpu.memory_space<hbm>>, %arg3: memref<2528x128xi32, #tpu.memory_space<hbm>>, %arg4: memref<2528x128xi32, #tpu.memory_space<hbm>>, %arg5: memref<2x10240x128xf32, #tpu.memory_space<hbm>>, %arg6: memref<8x128xi32, #tpu.memory_space<vmem>>, %arg7: memref<8x128xi32, #tpu.memory_space<vmem>>, %arg8: memref<8x128xi32, #tpu.memory_space<vmem>>, %arg9: memref<8x128xi32, #tpu.memory_space<vmem>>, %arg10: memref<128xi32, #tpu.memory_space<vmem>>, %arg11: memref<128xi32, #tpu.memory_space<vmem>>, %arg12: memref<128x128xf32, #tpu.memory_space<vmem>>, %arg13: memref<128x128xf32, #tpu.memory_space<vmem>>, %arg14: memref<10240x128xf32, #tpu.memory_space<vmem_shared>>, %arg15: memref<!tpu.dma_semaphore, #tpu.memory_space<semaphore_mem>>, %arg16: memref<!tpu.dma_semaphore, #tpu.memory_space<semaphore_mem>>, %arg17: memref<!tpu.dma_semaphore, #tpu.memory_space<semaphore_mem>>) attributes {dimension_semantics = [#tpu.dimension_semantics<core_parallel>, #tpu.dimension_semantics<subcore_parallel>], iteration_bounds = array<i64: 2, 16>, scalar_prefetch = 0 : i64, scratch_operands = 12 : i64, tpu.core_type = #tpu.core_type<sc_vector_subcore>, window_params = [{transform_indices = #map}, {transform_indices = #map}, {transform_indices = #map}, {transform_indices = #map1}]} {
    %broadcast_in_dim3A = arith.constant 0.000000e+00 : f32
    %broadcast_in_dim3A_0 = vector.broadcast %broadcast_in_dim3A : f32 to vector<16xf32>
    %scan3A = arith.constant 0 : i32
    %scan3A_1 = arith.constant 128 : i32
    %scan3A_2 = arith.addi %scan3A, %scan3A_1 : i32
    %scan3A_3 = arith.constant 1 : i32
    scf.for %scan3A_21 = %scan3A to %scan3A_2 step %scan3A_3  : i32 {
      %mul3A_22 = arith.constant 1 : i32
      %mul3A_23 = arith.muli %scan3A_21, %mul3A_22 : i32
      %add3A = arith.constant 0 : i32
      %add3A_24 = arith.addi %add3A, %mul3A_23 : i32
      %scan3A_25 = arith.constant 0 : i32
      %scan3A_26 = arith.constant 8 : i32
      %scan3A_27 = arith.addi %scan3A_25, %scan3A_26 : i32
      %scan3A_28 = arith.constant 1 : i32
      scf.for %scan3A_30 = %scan3A_25 to %scan3A_27 step %scan3A_28  : i32 {
        %mul3A_31 = arith.constant 1 : i32
        %mul3A_32 = arith.muli %scan3A_30, %mul3A_31 : i32
        %add3A_33 = arith.constant 0 : i32
        %add3A_34 = arith.addi %add3A_33, %mul3A_32 : i32
        %mul3A_35 = arith.constant 16 : i32
        %mul3A_36 = arith.muli %add3A_34, %mul3A_35 : i32
        %swap3A = arith.index_cast %add3A_24 : i32 to index
        %swap3A_37 = arith.index_cast %mul3A_36 : i32 to index
        %swap3A_38 = tpu.vector_load %arg12[%swap3A, %swap3A_37] {strides = array<i32>} : memref<128x128xf32, #tpu.memory_space<vmem>>, vector<16xf32>,
        tpu.vector_store %arg12[%swap3A, %swap3A_37], %broadcast_in_dim3A_0 {strides = array<i32>} : memref<128x128xf32, #tpu.memory_space<vmem>>, vector<16xf32>,
      }
      %scan3A_29 = arith.constant 8 : i32
    }
    %scan3A_4 = arith.constant 128 : i32
    %scan3A_5 = arith.constant 0 : i32
    %scan3A_6 = arith.constant 5 : i32
    %scan3A_7 = arith.addi %scan3A_5, %scan3A_6 : i32
    %scan3A_8 = arith.constant 1 : i32
    scf.for %scan3A_21 = %scan3A_5 to %scan3A_7 step %scan3A_8  : i32 {
      %mul3A_22 = arith.constant 1 : i32
      %mul3A_23 = arith.muli %scan3A_21, %mul3A_22 : i32
      %add3A = arith.constant 0 : i32
      %add3A_24 = arith.addi %add3A, %mul3A_23 : i32
      %mul3A_25 = arith.constant 640 : i32
      %mul3A_26 = arith.muli %arg1, %mul3A_25 : i32
      %mul3A_27 = arith.constant 128 : i32
      %mul3A_28 = arith.muli %add3A_24, %mul3A_27 : i32
      %add3A_29 = arith.addi %mul3A_26, %mul3A_28 : i32
      "tpu.region"() ({
        %run_scoped3A = tpu.sem_alloc : memref<!tpu.dma_semaphore, #tpu.memory_space<semaphore_mem>>
        %dma_start3A = arith.constant 0 : i32
        %dma_start3A_30 = tpu.memref_slice %arg14[%add3A_29, %dma_start3A] : memref<10240x128xf32, #tpu.memory_space<vmem_shared>> -> memref<128x128xf32, #tpu.memory_space<vmem_shared>>
        %dma_start3A_31 = arith.constant 0 : i32
        %dma_start3A_32 = tpu.memref_slice %arg14[%add3A_29, %dma_start3A_31] : memref<10240x128xf32, #tpu.memory_space<vmem_shared>> -> memref<128x128xf32, #tpu.memory_space<vmem_shared>>
        tpu.enqueue_dma source(%arg12 : memref<128x128xf32, #tpu.memory_space<vmem>>) target(%dma_start3A_32 : memref<128x128xf32, #tpu.memory_space<vmem_shared>>) target_semaphore(%run_scoped3A : memref<!tpu.dma_semaphore, #tpu.memory_space<semaphore_mem>>)
        %dma_wait3A = arith.constant 0 : i32
        %dma_wait3A_33 = tpu.memref_slice %arg14[%add3A_29, %dma_wait3A] : memref<10240x128xf32, #tpu.memory_space<vmem_shared>> -> memref<128x128xf32, #tpu.memory_space<vmem_shared>>
        %dma_wait3A_34 = arith.constant 0 : i32
        %dma_wait3A_35 = tpu.memref_slice %arg14[%add3A_29, %dma_wait3A_34] : memref<10240x128xf32, #tpu.memory_space<vmem_shared>> -> memref<128x128xf32, #tpu.memory_space<vmem_shared>>
        tpu.wait_dma2 semaphore(%run_scoped3A : memref<!tpu.dma_semaphore, #tpu.memory_space<semaphore_mem>>) src(%arg12 : memref<128x128xf32, #tpu.memory_space<vmem>>) dst(%dma_wait3A_35 : memref<128x128xf32, #tpu.memory_space<vmem_shared>>)
        tpu.yield
      }) : () -> ()
    }
    %scan3A_9 = arith.constant 5 : i32
    %barrier3A = arith.constant 0 : index
    tpu.barrier barrier_id(%barrier3A)
    %eq3A = arith.constant 0 : i32
    %eq3A_10 = arith.cmpi eq, %arg0, %eq3A : i32
    %convert_element_type3A = arith.extui %eq3A_10 : i1 to i32
    %cond3A = arith.constant 0 : i32
    %cond3A_11 = arith.cmpi ne, %convert_element_type3A, %cond3A : i32
    scf.if %cond3A_11 {
      %mul3A_21 = arith.constant 144 : i32
      %mul3A_22 = arith.muli %arg1, %mul3A_21 : i32
      %add3A = arith.constant 0 : i32
      %add3A_23 = arith.addi %mul3A_22, %add3A : i32
      %dma_start3A = arith.constant 0 : i32
      %dma_start3A_24 = tpu.memref_slice %arg3[%add3A_23, %dma_start3A] : memref<2528x128xi32, #tpu.memory_space<hbm>> -> memref<8x128xi32, #tpu.memory_space<hbm>>
      %dma_start3A_25 = arith.constant 0 : i32
      %dma_start3A_26 = tpu.memref_slice %arg3[%add3A_23, %dma_start3A_25] : memref<2528x128xi32, #tpu.memory_space<hbm>> -> memref<8x128xi32, #tpu.memory_space<hbm>>
      tpu.enqueue_dma source(%dma_start3A_26 : memref<8x128xi32, #tpu.memory_space<hbm>>) target(%arg6 : memref<8x128xi32, #tpu.memory_space<vmem>>) target_semaphore(%arg17 : memref<!tpu.dma_semaphore, #tpu.memory_space<semaphore_mem>>)
      %add3A_27 = arith.constant 0 : i32
      %add3A_28 = arith.addi %mul3A_22, %add3A_27 : i32
      %dma_start3A_29 = arith.constant 0 : i32
      %dma_start3A_30 = tpu.memref_slice %arg4[%add3A_28, %dma_start3A_29] : memref<2528x128xi32, #tpu.memory_space<hbm>> -> memref<8x128xi32, #tpu.memory_space<hbm>>
      %dma_start3A_31 = arith.constant 0 : i32
      %dma_start3A_32 = tpu.memref_slice %arg4[%add3A_28, %dma_start3A_31] : memref<2528x128xi32, #tpu.memory_space<hbm>> -> memref<8x128xi32, #tpu.memory_space<hbm>>
      tpu.enqueue_dma source(%dma_start3A_32 : memref<8x128xi32, #tpu.memory_space<hbm>>) target(%arg7 : memref<8x128xi32, #tpu.memory_space<vmem>>) target_semaphore(%arg17 : memref<!tpu.dma_semaphore, #tpu.memory_space<semaphore_mem>>)
      %add3A_33 = arith.constant 0 : i32
      %add3A_34 = arith.addi %mul3A_22, %add3A_33 : i32
      %dma_wait3A = arith.constant 0 : i32
      %dma_wait3A_35 = tpu.memref_slice %arg3[%add3A_34, %dma_wait3A] : memref<2528x128xi32, #tpu.memory_space<hbm>> -> memref<8x128xi32, #tpu.memory_space<hbm>>
      %dma_wait3A_36 = arith.constant 0 : i32
      %dma_wait3A_37 = tpu.memref_slice %arg3[%add3A_34, %dma_wait3A_36] : memref<2528x128xi32, #tpu.memory_space<hbm>> -> memref<8x128xi32, #tpu.memory_space<hbm>>
      tpu.wait_dma2 semaphore(%arg17 : memref<!tpu.dma_semaphore, #tpu.memory_space<semaphore_mem>>) src(%dma_wait3A_37 : memref<8x128xi32, #tpu.memory_space<hbm>>) dst(%arg6 : memref<8x128xi32, #tpu.memory_space<vmem>>)
      %add3A_38 = arith.constant 0 : i32
      %add3A_39 = arith.addi %mul3A_22, %add3A_38 : i32
      %dma_wait3A_40 = arith.constant 0 : i32
      %dma_wait3A_41 = tpu.memref_slice %arg4[%add3A_39, %dma_wait3A_40] : memref<2528x128xi32, #tpu.memory_space<hbm>> -> memref<8x128xi32, #tpu.memory_space<hbm>>
      %dma_wait3A_42 = arith.constant 0 : i32
      %dma_wait3A_43 = tpu.memref_slice %arg4[%add3A_39, %dma_wait3A_42] : memref<2528x128xi32, #tpu.memory_space<hbm>> -> memref<8x128xi32, #tpu.memory_space<hbm>>
      tpu.wait_dma2 semaphore(%arg17 : memref<!tpu.dma_semaphore, #tpu.memory_space<semaphore_mem>>) src(%dma_wait3A_43 : memref<8x128xi32, #tpu.memory_space<hbm>>) dst(%arg7 : memref<8x128xi32, #tpu.memory_space<vmem>>)
      %dma_start3A_44 = arith.constant 0 : i32
      %dma_start3A_45 = arith.constant 0 : i32
      %dma_start3A_46 = tpu.memref_slice %arg6[%dma_start3A_44, %dma_start3A_45] : memref<8x128xi32, #tpu.memory_space<vmem>> -> memref<1x128xi32, #tpu.memory_space<vmem>>
      %dma_start3A_47 = tpu.memref_squeeze %dma_start3A_46 : memref<1x128xi32, #tpu.memory_space<vmem>> -> memref<128xi32, #tpu.memory_space<vmem>>
      %dma_start3A_48 = arith.constant 0 : i32
      %dma_start3A_49 = arith.constant 0 : i32
      %dma_start3A_50 = tpu.memref_slice %arg2[%dma_start3A_48, %dma_start3A_49] : memref<10000x128xf32, #tpu.memory_space<hbm>> -> memref<10000x128xf32, #tpu.memory_space<hbm>>
      tpu.enqueue_indirect_dma source(%dma_start3A_50 : memref<10000x128xf32, #tpu.memory_space<hbm>>) target(%arg12 : memref<128x128xf32, #tpu.memory_space<vmem>>) offsets(%dma_start3A_47 : memref<128xi32, #tpu.memory_space<vmem>>) semaphore(%arg15 : memref<!tpu.dma_semaphore, #tpu.memory_space<semaphore_mem>>)
      %scan3A_51 = arith.constant 0 : i32
      %scan3A_52 = arith.constant 9 : i32
      %scan3A_53 = arith.addi %scan3A_51, %scan3A_52 : i32
      %scan3A_54 = arith.constant 1 : i32
      scf.for %scan3A_56 = %scan3A_51 to %scan3A_53 step %scan3A_54  : i32 {
        %mul3A_57 = arith.constant 1 : i32
        %mul3A_58 = arith.muli %scan3A_56, %mul3A_57 : i32
        %add3A_59 = arith.constant 0 : i32
        %add3A_60 = arith.addi %add3A_59, %mul3A_58 : i32
        %mul3A_61 = arith.constant 2 : i32
        %mul3A_62 = arith.muli %mul3A_61, %add3A_60 : i32
        %add3A_63 = arith.constant 1 : i32
        %add3A_64 = arith.addi %mul3A_62, %add3A_63 : i32
        %lt3A = arith.constant 18 : i32
        %lt3A_65 = arith.cmpi slt, %add3A_64, %lt3A : i32
        %convert_element_type3A_66 = arith.extui %lt3A_65 : i1 to i32
        %cond3A_67 = arith.constant 0 : i32
        %cond3A_68 = arith.cmpi ne, %convert_element_type3A_66, %cond3A_67 : i32
        scf.if %cond3A_68 {
          %add3A_528 = arith.constant 1 : i32
          %add3A_529 = arith.addi %mul3A_62, %add3A_528 : i32
          %mul3A_530 = arith.constant 8 : i32
          %mul3A_531 = arith.muli %add3A_529, %mul3A_530 : i32
          %add3A_532 = arith.addi %mul3A_22, %mul3A_531 : i32
          %dma_start3A_533 = arith.constant 0 : i32
          %dma_start3A_534 = tpu.memref_slice %arg3[%add3A_532, %dma_start3A_533] : memref<2528x128xi32, #tpu.memory_space<hbm>> -> memref<8x128xi32, #tpu.memory_space<hbm>>
          %dma_start3A_535 = arith.constant 0 : i32
          %dma_start3A_536 = tpu.memref_slice %arg3[%add3A_532, %dma_start3A_535] : memref<2528x128xi32, #tpu.memory_space<hbm>> -> memref<8x128xi32, #tpu.memory_space<hbm>>
          tpu.enqueue_dma source(%dma_start3A_536 : memref<8x128xi32, #tpu.memory_space<hbm>>) target(%arg8 : memref<8x128xi32, #tpu.memory_space<vmem>>) target_semaphore(%arg17 : memref<!tpu.dma_semaphore, #tpu.memory_space<semaphore_mem>>)
          %mul3A_537 = arith.constant 8 : i32
          %mul3A_538 = arith.muli %add3A_529, %mul3A_537 : i32
          %add3A_539 = arith.addi %mul3A_22, %mul3A_538 : i32
          %dma_start3A_540 = arith.constant 0 : i32
          %dma_start3A_541 = tpu.memref_slice %arg4[%add3A_539, %dma_start3A_540] : memref<2528x128xi32, #tpu.memory_space<hbm>> -> memref<8x128xi32, #tpu.memory_space<hbm>>
          %dma_start3A_542 = arith.constant 0 : i32
          %dma_start3A_543 = tpu.memref_slice %arg4[%add3A_539, %dma_start3A_542] : memref<2528x128xi32, #tpu.memory_space<hbm>> -> memref<8x128xi32, #tpu.memory_space<hbm>>
          tpu.enqueue_dma source(%dma_start3A_543 : memref<8x128xi32, #tpu.memory_space<hbm>>) target(%arg9 : memref<8x128xi32, #tpu.memory_space<vmem>>) target_semaphore(%arg17 : memref<!tpu.dma_semaphore, #tpu.memory_space<semaphore_mem>>)
        } else {
        }
        %dma_start3A_69 = arith.constant 1 : i32
        %dma_start3A_70 = arith.constant 0 : i32
        %dma_start3A_71 = tpu.memref_slice %arg6[%dma_start3A_69, %dma_start3A_70] : memref<8x128xi32, #tpu.memory_space<vmem>> -> memref<1x128xi32, #tpu.memory_space<vmem>>
        %dma_start3A_72 = tpu.memref_squeeze %dma_start3A_71 : memref<1x128xi32, #tpu.memory_space<vmem>> -> memref<128xi32, #tpu.memory_space<vmem>>
        %dma_start3A_73 = arith.constant 0 : i32
        %dma_start3A_74 = arith.constant 0 : i32
        %dma_start3A_75 = tpu.memref_slice %arg2[%dma_start3A_73, %dma_start3A_74] : memref<10000x128xf32, #tpu.memory_space<hbm>> -> memref<10000x128xf32, #tpu.memory_space<hbm>>
        tpu.enqueue_indirect_dma source(%dma_start3A_75 : memref<10000x128xf32, #tpu.memory_space<hbm>>) target(%arg13 : memref<128x128xf32, #tpu.memory_space<vmem>>) offsets(%dma_start3A_72 : memref<128xi32, #tpu.memory_space<vmem>>) semaphore(%arg15 : memref<!tpu.dma_semaphore, #tpu.memory_space<semaphore_mem>>)
        %dma_wait3A_76 = arith.constant 0 : i32
        %dma_wait3A_77 = arith.constant 0 : i32
        %dma_wait3A_78 = tpu.memref_slice %arg6[%dma_wait3A_76, %dma_wait3A_77] : memref<8x128xi32, #tpu.memory_space<vmem>> -> memref<1x128xi32, #tpu.memory_space<vmem>>
        %dma_wait3A_79 = tpu.memref_squeeze %dma_wait3A_78 : memref<1x128xi32, #tpu.memory_space<vmem>> -> memref<128xi32, #tpu.memory_space<vmem>>
        %dma_wait3A_80 = arith.constant 0 : i32
        %dma_wait3A_81 = arith.constant 0 : i32
        %dma_wait3A_82 = tpu.memref_slice %arg2[%dma_wait3A_80, %dma_wait3A_81] : memref<10000x128xf32, #tpu.memory_space<hbm>> -> memref<10000x128xf32, #tpu.memory_space<hbm>>
        tpu.wait_indirect_dma semaphore(%arg15 : memref<!tpu.dma_semaphore, #tpu.memory_space<semaphore_mem>>) src(%dma_wait3A_82 : memref<10000x128xf32, #tpu.memory_space<hbm>>) dst(%arg12 : memref<128x128xf32, #tpu.memory_space<vmem>>)
        %dma_start3A_83 = arith.constant 0 : i32
        %dma_start3A_84 = arith.constant 0 : i32
        %dma_start3A_85 = tpu.memref_slice %arg7[%dma_start3A_83, %dma_start3A_84] : memref<8x128xi32, #tpu.memory_space<vmem>> -> memref<1x128xi32, #tpu.memory_space<vmem>>
        %dma_start3A_86 = tpu.memref_squeeze %dma_start3A_85 : memref<1x128xi32, #tpu.memory_space<vmem>> -> memref<128xi32, #tpu.memory_space<vmem>>
        %dma_start3A_87 = arith.constant 0 : i32
        %dma_start3A_88 = arith.constant 0 : i32
        %dma_start3A_89 = tpu.memref_slice %arg14[%dma_start3A_87, %dma_start3A_88] : memref<10240x128xf32, #tpu.memory_space<vmem_shared>> -> memref<10240x128xf32, #tpu.memory_space<vmem_shared>>
        tpu.enqueue_indirect_dma source(%arg12 : memref<128x128xf32, #tpu.memory_space<vmem>>) target(%dma_start3A_89 : memref<10240x128xf32, #tpu.memory_space<vmem_shared>>) offsets(%dma_start3A_86 : memref<128xi32, #tpu.memory_space<vmem>>) semaphore(%arg16 : memref<!tpu.dma_semaphore, #tpu.memory_space<semaphore_mem>>) {add = true}
        %dma_wait3A_90 = arith.constant 1 : i32
        %dma_wait3A_91 = arith.constant 0 : i32
        %dma_wait3A_92 = tpu.memref_slice %arg6[%dma_wait3A_90, %dma_wait3A_91] : memref<8x128xi32, #tpu.memory_space<vmem>> -> memref<1x128xi32, #tpu.memory_space<vmem>>
        %dma_wait3A_93 = tpu.memref_squeeze %dma_wait3A_92 : memref<1x128xi32, #tpu.memory_space<vmem>> -> memref<128xi32, #tpu.memory_space<vmem>>
        %dma_wait3A_94 = arith.constant 0 : i32
        %dma_wait3A_95 = arith.constant 0 : i32
        %dma_wait3A_96 = tpu.memref_slice %arg2[%dma_wait3A_94, %dma_wait3A_95] : memref<10000x128xf32, #tpu.memory_space<hbm>> -> memref<10000x128xf32, #tpu.memory_space<hbm>>
        tpu.wait_indirect_dma semaphore(%arg15 : memref<!tpu.dma_semaphore, #tpu.memory_space<semaphore_mem>>) src(%dma_wait3A_96 : memref<10000x128xf32, #tpu.memory_space<hbm>>) dst(%arg13 : memref<128x128xf32, #tpu.memory_space<vmem>>)
        %dma_wait3A_97 = arith.constant 0 : i32
        %dma_wait3A_98 = arith.constant 0 : i32
        %dma_wait3A_99 = tpu.memref_slice %arg7[%dma_wait3A_97, %dma_wait3A_98] : memref<8x128xi32, #tpu.memory_space<vmem>> -> memref<1x128xi32, #tpu.memory_space<vmem>>
        %dma_wait3A_100 = tpu.memref_squeeze %dma_wait3A_99 : memref<1x128xi32, #tpu.memory_space<vmem>> -> memref<128xi32, #tpu.memory_space<vmem>>
        %dma_wait3A_101 = arith.constant 0 : i32
        %dma_wait3A_102 = arith.constant 0 : i32
        %dma_wait3A_103 = tpu.memref_slice %arg14[%dma_wait3A_101, %dma_wait3A_102] : memref<10240x128xf32, #tpu.memory_space<vmem_shared>> -> memref<10240x128xf32, #tpu.memory_space<vmem_shared>>
        tpu.wait_indirect_dma semaphore(%arg16 : memref<!tpu.dma_semaphore, #tpu.memory_space<semaphore_mem>>) src(%arg12 : memref<128x128xf32, #tpu.memory_space<vmem>>) dst(%dma_wait3A_103 : memref<10240x128xf32, #tpu.memory_space<vmem_shared>>)
        %dma_start3A_104 = arith.constant 2 : i32
        %dma_start3A_105 = arith.constant 0 : i32
        %dma_start3A_106 = tpu.memref_slice %arg6[%dma_start3A_104, %dma_start3A_105] : memref<8x128xi32, #tpu.memory_space<vmem>> -> memref<1x128xi32, #tpu.memory_space<vmem>>
        %dma_start3A_107 = tpu.memref_squeeze %dma_start3A_106 : memref<1x128xi32, #tpu.memory_space<vmem>> -> memref<128xi32, #tpu.memory_space<vmem>>
        %dma_start3A_108 = arith.constant 0 : i32
        %dma_start3A_109 = arith.constant 0 : i32
        %dma_start3A_110 = tpu.memref_slice %arg2[%dma_start3A_108, %dma_start3A_109] : memref<10000x128xf32, #tpu.memory_space<hbm>> -> memref<10000x128xf32, #tpu.memory_space<hbm>>
        tpu.enqueue_indirect_dma source(%dma_start3A_110 : memref<10000x128xf32, #tpu.memory_space<hbm>>) target(%arg12 : memref<128x128xf32, #tpu.memory_space<vmem>>) offsets(%dma_start3A_107 : memref<128xi32, #tpu.memory_space<vmem>>) semaphore(%arg15 : memref<!tpu.dma_semaphore, #tpu.memory_space<semaphore_mem>>)
        %dma_start3A_111 = arith.constant 1 : i32
        %dma_start3A_112 = arith.constant 0 : i32
        %dma_start3A_113 = tpu.memref_slice %arg7[%dma_start3A_111, %dma_start3A_112] : memref<8x128xi32, #tpu.memory_space<vmem>> -> memref<1x128xi32, #tpu.memory_space<vmem>>
        %dma_start3A_114 = tpu.memref_squeeze %dma_start3A_113 : memref<1x128xi32, #tpu.memory_space<vmem>> -> memref<128xi32, #tpu.memory_space<vmem>>
        %dma_start3A_115 = arith.constant 0 : i32
        %dma_start3A_116 = arith.constant 0 : i32
        %dma_start3A_117 = tpu.memref_slice %arg14[%dma_start3A_115, %dma_start3A_116] : memref<10240x128xf32, #tpu.memory_space<vmem_shared>> -> memref<10240x128xf32, #tpu.memory_space<vmem_shared>>
        tpu.enqueue_indirect_dma source(%arg13 : memref<128x128xf32, #tpu.memory_space<vmem>>) target(%dma_start3A_117 : memref<10240x128xf32, #tpu.memory_space<vmem_shared>>) offsets(%dma_start3A_114 : memref<128xi32, #tpu.memory_space<vmem>>) semaphore(%arg16 : memref<!tpu.dma_semaphore, #tpu.memory_space<semaphore_mem>>) {add = true}
        %dma_wait3A_118 = arith.constant 1 : i32
        %dma_wait3A_119 = arith.constant 0 : i32
        %dma_wait3A_120 = tpu.memref_slice %arg7[%dma_wait3A_118, %dma_wait3A_119] : memref<8x128xi32, #tpu.memory_space<vmem>> -> memref<1x128xi32, #tpu.memory_space<vmem>>
        %dma_wait3A_121 = tpu.memref_squeeze %dma_wait3A_120 : memref<1x128xi32, #tpu.memory_space<vmem>> -> memref<128xi32, #tpu.memory_space<vmem>>
        %dma_wait3A_122 = arith.constant 0 : i32
        %dma_wait3A_123 = arith.constant 0 : i32
        %dma_wait3A_124 = tpu.memref_slice %arg14[%dma_wait3A_122, %dma_wait3A_123] : memref<10240x128xf32, #tpu.memory_space<vmem_shared>> -> memref<10240x128xf32, #tpu.memory_space<vmem_shared>>
        tpu.wait_indirect_dma semaphore(%arg16 : memref<!tpu.dma_semaphore, #tpu.memory_space<semaphore_mem>>) src(%arg13 : memref<128x128xf32, #tpu.memory_space<vmem>>) dst(%dma_wait3A_124 : memref<10240x128xf32, #tpu.memory_space<vmem_shared>>)
        %dma_start3A_125 = arith.constant 3 : i32
        %dma_start3A_126 = arith.constant 0 : i32
        %dma_start3A_127 = tpu.memref_slice %arg6[%dma_start3A_125, %dma_start3A_126] : memref<8x128xi32, #tpu.memory_space<vmem>> -> memref<1x128xi32, #tpu.memory_space<vmem>>
        %dma_start3A_128 = tpu.memref_squeeze %dma_start3A_127 : memref<1x128xi32, #tpu.memory_space<vmem>> -> memref<128xi32, #tpu.memory_space<vmem>>
        %dma_start3A_129 = arith.constant 0 : i32
        %dma_start3A_130 = arith.constant 0 : i32
        %dma_start3A_131 = tpu.memref_slice %arg2[%dma_start3A_129, %dma_start3A_130] : memref<10000x128xf32, #tpu.memory_space<hbm>> -> memref<10000x128xf32, #tpu.memory_space<hbm>>
        tpu.enqueue_indirect_dma source(%dma_start3A_131 : memref<10000x128xf32, #tpu.memory_space<hbm>>) target(%arg13 : memref<128x128xf32, #tpu.memory_space<vmem>>) offsets(%dma_start3A_128 : memref<128xi32, #tpu.memory_space<vmem>>) semaphore(%arg15 : memref<!tpu.dma_semaphore, #tpu.memory_space<semaphore_mem>>)
        %dma_wait3A_132 = arith.constant 2 : i32
        %dma_wait3A_133 = arith.constant 0 : i32
        %dma_wait3A_134 = tpu.memref_slice %arg6[%dma_wait3A_132, %dma_wait3A_133] : memref<8x128xi32, #tpu.memory_space<vmem>> -> memref<1x128xi32, #tpu.memory_space<vmem>>
        %dma_wait3A_135 = tpu.memref_squeeze %dma_wait3A_134 : memref<1x128xi32, #tpu.memory_space<vmem>> -> memref<128xi32, #tpu.memory_space<vmem>>
        %dma_wait3A_136 = arith.constant 0 : i32
        %dma_wait3A_137 = arith.constant 0 : i32
        %dma_wait3A_138 = tpu.memref_slice %arg2[%dma_wait3A_136, %dma_wait3A_137] : memref<10000x128xf32, #tpu.memory_space<hbm>> -> memref<10000x128xf32, #tpu.memory_space<hbm>>
        tpu.wait_indirect_dma semaphore(%arg15 : memref<!tpu.dma_semaphore, #tpu.memory_space<semaphore_mem>>) src(%dma_wait3A_138 : memref<10000x128xf32, #tpu.memory_space<hbm>>) dst(%arg12 : memref<128x128xf32, #tpu.memory_space<vmem>>)
        %dma_start3A_139 = arith.constant 2 : i32
        %dma_start3A_140 = arith.constant 0 : i32
        %dma_start3A_141 = tpu.memref_slice %arg7[%dma_start3A_139, %dma_start3A_140] : memref<8x128xi32, #tpu.memory_space<vmem>> -> memref<1x128xi32, #tpu.memory_space<vmem>>
        %dma_start3A_142 = tpu.memref_squeeze %dma_start3A_141 : memref<1x128xi32, #tpu.memory_space<vmem>> -> memref<128xi32, #tpu.memory_space<vmem>>
        %dma_start3A_143 = arith.constant 0 : i32
        %dma_start3A_144 = arith.constant 0 : i32
        %dma_start3A_145 = tpu.memref_slice %arg14[%dma_start3A_143, %dma_start3A_144] : memref<10240x128xf32, #tpu.memory_space<vmem_shared>> -> memref<10240x128xf32, #tpu.memory_space<vmem_shared>>
        tpu.enqueue_indirect_dma source(%arg12 : memref<128x128xf32, #tpu.memory_space<vmem>>) target(%dma_start3A_145 : memref<10240x128xf32, #tpu.memory_space<vmem_shared>>) offsets(%dma_start3A_142 : memref<128xi32, #tpu.memory_space<vmem>>) semaphore(%arg16 : memref<!tpu.dma_semaphore, #tpu.memory_space<semaphore_mem>>) {add = true}
        %dma_wait3A_146 = arith.constant 3 : i32
        %dma_wait3A_147 = arith.constant 0 : i32
        %dma_wait3A_148 = tpu.memref_slice %arg6[%dma_wait3A_146, %dma_wait3A_147] : memref<8x128xi32, #tpu.memory_space<vmem>> -> memref<1x128xi32, #tpu.memory_space<vmem>>
        %dma_wait3A_149 = tpu.memref_squeeze %dma_wait3A_148 : memref<1x128xi32, #tpu.memory_space<vmem>> -> memref<128xi32, #tpu.memory_space<vmem>>
        %dma_wait3A_150 = arith.constant 0 : i32
        %dma_wait3A_151 = arith.constant 0 : i32
        %dma_wait3A_152 = tpu.memref_slice %arg2[%dma_wait3A_150, %dma_wait3A_151] : memref<10000x128xf32, #tpu.memory_space<hbm>> -> memref<10000x128xf32, #tpu.memory_space<hbm>>
        tpu.wait_indirect_dma semaphore(%arg15 : memref<!tpu.dma_semaphore, #tpu.memory_space<semaphore_mem>>) src(%dma_wait3A_152 : memref<10000x128xf32, #tpu.memory_space<hbm>>) dst(%arg13 : memref<128x128xf32, #tpu.memory_space<vmem>>)
        %dma_wait3A_153 = arith.constant 2 : i32
        %dma_wait3A_154 = arith.constant 0 : i32
        %dma_wait3A_155 = tpu.memref_slice %arg7[%dma_wait3A_153, %dma_wait3A_154] : memref<8x128xi32, #tpu.memory_space<vmem>> -> memref<1x128xi32, #tpu.memory_space<vmem>>
        %dma_wait3A_156 = tpu.memref_squeeze %dma_wait3A_155 : memref<1x128xi32, #tpu.memory_space<vmem>> -> memref<128xi32, #tpu.memory_space<vmem>>
        %dma_wait3A_157 = arith.constant 0 : i32
        %dma_wait3A_158 = arith.constant 0 : i32
        %dma_wait3A_159 = tpu.memref_slice %arg14[%dma_wait3A_157, %dma_wait3A_158] : memref<10240x128xf32, #tpu.memory_space<vmem_shared>> -> memref<10240x128xf32, #tpu.memory_space<vmem_shared>>
        tpu.wait_indirect_dma semaphore(%arg16 : memref<!tpu.dma_semaphore, #tpu.memory_space<semaphore_mem>>) src(%arg12 : memref<128x128xf32, #tpu.memory_space<vmem>>) dst(%dma_wait3A_159 : memref<10240x128xf32, #tpu.memory_space<vmem_shared>>)
        %dma_start3A_160 = arith.constant 4 : i32
        %dma_start3A_161 = arith.constant 0 : i32
        %dma_start3A_162 = tpu.memref_slice %arg6[%dma_start3A_160, %dma_start3A_161] : memref<8x128xi32, #tpu.memory_space<vmem>> -> memref<1x128xi32, #tpu.memory_space<vmem>>
        %dma_start3A_163 = tpu.memref_squeeze %dma_start3A_162 : memref<1x128xi32, #tpu.memory_space<vmem>> -> memref<128xi32, #tpu.memory_space<vmem>>
        %dma_start3A_164 = arith.constant 0 : i32
        %dma_start3A_165 = arith.constant 0 : i32
        %dma_start3A_166 = tpu.memref_slice %arg2[%dma_start3A_164, %dma_start3A_165] : memref<10000x128xf32, #tpu.memory_space<hbm>> -> memref<10000x128xf32, #tpu.memory_space<hbm>>
        tpu.enqueue_indirect_dma source(%dma_start3A_166 : memref<10000x128xf32, #tpu.memory_space<hbm>>) target(%arg12 : memref<128x128xf32, #tpu.memory_space<vmem>>) offsets(%dma_start3A_163 : memref<128xi32, #tpu.memory_space<vmem>>) semaphore(%arg15 : memref<!tpu.dma_semaphore, #tpu.memory_space<semaphore_mem>>)
        %dma_start3A_167 = arith.constant 3 : i32
        %dma_start3A_168 = arith.constant 0 : i32
        %dma_start3A_169 = tpu.memref_slice %arg7[%dma_start3A_167, %dma_start3A_168] : memref<8x128xi32, #tpu.memory_space<vmem>> -> memref<1x128xi32, #tpu.memory_space<vmem>>
        %dma_start3A_170 = tpu.memref_squeeze %dma_start3A_169 : memref<1x128xi32, #tpu.memory_space<vmem>> -> memref<128xi32, #tpu.memory_space<vmem>>
        %dma_start3A_171 = arith.constant 0 : i32
        %dma_start3A_172 = arith.constant 0 : i32
        %dma_start3A_173 = tpu.memref_slice %arg14[%dma_start3A_171, %dma_start3A_172] : memref<10240x128xf32, #tpu.memory_space<vmem_shared>> -> memref<10240x128xf32, #tpu.memory_space<vmem_shared>>
        tpu.enqueue_indirect_dma source(%arg13 : memref<128x128xf32, #tpu.memory_space<vmem>>) target(%dma_start3A_173 : memref<10240x128xf32, #tpu.memory_space<vmem_shared>>) offsets(%dma_start3A_170 : memref<128xi32, #tpu.memory_space<vmem>>) semaphore(%arg16 : memref<!tpu.dma_semaphore, #tpu.memory_space<semaphore_mem>>) {add = true}
        %dma_wait3A_174 = arith.constant 3 : i32
        %dma_wait3A_175 = arith.constant 0 : i32
        %dma_wait3A_176 = tpu.memref_slice %arg7[%dma_wait3A_174, %dma_wait3A_175] : memref<8x128xi32, #tpu.memory_space<vmem>> -> memref<1x128xi32, #tpu.memory_space<vmem>>
        %dma_wait3A_177 = tpu.memref_squeeze %dma_wait3A_176 : memref<1x128xi32, #tpu.memory_space<vmem>> -> memref<128xi32, #tpu.memory_space<vmem>>
        %dma_wait3A_178 = arith.constant 0 : i32
        %dma_wait3A_179 = arith.constant 0 : i32
        %dma_wait3A_180 = tpu.memref_slice %arg14[%dma_wait3A_178, %dma_wait3A_179] : memref<10240x128xf32, #tpu.memory_space<vmem_shared>> -> memref<10240x128xf32, #tpu.memory_space<vmem_shared>>
        tpu.wait_indirect_dma semaphore(%arg16 : memref<!tpu.dma_semaphore, #tpu.memory_space<semaphore_mem>>) src(%arg13 : memref<128x128xf32, #tpu.memory_space<vmem>>) dst(%dma_wait3A_180 : memref<10240x128xf32, #tpu.memory_space<vmem_shared>>)
        %dma_start3A_181 = arith.constant 5 : i32
        %dma_start3A_182 = arith.constant 0 : i32
        %dma_start3A_183 = tpu.memref_slice %arg6[%dma_start3A_181, %dma_start3A_182] : memref<8x128xi32, #tpu.memory_space<vmem>> -> memref<1x128xi32, #tpu.memory_space<vmem>>
        %dma_start3A_184 = tpu.memref_squeeze %dma_start3A_183 : memref<1x128xi32, #tpu.memory_space<vmem>> -> memref<128xi32, #tpu.memory_space<vmem>>
        %dma_start3A_185 = arith.constant 0 : i32
        %dma_start3A_186 = arith.constant 0 : i32
        %dma_start3A_187 = tpu.memref_slice %arg2[%dma_start3A_185, %dma_start3A_186] : memref<10000x128xf32, #tpu.memory_space<hbm>> -> memref<10000x128xf32, #tpu.memory_space<hbm>>
        tpu.enqueue_indirect_dma source(%dma_start3A_187 : memref<10000x128xf32, #tpu.memory_space<hbm>>) target(%arg13 : memref<128x128xf32, #tpu.memory_space<vmem>>) offsets(%dma_start3A_184 : memref<128xi32, #tpu.memory_space<vmem>>) semaphore(%arg15 : memref<!tpu.dma_semaphore, #tpu.memory_space<semaphore_mem>>)
        %dma_wait3A_188 = arith.constant 4 : i32
        %dma_wait3A_189 = arith.constant 0 : i32
        %dma_wait3A_190 = tpu.memref_slice %arg6[%dma_wait3A_188, %dma_wait3A_189] : memref<8x128xi32, #tpu.memory_space<vmem>> -> memref<1x128xi32, #tpu.memory_space<vmem>>
        %dma_wait3A_191 = tpu.memref_squeeze %dma_wait3A_190 : memref<1x128xi32, #tpu.memory_space<vmem>> -> memref<128xi32, #tpu.memory_space<vmem>>
        %dma_wait3A_192 = arith.constant 0 : i32
        %dma_wait3A_193 = arith.constant 0 : i32
        %dma_wait3A_194 = tpu.memref_slice %arg2[%dma_wait3A_192, %dma_wait3A_193] : memref<10000x128xf32, #tpu.memory_space<hbm>> -> memref<10000x128xf32, #tpu.memory_space<hbm>>
        tpu.wait_indirect_dma semaphore(%arg15 : memref<!tpu.dma_semaphore, #tpu.memory_space<semaphore_mem>>) src(%dma_wait3A_194 : memref<10000x128xf32, #tpu.memory_space<hbm>>) dst(%arg12 : memref<128x128xf32, #tpu.memory_space<vmem>>)
        %dma_start3A_195 = arith.constant 4 : i32
        %dma_start3A_196 = arith.constant 0 : i32
        %dma_start3A_197 = tpu.memref_slice %arg7[%dma_start3A_195, %dma_start3A_196] : memref<8x128xi32, #tpu.memory_space<vmem>> -> memref<1x128xi32, #tpu.memory_space<vmem>>
        %dma_start3A_198 = tpu.memref_squeeze %dma_start3A_197 : memref<1x128xi32, #tpu.memory_space<vmem>> -> memref<128xi32, #tpu.memory_space<vmem>>
        %dma_start3A_199 = arith.constant 0 : i32
        %dma_start3A_200 = arith.constant 0 : i32
        %dma_start3A_201 = tpu.memref_slice %arg14[%dma_start3A_199, %dma_start3A_200] : memref<10240x128xf32, #tpu.memory_space<vmem_shared>> -> memref<10240x128xf32, #tpu.memory_space<vmem_shared>>
        tpu.enqueue_indirect_dma source(%arg12 : memref<128x128xf32, #tpu.memory_space<vmem>>) target(%dma_start3A_201 : memref<10240x128xf32, #tpu.memory_space<vmem_shared>>) offsets(%dma_start3A_198 : memref<128xi32, #tpu.memory_space<vmem>>) semaphore(%arg16 : memref<!tpu.dma_semaphore, #tpu.memory_space<semaphore_mem>>) {add = true}
        %dma_wait3A_202 = arith.constant 5 : i32
        %dma_wait3A_203 = arith.constant 0 : i32
        %dma_wait3A_204 = tpu.memref_slice %arg6[%dma_wait3A_202, %dma_wait3A_203] : memref<8x128xi32, #tpu.memory_space<vmem>> -> memref<1x128xi32, #tpu.memory_space<vmem>>
        %dma_wait3A_205 = tpu.memref_squeeze %dma_wait3A_204 : memref<1x128xi32, #tpu.memory_space<vmem>> -> memref<128xi32, #tpu.memory_space<vmem>>
        %dma_wait3A_206 = arith.constant 0 : i32
        %dma_wait3A_207 = arith.constant 0 : i32
        %dma_wait3A_208 = tpu.memref_slice %arg2[%dma_wait3A_206, %dma_wait3A_207] : memref<10000x128xf32, #tpu.memory_space<hbm>> -> memref<10000x128xf32, #tpu.memory_space<hbm>>
        tpu.wait_indirect_dma semaphore(%arg15 : memref<!tpu.dma_semaphore, #tpu.memory_space<semaphore_mem>>) src(%dma_wait3A_208 : memref<10000x128xf32, #tpu.memory_space<hbm>>) dst(%arg13 : memref<128x128xf32, #tpu.memory_space<vmem>>)
        %dma_wait3A_209 = arith.constant 4 : i32
        %dma_wait3A_210 = arith.constant 0 : i32
        %dma_wait3A_211 = tpu.memref_slice %arg7[%dma_wait3A_209, %dma_wait3A_210] : memref<8x128xi32, #tpu.memory_space<vmem>> -> memref<1x128xi32, #tpu.memory_space<vmem>>
        %dma_wait3A_212 = tpu.memref_squeeze %dma_wait3A_211 : memref<1x128xi32, #tpu.memory_space<vmem>> -> memref<128xi32, #tpu.memory_space<vmem>>
        %dma_wait3A_213 = arith.constant 0 : i32
        %dma_wait3A_214 = arith.constant 0 : i32
        %dma_wait3A_215 = tpu.memref_slice %arg14[%dma_wait3A_213, %dma_wait3A_214] : memref<10240x128xf32, #tpu.memory_space<vmem_shared>> -> memref<10240x128xf32, #tpu.memory_space<vmem_shared>>
        tpu.wait_indirect_dma semaphore(%arg16 : memref<!tpu.dma_semaphore, #tpu.memory_space<semaphore_mem>>) src(%arg12 : memref<128x128xf32, #tpu.memory_space<vmem>>) dst(%dma_wait3A_215 : memref<10240x128xf32, #tpu.memory_space<vmem_shared>>)
        %dma_start3A_216 = arith.constant 6 : i32
        %dma_start3A_217 = arith.constant 0 : i32
        %dma_start3A_218 = tpu.memref_slice %arg6[%dma_start3A_216, %dma_start3A_217] : memref<8x128xi32, #tpu.memory_space<vmem>> -> memref<1x128xi32, #tpu.memory_space<vmem>>
        %dma_start3A_219 = tpu.memref_squeeze %dma_start3A_218 : memref<1x128xi32, #tpu.memory_space<vmem>> -> memref<128xi32, #tpu.memory_space<vmem>>
        %dma_start3A_220 = arith.constant 0 : i32
        %dma_start3A_221 = arith.constant 0 : i32
        %dma_start3A_222 = tpu.memref_slice %arg2[%dma_start3A_220, %dma_start3A_221] : memref<10000x128xf32, #tpu.memory_space<hbm>> -> memref<10000x128xf32, #tpu.memory_space<hbm>>
        tpu.enqueue_indirect_dma source(%dma_start3A_222 : memref<10000x128xf32, #tpu.memory_space<hbm>>) target(%arg12 : memref<128x128xf32, #tpu.memory_space<vmem>>) offsets(%dma_start3A_219 : memref<128xi32, #tpu.memory_space<vmem>>) semaphore(%arg15 : memref<!tpu.dma_semaphore, #tpu.memory_space<semaphore_mem>>)
        %dma_start3A_223 = arith.constant 5 : i32
        %dma_start3A_224 = arith.constant 0 : i32
        %dma_start3A_225 = tpu.memref_slice %arg7[%dma_start3A_223, %dma_start3A_224] : memref<8x128xi32, #tpu.memory_space<vmem>> -> memref<1x128xi32, #tpu.memory_space<vmem>>
        %dma_start3A_226 = tpu.memref_squeeze %dma_start3A_225 : memref<1x128xi32, #tpu.memory_space<vmem>> -> memref<128xi32, #tpu.memory_space<vmem>>
        %dma_start3A_227 = arith.constant 0 : i32
        %dma_start3A_228 = arith.constant 0 : i32
        %dma_start3A_229 = tpu.memref_slice %arg14[%dma_start3A_227, %dma_start3A_228] : memref<10240x128xf32, #tpu.memory_space<vmem_shared>> -> memref<10240x128xf32, #tpu.memory_space<vmem_shared>>
        tpu.enqueue_indirect_dma source(%arg13 : memref<128x128xf32, #tpu.memory_space<vmem>>) target(%dma_start3A_229 : memref<10240x128xf32, #tpu.memory_space<vmem_shared>>) offsets(%dma_start3A_226 : memref<128xi32, #tpu.memory_space<vmem>>) semaphore(%arg16 : memref<!tpu.dma_semaphore, #tpu.memory_space<semaphore_mem>>) {add = true}
        %dma_wait3A_230 = arith.constant 5 : i32
        %dma_wait3A_231 = arith.constant 0 : i32
        %dma_wait3A_232 = tpu.memref_slice %arg7[%dma_wait3A_230, %dma_wait3A_231] : memref<8x128xi32, #tpu.memory_space<vmem>> -> memref<1x128xi32, #tpu.memory_space<vmem>>
        %dma_wait3A_233 = tpu.memref_squeeze %dma_wait3A_232 : memref<1x128xi32, #tpu.memory_space<vmem>> -> memref<128xi32, #tpu.memory_space<vmem>>
        %dma_wait3A_234 = arith.constant 0 : i32
        %dma_wait3A_235 = arith.constant 0 : i32
        %dma_wait3A_236 = tpu.memref_slice %arg14[%dma_wait3A_234, %dma_wait3A_235] : memref<10240x128xf32, #tpu.memory_space<vmem_shared>> -> memref<10240x128xf32, #tpu.memory_space<vmem_shared>>
        tpu.wait_indirect_dma semaphore(%arg16 : memref<!tpu.dma_semaphore, #tpu.memory_space<semaphore_mem>>) src(%arg13 : memref<128x128xf32, #tpu.memory_space<vmem>>) dst(%dma_wait3A_236 : memref<10240x128xf32, #tpu.memory_space<vmem_shared>>)
        %dma_start3A_237 = arith.constant 7 : i32
        %dma_start3A_238 = arith.constant 0 : i32
        %dma_start3A_239 = tpu.memref_slice %arg6[%dma_start3A_237, %dma_start3A_238] : memref<8x128xi32, #tpu.memory_space<vmem>> -> memref<1x128xi32, #tpu.memory_space<vmem>>
        %dma_start3A_240 = tpu.memref_squeeze %dma_start3A_239 : memref<1x128xi32, #tpu.memory_space<vmem>> -> memref<128xi32, #tpu.memory_space<vmem>>
        %dma_start3A_241 = arith.constant 0 : i32
        %dma_start3A_242 = arith.constant 0 : i32
        %dma_start3A_243 = tpu.memref_slice %arg2[%dma_start3A_241, %dma_start3A_242] : memref<10000x128xf32, #tpu.memory_space<hbm>> -> memref<10000x128xf32, #tpu.memory_space<hbm>>
        tpu.enqueue_indirect_dma source(%dma_start3A_243 : memref<10000x128xf32, #tpu.memory_space<hbm>>) target(%arg13 : memref<128x128xf32, #tpu.memory_space<vmem>>) offsets(%dma_start3A_240 : memref<128xi32, #tpu.memory_space<vmem>>) semaphore(%arg15 : memref<!tpu.dma_semaphore, #tpu.memory_space<semaphore_mem>>)
        %dma_wait3A_244 = arith.constant 6 : i32
        %dma_wait3A_245 = arith.constant 0 : i32
        %dma_wait3A_246 = tpu.memref_slice %arg6[%dma_wait3A_244, %dma_wait3A_245] : memref<8x128xi32, #tpu.memory_space<vmem>> -> memref<1x128xi32, #tpu.memory_space<vmem>>
        %dma_wait3A_247 = tpu.memref_squeeze %dma_wait3A_246 : memref<1x128xi32, #tpu.memory_space<vmem>> -> memref<128xi32, #tpu.memory_space<vmem>>
        %dma_wait3A_248 = arith.constant 0 : i32
        %dma_wait3A_249 = arith.constant 0 : i32
        %dma_wait3A_250 = tpu.memref_slice %arg2[%dma_wait3A_248, %dma_wait3A_249] : memref<10000x128xf32, #tpu.memory_space<hbm>> -> memref<10000x128xf32, #tpu.memory_space<hbm>>
        tpu.wait_indirect_dma semaphore(%arg15 : memref<!tpu.dma_semaphore, #tpu.memory_space<semaphore_mem>>) src(%dma_wait3A_250 : memref<10000x128xf32, #tpu.memory_space<hbm>>) dst(%arg12 : memref<128x128xf32, #tpu.memory_space<vmem>>)
        %dma_start3A_251 = arith.constant 6 : i32
        %dma_start3A_252 = arith.constant 0 : i32
        %dma_start3A_253 = tpu.memref_slice %arg7[%dma_start3A_251, %dma_start3A_252] : memref<8x128xi32, #tpu.memory_space<vmem>> -> memref<1x128xi32, #tpu.memory_space<vmem>>
        %dma_start3A_254 = tpu.memref_squeeze %dma_start3A_253 : memref<1x128xi32, #tpu.memory_space<vmem>> -> memref<128xi32, #tpu.memory_space<vmem>>
        %dma_start3A_255 = arith.constant 0 : i32
        %dma_start3A_256 = arith.constant 0 : i32
        %dma_start3A_257 = tpu.memref_slice %arg14[%dma_start3A_255, %dma_start3A_256] : memref<10240x128xf32, #tpu.memory_space<vmem_shared>> -> memref<10240x128xf32, #tpu.memory_space<vmem_shared>>
        tpu.enqueue_indirect_dma source(%arg12 : memref<128x128xf32, #tpu.memory_space<vmem>>) target(%dma_start3A_257 : memref<10240x128xf32, #tpu.memory_space<vmem_shared>>) offsets(%dma_start3A_254 : memref<128xi32, #tpu.memory_space<vmem>>) semaphore(%arg16 : memref<!tpu.dma_semaphore, #tpu.memory_space<semaphore_mem>>) {add = true}
        %dma_wait3A_258 = arith.constant 7 : i32
        %dma_wait3A_259 = arith.constant 0 : i32
        %dma_wait3A_260 = tpu.memref_slice %arg6[%dma_wait3A_258, %dma_wait3A_259] : memref<8x128xi32, #tpu.memory_space<vmem>> -> memref<1x128xi32, #tpu.memory_space<vmem>>
        %dma_wait3A_261 = tpu.memref_squeeze %dma_wait3A_260 : memref<1x128xi32, #tpu.memory_space<vmem>> -> memref<128xi32, #tpu.memory_space<vmem>>
        %dma_wait3A_262 = arith.constant 0 : i32
        %dma_wait3A_263 = arith.constant 0 : i32
        %dma_wait3A_264 = tpu.memref_slice %arg2[%dma_wait3A_262, %dma_wait3A_263] : memref<10000x128xf32, #tpu.memory_space<hbm>> -> memref<10000x128xf32, #tpu.memory_space<hbm>>
        tpu.wait_indirect_dma semaphore(%arg15 : memref<!tpu.dma_semaphore, #tpu.memory_space<semaphore_mem>>) src(%dma_wait3A_264 : memref<10000x128xf32, #tpu.memory_space<hbm>>) dst(%arg13 : memref<128x128xf32, #tpu.memory_space<vmem>>)
        %dma_wait3A_265 = arith.constant 6 : i32
        %dma_wait3A_266 = arith.constant 0 : i32
        %dma_wait3A_267 = tpu.memref_slice %arg7[%dma_wait3A_265, %dma_wait3A_266] : memref<8x128xi32, #tpu.memory_space<vmem>> -> memref<1x128xi32, #tpu.memory_space<vmem>>
        %dma_wait3A_268 = tpu.memref_squeeze %dma_wait3A_267 : memref<1x128xi32, #tpu.memory_space<vmem>> -> memref<128xi32, #tpu.memory_space<vmem>>
        %dma_wait3A_269 = arith.constant 0 : i32
        %dma_wait3A_270 = arith.constant 0 : i32
        %dma_wait3A_271 = tpu.memref_slice %arg14[%dma_wait3A_269, %dma_wait3A_270] : memref<10240x128xf32, #tpu.memory_space<vmem_shared>> -> memref<10240x128xf32, #tpu.memory_space<vmem_shared>>
        tpu.wait_indirect_dma semaphore(%arg16 : memref<!tpu.dma_semaphore, #tpu.memory_space<semaphore_mem>>) src(%arg12 : memref<128x128xf32, #tpu.memory_space<vmem>>) dst(%dma_wait3A_271 : memref<10240x128xf32, #tpu.memory_space<vmem_shared>>)
        %add3A_272 = arith.constant 1 : i32
        %add3A_273 = arith.addi %mul3A_62, %add3A_272 : i32
        %lt3A_274 = arith.constant 18 : i32
        %lt3A_275 = arith.cmpi slt, %add3A_273, %lt3A_274 : i32
        %convert_element_type3A_276 = arith.extui %lt3A_275 : i1 to i32
        %cond3A_277 = arith.constant 0 : i32
        %cond3A_278 = arith.cmpi ne, %convert_element_type3A_276, %cond3A_277 : i32
        scf.if %cond3A_278 {
          %add3A_528 = arith.constant 1 : i32
          %add3A_529 = arith.addi %mul3A_62, %add3A_528 : i32
          %mul3A_530 = arith.constant 8 : i32
          %mul3A_531 = arith.muli %add3A_529, %mul3A_530 : i32
          %add3A_532 = arith.addi %mul3A_22, %mul3A_531 : i32
          %dma_wait3A_533 = arith.constant 0 : i32
          %dma_wait3A_534 = tpu.memref_slice %arg3[%add3A_532, %dma_wait3A_533] : memref<2528x128xi32, #tpu.memory_space<hbm>> -> memref<8x128xi32, #tpu.memory_space<hbm>>
          %dma_wait3A_535 = arith.constant 0 : i32
          %dma_wait3A_536 = tpu.memref_slice %arg3[%add3A_532, %dma_wait3A_535] : memref<2528x128xi32, #tpu.memory_space<hbm>> -> memref<8x128xi32, #tpu.memory_space<hbm>>
          tpu.wait_dma2 semaphore(%arg17 : memref<!tpu.dma_semaphore, #tpu.memory_space<semaphore_mem>>) src(%dma_wait3A_536 : memref<8x128xi32, #tpu.memory_space<hbm>>) dst(%arg8 : memref<8x128xi32, #tpu.memory_space<vmem>>)
          %mul3A_537 = arith.constant 8 : i32
          %mul3A_538 = arith.muli %add3A_529, %mul3A_537 : i32
          %add3A_539 = arith.addi %mul3A_22, %mul3A_538 : i32
          %dma_wait3A_540 = arith.constant 0 : i32
          %dma_wait3A_541 = tpu.memref_slice %arg4[%add3A_539, %dma_wait3A_540] : memref<2528x128xi32, #tpu.memory_space<hbm>> -> memref<8x128xi32, #tpu.memory_space<hbm>>
          %dma_wait3A_542 = arith.constant 0 : i32
          %dma_wait3A_543 = tpu.memref_slice %arg4[%add3A_539, %dma_wait3A_542] : memref<2528x128xi32, #tpu.memory_space<hbm>> -> memref<8x128xi32, #tpu.memory_space<hbm>>
          tpu.wait_dma2 semaphore(%arg17 : memref<!tpu.dma_semaphore, #tpu.memory_space<semaphore_mem>>) src(%dma_wait3A_543 : memref<8x128xi32, #tpu.memory_space<hbm>>) dst(%arg9 : memref<8x128xi32, #tpu.memory_space<vmem>>)
          %dma_start3A_544 = arith.constant 0 : i32
          %dma_start3A_545 = arith.constant 0 : i32
          %dma_start3A_546 = tpu.memref_slice %arg8[%dma_start3A_544, %dma_start3A_545] : memref<8x128xi32, #tpu.memory_space<vmem>> -> memref<1x128xi32, #tpu.memory_space<vmem>>
          %dma_start3A_547 = tpu.memref_squeeze %dma_start3A_546 : memref<1x128xi32, #tpu.memory_space<vmem>> -> memref<128xi32, #tpu.memory_space<vmem>>
          %dma_start3A_548 = arith.constant 0 : i32
          %dma_start3A_549 = arith.constant 0 : i32
          %dma_start3A_550 = tpu.memref_slice %arg2[%dma_start3A_548, %dma_start3A_549] : memref<10000x128xf32, #tpu.memory_space<hbm>> -> memref<10000x128xf32, #tpu.memory_space<hbm>>
          tpu.enqueue_indirect_dma source(%dma_start3A_550 : memref<10000x128xf32, #tpu.memory_space<hbm>>) target(%arg12 : memref<128x128xf32, #tpu.memory_space<vmem>>) offsets(%dma_start3A_547 : memref<128xi32, #tpu.memory_space<vmem>>) semaphore(%arg15 : memref<!tpu.dma_semaphore, #tpu.memory_space<semaphore_mem>>)
        } else {
        }
        %dma_start3A_279 = arith.constant 7 : i32
        %dma_start3A_280 = arith.constant 0 : i32
        %dma_start3A_281 = tpu.memref_slice %arg7[%dma_start3A_279, %dma_start3A_280] : memref<8x128xi32, #tpu.memory_space<vmem>> -> memref<1x128xi32, #tpu.memory_space<vmem>>
        %dma_start3A_282 = tpu.memref_squeeze %dma_start3A_281 : memref<1x128xi32, #tpu.memory_space<vmem>> -> memref<128xi32, #tpu.memory_space<vmem>>
        %dma_start3A_283 = arith.constant 0 : i32
        %dma_start3A_284 = arith.constant 0 : i32
        %dma_start3A_285 = tpu.memref_slice %arg14[%dma_start3A_283, %dma_start3A_284] : memref<10240x128xf32, #tpu.memory_space<vmem_shared>> -> memref<10240x128xf32, #tpu.memory_space<vmem_shared>>
        tpu.enqueue_indirect_dma source(%arg13 : memref<128x128xf32, #tpu.memory_space<vmem>>) target(%dma_start3A_285 : memref<10240x128xf32, #tpu.memory_space<vmem_shared>>) offsets(%dma_start3A_282 : memref<128xi32, #tpu.memory_space<vmem>>) semaphore(%arg16 : memref<!tpu.dma_semaphore, #tpu.memory_space<semaphore_mem>>) {add = true}
        %dma_wait3A_286 = arith.constant 7 : i32
        %dma_wait3A_287 = arith.constant 0 : i32
        %dma_wait3A_288 = tpu.memref_slice %arg7[%dma_wait3A_286, %dma_wait3A_287] : memref<8x128xi32, #tpu.memory_space<vmem>> -> memref<1x128xi32, #tpu.memory_space<vmem>>
        %dma_wait3A_289 = tpu.memref_squeeze %dma_wait3A_288 : memref<1x128xi32, #tpu.memory_space<vmem>> -> memref<128xi32, #tpu.memory_space<vmem>>
        %dma_wait3A_290 = arith.constant 0 : i32
        %dma_wait3A_291 = arith.constant 0 : i32
        %dma_wait3A_292 = tpu.memref_slice %arg14[%dma_wait3A_290, %dma_wait3A_291] : memref<10240x128xf32, #tpu.memory_space<vmem_shared>> -> memref<10240x128xf32, #tpu.memory_space<vmem_shared>>
        tpu.wait_indirect_dma semaphore(%arg16 : memref<!tpu.dma_semaphore, #tpu.memory_space<semaphore_mem>>) src(%arg13 : memref<128x128xf32, #tpu.memory_space<vmem>>) dst(%dma_wait3A_292 : memref<10240x128xf32, #tpu.memory_space<vmem_shared>>)
        %mul3A_293 = arith.constant 2 : i32
        %mul3A_294 = arith.muli %mul3A_293, %add3A_60 : i32
        %add3A_295 = arith.constant 1 : i32
        %add3A_296 = arith.addi %mul3A_294, %add3A_295 : i32
        %add3A_297 = arith.constant 1 : i32
        %add3A_298 = arith.addi %add3A_296, %add3A_297 : i32
        %lt3A_299 = arith.constant 18 : i32
        %lt3A_300 = arith.cmpi slt, %add3A_298, %lt3A_299 : i32
        %convert_element_type3A_301 = arith.extui %lt3A_300 : i1 to i32
        %cond3A_302 = arith.constant 0 : i32
        %cond3A_303 = arith.cmpi ne, %convert_element_type3A_301, %cond3A_302 : i32
        scf.if %cond3A_303 {
          %add3A_528 = arith.constant 1 : i32
          %add3A_529 = arith.addi %add3A_296, %add3A_528 : i32
          %mul3A_530 = arith.constant 8 : i32
          %mul3A_531 = arith.muli %add3A_529, %mul3A_530 : i32
          %add3A_532 = arith.addi %mul3A_22, %mul3A_531 : i32
          %dma_start3A_533 = arith.constant 0 : i32
          %dma_start3A_534 = tpu.memref_slice %arg3[%add3A_532, %dma_start3A_533] : memref<2528x128xi32, #tpu.memory_space<hbm>> -> memref<8x128xi32, #tpu.memory_space<hbm>>
          %dma_start3A_535 = arith.constant 0 : i32
          %dma_start3A_536 = tpu.memref_slice %arg3[%add3A_532, %dma_start3A_535] : memref<2528x128xi32, #tpu.memory_space<hbm>> -> memref<8x128xi32, #tpu.memory_space<hbm>>
          tpu.enqueue_dma source(%dma_start3A_536 : memref<8x128xi32, #tpu.memory_space<hbm>>) target(%arg6 : memref<8x128xi32, #tpu.memory_space<vmem>>) target_semaphore(%arg17 : memref<!tpu.dma_semaphore, #tpu.memory_space<semaphore_mem>>)
          %mul3A_537 = arith.constant 8 : i32
          %mul3A_538 = arith.muli %add3A_529, %mul3A_537 : i32
          %add3A_539 = arith.addi %mul3A_22, %mul3A_538 : i32
          %dma_start3A_540 = arith.constant 0 : i32
          %dma_start3A_541 = tpu.memref_slice %arg4[%add3A_539, %dma_start3A_540] : memref<2528x128xi32, #tpu.memory_space<hbm>> -> memref<8x128xi32, #tpu.memory_space<hbm>>
          %dma_start3A_542 = arith.constant 0 : i32
          %dma_start3A_543 = tpu.memref_slice %arg4[%add3A_539, %dma_start3A_542] : memref<2528x128xi32, #tpu.memory_space<hbm>> -> memref<8x128xi32, #tpu.memory_space<hbm>>
          tpu.enqueue_dma source(%dma_start3A_543 : memref<8x128xi32, #tpu.memory_space<hbm>>) target(%arg7 : memref<8x128xi32, #tpu.memory_space<vmem>>) target_semaphore(%arg17 : memref<!tpu.dma_semaphore, #tpu.memory_space<semaphore_mem>>)
        } else {
        }
        %dma_start3A_304 = arith.constant 1 : i32
        %dma_start3A_305 = arith.constant 0 : i32
        %dma_start3A_306 = tpu.memref_slice %arg8[%dma_start3A_304, %dma_start3A_305] : memref<8x128xi32, #tpu.memory_space<vmem>> -> memref<1x128xi32, #tpu.memory_space<vmem>>
        %dma_start3A_307 = tpu.memref_squeeze %dma_start3A_306 : memref<1x128xi32, #tpu.memory_space<vmem>> -> memref<128xi32, #tpu.memory_space<vmem>>
        %dma_start3A_308 = arith.constant 0 : i32
        %dma_start3A_309 = arith.constant 0 : i32
        %dma_start3A_310 = tpu.memref_slice %arg2[%dma_start3A_308, %dma_start3A_309] : memref<10000x128xf32, #tpu.memory_space<hbm>> -> memref<10000x128xf32, #tpu.memory_space<hbm>>
        tpu.enqueue_indirect_dma source(%dma_start3A_310 : memref<10000x128xf32, #tpu.memory_space<hbm>>) target(%arg13 : memref<128x128xf32, #tpu.memory_space<vmem>>) offsets(%dma_start3A_307 : memref<128xi32, #tpu.memory_space<vmem>>) semaphore(%arg15 : memref<!tpu.dma_semaphore, #tpu.memory_space<semaphore_mem>>)
        %dma_wait3A_311 = arith.constant 0 : i32
        %dma_wait3A_312 = arith.constant 0 : i32
        %dma_wait3A_313 = tpu.memref_slice %arg8[%dma_wait3A_311, %dma_wait3A_312] : memref<8x128xi32, #tpu.memory_space<vmem>> -> memref<1x128xi32, #tpu.memory_space<vmem>>
        %dma_wait3A_314 = tpu.memref_squeeze %dma_wait3A_313 : memref<1x128xi32, #tpu.memory_space<vmem>> -> memref<128xi32, #tpu.memory_space<vmem>>
        %dma_wait3A_315 = arith.constant 0 : i32
        %dma_wait3A_316 = arith.constant 0 : i32
        %dma_wait3A_317 = tpu.memref_slice %arg2[%dma_wait3A_315, %dma_wait3A_316] : memref<10000x128xf32, #tpu.memory_space<hbm>> -> memref<10000x128xf32, #tpu.memory_space<hbm>>
        tpu.wait_indirect_dma semaphore(%arg15 : memref<!tpu.dma_semaphore, #tpu.memory_space<semaphore_mem>>) src(%dma_wait3A_317 : memref<10000x128xf32, #tpu.memory_space<hbm>>) dst(%arg12 : memref<128x128xf32, #tpu.memory_space<vmem>>)
        %dma_start3A_318 = arith.constant 0 : i32
        %dma_start3A_319 = arith.constant 0 : i32
        %dma_start3A_320 = tpu.memref_slice %arg9[%dma_start3A_318, %dma_start3A_319] : memref<8x128xi32, #tpu.memory_space<vmem>> -> memref<1x128xi32, #tpu.memory_space<vmem>>
        %dma_start3A_321 = tpu.memref_squeeze %dma_start3A_320 : memref<1x128xi32, #tpu.memory_space<vmem>> -> memref<128xi32, #tpu.memory_space<vmem>>
        %dma_start3A_322 = arith.constant 0 : i32
        %dma_start3A_323 = arith.constant 0 : i32
        %dma_start3A_324 = tpu.memref_slice %arg14[%dma_start3A_322, %dma_start3A_323] : memref<10240x128xf32, #tpu.memory_space<vmem_shared>> -> memref<10240x128xf32, #tpu.memory_space<vmem_shared>>
        tpu.enqueue_indirect_dma source(%arg12 : memref<128x128xf32, #tpu.memory_space<vmem>>) target(%dma_start3A_324 : memref<10240x128xf32, #tpu.memory_space<vmem_shared>>) offsets(%dma_start3A_321 : memref<128xi32, #tpu.memory_space<vmem>>) semaphore(%arg16 : memref<!tpu.dma_semaphore, #tpu.memory_space<semaphore_mem>>) {add = true}
        %dma_wait3A_325 = arith.constant 1 : i32
        %dma_wait3A_326 = arith.constant 0 : i32
        %dma_wait3A_327 = tpu.memref_slice %arg8[%dma_wait3A_325, %dma_wait3A_326] : memref<8x128xi32, #tpu.memory_space<vmem>> -> memref<1x128xi32, #tpu.memory_space<vmem>>
        %dma_wait3A_328 = tpu.memref_squeeze %dma_wait3A_327 : memref<1x128xi32, #tpu.memory_space<vmem>> -> memref<128xi32, #tpu.memory_space<vmem>>
        %dma_wait3A_329 = arith.constant 0 : i32
        %dma_wait3A_330 = arith.constant 0 : i32
        %dma_wait3A_331 = tpu.memref_slice %arg2[%dma_wait3A_329, %dma_wait3A_330] : memref<10000x128xf32, #tpu.memory_space<hbm>> -> memref<10000x128xf32, #tpu.memory_space<hbm>>
        tpu.wait_indirect_dma semaphore(%arg15 : memref<!tpu.dma_semaphore, #tpu.memory_space<semaphore_mem>>) src(%dma_wait3A_331 : memref<10000x128xf32, #tpu.memory_space<hbm>>) dst(%arg13 : memref<128x128xf32, #tpu.memory_space<vmem>>)
        %dma_wait3A_332 = arith.constant 0 : i32
        %dma_wait3A_333 = arith.constant 0 : i32
        %dma_wait3A_334 = tpu.memref_slice %arg9[%dma_wait3A_332, %dma_wait3A_333] : memref<8x128xi32, #tpu.memory_space<vmem>> -> memref<1x128xi32, #tpu.memory_space<vmem>>
        %dma_wait3A_335 = tpu.memref_squeeze %dma_wait3A_334 : memref<1x128xi32, #tpu.memory_space<vmem>> -> memref<128xi32, #tpu.memory_space<vmem>>
        %dma_wait3A_336 = arith.constant 0 : i32
        %dma_wait3A_337 = arith.constant 0 : i32
        %dma_wait3A_338 = tpu.memref_slice %arg14[%dma_wait3A_336, %dma_wait3A_337] : memref<10240x128xf32, #tpu.memory_space<vmem_shared>> -> memref<10240x128xf32, #tpu.memory_space<vmem_shared>>
        tpu.wait_indirect_dma semaphore(%arg16 : memref<!tpu.dma_semaphore, #tpu.memory_space<semaphore_mem>>) src(%arg12 : memref<128x128xf32, #tpu.memory_space<vmem>>) dst(%dma_wait3A_338 : memref<10240x128xf32, #tpu.memory_space<vmem_shared>>)
        %dma_start3A_339 = arith.constant 2 : i32
        %dma_start3A_340 = arith.constant 0 : i32
        %dma_start3A_341 = tpu.memref_slice %arg8[%dma_start3A_339, %dma_start3A_340] : memref<8x128xi32, #tpu.memory_space<vmem>> -> memref<1x128xi32, #tpu.memory_space<vmem>>
        %dma_start3A_342 = tpu.memref_squeeze %dma_start3A_341 : memref<1x128xi32, #tpu.memory_space<vmem>> -> memref<128xi32, #tpu.memory_space<vmem>>
        %dma_start3A_343 = arith.constant 0 : i32
        %dma_start3A_344 = arith.constant 0 : i32
        %dma_start3A_345 = tpu.memref_slice %arg2[%dma_start3A_343, %dma_start3A_344] : memref<10000x128xf32, #tpu.memory_space<hbm>> -> memref<10000x128xf32, #tpu.memory_space<hbm>>
        tpu.enqueue_indirect_dma source(%dma_start3A_345 : memref<10000x128xf32, #tpu.memory_space<hbm>>) target(%arg12 : memref<128x128xf32, #tpu.memory_space<vmem>>) offsets(%dma_start3A_342 : memref<128xi32, #tpu.memory_space<vmem>>) semaphore(%arg15 : memref<!tpu.dma_semaphore, #tpu.memory_space<semaphore_mem>>)
        %dma_start3A_346 = arith.constant 1 : i32
        %dma_start3A_347 = arith.constant 0 : i32
        %dma_start3A_348 = tpu.memref_slice %arg9[%dma_start3A_346, %dma_start3A_347] : memref<8x128xi32, #tpu.memory_space<vmem>> -> memref<1x128xi32, #tpu.memory_space<vmem>>
        %dma_start3A_349 = tpu.memref_squeeze %dma_start3A_348 : memref<1x128xi32, #tpu.memory_space<vmem>> -> memref<128xi32, #tpu.memory_space<vmem>>
        %dma_start3A_350 = arith.constant 0 : i32
        %dma_start3A_351 = arith.constant 0 : i32
        %dma_start3A_352 = tpu.memref_slice %arg14[%dma_start3A_350, %dma_start3A_351] : memref<10240x128xf32, #tpu.memory_space<vmem_shared>> -> memref<10240x128xf32, #tpu.memory_space<vmem_shared>>
        tpu.enqueue_indirect_dma source(%arg13 : memref<128x128xf32, #tpu.memory_space<vmem>>) target(%dma_start3A_352 : memref<10240x128xf32, #tpu.memory_space<vmem_shared>>) offsets(%dma_start3A_349 : memref<128xi32, #tpu.memory_space<vmem>>) semaphore(%arg16 : memref<!tpu.dma_semaphore, #tpu.memory_space<semaphore_mem>>) {add = true}
        %dma_wait3A_353 = arith.constant 1 : i32
        %dma_wait3A_354 = arith.constant 0 : i32
        %dma_wait3A_355 = tpu.memref_slice %arg9[%dma_wait3A_353, %dma_wait3A_354] : memref<8x128xi32, #tpu.memory_space<vmem>> -> memref<1x128xi32, #tpu.memory_space<vmem>>
        %dma_wait3A_356 = tpu.memref_squeeze %dma_wait3A_355 : memref<1x128xi32, #tpu.memory_space<vmem>> -> memref<128xi32, #tpu.memory_space<vmem>>
        %dma_wait3A_357 = arith.constant 0 : i32
        %dma_wait3A_358 = arith.constant 0 : i32
        %dma_wait3A_359 = tpu.memref_slice %arg14[%dma_wait3A_357, %dma_wait3A_358] : memref<10240x128xf32, #tpu.memory_space<vmem_shared>> -> memref<10240x128xf32, #tpu.memory_space<vmem_shared>>
        tpu.wait_indirect_dma semaphore(%arg16 : memref<!tpu.dma_semaphore, #tpu.memory_space<semaphore_mem>>) src(%arg13 : memref<128x128xf32, #tpu.memory_space<vmem>>) dst(%dma_wait3A_359 : memref<10240x128xf32, #tpu.memory_space<vmem_shared>>)
        %dma_start3A_360 = arith.constant 3 : i32
        %dma_start3A_361 = arith.constant 0 : i32
        %dma_start3A_362 = tpu.memref_slice %arg8[%dma_start3A_360, %dma_start3A_361] : memref<8x128xi32, #tpu.memory_space<vmem>> -> memref<1x128xi32, #tpu.memory_space<vmem>>
        %dma_start3A_363 = tpu.memref_squeeze %dma_start3A_362 : memref<1x128xi32, #tpu.memory_space<vmem>> -> memref<128xi32, #tpu.memory_space<vmem>>
        %dma_start3A_364 = arith.constant 0 : i32
        %dma_start3A_365 = arith.constant 0 : i32
        %dma_start3A_366 = tpu.memref_slice %arg2[%dma_start3A_364, %dma_start3A_365] : memref<10000x128xf32, #tpu.memory_space<hbm>> -> memref<10000x128xf32, #tpu.memory_space<hbm>>
        tpu.enqueue_indirect_dma source(%dma_start3A_366 : memref<10000x128xf32, #tpu.memory_space<hbm>>) target(%arg13 : memref<128x128xf32, #tpu.memory_space<vmem>>) offsets(%dma_start3A_363 : memref<128xi32, #tpu.memory_space<vmem>>) semaphore(%arg15 : memref<!tpu.dma_semaphore, #tpu.memory_space<semaphore_mem>>)
        %dma_wait3A_367 = arith.constant 2 : i32
        %dma_wait3A_368 = arith.constant 0 : i32
        %dma_wait3A_369 = tpu.memref_slice %arg8[%dma_wait3A_367, %dma_wait3A_368] : memref<8x128xi32, #tpu.memory_space<vmem>> -> memref<1x128xi32, #tpu.memory_space<vmem>>
        %dma_wait3A_370 = tpu.memref_squeeze %dma_wait3A_369 : memref<1x128xi32, #tpu.memory_space<vmem>> -> memref<128xi32, #tpu.memory_space<vmem>>
        %dma_wait3A_371 = arith.constant 0 : i32
        %dma_wait3A_372 = arith.constant 0 : i32
        %dma_wait3A_373 = tpu.memref_slice %arg2[%dma_wait3A_371, %dma_wait3A_372] : memref<10000x128xf32, #tpu.memory_space<hbm>> -> memref<10000x128xf32, #tpu.memory_space<hbm>>
        tpu.wait_indirect_dma semaphore(%arg15 : memref<!tpu.dma_semaphore, #tpu.memory_space<semaphore_mem>>) src(%dma_wait3A_373 : memref<10000x128xf32, #tpu.memory_space<hbm>>) dst(%arg12 : memref<128x128xf32, #tpu.memory_space<vmem>>)
        %dma_start3A_374 = arith.constant 2 : i32
        %dma_start3A_375 = arith.constant 0 : i32
        %dma_start3A_376 = tpu.memref_slice %arg9[%dma_start3A_374, %dma_start3A_375] : memref<8x128xi32, #tpu.memory_space<vmem>> -> memref<1x128xi32, #tpu.memory_space<vmem>>
        %dma_start3A_377 = tpu.memref_squeeze %dma_start3A_376 : memref<1x128xi32, #tpu.memory_space<vmem>> -> memref<128xi32, #tpu.memory_space<vmem>>
        %dma_start3A_378 = arith.constant 0 : i32
        %dma_start3A_379 = arith.constant 0 : i32
        %dma_start3A_380 = tpu.memref_slice %arg14[%dma_start3A_378, %dma_start3A_379] : memref<10240x128xf32, #tpu.memory_space<vmem_shared>> -> memref<10240x128xf32, #tpu.memory_space<vmem_shared>>
        tpu.enqueue_indirect_dma source(%arg12 : memref<128x128xf32, #tpu.memory_space<vmem>>) target(%dma_start3A_380 : memref<10240x128xf32, #tpu.memory_space<vmem_shared>>) offsets(%dma_start3A_377 : memref<128xi32, #tpu.memory_space<vmem>>) semaphore(%arg16 : memref<!tpu.dma_semaphore, #tpu.memory_space<semaphore_mem>>) {add = true}
        %dma_wait3A_381 = arith.constant 3 : i32
        %dma_wait3A_382 = arith.constant 0 : i32
        %dma_wait3A_383 = tpu.memref_slice %arg8[%dma_wait3A_381, %dma_wait3A_382] : memref<8x128xi32, #tpu.memory_space<vmem>> -> memref<1x128xi32, #tpu.memory_space<vmem>>
        %dma_wait3A_384 = tpu.memref_squeeze %dma_wait3A_383 : memref<1x128xi32, #tpu.memory_space<vmem>> -> memref<128xi32, #tpu.memory_space<vmem>>
        %dma_wait3A_385 = arith.constant 0 : i32
        %dma_wait3A_386 = arith.constant 0 : i32
        %dma_wait3A_387 = tpu.memref_slice %arg2[%dma_wait3A_385, %dma_wait3A_386] : memref<10000x128xf32, #tpu.memory_space<hbm>> -> memref<10000x128xf32, #tpu.memory_space<hbm>>
        tpu.wait_indirect_dma semaphore(%arg15 : memref<!tpu.dma_semaphore, #tpu.memory_space<semaphore_mem>>) src(%dma_wait3A_387 : memref<10000x128xf32, #tpu.memory_space<hbm>>) dst(%arg13 : memref<128x128xf32, #tpu.memory_space<vmem>>)
        %dma_wait3A_388 = arith.constant 2 : i32
        %dma_wait3A_389 = arith.constant 0 : i32
        %dma_wait3A_390 = tpu.memref_slice %arg9[%dma_wait3A_388, %dma_wait3A_389] : memref<8x128xi32, #tpu.memory_space<vmem>> -> memref<1x128xi32, #tpu.memory_space<vmem>>
        %dma_wait3A_391 = tpu.memref_squeeze %dma_wait3A_390 : memref<1x128xi32, #tpu.memory_space<vmem>> -> memref<128xi32, #tpu.memory_space<vmem>>
        %dma_wait3A_392 = arith.constant 0 : i32
        %dma_wait3A_393 = arith.constant 0 : i32
        %dma_wait3A_394 = tpu.memref_slice %arg14[%dma_wait3A_392, %dma_wait3A_393] : memref<10240x128xf32, #tpu.memory_space<vmem_shared>> -> memref<10240x128xf32, #tpu.memory_space<vmem_shared>>
        tpu.wait_indirect_dma semaphore(%arg16 : memref<!tpu.dma_semaphore, #tpu.memory_space<semaphore_mem>>) src(%arg12 : memref<128x128xf32, #tpu.memory_space<vmem>>) dst(%dma_wait3A_394 : memref<10240x128xf32, #tpu.memory_space<vmem_shared>>)
        %dma_start3A_395 = arith.constant 4 : i32
        %dma_start3A_396 = arith.constant 0 : i32
        %dma_start3A_397 = tpu.memref_slice %arg8[%dma_start3A_395, %dma_start3A_396] : memref<8x128xi32, #tpu.memory_space<vmem>> -> memref<1x128xi32, #tpu.memory_space<vmem>>
        %dma_start3A_398 = tpu.memref_squeeze %dma_start3A_397 : memref<1x128xi32, #tpu.memory_space<vmem>> -> memref<128xi32, #tpu.memory_space<vmem>>
        %dma_start3A_399 = arith.constant 0 : i32
        %dma_start3A_400 = arith.constant 0 : i32
        %dma_start3A_401 = tpu.memref_slice %arg2[%dma_start3A_399, %dma_start3A_400] : memref<10000x128xf32, #tpu.memory_space<hbm>> -> memref<10000x128xf32, #tpu.memory_space<hbm>>
        tpu.enqueue_indirect_dma source(%dma_start3A_401 : memref<10000x128xf32, #tpu.memory_space<hbm>>) target(%arg12 : memref<128x128xf32, #tpu.memory_space<vmem>>) offsets(%dma_start3A_398 : memref<128xi32, #tpu.memory_space<vmem>>) semaphore(%arg15 : memref<!tpu.dma_semaphore, #tpu.memory_space<semaphore_mem>>)
        %dma_start3A_402 = arith.constant 3 : i32
        %dma_start3A_403 = arith.constant 0 : i32
        %dma_start3A_404 = tpu.memref_slice %arg9[%dma_start3A_402, %dma_start3A_403] : memref<8x128xi32, #tpu.memory_space<vmem>> -> memref<1x128xi32, #tpu.memory_space<vmem>>
        %dma_start3A_405 = tpu.memref_squeeze %dma_start3A_404 : memref<1x128xi32, #tpu.memory_space<vmem>> -> memref<128xi32, #tpu.memory_space<vmem>>
        %dma_start3A_406 = arith.constant 0 : i32
        %dma_start3A_407 = arith.constant 0 : i32
        %dma_start3A_408 = tpu.memref_slice %arg14[%dma_start3A_406, %dma_start3A_407] : memref<10240x128xf32, #tpu.memory_space<vmem_shared>> -> memref<10240x128xf32, #tpu.memory_space<vmem_shared>>
        tpu.enqueue_indirect_dma source(%arg13 : memref<128x128xf32, #tpu.memory_space<vmem>>) target(%dma_start3A_408 : memref<10240x128xf32, #tpu.memory_space<vmem_shared>>) offsets(%dma_start3A_405 : memref<128xi32, #tpu.memory_space<vmem>>) semaphore(%arg16 : memref<!tpu.dma_semaphore, #tpu.memory_space<semaphore_mem>>) {add = true}
        %dma_wait3A_409 = arith.constant 3 : i32
        %dma_wait3A_410 = arith.constant 0 : i32
        %dma_wait3A_411 = tpu.memref_slice %arg9[%dma_wait3A_409, %dma_wait3A_410] : memref<8x128xi32, #tpu.memory_space<vmem>> -> memref<1x128xi32, #tpu.memory_space<vmem>>
        %dma_wait3A_412 = tpu.memref_squeeze %dma_wait3A_411 : memref<1x128xi32, #tpu.memory_space<vmem>> -> memref<128xi32, #tpu.memory_space<vmem>>
        %dma_wait3A_413 = arith.constant 0 : i32
        %dma_wait3A_414 = arith.constant 0 : i32
        %dma_wait3A_415 = tpu.memref_slice %arg14[%dma_wait3A_413, %dma_wait3A_414] : memref<10240x128xf32, #tpu.memory_space<vmem_shared>> -> memref<10240x128xf32, #tpu.memory_space<vmem_shared>>
        tpu.wait_indirect_dma semaphore(%arg16 : memref<!tpu.dma_semaphore, #tpu.memory_space<semaphore_mem>>) src(%arg13 : memref<128x128xf32, #tpu.memory_space<vmem>>) dst(%dma_wait3A_415 : memref<10240x128xf32, #tpu.memory_space<vmem_shared>>)
        %dma_start3A_416 = arith.constant 5 : i32
        %dma_start3A_417 = arith.constant 0 : i32
        %dma_start3A_418 = tpu.memref_slice %arg8[%dma_start3A_416, %dma_start3A_417] : memref<8x128xi32, #tpu.memory_space<vmem>> -> memref<1x128xi32, #tpu.memory_space<vmem>>
        %dma_start3A_419 = tpu.memref_squeeze %dma_start3A_418 : memref<1x128xi32, #tpu.memory_space<vmem>> -> memref<128xi32, #tpu.memory_space<vmem>>
        %dma_start3A_420 = arith.constant 0 : i32
        %dma_start3A_421 = arith.constant 0 : i32
        %dma_start3A_422 = tpu.memref_slice %arg2[%dma_start3A_420, %dma_start3A_421] : memref<10000x128xf32, #tpu.memory_space<hbm>> -> memref<10000x128xf32, #tpu.memory_space<hbm>>
        tpu.enqueue_indirect_dma source(%dma_start3A_422 : memref<10000x128xf32, #tpu.memory_space<hbm>>) target(%arg13 : memref<128x128xf32, #tpu.memory_space<vmem>>) offsets(%dma_start3A_419 : memref<128xi32, #tpu.memory_space<vmem>>) semaphore(%arg15 : memref<!tpu.dma_semaphore, #tpu.memory_space<semaphore_mem>>)
        %dma_wait3A_423 = arith.constant 4 : i32
        %dma_wait3A_424 = arith.constant 0 : i32
        %dma_wait3A_425 = tpu.memref_slice %arg8[%dma_wait3A_423, %dma_wait3A_424] : memref<8x128xi32, #tpu.memory_space<vmem>> -> memref<1x128xi32, #tpu.memory_space<vmem>>
        %dma_wait3A_426 = tpu.memref_squeeze %dma_wait3A_425 : memref<1x128xi32, #tpu.memory_space<vmem>> -> memref<128xi32, #tpu.memory_space<vmem>>
        %dma_wait3A_427 = arith.constant 0 : i32
        %dma_wait3A_428 = arith.constant 0 : i32
        %dma_wait3A_429 = tpu.memref_slice %arg2[%dma_wait3A_427, %dma_wait3A_428] : memref<10000x128xf32, #tpu.memory_space<hbm>> -> memref<10000x128xf32, #tpu.memory_space<hbm>>
        tpu.wait_indirect_dma semaphore(%arg15 : memref<!tpu.dma_semaphore, #tpu.memory_space<semaphore_mem>>) src(%dma_wait3A_429 : memref<10000x128xf32, #tpu.memory_space<hbm>>) dst(%arg12 : memref<128x128xf32, #tpu.memory_space<vmem>>)
        %dma_start3A_430 = arith.constant 4 : i32
        %dma_start3A_431 = arith.constant 0 : i32
        %dma_start3A_432 = tpu.memref_slice %arg9[%dma_start3A_430, %dma_start3A_431] : memref<8x128xi32, #tpu.memory_space<vmem>> -> memref<1x128xi32, #tpu.memory_space<vmem>>
        %dma_start3A_433 = tpu.memref_squeeze %dma_start3A_432 : memref<1x128xi32, #tpu.memory_space<vmem>> -> memref<128xi32, #tpu.memory_space<vmem>>
        %dma_start3A_434 = arith.constant 0 : i32
        %dma_start3A_435 = arith.constant 0 : i32
        %dma_start3A_436 = tpu.memref_slice %arg14[%dma_start3A_434, %dma_start3A_435] : memref<10240x128xf32, #tpu.memory_space<vmem_shared>> -> memref<10240x128xf32, #tpu.memory_space<vmem_shared>>
        tpu.enqueue_indirect_dma source(%arg12 : memref<128x128xf32, #tpu.memory_space<vmem>>) target(%dma_start3A_436 : memref<10240x128xf32, #tpu.memory_space<vmem_shared>>) offsets(%dma_start3A_433 : memref<128xi32, #tpu.memory_space<vmem>>) semaphore(%arg16 : memref<!tpu.dma_semaphore, #tpu.memory_space<semaphore_mem>>) {add = true}
        %dma_wait3A_437 = arith.constant 5 : i32
        %dma_wait3A_438 = arith.constant 0 : i32
        %dma_wait3A_439 = tpu.memref_slice %arg8[%dma_wait3A_437, %dma_wait3A_438] : memref<8x128xi32, #tpu.memory_space<vmem>> -> memref<1x128xi32, #tpu.memory_space<vmem>>
        %dma_wait3A_440 = tpu.memref_squeeze %dma_wait3A_439 : memref<1x128xi32, #tpu.memory_space<vmem>> -> memref<128xi32, #tpu.memory_space<vmem>>
        %dma_wait3A_441 = arith.constant 0 : i32
        %dma_wait3A_442 = arith.constant 0 : i32
        %dma_wait3A_443 = tpu.memref_slice %arg2[%dma_wait3A_441, %dma_wait3A_442] : memref<10000x128xf32, #tpu.memory_space<hbm>> -> memref<10000x128xf32, #tpu.memory_space<hbm>>
        tpu.wait_indirect_dma semaphore(%arg15 : memref<!tpu.dma_semaphore, #tpu.memory_space<semaphore_mem>>) src(%dma_wait3A_443 : memref<10000x128xf32, #tpu.memory_space<hbm>>) dst(%arg13 : memref<128x128xf32, #tpu.memory_space<vmem>>)
        %dma_wait3A_444 = arith.constant 4 : i32
        %dma_wait3A_445 = arith.constant 0 : i32
        %dma_wait3A_446 = tpu.memref_slice %arg9[%dma_wait3A_444, %dma_wait3A_445] : memref<8x128xi32, #tpu.memory_space<vmem>> -> memref<1x128xi32, #tpu.memory_space<vmem>>
        %dma_wait3A_447 = tpu.memref_squeeze %dma_wait3A_446 : memref<1x128xi32, #tpu.memory_space<vmem>> -> memref<128xi32, #tpu.memory_space<vmem>>
        %dma_wait3A_448 = arith.constant 0 : i32
        %dma_wait3A_449 = arith.constant 0 : i32
        %dma_wait3A_450 = tpu.memref_slice %arg14[%dma_wait3A_448, %dma_wait3A_449] : memref<10240x128xf32, #tpu.memory_space<vmem_shared>> -> memref<10240x128xf32, #tpu.memory_space<vmem_shared>>
        tpu.wait_indirect_dma semaphore(%arg16 : memref<!tpu.dma_semaphore, #tpu.memory_space<semaphore_mem>>) src(%arg12 : memref<128x128xf32, #tpu.memory_space<vmem>>) dst(%dma_wait3A_450 : memref<10240x128xf32, #tpu.memory_space<vmem_shared>>)
        %dma_start3A_451 = arith.constant 6 : i32
        %dma_start3A_452 = arith.constant 0 : i32
        %dma_start3A_453 = tpu.memref_slice %arg8[%dma_start3A_451, %dma_start3A_452] : memref<8x128xi32, #tpu.memory_space<vmem>> -> memref<1x128xi32, #tpu.memory_space<vmem>>
        %dma_start3A_454 = tpu.memref_squeeze %dma_start3A_453 : memref<1x128xi32, #tpu.memory_space<vmem>> -> memref<128xi32, #tpu.memory_space<vmem>>
        %dma_start3A_455 = arith.constant 0 : i32
        %dma_start3A_456 = arith.constant 0 : i32
        %dma_start3A_457 = tpu.memref_slice %arg2[%dma_start3A_455, %dma_start3A_456] : memref<10000x128xf32, #tpu.memory_space<hbm>> -> memref<10000x128xf32, #tpu.memory_space<hbm>>
        tpu.enqueue_indirect_dma source(%dma_start3A_457 : memref<10000x128xf32, #tpu.memory_space<hbm>>) target(%arg12 : memref<128x128xf32, #tpu.memory_space<vmem>>) offsets(%dma_start3A_454 : memref<128xi32, #tpu.memory_space<vmem>>) semaphore(%arg15 : memref<!tpu.dma_semaphore, #tpu.memory_space<semaphore_mem>>)
        %dma_start3A_458 = arith.constant 5 : i32
        %dma_start3A_459 = arith.constant 0 : i32
        %dma_start3A_460 = tpu.memref_slice %arg9[%dma_start3A_458, %dma_start3A_459] : memref<8x128xi32, #tpu.memory_space<vmem>> -> memref<1x128xi32, #tpu.memory_space<vmem>>
        %dma_start3A_461 = tpu.memref_squeeze %dma_start3A_460 : memref<1x128xi32, #tpu.memory_space<vmem>> -> memref<128xi32, #tpu.memory_space<vmem>>
        %dma_start3A_462 = arith.constant 0 : i32
        %dma_start3A_463 = arith.constant 0 : i32
        %dma_start3A_464 = tpu.memref_slice %arg14[%dma_start3A_462, %dma_start3A_463] : memref<10240x128xf32, #tpu.memory_space<vmem_shared>> -> memref<10240x128xf32, #tpu.memory_space<vmem_shared>>
        tpu.enqueue_indirect_dma source(%arg13 : memref<128x128xf32, #tpu.memory_space<vmem>>) target(%dma_start3A_464 : memref<10240x128xf32, #tpu.memory_space<vmem_shared>>) offsets(%dma_start3A_461 : memref<128xi32, #tpu.memory_space<vmem>>) semaphore(%arg16 : memref<!tpu.dma_semaphore, #tpu.memory_space<semaphore_mem>>) {add = true}
        %dma_wait3A_465 = arith.constant 5 : i32
        %dma_wait3A_466 = arith.constant 0 : i32
        %dma_wait3A_467 = tpu.memref_slice %arg9[%dma_wait3A_465, %dma_wait3A_466] : memref<8x128xi32, #tpu.memory_space<vmem>> -> memref<1x128xi32, #tpu.memory_space<vmem>>
        %dma_wait3A_468 = tpu.memref_squeeze %dma_wait3A_467 : memref<1x128xi32, #tpu.memory_space<vmem>> -> memref<128xi32, #tpu.memory_space<vmem>>
        %dma_wait3A_469 = arith.constant 0 : i32
        %dma_wait3A_470 = arith.constant 0 : i32
        %dma_wait3A_471 = tpu.memref_slice %arg14[%dma_wait3A_469, %dma_wait3A_470] : memref<10240x128xf32, #tpu.memory_space<vmem_shared>> -> memref<10240x128xf32, #tpu.memory_space<vmem_shared>>
        tpu.wait_indirect_dma semaphore(%arg16 : memref<!tpu.dma_semaphore, #tpu.memory_space<semaphore_mem>>) src(%arg13 : memref<128x128xf32, #tpu.memory_space<vmem>>) dst(%dma_wait3A_471 : memref<10240x128xf32, #tpu.memory_space<vmem_shared>>)
        %dma_start3A_472 = arith.constant 7 : i32
        %dma_start3A_473 = arith.constant 0 : i32
        %dma_start3A_474 = tpu.memref_slice %arg8[%dma_start3A_472, %dma_start3A_473] : memref<8x128xi32, #tpu.memory_space<vmem>> -> memref<1x128xi32, #tpu.memory_space<vmem>>
        %dma_start3A_475 = tpu.memref_squeeze %dma_start3A_474 : memref<1x128xi32, #tpu.memory_space<vmem>> -> memref<128xi32, #tpu.memory_space<vmem>>
        %dma_start3A_476 = arith.constant 0 : i32
        %dma_start3A_477 = arith.constant 0 : i32
        %dma_start3A_478 = tpu.memref_slice %arg2[%dma_start3A_476, %dma_start3A_477] : memref<10000x128xf32, #tpu.memory_space<hbm>> -> memref<10000x128xf32, #tpu.memory_space<hbm>>
        tpu.enqueue_indirect_dma source(%dma_start3A_478 : memref<10000x128xf32, #tpu.memory_space<hbm>>) target(%arg13 : memref<128x128xf32, #tpu.memory_space<vmem>>) offsets(%dma_start3A_475 : memref<128xi32, #tpu.memory_space<vmem>>) semaphore(%arg15 : memref<!tpu.dma_semaphore, #tpu.memory_space<semaphore_mem>>)
        %dma_wait3A_479 = arith.constant 6 : i32
        %dma_wait3A_480 = arith.constant 0 : i32
        %dma_wait3A_481 = tpu.memref_slice %arg8[%dma_wait3A_479, %dma_wait3A_480] : memref<8x128xi32, #tpu.memory_space<vmem>> -> memref<1x128xi32, #tpu.memory_space<vmem>>
        %dma_wait3A_482 = tpu.memref_squeeze %dma_wait3A_481 : memref<1x128xi32, #tpu.memory_space<vmem>> -> memref<128xi32, #tpu.memory_space<vmem>>
        %dma_wait3A_483 = arith.constant 0 : i32
        %dma_wait3A_484 = arith.constant 0 : i32
        %dma_wait3A_485 = tpu.memref_slice %arg2[%dma_wait3A_483, %dma_wait3A_484] : memref<10000x128xf32, #tpu.memory_space<hbm>> -> memref<10000x128xf32, #tpu.memory_space<hbm>>
        tpu.wait_indirect_dma semaphore(%arg15 : memref<!tpu.dma_semaphore, #tpu.memory_space<semaphore_mem>>) src(%dma_wait3A_485 : memref<10000x128xf32, #tpu.memory_space<hbm>>) dst(%arg12 : memref<128x128xf32, #tpu.memory_space<vmem>>)
        %dma_start3A_486 = arith.constant 6 : i32
        %dma_start3A_487 = arith.constant 0 : i32
        %dma_start3A_488 = tpu.memref_slice %arg9[%dma_start3A_486, %dma_start3A_487] : memref<8x128xi32, #tpu.memory_space<vmem>> -> memref<1x128xi32, #tpu.memory_space<vmem>>
        %dma_start3A_489 = tpu.memref_squeeze %dma_start3A_488 : memref<1x128xi32, #tpu.memory_space<vmem>> -> memref<128xi32, #tpu.memory_space<vmem>>
        %dma_start3A_490 = arith.constant 0 : i32
        %dma_start3A_491 = arith.constant 0 : i32
        %dma_start3A_492 = tpu.memref_slice %arg14[%dma_start3A_490, %dma_start3A_491] : memref<10240x128xf32, #tpu.memory_space<vmem_shared>> -> memref<10240x128xf32, #tpu.memory_space<vmem_shared>>
        tpu.enqueue_indirect_dma source(%arg12 : memref<128x128xf32, #tpu.memory_space<vmem>>) target(%dma_start3A_492 : memref<10240x128xf32, #tpu.memory_space<vmem_shared>>) offsets(%dma_start3A_489 : memref<128xi32, #tpu.memory_space<vmem>>) semaphore(%arg16 : memref<!tpu.dma_semaphore, #tpu.memory_space<semaphore_mem>>) {add = true}
        %dma_wait3A_493 = arith.constant 7 : i32
        %dma_wait3A_494 = arith.constant 0 : i32
        %dma_wait3A_495 = tpu.memref_slice %arg8[%dma_wait3A_493, %dma_wait3A_494] : memref<8x128xi32, #tpu.memory_space<vmem>> -> memref<1x128xi32, #tpu.memory_space<vmem>>
        %dma_wait3A_496 = tpu.memref_squeeze %dma_wait3A_495 : memref<1x128xi32, #tpu.memory_space<vmem>> -> memref<128xi32, #tpu.memory_space<vmem>>
        %dma_wait3A_497 = arith.constant 0 : i32
        %dma_wait3A_498 = arith.constant 0 : i32
        %dma_wait3A_499 = tpu.memref_slice %arg2[%dma_wait3A_497, %dma_wait3A_498] : memref<10000x128xf32, #tpu.memory_space<hbm>> -> memref<10000x128xf32, #tpu.memory_space<hbm>>
        tpu.wait_indirect_dma semaphore(%arg15 : memref<!tpu.dma_semaphore, #tpu.memory_space<semaphore_mem>>) src(%dma_wait3A_499 : memref<10000x128xf32, #tpu.memory_space<hbm>>) dst(%arg13 : memref<128x128xf32, #tpu.memory_space<vmem>>)
        %dma_wait3A_500 = arith.constant 6 : i32
        %dma_wait3A_501 = arith.constant 0 : i32
        %dma_wait3A_502 = tpu.memref_slice %arg9[%dma_wait3A_500, %dma_wait3A_501] : memref<8x128xi32, #tpu.memory_space<vmem>> -> memref<1x128xi32, #tpu.memory_space<vmem>>
        %dma_wait3A_503 = tpu.memref_squeeze %dma_wait3A_502 : memref<1x128xi32, #tpu.memory_space<vmem>> -> memref<128xi32, #tpu.memory_space<vmem>>
        %dma_wait3A_504 = arith.constant 0 : i32
        %dma_wait3A_505 = arith.constant 0 : i32
        %dma_wait3A_506 = tpu.memref_slice %arg14[%dma_wait3A_504, %dma_wait3A_505] : memref<10240x128xf32, #tpu.memory_space<vmem_shared>> -> memref<10240x128xf32, #tpu.memory_space<vmem_shared>>
        tpu.wait_indirect_dma semaphore(%arg16 : memref<!tpu.dma_semaphore, #tpu.memory_space<semaphore_mem>>) src(%arg12 : memref<128x128xf32, #tpu.memory_space<vmem>>) dst(%dma_wait3A_506 : memref<10240x128xf32, #tpu.memory_space<vmem_shared>>)
        %add3A_507 = arith.constant 1 : i32
        %add3A_508 = arith.addi %add3A_296, %add3A_507 : i32
        %lt3A_509 = arith.constant 18 : i32
        %lt3A_510 = arith.cmpi slt, %add3A_508, %lt3A_509 : i32
        %convert_element_type3A_511 = arith.extui %lt3A_510 : i1 to i32
        %cond3A_512 = arith.constant 0 : i32
        %cond3A_513 = arith.cmpi ne, %convert_element_type3A_511, %cond3A_512 : i32
        scf.if %cond3A_513 {
          %add3A_528 = arith.constant 1 : i32
          %add3A_529 = arith.addi %add3A_296, %add3A_528 : i32
          %mul3A_530 = arith.constant 8 : i32
          %mul3A_531 = arith.muli %add3A_529, %mul3A_530 : i32
          %add3A_532 = arith.addi %mul3A_22, %mul3A_531 : i32
          %dma_wait3A_533 = arith.constant 0 : i32
          %dma_wait3A_534 = tpu.memref_slice %arg3[%add3A_532, %dma_wait3A_533] : memref<2528x128xi32, #tpu.memory_space<hbm>> -> memref<8x128xi32, #tpu.memory_space<hbm>>
          %dma_wait3A_535 = arith.constant 0 : i32
          %dma_wait3A_536 = tpu.memref_slice %arg3[%add3A_532, %dma_wait3A_535] : memref<2528x128xi32, #tpu.memory_space<hbm>> -> memref<8x128xi32, #tpu.memory_space<hbm>>
          tpu.wait_dma2 semaphore(%arg17 : memref<!tpu.dma_semaphore, #tpu.memory_space<semaphore_mem>>) src(%dma_wait3A_536 : memref<8x128xi32, #tpu.memory_space<hbm>>) dst(%arg6 : memref<8x128xi32, #tpu.memory_space<vmem>>)
          %mul3A_537 = arith.constant 8 : i32
          %mul3A_538 = arith.muli %add3A_529, %mul3A_537 : i32
          %add3A_539 = arith.addi %mul3A_22, %mul3A_538 : i32
          %dma_wait3A_540 = arith.constant 0 : i32
          %dma_wait3A_541 = tpu.memref_slice %arg4[%add3A_539, %dma_wait3A_540] : memref<2528x128xi32, #tpu.memory_space<hbm>> -> memref<8x128xi32, #tpu.memory_space<hbm>>
          %dma_wait3A_542 = arith.constant 0 : i32
          %dma_wait3A_543 = tpu.memref_slice %arg4[%add3A_539, %dma_wait3A_542] : memref<2528x128xi32, #tpu.memory_space<hbm>> -> memref<8x128xi32, #tpu.memory_space<hbm>>
          tpu.wait_dma2 semaphore(%arg17 : memref<!tpu.dma_semaphore, #tpu.memory_space<semaphore_mem>>) src(%dma_wait3A_543 : memref<8x128xi32, #tpu.memory_space<hbm>>) dst(%arg7 : memref<8x128xi32, #tpu.memory_space<vmem>>)
          %dma_start3A_544 = arith.constant 0 : i32
          %dma_start3A_545 = arith.constant 0 : i32
          %dma_start3A_546 = tpu.memref_slice %arg6[%dma_start3A_544, %dma_start3A_545] : memref<8x128xi32, #tpu.memory_space<vmem>> -> memref<1x128xi32, #tpu.memory_space<vmem>>
          %dma_start3A_547 = tpu.memref_squeeze %dma_start3A_546 : memref<1x128xi32, #tpu.memory_space<vmem>> -> memref<128xi32, #tpu.memory_space<vmem>>
          %dma_start3A_548 = arith.constant 0 : i32
          %dma_start3A_549 = arith.constant 0 : i32
          %dma_start3A_550 = tpu.memref_slice %arg2[%dma_start3A_548, %dma_start3A_549] : memref<10000x128xf32, #tpu.memory_space<hbm>> -> memref<10000x128xf32, #tpu.memory_space<hbm>>
          tpu.enqueue_indirect_dma source(%dma_start3A_550 : memref<10000x128xf32, #tpu.memory_space<hbm>>) target(%arg12 : memref<128x128xf32, #tpu.memory_space<vmem>>) offsets(%dma_start3A_547 : memref<128xi32, #tpu.memory_space<vmem>>) semaphore(%arg15 : memref<!tpu.dma_semaphore, #tpu.memory_space<semaphore_mem>>)
        } else {
        }
        %dma_start3A_514 = arith.constant 7 : i32
        %dma_start3A_515 = arith.constant 0 : i32
        %dma_start3A_516 = tpu.memref_slice %arg9[%dma_start3A_514, %dma_start3A_515] : memref<8x128xi32, #tpu.memory_space<vmem>> -> memref<1x128xi32, #tpu.memory_space<vmem>>
        %dma_start3A_517 = tpu.memref_squeeze %dma_start3A_516 : memref<1x128xi32, #tpu.memory_space<vmem>> -> memref<128xi32, #tpu.memory_space<vmem>>
        %dma_start3A_518 = arith.constant 0 : i32
        %dma_start3A_519 = arith.constant 0 : i32
        %dma_start3A_520 = tpu.memref_slice %arg14[%dma_start3A_518, %dma_start3A_519] : memref<10240x128xf32, #tpu.memory_space<vmem_shared>> -> memref<10240x128xf32, #tpu.memory_space<vmem_shared>>
        tpu.enqueue_indirect_dma source(%arg13 : memref<128x128xf32, #tpu.memory_space<vmem>>) target(%dma_start3A_520 : memref<10240x128xf32, #tpu.memory_space<vmem_shared>>) offsets(%dma_start3A_517 : memref<128xi32, #tpu.memory_space<vmem>>) semaphore(%arg16 : memref<!tpu.dma_semaphore, #tpu.memory_space<semaphore_mem>>) {add = true}
        %dma_wait3A_521 = arith.constant 7 : i32
        %dma_wait3A_522 = arith.constant 0 : i32
        %dma_wait3A_523 = tpu.memref_slice %arg9[%dma_wait3A_521, %dma_wait3A_522] : memref<8x128xi32, #tpu.memory_space<vmem>> -> memref<1x128xi32, #tpu.memory_space<vmem>>
        %dma_wait3A_524 = tpu.memref_squeeze %dma_wait3A_523 : memref<1x128xi32, #tpu.memory_space<vmem>> -> memref<128xi32, #tpu.memory_space<vmem>>
        %dma_wait3A_525 = arith.constant 0 : i32
        %dma_wait3A_526 = arith.constant 0 : i32
        %dma_wait3A_527 = tpu.memref_slice %arg14[%dma_wait3A_525, %dma_wait3A_526] : memref<10240x128xf32, #tpu.memory_space<vmem_shared>> -> memref<10240x128xf32, #tpu.memory_space<vmem_shared>>
        tpu.wait_indirect_dma semaphore(%arg16 : memref<!tpu.dma_semaphore, #tpu.memory_space<semaphore_mem>>) src(%arg13 : memref<128x128xf32, #tpu.memory_space<vmem>>) dst(%dma_wait3A_527 : memref<10240x128xf32, #tpu.memory_space<vmem_shared>>)
      }
      %scan3A_55 = arith.constant 9 : i32
    } else {
    }
    %eq3A_12 = arith.constant 1 : i32
    %eq3A_13 = arith.cmpi eq, %arg0, %eq3A_12 : i32
    %convert_element_type3A_14 = arith.extui %eq3A_13 : i1 to i32
    %cond3A_15 = arith.constant 0 : i32
    %cond3A_16 = arith.cmpi ne, %convert_element_type3A_14, %cond3A_15 : i32
    scf.if %cond3A_16 {
      %mul3A_21 = arith.constant 14 : i32
      %mul3A_22 = arith.muli %arg1, %mul3A_21 : i32
      %add3A = arith.constant 2304 : i32
      %add3A_23 = arith.addi %add3A, %mul3A_22 : i32
      %scan3A_24 = arith.constant 0 : i32
      %scan3A_25 = arith.constant 14 : i32
      %scan3A_26 = arith.addi %scan3A_24, %scan3A_25 : i32
      %scan3A_27 = arith.constant 1 : i32
      scf.for %scan3A_29 = %scan3A_24 to %scan3A_26 step %scan3A_27  : i32 {
        %mul3A_30 = arith.constant 1 : i32
        %mul3A_31 = arith.muli %scan3A_29, %mul3A_30 : i32
        %add3A_32 = arith.constant 0 : i32
        %add3A_33 = arith.addi %add3A_32, %mul3A_31 : i32
        %add3A_34 = arith.addi %add3A_23, %add3A_33 : i32
        "tpu.region"() ({
          %run_scoped3A = tpu.sem_alloc : memref<!tpu.dma_semaphore, #tpu.memory_space<semaphore_mem>>
          %dma_start3A_39 = arith.constant 0 : i32
          %dma_start3A_40 = tpu.memref_slice %arg3[%add3A_34, %dma_start3A_39] : memref<2528x128xi32, #tpu.memory_space<hbm>> -> memref<1x128xi32, #tpu.memory_space<hbm>>
          %dma_start3A_41 = tpu.memref_squeeze %dma_start3A_40 : memref<1x128xi32, #tpu.memory_space<hbm>> -> memref<128xi32, #tpu.memory_space<hbm>>
          %dma_start3A_42 = arith.constant 0 : i32
          %dma_start3A_43 = tpu.memref_slice %arg3[%add3A_34, %dma_start3A_42] : memref<2528x128xi32, #tpu.memory_space<hbm>> -> memref<1x128xi32, #tpu.memory_space<hbm>>
          %dma_start3A_44 = tpu.memref_squeeze %dma_start3A_43 : memref<1x128xi32, #tpu.memory_space<hbm>> -> memref<128xi32, #tpu.memory_space<hbm>>
          tpu.enqueue_dma source(%dma_start3A_44 : memref<128xi32, #tpu.memory_space<hbm>>) target(%arg10 : memref<128xi32, #tpu.memory_space<vmem>>) target_semaphore(%run_scoped3A : memref<!tpu.dma_semaphore, #tpu.memory_space<semaphore_mem>>)
          %dma_wait3A_45 = arith.constant 0 : i32
          %dma_wait3A_46 = tpu.memref_slice %arg3[%add3A_34, %dma_wait3A_45] : memref<2528x128xi32, #tpu.memory_space<hbm>> -> memref<1x128xi32, #tpu.memory_space<hbm>>
          %dma_wait3A_47 = tpu.memref_squeeze %dma_wait3A_46 : memref<1x128xi32, #tpu.memory_space<hbm>> -> memref<128xi32, #tpu.memory_space<hbm>>
          %dma_wait3A_48 = arith.constant 0 : i32
          %dma_wait3A_49 = tpu.memref_slice %arg3[%add3A_34, %dma_wait3A_48] : memref<2528x128xi32, #tpu.memory_space<hbm>> -> memref<1x128xi32, #tpu.memory_space<hbm>>
          %dma_wait3A_50 = tpu.memref_squeeze %dma_wait3A_49 : memref<1x128xi32, #tpu.memory_space<hbm>> -> memref<128xi32, #tpu.memory_space<hbm>>
          tpu.wait_dma2 semaphore(%run_scoped3A : memref<!tpu.dma_semaphore, #tpu.memory_space<semaphore_mem>>) src(%dma_wait3A_50 : memref<128xi32, #tpu.memory_space<hbm>>) dst(%arg10 : memref<128xi32, #tpu.memory_space<vmem>>)
          tpu.yield
        }) : () -> ()
        "tpu.region"() ({
          %run_scoped3A = tpu.sem_alloc : memref<!tpu.dma_semaphore, #tpu.memory_space<semaphore_mem>>
          %dma_start3A_39 = arith.constant 0 : i32
          %dma_start3A_40 = tpu.memref_slice %arg4[%add3A_34, %dma_start3A_39] : memref<2528x128xi32, #tpu.memory_space<hbm>> -> memref<1x128xi32, #tpu.memory_space<hbm>>
          %dma_start3A_41 = tpu.memref_squeeze %dma_start3A_40 : memref<1x128xi32, #tpu.memory_space<hbm>> -> memref<128xi32, #tpu.memory_space<hbm>>
          %dma_start3A_42 = arith.constant 0 : i32
          %dma_start3A_43 = tpu.memref_slice %arg4[%add3A_34, %dma_start3A_42] : memref<2528x128xi32, #tpu.memory_space<hbm>> -> memref<1x128xi32, #tpu.memory_space<hbm>>
          %dma_start3A_44 = tpu.memref_squeeze %dma_start3A_43 : memref<1x128xi32, #tpu.memory_space<hbm>> -> memref<128xi32, #tpu.memory_space<hbm>>
          tpu.enqueue_dma source(%dma_start3A_44 : memref<128xi32, #tpu.memory_space<hbm>>) target(%arg11 : memref<128xi32, #tpu.memory_space<vmem>>) target_semaphore(%run_scoped3A : memref<!tpu.dma_semaphore, #tpu.memory_space<semaphore_mem>>)
          %dma_wait3A_45 = arith.constant 0 : i32
          %dma_wait3A_46 = tpu.memref_slice %arg4[%add3A_34, %dma_wait3A_45] : memref<2528x128xi32, #tpu.memory_space<hbm>> -> memref<1x128xi32, #tpu.memory_space<hbm>>
          %dma_wait3A_47 = tpu.memref_squeeze %dma_wait3A_46 : memref<1x128xi32, #tpu.memory_space<hbm>> -> memref<128xi32, #tpu.memory_space<hbm>>
          %dma_wait3A_48 = arith.constant 0 : i32
          %dma_wait3A_49 = tpu.memref_slice %arg4[%add3A_34, %dma_wait3A_48] : memref<2528x128xi32, #tpu.memory_space<hbm>> -> memref<1x128xi32, #tpu.memory_space<hbm>>
          %dma_wait3A_50 = tpu.memref_squeeze %dma_wait3A_49 : memref<1x128xi32, #tpu.memory_space<hbm>> -> memref<128xi32, #tpu.memory_space<hbm>>
          tpu.wait_dma2 semaphore(%run_scoped3A : memref<!tpu.dma_semaphore, #tpu.memory_space<semaphore_mem>>) src(%dma_wait3A_50 : memref<128xi32, #tpu.memory_space<hbm>>) dst(%arg11 : memref<128xi32, #tpu.memory_space<vmem>>)
          tpu.yield
        }) : () -> ()
        %dma_start3A = arith.constant 0 : i32
        %dma_start3A_35 = arith.constant 0 : i32
        %dma_start3A_36 = tpu.memref_slice %arg2[%dma_start3A, %dma_start3A_35] : memref<10000x128xf32, #tpu.memory_space<hbm>> -> memref<10000x128xf32, #tpu.memory_space<hbm>>
        tpu.enqueue_indirect_dma source(%dma_start3A_36 : memref<10000x128xf32, #tpu.memory_space<hbm>>) target(%arg12 : memref<128x128xf32, #tpu.memory_space<vmem>>) offsets(%arg10 : memref<128xi32, #tpu.memory_space<vmem>>) semaphore(%arg15 : memref<!tpu.dma_semaphore, #tpu.memory_space<semaphore_mem>>)
        %dma_wait3A = arith.constant 0 : i32
        %dma_wait3A_37 = arith.constant 0 : i32
        %dma_wait3A_38 = tpu.memref_slice %arg2[%dma_wait3A, %dma_wait3A_37] : memref<10000x128xf32, #tpu.memory_space<hbm>> -> memref<10000x128xf32, #tpu.memory_space<hbm>>
        tpu.wait_indirect_dma semaphore(%arg15 : memref<!tpu.dma_semaphore, #tpu.memory_space<semaphore_mem>>) src(%dma_wait3A_38 : memref<10000x128xf32, #tpu.memory_space<hbm>>) dst(%arg12 : memref<128x128xf32, #tpu.memory_space<vmem>>)
        "tpu.region"() ({
          %run_scoped3A = tpu.sem_alloc : memref<!tpu.dma_semaphore, #tpu.memory_space<semaphore_mem>>
          %dma_start3A_39 = arith.constant 0 : i32
          %dma_start3A_40 = arith.constant 0 : i32
          %dma_start3A_41 = tpu.memref_slice %arg14[%dma_start3A_39, %dma_start3A_40] : memref<10240x128xf32, #tpu.memory_space<vmem_shared>> -> memref<10240x128xf32, #tpu.memory_space<vmem_shared>>
          tpu.enqueue_indirect_dma source(%arg12 : memref<128x128xf32, #tpu.memory_space<vmem>>) target(%dma_start3A_41 : memref<10240x128xf32, #tpu.memory_space<vmem_shared>>) offsets(%arg11 : memref<128xi32, #tpu.memory_space<vmem>>) semaphore(%run_scoped3A : memref<!tpu.dma_semaphore, #tpu.memory_space<semaphore_mem>>) {add = true}
          %dma_wait3A_42 = arith.constant 0 : i32
          %dma_wait3A_43 = arith.constant 0 : i32
          %dma_wait3A_44 = tpu.memref_slice %arg14[%dma_wait3A_42, %dma_wait3A_43] : memref<10240x128xf32, #tpu.memory_space<vmem_shared>> -> memref<10240x128xf32, #tpu.memory_space<vmem_shared>>
          tpu.wait_indirect_dma semaphore(%run_scoped3A : memref<!tpu.dma_semaphore, #tpu.memory_space<semaphore_mem>>) src(%arg12 : memref<128x128xf32, #tpu.memory_space<vmem>>) dst(%dma_wait3A_44 : memref<10240x128xf32, #tpu.memory_space<vmem_shared>>)
          tpu.yield
        }) : () -> ()
      }
      %scan3A_28 = arith.constant 14 : i32
    } else {
    }
    %barrier3A_17 = arith.constant 0 : index
    tpu.barrier barrier_id(%barrier3A_17)
    %mul3A = arith.constant 640 : i32
    %mul3A_18 = arith.muli %arg1, %mul3A : i32
    %mul3A_19 = arith.constant 640 : i32
    %mul3A_20 = arith.muli %arg1, %mul3A_19 : i32
    "tpu.region"() ({
      %run_scoped3A = tpu.sem_alloc : memref<!tpu.dma_semaphore, #tpu.memory_space<semaphore_mem>>
      %dma_start3A = arith.constant 0 : i32
      %dma_start3A_21 = tpu.memref_slice %arg5[%arg0, %mul3A_20, %dma_start3A] : memref<2x10240x128xf32, #tpu.memory_space<hbm>> -> memref<1x640x128xf32, #tpu.memory_space<hbm>>
      %dma_start3A_22 = tpu.memref_squeeze %dma_start3A_21 : memref<1x640x128xf32, #tpu.memory_space<hbm>> -> memref<640x128xf32, #tpu.memory_space<hbm>>
      %dma_start3A_23 = arith.constant 0 : i32
      %dma_start3A_24 = tpu.memref_slice %arg14[%mul3A_18, %dma_start3A_23] : memref<10240x128xf32, #tpu.memory_space<vmem_shared>> -> memref<640x128xf32, #tpu.memory_space<vmem_shared>>
      tpu.enqueue_dma source(%dma_start3A_24 : memref<640x128xf32, #tpu.memory_space<vmem_shared>>) target(%dma_start3A_22 : memref<640x128xf32, #tpu.memory_space<hbm>>) target_semaphore(%run_scoped3A : memref<!tpu.dma_semaphore, #tpu.memory_space<semaphore_mem>>)
      %dma_wait3A = arith.constant 0 : i32
      %dma_wait3A_25 = tpu.memref_slice %arg5[%arg0, %mul3A_20, %dma_wait3A] : memref<2x10240x128xf32, #tpu.memory_space<hbm>> -> memref<1x640x128xf32, #tpu.memory_space<hbm>>
      %dma_wait3A_26 = tpu.memref_squeeze %dma_wait3A_25 : memref<1x640x128xf32, #tpu.memory_space<hbm>> -> memref<640x128xf32, #tpu.memory_space<hbm>>
      %dma_wait3A_27 = arith.constant 0 : i32
      %dma_wait3A_28 = tpu.memref_slice %arg14[%mul3A_18, %dma_wait3A_27] : memref<10240x128xf32, #tpu.memory_space<vmem_shared>> -> memref<640x128xf32, #tpu.memory_space<vmem_shared>>
      tpu.wait_dma2 semaphore(%run_scoped3A : memref<!tpu.dma_semaphore, #tpu.memory_space<semaphore_mem>>) src(%dma_wait3A_28 : memref<640x128xf32, #tpu.memory_space<vmem_shared>>) dst(%dma_wait3A_26 : memref<640x128xf32, #tpu.memory_space<hbm>>)
      tpu.yield
    }) : () -> ()
    return
  }
}

module attributes {stable_mosaic.version = 14 : i64} {
  func.func @_dinv_body(%arg0: memref<32x10000xf32, #tpu.memory_space<vmem>>, %arg1: memref<10000x1xf32, #tpu.memory_space<vmem>>) attributes {dimension_semantics = [], scalar_prefetch = 0 : i64, scratch_operands = 0 : i64, tpu.core_type = #tpu.core_type<tc>} {
    %get3A = arith.constant 0 : index
    %get3A_0 = arith.constant 0 : index
    %get3A_1 = vector.load %arg0[%get3A, %get3A_0] : memref<32x10000xf32, #tpu.memory_space<vmem>>, vector<32x10000xf32>
    %reduce_sum3A = arith.constant dense<0.000000e+00> : vector<10000xf32>
    %reduce_sum3A_2 = vector.multi_reduction <add>, %get3A_1, %reduce_sum3A [0] : vector<32x10000xf32> to vector<10000xf32>
    %add3A = arith.constant 1.000000e+00 : f32
    %add3A_3 = vector.broadcast %add3A : f32 to vector<10000xf32>
    %add3A_4 = arith.addf %reduce_sum3A_2, %add3A_3 : vector<10000xf32>
    %rsqrt3A = math.rsqrt %add3A_4 : vector<10000xf32>
    %broadcast_in_dim3A = vector.shape_cast %rsqrt3A : vector<10000xf32> to vector<10000x1xf32>
    %swap3A = arith.constant 0 : index
    %swap3A_5 = arith.constant 0 : index
    %swap3A_6 = vector.load %arg1[%swap3A, %swap3A_5] : memref<10000x1xf32, #tpu.memory_space<vmem>>, vector<10000x1xf32>
    tpu.vector_store %arg1[%swap3A, %swap3A_5], %broadcast_in_dim3A {strides = array<i32>} : memref<10000x1xf32, #tpu.memory_space<vmem>>, vector<10000x1xf32>,
    return
  }
}

module attributes {stable_mosaic.version = 14 : i64} {
  func.func @_in_body(%arg0: i32, %arg1: memref<1000x128xf32, #tpu.memory_space<vmem>>, %arg2: memref<128x128xf32, #tpu.memory_space<vmem>>, %arg3: memref<1x128xf32, #tpu.memory_space<vmem>>, %arg4: memref<128x128xf32, #tpu.memory_space<vmem>>, %arg5: memref<1000x1xf32, #tpu.memory_space<vmem>>, %arg6: memref<1000x128xf32, #tpu.memory_space<vmem>>, %arg7: memref<1000x128xf32, #tpu.memory_space<vmem>>) attributes {dimension_semantics = [#tpu.dimension_semantics<arbitrary>], iteration_bounds = array<i64: 10>, scalar_prefetch = 0 : i64, scratch_operands = 0 : i64, tpu.core_type = #tpu.core_type<tc>, window_params = [{transform_indices = @transform_0, window_bounds = array<i64: 1000, 128>}, {pipeline_mode = #tpu.pipeline_mode<synchronous>, transform_indices = @transform_1, window_bounds = array<i64: 128, 128>}, {pipeline_mode = #tpu.pipeline_mode<synchronous>, transform_indices = @transform_2, window_bounds = array<i64: 1, 128>}, {pipeline_mode = #tpu.pipeline_mode<synchronous>, transform_indices = @transform_3, window_bounds = array<i64: 128, 128>}, {transform_indices = @transform_4, window_bounds = array<i64: 1000, 1>}, {transform_indices = @transform_5, window_bounds = array<i64: 1000, 128>}, {transform_indices = @transform_6, window_bounds = array<i64: 1000, 128>}]} {
    %get3A = arith.constant 0 : index
    %get3A_0 = arith.constant 0 : index
    %get3A_1 = vector.load %arg1[%get3A, %get3A_0] : memref<1000x128xf32, #tpu.memory_space<vmem>>, vector<1000x128xf32>
    %get3A_2 = arith.constant 0 : index
    %get3A_3 = arith.constant 0 : index
    %get3A_4 = vector.load %arg2[%get3A_2, %get3A_3] : memref<128x128xf32, #tpu.memory_space<vmem>>, vector<128x128xf32>
    %dot_general3A = arith.constant dense<0.000000e+00> : vector<1000x128xf32>
    %dot_general3A_5 = tpu.matmul %get3A_1, %get3A_4, %dot_general3A {dimension_numbers = #tpu.dot_dimension_numbers<[1], [0], [0], [1], [0, 0, 1, 1], [], []>, transpose_lhs_hint = false} : vector<1000x128xf32>, vector<128x128xf32>, vector<1000x128xf32> -> vector<1000x128xf32>
    %get3A_6 = arith.constant 0 : index
    %get3A_7 = arith.constant 0 : index
    %get3A_8 = vector.load %arg3[%get3A_6, %get3A_7] : memref<1x128xf32, #tpu.memory_space<vmem>>, vector<1x128xf32>
    %add3A = vector.broadcast %get3A_8 : vector<1x128xf32> to vector<1000x128xf32>
    %add3A_9 = arith.addf %dot_general3A_5, %add3A : vector<1000x128xf32>
    %swap3A = arith.constant 0 : index
    %swap3A_10 = arith.constant 0 : index
    %swap3A_11 = vector.load %arg6[%swap3A, %swap3A_10] : memref<1000x128xf32, #tpu.memory_space<vmem>>, vector<1000x128xf32>
    tpu.vector_store %arg6[%swap3A, %swap3A_10], %add3A_9 {strides = array<i32>} : memref<1000x128xf32, #tpu.memory_space<vmem>>, vector<1000x128xf32>,
    %get3A_12 = arith.constant 0 : index
    %get3A_13 = arith.constant 0 : index
    %get3A_14 = vector.load %arg5[%get3A_12, %get3A_13] : memref<1000x1xf32, #tpu.memory_space<vmem>>, vector<1000x1xf32>
    %get3A_15 = arith.constant 0 : index
    %get3A_16 = arith.constant 0 : index
    %get3A_17 = vector.load %arg4[%get3A_15, %get3A_16] : memref<128x128xf32, #tpu.memory_space<vmem>>, vector<128x128xf32>
    %dot_general3A_18 = arith.constant dense<0.000000e+00> : vector<1000x128xf32>
    %dot_general3A_19 = tpu.matmul %add3A_9, %get3A_17, %dot_general3A_18 {dimension_numbers = #tpu.dot_dimension_numbers<[1], [0], [0], [1], [0, 0, 1, 1], [], []>, transpose_lhs_hint = false} : vector<1000x128xf32>, vector<128x128xf32>, vector<1000x128xf32> -> vector<1000x128xf32>
    %mul3A = vector.broadcast %get3A_14 : vector<1000x1xf32> to vector<1000x128xf32>
    %mul3A_20 = arith.mulf %mul3A, %dot_general3A_19 : vector<1000x128xf32>
    %swap3A_21 = arith.constant 0 : index
    %swap3A_22 = arith.constant 0 : index
    %swap3A_23 = vector.load %arg7[%swap3A_21, %swap3A_22] : memref<1000x128xf32, #tpu.memory_space<vmem>>, vector<1000x128xf32>
    tpu.vector_store %arg7[%swap3A_21, %swap3A_22], %mul3A_20 {strides = array<i32>} : memref<1000x128xf32, #tpu.memory_space<vmem>>, vector<1000x128xf32>,
    return
  }
  func.func @transform_0(%arg0: i32) -> (i32, i32) {
    %c0_i32 = arith.constant 0 : i32
    %c0_i32_0 = arith.constant 0 : i32
    return %arg0, %c0_i32 : i32, i32
  }
  func.func @transform_1(%arg0: i32) -> (i32, i32) {
    %c0_i32 = arith.constant 0 : i32
    %c0_i32_0 = arith.constant 0 : i32
    %c0_i32_1 = arith.constant 0 : i32
    return %c0_i32, %c0_i32_0 : i32, i32
  }
  func.func @transform_2(%arg0: i32) -> (i32, i32) {
    %c0_i32 = arith.constant 0 : i32
    %c0_i32_0 = arith.constant 0 : i32
    %c0_i32_1 = arith.constant 0 : i32
    return %c0_i32, %c0_i32_0 : i32, i32
  }
  func.func @transform_3(%arg0: i32) -> (i32, i32) {
    %c0_i32 = arith.constant 0 : i32
    %c0_i32_0 = arith.constant 0 : i32
    %c0_i32_1 = arith.constant 0 : i32
    return %c0_i32, %c0_i32_0 : i32, i32
  }
  func.func @transform_4(%arg0: i32) -> (i32, i32) {
    %c0_i32 = arith.constant 0 : i32
    %c0_i32_0 = arith.constant 0 : i32
    return %arg0, %c0_i32 : i32, i32
  }
  func.func @transform_5(%arg0: i32) -> (i32, i32) {
    %c0_i32 = arith.constant 0 : i32
    %c0_i32_0 = arith.constant 0 : i32
    return %arg0, %c0_i32 : i32, i32
  }
  func.func @transform_6(%arg0: i32) -> (i32, i32) {
    %c0_i32 = arith.constant 0 : i32
    %c0_i32_0 = arith.constant 0 : i32
    return %arg0, %c0_i32 : i32, i32
  }
}

module attributes {stable_mosaic.version = 14 : i64} {
  func.func @_layer_body(%arg0: i32, %arg1: memref<1000x128xf32, #tpu.memory_space<vmem>>, %arg2: memref<1000x128xf32, #tpu.memory_space<vmem>>, %arg3: memref<1000x128xf32, #tpu.memory_space<vmem>>, %arg4: memref<1000x128xf32, #tpu.memory_space<vmem>>, %arg5: memref<1000x1xf32, #tpu.memory_space<vmem>>, %arg6: memref<1x128xf32, #tpu.memory_space<vmem>>, %arg7: memref<128x128xf32, #tpu.memory_space<vmem>>, %arg8: memref<1000x128xf32, #tpu.memory_space<vmem>>, %arg9: memref<1000x128xf32, #tpu.memory_space<vmem>>) attributes {dimension_semantics = [#tpu.dimension_semantics<arbitrary>], iteration_bounds = array<i64: 10>, scalar_prefetch = 0 : i64, scratch_operands = 0 : i64, tpu.core_type = #tpu.core_type<tc>, window_params = [{transform_indices = @transform_0, window_bounds = array<i64: 1000, 128>}, {transform_indices = @transform_1, window_bounds = array<i64: 1000, 128>}, {transform_indices = @transform_2, window_bounds = array<i64: 1000, 128>}, {transform_indices = @transform_3, window_bounds = array<i64: 1000, 128>}, {transform_indices = @transform_4, window_bounds = array<i64: 1000, 1>}, {pipeline_mode = #tpu.pipeline_mode<synchronous>, transform_indices = @transform_5, window_bounds = array<i64: 1, 128>}, {pipeline_mode = #tpu.pipeline_mode<synchronous>, transform_indices = @transform_6, window_bounds = array<i64: 128, 128>}, {transform_indices = @transform_7, window_bounds = array<i64: 1000, 128>}, {transform_indices = @transform_8, window_bounds = array<i64: 1000, 128>}]} {
    %get3A = arith.constant 0 : index
    %get3A_0 = arith.constant 0 : index
    %get3A_1 = vector.load %arg5[%get3A, %get3A_0] : memref<1000x1xf32, #tpu.memory_space<vmem>>, vector<1000x1xf32>
    %get3A_2 = arith.constant 0 : index
    %get3A_3 = arith.constant 0 : index
    %get3A_4 = vector.load %arg2[%get3A_2, %get3A_3] : memref<1000x128xf32, #tpu.memory_space<vmem>>, vector<1000x128xf32>
    %get3A_5 = arith.constant 0 : index
    %get3A_6 = arith.constant 0 : index
    %get3A_7 = vector.load %arg3[%get3A_5, %get3A_6] : memref<1000x128xf32, #tpu.memory_space<vmem>>, vector<1000x128xf32>
    %add3A = arith.addf %get3A_4, %get3A_7 : vector<1000x128xf32>
    %get3A_8 = arith.constant 0 : index
    %get3A_9 = arith.constant 0 : index
    %get3A_10 = vector.load %arg4[%get3A_8, %get3A_9] : memref<1000x128xf32, #tpu.memory_space<vmem>>, vector<1000x128xf32>
    %add3A_11 = arith.addf %add3A, %get3A_10 : vector<1000x128xf32>
    %mul3A = vector.broadcast %get3A_1 : vector<1000x1xf32> to vector<1000x128xf32>
    %mul3A_12 = arith.mulf %mul3A, %add3A_11 : vector<1000x128xf32>
    %get3A_13 = arith.constant 0 : index
    %get3A_14 = arith.constant 0 : index
    %get3A_15 = vector.load %arg6[%get3A_13, %get3A_14] : memref<1x128xf32, #tpu.memory_space<vmem>>, vector<1x128xf32>
    %add3A_16 = vector.broadcast %get3A_15 : vector<1x128xf32> to vector<1000x128xf32>
    %add3A_17 = arith.addf %mul3A_12, %add3A_16 : vector<1000x128xf32>
    %get3A_18 = arith.constant 0 : index
    %get3A_19 = arith.constant 0 : index
    %get3A_20 = vector.load %arg1[%get3A_18, %get3A_19] : memref<1000x128xf32, #tpu.memory_space<vmem>>, vector<1000x128xf32>
    %add3A_21 = arith.addf %get3A_20, %add3A_17 : vector<1000x128xf32>
    %max3A = arith.constant 0.000000e+00 : f32
    %max3A_22 = vector.broadcast %max3A : f32 to vector<1000x128xf32>
    %max3A_23 = arith.maximumf %add3A_21, %max3A_22 : vector<1000x128xf32>
    %swap3A = arith.constant 0 : index
    %swap3A_24 = arith.constant 0 : index
    %swap3A_25 = vector.load %arg8[%swap3A, %swap3A_24] : memref<1000x128xf32, #tpu.memory_space<vmem>>, vector<1000x128xf32>
    tpu.vector_store %arg8[%swap3A, %swap3A_24], %max3A_23 {strides = array<i32>} : memref<1000x128xf32, #tpu.memory_space<vmem>>, vector<1000x128xf32>,
    %get3A_26 = arith.constant 0 : index
    %get3A_27 = arith.constant 0 : index
    %get3A_28 = vector.load %arg7[%get3A_26, %get3A_27] : memref<128x128xf32, #tpu.memory_space<vmem>>, vector<128x128xf32>
    %dot_general3A = arith.constant dense<0.000000e+00> : vector<1000x128xf32>
    %dot_general3A_29 = tpu.matmul %max3A_23, %get3A_28, %dot_general3A {dimension_numbers = #tpu.dot_dimension_numbers<[1], [0], [0], [1], [0, 0, 1, 1], [], []>, transpose_lhs_hint = false} : vector<1000x128xf32>, vector<128x128xf32>, vector<1000x128xf32> -> vector<1000x128xf32>
    %mul3A_30 = vector.broadcast %get3A_1 : vector<1000x1xf32> to vector<1000x128xf32>
    %mul3A_31 = arith.mulf %mul3A_30, %dot_general3A_29 : vector<1000x128xf32>
    %swap3A_32 = arith.constant 0 : index
    %swap3A_33 = arith.constant 0 : index
    %swap3A_34 = vector.load %arg9[%swap3A_32, %swap3A_33] : memref<1000x128xf32, #tpu.memory_space<vmem>>, vector<1000x128xf32>
    tpu.vector_store %arg9[%swap3A_32, %swap3A_33], %mul3A_31 {strides = array<i32>} : memref<1000x128xf32, #tpu.memory_space<vmem>>, vector<1000x128xf32>,
    return
  }
  func.func @transform_0(%arg0: i32) -> (i32, i32) {
    %c0_i32 = arith.constant 0 : i32
    %c0_i32_0 = arith.constant 0 : i32
    return %arg0, %c0_i32 : i32, i32
  }
  func.func @transform_1(%arg0: i32) -> (i32, i32) {
    %c0_i32 = arith.constant 0 : i32
    %c0_i32_0 = arith.constant 0 : i32
    return %arg0, %c0_i32 : i32, i32
  }
  func.func @transform_2(%arg0: i32) -> (i32, i32) {
    %c0_i32 = arith.constant 0 : i32
    %c0_i32_0 = arith.constant 0 : i32
    return %arg0, %c0_i32 : i32, i32
  }
  func.func @transform_3(%arg0: i32) -> (i32, i32) {
    %c0_i32 = arith.constant 0 : i32
    %c0_i32_0 = arith.constant 0 : i32
    return %arg0, %c0_i32 : i32, i32
  }
  func.func @transform_4(%arg0: i32) -> (i32, i32) {
    %c0_i32 = arith.constant 0 : i32
    %c0_i32_0 = arith.constant 0 : i32
    return %arg0, %c0_i32 : i32, i32
  }
  func.func @transform_5(%arg0: i32) -> (i32, i32) {
    %c0_i32 = arith.constant 0 : i32
    %c0_i32_0 = arith.constant 0 : i32
    %c0_i32_1 = arith.constant 0 : i32
    return %c0_i32, %c0_i32_0 : i32, i32
  }
  func.func @transform_6(%arg0: i32) -> (i32, i32) {
    %c0_i32 = arith.constant 0 : i32
    %c0_i32_0 = arith.constant 0 : i32
    %c0_i32_1 = arith.constant 0 : i32
    return %c0_i32, %c0_i32_0 : i32, i32
  }
  func.func @transform_7(%arg0: i32) -> (i32, i32) {
    %c0_i32 = arith.constant 0 : i32
    %c0_i32_0 = arith.constant 0 : i32
    return %arg0, %c0_i32 : i32, i32
  }
  func.func @transform_8(%arg0: i32) -> (i32, i32) {
    %c0_i32 = arith.constant 0 : i32
    %c0_i32_0 = arith.constant 0 : i32
    return %arg0, %c0_i32 : i32, i32
  }
}

module attributes {stable_mosaic.version = 14 : i64} {
  func.func @_layer3_body(%arg0: i32, %arg1: memref<1000x128xf32, #tpu.memory_space<vmem>>, %arg2: memref<1000x128xf32, #tpu.memory_space<vmem>>, %arg3: memref<1000x128xf32, #tpu.memory_space<vmem>>, %arg4: memref<1000x128xf32, #tpu.memory_space<vmem>>, %arg5: memref<1000x1xf32, #tpu.memory_space<vmem>>, %arg6: memref<1x128xf32, #tpu.memory_space<vmem>>, %arg7: memref<1000x128xf32, #tpu.memory_space<vmem>>) attributes {dimension_semantics = [#tpu.dimension_semantics<arbitrary>], iteration_bounds = array<i64: 10>, scalar_prefetch = 0 : i64, scratch_operands = 0 : i64, tpu.core_type = #tpu.core_type<tc>, window_params = [{transform_indices = @transform_0, window_bounds = array<i64: 1000, 128>}, {transform_indices = @transform_1, window_bounds = array<i64: 1000, 128>}, {transform_indices = @transform_2, window_bounds = array<i64: 1000, 128>}, {transform_indices = @transform_3, window_bounds = array<i64: 1000, 128>}, {transform_indices = @transform_4, window_bounds = array<i64: 1000, 1>}, {pipeline_mode = #tpu.pipeline_mode<synchronous>, transform_indices = @transform_5, window_bounds = array<i64: 1, 128>}, {transform_indices = @transform_6, window_bounds = array<i64: 1000, 128>}]} {
    %get3A = arith.constant 0 : index
    %get3A_0 = arith.constant 0 : index
    %get3A_1 = vector.load %arg5[%get3A, %get3A_0] : memref<1000x1xf32, #tpu.memory_space<vmem>>, vector<1000x1xf32>
    %get3A_2 = arith.constant 0 : index
    %get3A_3 = arith.constant 0 : index
    %get3A_4 = vector.load %arg2[%get3A_2, %get3A_3] : memref<1000x128xf32, #tpu.memory_space<vmem>>, vector<1000x128xf32>
    %get3A_5 = arith.constant 0 : index
    %get3A_6 = arith.constant 0 : index
    %get3A_7 = vector.load %arg3[%get3A_5, %get3A_6] : memref<1000x128xf32, #tpu.memory_space<vmem>>, vector<1000x128xf32>
    %add3A = arith.addf %get3A_4, %get3A_7 : vector<1000x128xf32>
    %get3A_8 = arith.constant 0 : index
    %get3A_9 = arith.constant 0 : index
    %get3A_10 = vector.load %arg4[%get3A_8, %get3A_9] : memref<1000x128xf32, #tpu.memory_space<vmem>>, vector<1000x128xf32>
    %add3A_11 = arith.addf %add3A, %get3A_10 : vector<1000x128xf32>
    %mul3A = vector.broadcast %get3A_1 : vector<1000x1xf32> to vector<1000x128xf32>
    %mul3A_12 = arith.mulf %mul3A, %add3A_11 : vector<1000x128xf32>
    %get3A_13 = arith.constant 0 : index
    %get3A_14 = arith.constant 0 : index
    %get3A_15 = vector.load %arg6[%get3A_13, %get3A_14] : memref<1x128xf32, #tpu.memory_space<vmem>>, vector<1x128xf32>
    %add3A_16 = vector.broadcast %get3A_15 : vector<1x128xf32> to vector<1000x128xf32>
    %add3A_17 = arith.addf %mul3A_12, %add3A_16 : vector<1000x128xf32>
    %get3A_18 = arith.constant 0 : index
    %get3A_19 = arith.constant 0 : index
    %get3A_20 = vector.load %arg1[%get3A_18, %get3A_19] : memref<1000x128xf32, #tpu.memory_space<vmem>>, vector<1000x128xf32>
    %add3A_21 = arith.addf %get3A_20, %add3A_17 : vector<1000x128xf32>
    %max3A = arith.constant 0.000000e+00 : f32
    %max3A_22 = vector.broadcast %max3A : f32 to vector<1000x128xf32>
    %max3A_23 = arith.maximumf %add3A_21, %max3A_22 : vector<1000x128xf32>
    %swap3A = arith.constant 0 : index
    %swap3A_24 = arith.constant 0 : index
    %swap3A_25 = vector.load %arg7[%swap3A, %swap3A_24] : memref<1000x128xf32, #tpu.memory_space<vmem>>, vector<1000x128xf32>
    tpu.vector_store %arg7[%swap3A, %swap3A_24], %max3A_23 {strides = array<i32>} : memref<1000x128xf32, #tpu.memory_space<vmem>>, vector<1000x128xf32>,
    return
  }
  func.func @transform_0(%arg0: i32) -> (i32, i32) {
    %c0_i32 = arith.constant 0 : i32
    %c0_i32_0 = arith.constant 0 : i32
    return %arg0, %c0_i32 : i32, i32
  }
  func.func @transform_1(%arg0: i32) -> (i32, i32) {
    %c0_i32 = arith.constant 0 : i32
    %c0_i32_0 = arith.constant 0 : i32
    return %arg0, %c0_i32 : i32, i32
  }
  func.func @transform_2(%arg0: i32) -> (i32, i32) {
    %c0_i32 = arith.constant 0 : i32
    %c0_i32_0 = arith.constant 0 : i32
    return %arg0, %c0_i32 : i32, i32
  }
  func.func @transform_3(%arg0: i32) -> (i32, i32) {
    %c0_i32 = arith.constant 0 : i32
    %c0_i32_0 = arith.constant 0 : i32
    return %arg0, %c0_i32 : i32, i32
  }
  func.func @transform_4(%arg0: i32) -> (i32, i32) {
    %c0_i32 = arith.constant 0 : i32
    %c0_i32_0 = arith.constant 0 : i32
    return %arg0, %c0_i32 : i32, i32
  }
  func.func @transform_5(%arg0: i32) -> (i32, i32) {
    %c0_i32 = arith.constant 0 : i32
    %c0_i32_0 = arith.constant 0 : i32
    %c0_i32_1 = arith.constant 0 : i32
    return %c0_i32, %c0_i32_0 : i32, i32
  }
  func.func @transform_6(%arg0: i32) -> (i32, i32) {
    %c0_i32 = arith.constant 0 : i32
    %c0_i32_0 = arith.constant 0 : i32
    return %arg0, %c0_i32 : i32, i32
  }
}

module attributes {stable_mosaic.version = 14 : i64} {
  func.func @_pool_body(%arg0: i32, %arg1: memref<1x1x1000xi32, #tpu.memory_space<vmem>>, %arg2: memref<1000x128xf32, #tpu.memory_space<vmem>>, %arg3: memref<1000x128xf32, #tpu.memory_space<vmem>>, %arg4: memref<1000x128xf32, #tpu.memory_space<vmem>>, %arg5: memref<64x384xf32, #tpu.memory_space<vmem>>, %arg6: memref<64x1xf32, #tpu.memory_space<vmem>>) attributes {dimension_semantics = [#tpu.dimension_semantics<arbitrary>], iteration_bounds = array<i64: 10>, scalar_prefetch = 0 : i64, scratch_operands = 0 : i64, tpu.core_type = #tpu.core_type<tc>, window_params = [{transform_indices = @transform_0, window_bounds = array<i64: 1, 1, 1000>}, {transform_indices = @transform_1, window_bounds = array<i64: 1000, 128>}, {transform_indices = @transform_2, window_bounds = array<i64: 1000, 128>}, {transform_indices = @transform_3, window_bounds = array<i64: 1000, 128>}, {pipeline_mode = #tpu.pipeline_mode<synchronous>, transform_indices = @transform_4, window_bounds = array<i64: 64, 384>}, {pipeline_mode = #tpu.pipeline_mode<synchronous>, transform_indices = @transform_5, window_bounds = array<i64: 64, 1>}]} {
    %get3A = arith.constant 0 : index
    %get3A_0 = arith.constant 0 : index
    %get3A_1 = arith.constant 0 : index
    %get3A_2 = vector.load %arg1[%get3A, %get3A_0, %get3A_1] : memref<1x1x1000xi32, #tpu.memory_space<vmem>>, vector<1x1x1000xi32>
    %get3A_3 = vector.shape_cast %get3A_2 : vector<1x1x1000xi32> to vector<1000xi32>
    %iota3A = tpu.iota {dimensions = array<i32: 0>} : vector<64x1000xi32>
    %broadcast_in_dim3A = vector.shape_cast %get3A_3 : vector<1000xi32> to vector<1x1000xi32>
    %eq3A = vector.broadcast %broadcast_in_dim3A : vector<1x1000xi32> to vector<64x1000xi32>
    %eq3A_4 = arith.cmpi eq, %eq3A, %iota3A : vector<64x1000xi32>
    %convert_element_type3A = arith.extui %eq3A_4 : vector<64x1000xi1> to vector<64x1000xi32>
    %convert_element_type3A_5 = arith.sitofp %convert_element_type3A : vector<64x1000xi32> to vector<64x1000xf32>
    %eq3A_6 = arith.constant 0 : i32
    %eq3A_7 = arith.cmpi eq, %arg0, %eq3A_6 : i32
    %convert_element_type3A_8 = arith.extui %eq3A_7 : i1 to i32
    %cond3A = arith.constant 0 : i32
    %cond3A_9 = arith.cmpi ne, %convert_element_type3A_8, %cond3A : i32
    scf.if %cond3A_9 {
      %broadcast_in_dim3A_52 = arith.constant 0.000000e+00 : f32
      %broadcast_in_dim3A_53 = vector.broadcast %broadcast_in_dim3A_52 : f32 to vector<64x384xf32>
      %swap3A_54 = arith.constant 0 : index
      %swap3A_55 = arith.constant 0 : index
      %swap3A_56 = vector.load %arg5[%swap3A_54, %swap3A_55] : memref<64x384xf32, #tpu.memory_space<vmem>>, vector<64x384xf32>
      tpu.vector_store %arg5[%swap3A_54, %swap3A_55], %broadcast_in_dim3A_53 {strides = array<i32>} : memref<64x384xf32, #tpu.memory_space<vmem>>, vector<64x384xf32>,
      %broadcast_in_dim3A_57 = arith.constant 0.000000e+00 : f32
      %broadcast_in_dim3A_58 = vector.broadcast %broadcast_in_dim3A_57 : f32 to vector<64x1xf32>
      %swap3A_59 = arith.constant 0 : index
      %swap3A_60 = arith.constant 0 : index
      %swap3A_61 = vector.load %arg6[%swap3A_59, %swap3A_60] : memref<64x1xf32, #tpu.memory_space<vmem>>, vector<64x1xf32>
      tpu.vector_store %arg6[%swap3A_59, %swap3A_60], %broadcast_in_dim3A_58 {strides = array<i32>} : memref<64x1xf32, #tpu.memory_space<vmem>>, vector<64x1xf32>,
    } else {
    }
    %get3A_10 = arith.constant 0 : index
    %get3A_11 = arith.constant 0 : index
    %get3A_12 = vector.load %arg5[%get3A_10, %get3A_11] : memref<64x384xf32, #tpu.memory_space<vmem>>, vector<64x128xf32>
    %get3A_13 = arith.constant 0 : index
    %get3A_14 = arith.constant 0 : index
    %get3A_15 = vector.load %arg2[%get3A_13, %get3A_14] : memref<1000x128xf32, #tpu.memory_space<vmem>>, vector<1000x128xf32>
    %dot_general3A = arith.constant dense<0.000000e+00> : vector<64x128xf32>
    %dot_general3A_16 = tpu.matmul %convert_element_type3A_5, %get3A_15, %dot_general3A {dimension_numbers = #tpu.dot_dimension_numbers<[1], [0], [0], [1], [0, 0, 1, 1], [], []>, transpose_lhs_hint = false} : vector<64x1000xf32>, vector<1000x128xf32>, vector<64x128xf32> -> vector<64x128xf32>
    %add3A = arith.addf %get3A_12, %dot_general3A_16 : vector<64x128xf32>
    %swap3A = arith.constant 0 : index
    %swap3A_17 = arith.constant 0 : index
    %swap3A_18 = vector.load %arg5[%swap3A, %swap3A_17] : memref<64x384xf32, #tpu.memory_space<vmem>>, vector<64x128xf32>
    tpu.vector_store %arg5[%swap3A, %swap3A_17], %add3A {strides = array<i32>} : memref<64x384xf32, #tpu.memory_space<vmem>>, vector<64x128xf32>,
    %get3A_19 = arith.constant 0 : index
    %get3A_20 = arith.constant 128 : index
    %get3A_21 = vector.load %arg5[%get3A_19, %get3A_20] : memref<64x384xf32, #tpu.memory_space<vmem>>, vector<64x128xf32>
    %get3A_22 = arith.constant 0 : index
    %get3A_23 = arith.constant 0 : index
    %get3A_24 = vector.load %arg3[%get3A_22, %get3A_23] : memref<1000x128xf32, #tpu.memory_space<vmem>>, vector<1000x128xf32>
    %dot_general3A_25 = arith.constant dense<0.000000e+00> : vector<64x128xf32>
    %dot_general3A_26 = tpu.matmul %convert_element_type3A_5, %get3A_24, %dot_general3A_25 {dimension_numbers = #tpu.dot_dimension_numbers<[1], [0], [0], [1], [0, 0, 1, 1], [], []>, transpose_lhs_hint = false} : vector<64x1000xf32>, vector<1000x128xf32>, vector<64x128xf32> -> vector<64x128xf32>
    %add3A_27 = arith.addf %get3A_21, %dot_general3A_26 : vector<64x128xf32>
    %swap3A_28 = arith.constant 0 : index
    %swap3A_29 = arith.constant 128 : index
    %swap3A_30 = vector.load %arg5[%swap3A_28, %swap3A_29] : memref<64x384xf32, #tpu.memory_space<vmem>>, vector<64x128xf32>
    tpu.vector_store %arg5[%swap3A_28, %swap3A_29], %add3A_27 {strides = array<i32>} : memref<64x384xf32, #tpu.memory_space<vmem>>, vector<64x128xf32>,
    %get3A_31 = arith.constant 0 : index
    %get3A_32 = arith.constant 256 : index
    %get3A_33 = vector.load %arg5[%get3A_31, %get3A_32] : memref<64x384xf32, #tpu.memory_space<vmem>>, vector<64x128xf32>
    %get3A_34 = arith.constant 0 : index
    %get3A_35 = arith.constant 0 : index
    %get3A_36 = vector.load %arg4[%get3A_34, %get3A_35] : memref<1000x128xf32, #tpu.memory_space<vmem>>, vector<1000x128xf32>
    %dot_general3A_37 = arith.constant dense<0.000000e+00> : vector<64x128xf32>
    %dot_general3A_38 = tpu.matmul %convert_element_type3A_5, %get3A_36, %dot_general3A_37 {dimension_numbers = #tpu.dot_dimension_numbers<[1], [0], [0], [1], [0, 0, 1, 1], [], []>, transpose_lhs_hint = false} : vector<64x1000xf32>, vector<1000x128xf32>, vector<64x128xf32> -> vector<64x128xf32>
    %add3A_39 = arith.addf %get3A_33, %dot_general3A_38 : vector<64x128xf32>
    %swap3A_40 = arith.constant 0 : index
    %swap3A_41 = arith.constant 256 : index
    %swap3A_42 = vector.load %arg5[%swap3A_40, %swap3A_41] : memref<64x384xf32, #tpu.memory_space<vmem>>, vector<64x128xf32>
    tpu.vector_store %arg5[%swap3A_40, %swap3A_41], %add3A_39 {strides = array<i32>} : memref<64x384xf32, #tpu.memory_space<vmem>>, vector<64x128xf32>,
    %get3A_43 = arith.constant 0 : index
    %get3A_44 = arith.constant 0 : index
    %get3A_45 = vector.load %arg6[%get3A_43, %get3A_44] : memref<64x1xf32, #tpu.memory_space<vmem>>, vector<64x1xf32>
    %reduce_sum3A = arith.constant dense<0.000000e+00> : vector<64xf32>
    %reduce_sum3A_46 = vector.multi_reduction <add>, %convert_element_type3A_5, %reduce_sum3A [1] : vector<64x1000xf32> to vector<64xf32>
    %broadcast_in_dim3A_47 = vector.shape_cast %reduce_sum3A_46 : vector<64xf32> to vector<64x1xf32>
    %add3A_48 = arith.addf %get3A_45, %broadcast_in_dim3A_47 : vector<64x1xf32>
    %swap3A_49 = arith.constant 0 : index
    %swap3A_50 = arith.constant 0 : index
    %swap3A_51 = vector.load %arg6[%swap3A_49, %swap3A_50] : memref<64x1xf32, #tpu.memory_space<vmem>>, vector<64x1xf32>
    tpu.vector_store %arg6[%swap3A_49, %swap3A_50], %add3A_48 {strides = array<i32>} : memref<64x1xf32, #tpu.memory_space<vmem>>, vector<64x1xf32>,
    return
  }
  func.func @transform_0(%arg0: i32) -> (i32, i32, i32) {
    %c0_i32 = arith.constant 0 : i32
    %c0_i32_0 = arith.constant 0 : i32
    %c0_i32_1 = arith.constant 0 : i32
    return %arg0, %c0_i32, %c0_i32_0 : i32, i32, i32
  }
  func.func @transform_1(%arg0: i32) -> (i32, i32) {
    %c0_i32 = arith.constant 0 : i32
    %c0_i32_0 = arith.constant 0 : i32
    return %arg0, %c0_i32 : i32, i32
  }
  func.func @transform_2(%arg0: i32) -> (i32, i32) {
    %c0_i32 = arith.constant 0 : i32
    %c0_i32_0 = arith.constant 0 : i32
    return %arg0, %c0_i32 : i32, i32
  }
  func.func @transform_3(%arg0: i32) -> (i32, i32) {
    %c0_i32 = arith.constant 0 : i32
    %c0_i32_0 = arith.constant 0 : i32
    return %arg0, %c0_i32 : i32, i32
  }
  func.func @transform_4(%arg0: i32) -> (i32, i32) {
    %c0_i32 = arith.constant 0 : i32
    %c0_i32_0 = arith.constant 0 : i32
    %c0_i32_1 = arith.constant 0 : i32
    return %c0_i32, %c0_i32_0 : i32, i32
  }
  func.func @transform_5(%arg0: i32) -> (i32, i32) {
    %c0_i32 = arith.constant 0 : i32
    %c0_i32_0 = arith.constant 0 : i32
    %c0_i32_1 = arith.constant 0 : i32
    return %c0_i32, %c0_i32_0 : i32, i32
  }
}

module attributes {stable_mosaic.version = 14 : i64} {
  func.func @_head_body(%arg0: memref<64x384xf32, #tpu.memory_space<vmem>>, %arg1: memref<64x1xf32, #tpu.memory_space<vmem>>, %arg2: memref<384x128xf32, #tpu.memory_space<vmem>>, %arg3: memref<1x128xf32, #tpu.memory_space<vmem>>, %arg4: memref<128x128xf32, #tpu.memory_space<vmem>>, %arg5: memref<1x128xf32, #tpu.memory_space<vmem>>, %arg6: memref<64x128xf32, #tpu.memory_space<vmem>>) attributes {dimension_semantics = [], scalar_prefetch = 0 : i64, scratch_operands = 0 : i64, tpu.core_type = #tpu.core_type<tc>} {
    %get3A = arith.constant 0 : index
    %get3A_0 = arith.constant 0 : index
    %get3A_1 = vector.load %arg0[%get3A, %get3A_0] : memref<64x384xf32, #tpu.memory_space<vmem>>, vector<64x384xf32>
    %get3A_2 = arith.constant 0 : index
    %get3A_3 = arith.constant 0 : index
    %get3A_4 = vector.load %arg1[%get3A_2, %get3A_3] : memref<64x1xf32, #tpu.memory_space<vmem>>, vector<64x1xf32>
    %max3A = arith.constant 1.000000e+00 : f32
    %max3A_5 = vector.broadcast %max3A : f32 to vector<64x1xf32>
    %max3A_6 = arith.maximumf %get3A_4, %max3A_5 : vector<64x1xf32>
    %div3A = vector.broadcast %max3A_6 : vector<64x1xf32> to vector<64x384xf32>
    %div3A_7 = arith.divf %get3A_1, %div3A : vector<64x384xf32>
    %get3A_8 = arith.constant 0 : index
    %get3A_9 = arith.constant 0 : index
    %get3A_10 = vector.load %arg2[%get3A_8, %get3A_9] : memref<384x128xf32, #tpu.memory_space<vmem>>, vector<384x128xf32>
    %dot_general3A = arith.constant dense<0.000000e+00> : vector<64x128xf32>
    %dot_general3A_11 = tpu.matmul %div3A_7, %get3A_10, %dot_general3A {dimension_numbers = #tpu.dot_dimension_numbers<[1], [0], [0], [1], [0, 0, 1, 1], [], []>, transpose_lhs_hint = false} : vector<64x384xf32>, vector<384x128xf32>, vector<64x128xf32> -> vector<64x128xf32>
    %get3A_12 = arith.constant 0 : index
    %get3A_13 = arith.constant 0 : index
    %get3A_14 = vector.load %arg3[%get3A_12, %get3A_13] : memref<1x128xf32, #tpu.memory_space<vmem>>, vector<1x128xf32>
    %add3A = vector.broadcast %get3A_14 : vector<1x128xf32> to vector<64x128xf32>
    %add3A_15 = arith.addf %dot_general3A_11, %add3A : vector<64x128xf32>
    %max3A_16 = arith.constant 0.000000e+00 : f32
    %max3A_17 = vector.broadcast %max3A_16 : f32 to vector<64x128xf32>
    %max3A_18 = arith.maximumf %add3A_15, %max3A_17 : vector<64x128xf32>
    %get3A_19 = arith.constant 0 : index
    %get3A_20 = arith.constant 0 : index
    %get3A_21 = vector.load %arg4[%get3A_19, %get3A_20] : memref<128x128xf32, #tpu.memory_space<vmem>>, vector<128x128xf32>
    %dot_general3A_22 = arith.constant dense<0.000000e+00> : vector<64x128xf32>
    %dot_general3A_23 = tpu.matmul %max3A_18, %get3A_21, %dot_general3A_22 {dimension_numbers = #tpu.dot_dimension_numbers<[1], [0], [0], [1], [0, 0, 1, 1], [], []>, transpose_lhs_hint = false} : vector<64x128xf32>, vector<128x128xf32>, vector<64x128xf32> -> vector<64x128xf32>
    %get3A_24 = arith.constant 0 : index
    %get3A_25 = arith.constant 0 : index
    %get3A_26 = vector.load %arg5[%get3A_24, %get3A_25] : memref<1x128xf32, #tpu.memory_space<vmem>>, vector<1x128xf32>
    %add3A_27 = vector.broadcast %get3A_26 : vector<1x128xf32> to vector<64x128xf32>
    %add3A_28 = arith.addf %dot_general3A_23, %add3A_27 : vector<64x128xf32>
    %mul3A = arith.mulf %add3A_28, %add3A_28 : vector<64x128xf32>
    %reduce_sum3A = arith.constant dense<0.000000e+00> : vector<64xf32>
    %reduce_sum3A_29 = vector.multi_reduction <add>, %mul3A, %reduce_sum3A [1] : vector<64x128xf32> to vector<64xf32>
    %broadcast_in_dim3A = vector.shape_cast %reduce_sum3A_29 : vector<64xf32> to vector<64x1xf32>
    %sqrt3A = math.sqrt %broadcast_in_dim3A : vector<64x1xf32>
    %max3A_30 = arith.constant 9.99999996E-13 : f32
    %max3A_31 = vector.broadcast %max3A_30 : f32 to vector<64x1xf32>
    %max3A_32 = arith.maximumf %sqrt3A, %max3A_31 : vector<64x1xf32>
    %div3A_33 = vector.broadcast %max3A_32 : vector<64x1xf32> to vector<64x128xf32>
    %div3A_34 = arith.divf %add3A_28, %div3A_33 : vector<64x128xf32>
    %swap3A = arith.constant 0 : index
    %swap3A_35 = arith.constant 0 : index
    %swap3A_36 = vector.load %arg6[%swap3A, %swap3A_35] : memref<64x128xf32, #tpu.memory_space<vmem>>, vector<64x128xf32>
    tpu.vector_store %arg6[%swap3A, %swap3A_35], %div3A_34 {strides = array<i32>} : memref<64x128xf32, #tpu.memory_space<vmem>>, vector<64x128xf32>,
    return
  }
}

</mosaic_0001>

<sc_bundles>
// kernel: kernel.13.cloned.1.call-start
scs
__scs_entry_jumppad:
0x0: {  	(pc) =	sbr.rel $0x88, $3  }
0x1: {  	(tag) =	ssettag $0x0;
	lr =	simm.s32 $0x1  }
0x2: {  	[smem:$0x3F92] =	sst lr;
	_ =	strace $0xD0000000  }
0x3: {  	_ = 	snop  }
0x4: {  	_ = 	snop  }
0x5: {  	_ = 	snop  }
0x6: {  	_ = 	snop  }
0x7: {  	_ = 	snop  }
__scs_overlays_trampoline_lowered:
0x8: {  	[smem:$0x3FA1] =	sst s0  }
0x9: {  	[smem:$0x3FA2] =	sst s1  }
0xa: {  	[smem:$0x3FA3] =	sst s2  }
0xb: {  	[smem:$0x3FA4] =	sst s3  }
0xc: {  	[smem:$0x3FA5] =	sst s4  }
0xd: {  	[smem:$0x3FA6] =	sst s5  }
0xe: {  	[smem:$0x3FA7] =	sst s6  }
0xf: {  	[smem:$0x3FA8] =	sst s7  }
0x10: {  	[smem:$0x3FA9] =	sst s8  }
0x11: {  	[smem:$0x3FAA] =	sst s9;
	s0 =	simm.s32 @!p0 $0x0  }
0x12: {  	s1 =	sld [smem:$0x3F90];
	s0 =	simm.s32 @p0 $0x1  }
0x13: {  	[smem:$0x3FAB] =	sst s0;
	s0 =	simm.s32 @!p1 $0x0  }
0x14: {  	s2 =	sld [smem:$0x3F8F];
	s0 =	simm.s32 @p1 $0x1  }
0x15: {  	[smem:$0x3FAC] =	sst s0;
	s0 =	simm.s32 @!p2 $0x0  }
0x16: {  	s3 =	sld [smem:$0x3FDB];
	s0 =	simm.s32 @p2 $0x1  }
0x17: {  	s4 =	simm.s32 $0x1BF5;
	[smem:$0x3FAE] =	sst s0  }
0x18: {  	s0 =	sld [smem:$0x3F91];
	_ =	swait.ge [sflag:s4], $0x0  }
0x19: {  	s7 =	sld [smem:$0x3F92]  }
0x1a: {  	s8 =	sadd.s32 $0xFFFFE003, lr  }
0x1b: {  	s9 =	sadd.s32 $0xFFFFFEF7, lr;
	s5 =	simm.s32 $0xFFFFFFFF;
	p2 =	slt.u32 s8, $0xFFFFF086  }
0x1c: {  	p1 =	slt.u32 s9, $0xF7A;
	s5 =	simm.s32 @!p2 $0x0  }
0x1d: {  	s5 =	simm.s32 @p1 $0x1;
	p0 =	seq.s32 s7, s2  }
0x1e: {  	s7 =	smul.u32 @!p0 $0xF7A, s2;
	p2 =	seq.s32 @!p0 s5, $0x0  }
0x1f: {  	s9 =	smul.u32 $0xF7A, s1;
	s8 =	simm.s32 @!p0 $0x1BF5;
	p2 =	por !p2, p0  }
0x20: {  	[sflag:s8] =	ssyncset.s32 @!p0 $0xFFFFF086;
	s6 =	sadd.s32 @!p0 s3, s7;
	s7 =	simm.s32 @!p0 $0x108  }
0x21: {  	s3 =	sadd.s32 s3, s9;
	s6 =	sadd.s32 @!p0 $0x88, s6;
	s7 =	simm.s32 @p2 $0x1082  }
0x22: {  	[simem:s7], [sflag:s8] =	dma.local @!p0 [hbm:s6], $0xF7A  }
0x23: {  	s9 =	sor.u32 $0xD0000000, s2;
	s6 =	simm.s32 $0x108;
	_ =	swait.ge @!p0 [sflag:s8], $0x0  }
0x24: {  	s3 =	sadd.s32 $0x88, s3;
	s6 =	simm.s32 @!p1 $0x1082;
	[sflag:s4] =	ssyncset.s32 $0xFFFFF086  }
0x25: {  	[simem:s6], [sflag:s4] =	dma.local [hbm:s3], $0xF7A  }
0x26: {  	[smem:$0x3F92] =	sst s1;
	(tag) =	ssettag s2;
	_ =	strace s9  }
0x27: {  	s1 =	sld [smem:$0x3FA2]  }
0x28: {  	s2 =	sld [smem:$0x3FA3]  }
0x29: {  	s4 =	sld [smem:$0x3FA5]  }
0x2a: {  	p0 =	seq.s32 s5, $0x0;
	s5 =	sld [smem:$0x3FA6]  }
0x2b: {  	s6 =	sld [smem:$0x3FA7]  }
0x2c: {  	s7 =	sld [smem:$0x3FA8]  }
0x2d: {  	s3 =	simm.s32 $0x108;
	s8 =	sld [smem:$0x3FA9]  }
0x2e: {  	s3 =	simm.s32 @!p0 $0x1082;
	s9 =	sld [smem:$0x3FAA]  }
0x2f: {  	lr =	sadd.s32 s0, s3;
	s0 =	sld [smem:$0x3FA1]  }
0x30: {  	s3 =	sld [smem:$0x3FA4]  }
0x31: {  	[smem:$0x3FAD] =	sst s10  }
0x32: {  	s10 =	sld [smem:$0x3FAB];
	_ =	sdelay $0x3  }
0x33: {  	p0 =	seq.s32 s10, $0x1;
	s10 =	sld [smem:$0x3FAD];
	_ =	sdelay $0x3  }
0x34: {  	[smem:$0x3FAD] =	sst s10  }
0x35: {  	s10 =	sld [smem:$0x3FAC];
	_ =	sdelay $0x3  }
0x36: {  	p1 =	seq.s32 s10, $0x1;
	s10 =	sld [smem:$0x3FAD];
	_ =	sdelay $0x3  }
0x37: {  	[smem:$0x3FAD] =	sst s10  }
0x38: {  	s10 =	sld [smem:$0x3FAE]  }
0x39: {  	_ = 	snop;
	(pc) =	sbr.ind lr, $3  }
0x3a: {  	_ = 	snop  }
0x3b: {  	_ = 	snop  }
0x3c: {  	p2 =	seq.s32 s10, $0x1;
	s10 =	sld [smem:$0x3FAD]  }
0x3d: {  	_ =	shalt  }
0x3e: {  	_ =	shalt  }
0x3f: {  	_ =	shalt  }
0x40: {  	_ =	shalt  }
0x41: {  	_ =	shalt  }
0x42: {  	_ =	shalt  }
0x43: {  	_ =	shalt  }
0x44: {  	_ =	shalt  }
0x45: {  	_ =	shalt  }
0x46: {  	_ =	shalt  }
0x47: {  	_ =	shalt  }
0x48: {  	_ =	shalt  }
0x49: {  	_ =	shalt  }
0x4a: {  	_ =	shalt  }
0x4b: {  	_ =	shalt  }
0x4c: {  	_ =	shalt  }
0x4d: {  	_ =	shalt  }
0x4e: {  	_ =	shalt  }
0x4f: {  	_ =	shalt  }
0x50: {  	_ =	shalt  }
0x51: {  	_ =	shalt  }
0x52: {  	_ =	shalt  }
0x53: {  	_ =	shalt  }
0x54: {  	_ =	shalt  }
0x55: {  	_ =	shalt  }
0x56: {  	_ =	shalt  }
0x57: {  	_ =	shalt  }
0x58: {  	_ =	shalt  }
0x59: {  	_ =	shalt  }
0x5a: {  	_ =	shalt  }
0x5b: {  	_ =	shalt  }
0x5c: {  	_ =	shalt  }
0x5d: {  	_ =	shalt  }
0x5e: {  	_ =	shalt  }
0x5f: {  	_ =	shalt  }
0x60: {  	_ =	shalt  }
0x61: {  	_ =	shalt  }
0x62: {  	_ =	shalt  }
0x63: {  	_ =	shalt  }
0x64: {  	_ =	shalt  }
0x65: {  	_ =	shalt  }
0x66: {  	_ =	shalt  }
0x67: {  	_ =	shalt  }
0x68: {  	_ =	shalt  }
0x69: {  	_ =	shalt  }
0x6a: {  	_ =	shalt  }
0x6b: {  	_ =	shalt  }
0x6c: {  	_ =	shalt  }
0x6d: {  	_ =	shalt  }
0x6e: {  	_ =	shalt  }
0x6f: {  	_ =	shalt  }
0x70: {  	_ =	shalt  }
0x71: {  	_ =	shalt  }
0x72: {  	_ =	shalt  }
0x73: {  	_ =	shalt  }
0x74: {  	_ =	shalt  }
0x75: {  	_ =	shalt  }
0x76: {  	_ =	shalt  }
0x77: {  	_ =	shalt  }
0x78: {  	_ =	shalt  }
0x79: {  	_ =	shalt  }
0x7a: {  	_ =	shalt  }
0x7b: {  	_ =	shalt  }
0x7c: {  	_ =	shalt  }
0x7d: {  	_ =	shalt  }
0x7e: {  	_ =	shalt  }
0x7f: {  	_ =	shalt  }
0x80: {  	_ =	shalt  }
0x81: {  	_ =	shalt  }
0x82: {  	_ =	shalt  }
0x83: {  	_ =	shalt  }
0x84: {  	_ =	shalt  }
0x85: {  	_ =	shalt  }
0x86: {  	_ =	shalt  }
0x87: {  	_ =	shalt  }
.Lfunc_end0:
.L_simem_size_0:
called_computation_lowered:
.L_overlay_start_0:
0x88: {  	s2 =	sld [smem:$0x3FD9]  }
0x89: {  	s3 =	sld [smem:$0x3FFE];
	_ =	sdelay $0x1  }
0x8a: {  	s1 =	srdreg.scid  }
0x8b: {  	s0 =	sand.u32 $0x1, s1  }
0x8c: {  	s16 =	sshll.u32 s0, $0xA;
	s2 =	sadd.s32 s3, s2  }
0x8d: {  	s2 =	sadd.s32 s2, s16  }
0x8e: {  	[smem:$0x3FB9] =	sst s2  }
0x8f: {  	_ = 	snop  }
0x90: {  	(tm) =	ssettm $0x1  }
0x91: {  	s17 =	sld [smem:$0x3FFB];
	_ =	sdelay $0x3  }
0x92: {  	_ =	strace s17  }
0x93: {  	s2 =	sld [smem:$0x3FFC];
	_ =	sdelay $0x3  }
0x94: {  	_ =	strace s2  }
0x95: {  	s2 =	sld [smem:$0x3FFD];
	_ =	sdelay $0x3  }
0x96: {  	_ =	strace s2  }
0x97: {  	_ =	strace $0x8FFFFFFF  }
0x98: {  	s18 =	sld [smem:$0x3FDB];
	_ =	sdelay $0x1  }
0x99: {  	s19 =	simm.s32 $_scs_section_size  }
0x9a: {  	s4 =	simm.s32 $_size__tile_overlayer_lowered;
	s5 =	simm.s32 $_tile_overlayer_lowered  }
0x9b: {  	s22 =	simm.s32 $0x1BFF;
	s21 =	sshll.u32 s5, $0x1;
	s2 =	sadd.s32 s19, s18  }
0x9c: {  	s6 =	simm.s32 $0x0;
	s20 =	sshll.u32 s4, $0x1;
	s4 =	sadd.s32 s21, s2  }
0x9d: {  	[timem:s6], [sflag:s22] =	dma.local [hbm:s4], s20  }
0x9e: {  	_ =	swait.ge [sflag:s22], s20  }
0x9f: {  	s3 =	ssub.s32 $0x0, s20;
	[sflag:s22] =	ssyncset.done $0x0  }
0xa0: {  	[sflag:s22] =	ssyncadd.s32 s3;
	_ =	sdelay $0x1  }
0xa1: {  	s23 =	simm.s32 $0x1B8B  }
0xa2: {  	_ =	swait.ge [sflag:s23], $0x1  }
0xa3: {  	[sflag:s23] =	ssyncset.done $0x0  }
0xa4: {  	s25 =	simm.s32 $0x1B8E;
	s24 =	sld [smem:$0x3FFE];
	[sflag:s23] =	ssyncadd.s32 $0xFFFFFFFF  }
0xa5: {  	s26 =	simm.s32 $execute0_lowered;
	[smem:$0x3FD2] =	sst s25  }
0xa6: {  	s4 =	sshll.u32 s26, $0x1;
	_ =	strace $0x80000046;
	[dreg:$0x1] =	wrdreg $0xFFFFFFFF  }
0xa7: {  	s28 =	simm.s32 $_size_execute0_lowered;
	s2 =	sadd.s32 s2, s4;
	[dreg:$0x0] =	wrdreg $0x0  }
0xa8: {  	s4 =	sshll.u32 s28, $0x1;
	[dreg:$0x2] =	wrdreg s2  }
0xa9: {  	[dreg:$0x3] =	wrdreg s4  }
0xaa: {  	[dreg:$0x4] =	wrdreg $0xC0  }
0xab: {  	_ =	task [dreg:s6], $0x5FFFF  }
0xac: {  	[dreg:$0x1] =	wrdreg $0xFFFFFFFF  }
0xad: {  	[dreg:$0x0] =	wrdreg $0x60  }
0xae: {  	[dreg:$0x2] =	wrdreg s24  }
0xaf: {  	[dreg:$0x3] =	wrdreg $0x9  }
0xb0: {  	_ =	task.clear_ibuf [dreg:s6], $0x4FFFF;
	_ =	strace $0x90000046  }
0xb1: {  	s29 =	simm.s32 $0x9;
	_ =	strace $0x80000048  }
0xb2: {  	_ =	swait.ge [sflag:s29], $0x1  }
0xb3: {  	[sflag:s29] =	ssyncadd.s32 $0xFFFFFFFF  }
0xb4: {  	_ =	strace $0x90000048  }
0xb5: {  	_ =	sfence  }
0xb6: {  	s30 =	sld [smem:$0x0];
	_ =	sdelay $0x2  }
0xb7: {  	s31 =	sshll.u32 s1, $0xD;
	s1 =	sshrl.u32 s1, $0x2  }
0xb8: {  	s3 =	sand.u32 $0x4000, s31;
	s1 =	sadd.s32 s1, s30  }
0xb9: {  	s0 =	sor.u32 s3, s0;
	s1 =	sshll.u32 s1, $0x11  }
0xba: {  	s0 =	sor.u32 s1, s0  }
0xbb: {  	s0 =	sadd.s32 $0x8F2B, s0  }
0xbc: {  	[sflag:s0] =	ssyncadd.remote.s32 $0x1  }
0xbd: {  	_ =	sfence.sel $0xFFFF  }
0xbe: {  	[dreg:$0x0] =	wrdreg $0xFFFFFFFF;
	(pc) =	sbr.abs _section_cstart, $3  }
0xbf: {  	[dreg:$0x1] =	wrdreg $0xFFFFFFFF  }
0xc0: {  	_ =	task.clear_ibuf [dreg:s6], $0x2FFFF;
	_ =	strace $0x9FFFFFFF  }
0xc1: {  	(tm) =	ssettm $0x7FFFFFFF  }
tec
execute0_lowered:
.L_overlay_start_1:
0x0: {  	(tag) =	ssettag $0x1  }
0x1: {  	s0 =	srdreg.scid  }
0x2: {  	s5 =	rddreg [dreg:$0x0];
	s3 =	sand.u32 $0x1, s0  }
0x3: {  	s2 =	simm.s32 $0x0;
	s0 =	stileid.u32;
	s1 =	sshll.u32 s3, $0x4  }
0x4: {  	s8 =	simm.s32 $0x80;
	s9 =	simm.s32 $0x400;
	s4 =	sor.u32 s0, s1  }
0x5: {  	s10 =	simm.s32 $0x0;
	[smem:$0x7FF] =	sst s2;
	s1 =	sshrl.u32 s4, $0x3  }
0x6: {  	s7 =	sshll.u32 s0, $0x7;
	s3 =	ssub.s32 $0x2, s3;
	s6 =	smul.u32 $0x13C00, s1  }
0x7: {  	s7 =	sand.u32 $0x380, s7;
	s31 =	sshrl.u32 s3, $0x1;
	s4 =	smul.u32 $0x4E2, s4  }
0x8: {  	s1 =	rddreg [dreg:$0x1];
	_ =	strace $0x80000047;
	s6 =	sor.u32 s7, s6  }
0x9: {  	s4 =	sadd.s32 s4, s5;
	s7 =	simm.s32 $0x2780;
	s6 =	sshrl.u32 s6, $0x3  }
0xa: {  	s5 =	sadd.s32 s6, s5;
	s6 =	ssub.s32 s3, s31;
	s3 =	sadd.s32 $0x5000, s4  }
0xb: {  	v0 =	vimm.f32 $0.0e+00;
	v1 =	vimm.f32 $1.000000000e+00;
	s4 =	sadd.s32 $0xEE00, s5;
	s5 =	smax.u32 s6, $0x1;
	s6 =	simm.s32 $0x1  }
.LBB2_1:
0xc: {  	[tilespmem:s2], [sflag:$0x1] =	stream.linear.gather [hbm4b:s3+s2], $0x2710, $0x38;
	[tilespmem:$0x4F00] =	vst v63  }
0xd: {  	_ =	swait.ge [sflag:s6], $0x2710  }
0xe: {  	[sflag:s6] =	ssyncset.done $0x0  }
0xf: {  	s11 =	simm.s32 $0x0;
	[sflag:s6] =	ssyncadd.s32 $0xFFFFD8F0  }
.LBB2_2:
0x10: {  	p0 =	sne.s32 s11, $0x9C00  }
.Ltmp0:
0x11: {  	_ = 	snop;
	(pc) =	sbr.rel @p0 .LBB2_2-.Ltmp0, $3  }
0x12: {  	_ =	sdelay $0x1  }
0x13: {  	s12 =	sshra.s32 s11, $0x2  }
0x14: {  	s11 =	sadd.s32 $0x40, s11;
	[tilespmem:s12+$0x2780] =	vst v0  }
0x15: {  	s12 =	simm.s32 $0x0;
	s11 =	simm.s32 $0x40  }
.LBB2_4:
0x16: {  	p0 =	sne.s32 s11, $0x9C00;
	v2 =	vld [tilespmem:s12+$0x0];
	_ =	sdelay $0x3  }
.Ltmp1:
0x17: {  	(pc) =	sbr.rel @p0 .LBB2_4-.Ltmp1, $2  }
0x18: {  	_ =	sdelay $0x2  }
0x19: {  	s12 =	sshra.s32 s11, $0x2;
	s11 =	sadd.s32 $0x40, s11;
	[tilespmem:v2+s7+$0x0] =	vst.idx.add.f32.msk $0xffff, v1  }
0x1a: {  	v2 =	vld [tilespmem:s12+$0x0];
	_ =	sdelay $0x5  }
0x1b: {  	s10 =	sadd.s32 $0x1, s10  }
0x1c: {  	p0 =	sne.s32 s10, s5  }
.Ltmp2:
0x1d: {  	[tilespmem:v2+s7+$0x0] =	vst.idx.add.f32.msk $0xffff, v1;
	(pc) =	sbr.rel @p0 .LBB2_1-.Ltmp2, $4  }
0x1e: {  	[hbm4b:s4+s8] =	stream.strided.scatter [tilespmem:s7], [sflag:$0x1], $0x2780, s9, s8, $0x38;
	[tilespmem:$0x4F00] =	vst v63  }
0x1f: {  	_ =	swait.ge [sflag:s6], $0x2780  }
0x20: {  	[sflag:s6] =	ssyncset.done $0x0  }
0x21: {  	[sflag:s6] =	ssyncadd.s32 $0xFFFFD880  }
0x22: {  	_ =	sfence.sel $0x180000  }
0x23: {  	[bflag:$0x0] =	sbarrier.arrive $0xFFFF  }
0x24: {  	p0 =	sne.s32 s0, $0x0;
	_ =	strace $0x90000047  }
0x25: {  	s0 =	sadd.s32 @!p0 $0x100000, s1;
	[bflag:$0x2] =	sbarrier.arrive $0xFFFF  }
0x26: {  	[sflag:s0] =	ssyncadd.tile.s32 @!p0 $0x1;
	_ =	shalt  }
.Lfunc_end2:
_tile_overlayer_lowered:
.L_overlay_start_2:
0x27: {  	(tag) =	ssettag $0x2  }
0x28: {  	s0 =	rddreg [dreg:$0x0];
	s2 =	stileid.u32  }
0x29: {  	s1 =	rddreg [dreg:$0x1];
	p0 =	sne.s32 s2, $0x0  }
0x2a: {  	s3 =	rddreg [dreg:$0x2];
	[bflag:$0x3] =	sbarrier.arrive $0xFFFF;
	s2 =	simm.s32 @!p0 $0x1C01  }
0x2b: {  	[timem:s3], [sflag:s2] =	dma.local @!p0 [hbm:s0], s1  }
0x2c: {  	s0 =	simm.s32 @!p0 $0x1  }
0x2d: {  	_ =	swait.ge @!p0 [sflag:s0], s1  }
0x2e: {  	s1 =	ssub.s32 @!p0 $0x0, s1;
	[sflag:s0] =	ssyncset.done @!p0 $0x0  }
0x2f: {  	[sflag:s0] =	ssyncadd.s32 @!p0 s1  }
0x30: {  	[bflag:$0x3] =	sbarrier.arrive $0xFFFF  }
0x31: {  	_ =	shalt  }

// kernel: kernel.16.cloned.1.call-start
scs
__scs_entry_jumppad:
0x0: {  	(pc) =	sbr.rel $0x88, $3  }
0x1: {  	(tag) =	ssettag $0x0;
	lr =	simm.s32 $0x1  }
0x2: {  	[smem:$0x3F92] =	sst lr;
	_ =	strace $0xD0000000  }
0x3: {  	_ = 	snop  }
0x4: {  	_ = 	snop  }
0x5: {  	_ = 	snop  }
0x6: {  	_ = 	snop  }
0x7: {  	_ = 	snop  }
__scs_overlays_trampoline_lowered:
0x8: {  	[smem:$0x3FA1] =	sst s0  }
0x9: {  	[smem:$0x3FA2] =	sst s1  }
0xa: {  	[smem:$0x3FA3] =	sst s2  }
0xb: {  	[smem:$0x3FA4] =	sst s3  }
0xc: {  	[smem:$0x3FA5] =	sst s4  }
0xd: {  	[smem:$0x3FA6] =	sst s5  }
0xe: {  	[smem:$0x3FA7] =	sst s6  }
0xf: {  	[smem:$0x3FA8] =	sst s7  }
0x10: {  	[smem:$0x3FA9] =	sst s8  }
0x11: {  	[smem:$0x3FAA] =	sst s9;
	s0 =	simm.s32 @!p0 $0x0  }
0x12: {  	s1 =	sld [smem:$0x3F90];
	s0 =	simm.s32 @p0 $0x1  }
0x13: {  	[smem:$0x3FAB] =	sst s0;
	s0 =	simm.s32 @!p1 $0x0  }
0x14: {  	s2 =	sld [smem:$0x3F8F];
	s0 =	simm.s32 @p1 $0x1  }
0x15: {  	[smem:$0x3FAC] =	sst s0;
	s0 =	simm.s32 @!p2 $0x0  }
0x16: {  	s3 =	sld [smem:$0x3FDB];
	s0 =	simm.s32 @p2 $0x1  }
0x17: {  	s4 =	simm.s32 $0x1BF5;
	[smem:$0x3FAE] =	sst s0  }
0x18: {  	s0 =	sld [smem:$0x3F91];
	_ =	swait.ge [sflag:s4], $0x0  }
0x19: {  	s7 =	sld [smem:$0x3F92]  }
0x1a: {  	s8 =	sadd.s32 $0xFFFFE003, lr  }
0x1b: {  	s9 =	sadd.s32 $0xFFFFFEF7, lr;
	s5 =	simm.s32 $0xFFFFFFFF;
	p2 =	slt.u32 s8, $0xFFFFF086  }
0x1c: {  	p1 =	slt.u32 s9, $0xF7A;
	s5 =	simm.s32 @!p2 $0x0  }
0x1d: {  	s5 =	simm.s32 @p1 $0x1;
	p0 =	seq.s32 s7, s2  }
0x1e: {  	s7 =	smul.u32 @!p0 $0xF7A, s2;
	p2 =	seq.s32 @!p0 s5, $0x0  }
0x1f: {  	s9 =	smul.u32 $0xF7A, s1;
	s8 =	simm.s32 @!p0 $0x1BF5;
	p2 =	por !p2, p0  }
0x20: {  	[sflag:s8] =	ssyncset.s32 @!p0 $0xFFFFF086;
	s6 =	sadd.s32 @!p0 s3, s7;
	s7 =	simm.s32 @!p0 $0x108  }
0x21: {  	s3 =	sadd.s32 s3, s9;
	s6 =	sadd.s32 @!p0 $0x88, s6;
	s7 =	simm.s32 @p2 $0x1082  }
0x22: {  	[simem:s7], [sflag:s8] =	dma.local @!p0 [hbm:s6], $0xF7A  }
0x23: {  	s9 =	sor.u32 $0xD0000000, s2;
	s6 =	simm.s32 $0x108;
	_ =	swait.ge @!p0 [sflag:s8], $0x0  }
0x24: {  	s3 =	sadd.s32 $0x88, s3;
	s6 =	simm.s32 @!p1 $0x1082;
	[sflag:s4] =	ssyncset.s32 $0xFFFFF086  }
0x25: {  	[simem:s6], [sflag:s4] =	dma.local [hbm:s3], $0xF7A  }
0x26: {  	[smem:$0x3F92] =	sst s1;
	(tag) =	ssettag s2;
	_ =	strace s9  }
0x27: {  	s1 =	sld [smem:$0x3FA2]  }
0x28: {  	s2 =	sld [smem:$0x3FA3]  }
0x29: {  	s4 =	sld [smem:$0x3FA5]  }
0x2a: {  	p0 =	seq.s32 s5, $0x0;
	s5 =	sld [smem:$0x3FA6]  }
0x2b: {  	s6 =	sld [smem:$0x3FA7]  }
0x2c: {  	s7 =	sld [smem:$0x3FA8]  }
0x2d: {  	s3 =	simm.s32 $0x108;
	s8 =	sld [smem:$0x3FA9]  }
0x2e: {  	s3 =	simm.s32 @!p0 $0x1082;
	s9 =	sld [smem:$0x3FAA]  }
0x2f: {  	lr =	sadd.s32 s0, s3;
	s0 =	sld [smem:$0x3FA1]  }
0x30: {  	s3 =	sld [smem:$0x3FA4]  }
0x31: {  	[smem:$0x3FAD] =	sst s10  }
0x32: {  	s10 =	sld [smem:$0x3FAB];
	_ =	sdelay $0x3  }
0x33: {  	p0 =	seq.s32 s10, $0x1;
	s10 =	sld [smem:$0x3FAD];
	_ =	sdelay $0x3  }
0x34: {  	[smem:$0x3FAD] =	sst s10  }
0x35: {  	s10 =	sld [smem:$0x3FAC];
	_ =	sdelay $0x3  }
0x36: {  	p1 =	seq.s32 s10, $0x1;
	s10 =	sld [smem:$0x3FAD];
	_ =	sdelay $0x3  }
0x37: {  	[smem:$0x3FAD] =	sst s10  }
0x38: {  	s10 =	sld [smem:$0x3FAE]  }
0x39: {  	_ = 	snop;
	(pc) =	sbr.ind lr, $3  }
0x3a: {  	_ = 	snop  }
0x3b: {  	_ = 	snop  }
0x3c: {  	p2 =	seq.s32 s10, $0x1;
	s10 =	sld [smem:$0x3FAD]  }
0x3d: {  	_ =	shalt  }
0x3e: {  	_ =	shalt  }
0x3f: {  	_ =	shalt  }
0x40: {  	_ =	shalt  }
0x41: {  	_ =	shalt  }
0x42: {  	_ =	shalt  }
0x43: {  	_ =	shalt  }
0x44: {  	_ =	shalt  }
0x45: {  	_ =	shalt  }
0x46: {  	_ =	shalt  }
0x47: {  	_ =	shalt  }
0x48: {  	_ =	shalt  }
0x49: {  	_ =	shalt  }
0x4a: {  	_ =	shalt  }
0x4b: {  	_ =	shalt  }
0x4c: {  	_ =	shalt  }
0x4d: {  	_ =	shalt  }
0x4e: {  	_ =	shalt  }
0x4f: {  	_ =	shalt  }
0x50: {  	_ =	shalt  }
0x51: {  	_ =	shalt  }
0x52: {  	_ =	shalt  }
0x53: {  	_ =	shalt  }
0x54: {  	_ =	shalt  }
0x55: {  	_ =	shalt  }
0x56: {  	_ =	shalt  }
0x57: {  	_ =	shalt  }
0x58: {  	_ =	shalt  }
0x59: {  	_ =	shalt  }
0x5a: {  	_ =	shalt  }
0x5b: {  	_ =	shalt  }
0x5c: {  	_ =	shalt  }
0x5d: {  	_ =	shalt  }
0x5e: {  	_ =	shalt  }
0x5f: {  	_ =	shalt  }
0x60: {  	_ =	shalt  }
0x61: {  	_ =	shalt  }
0x62: {  	_ =	shalt  }
0x63: {  	_ =	shalt  }
0x64: {  	_ =	shalt  }
0x65: {  	_ =	shalt  }
0x66: {  	_ =	shalt  }
0x67: {  	_ =	shalt  }
0x68: {  	_ =	shalt  }
0x69: {  	_ =	shalt  }
0x6a: {  	_ =	shalt  }
0x6b: {  	_ =	shalt  }
0x6c: {  	_ =	shalt  }
0x6d: {  	_ =	shalt  }
0x6e: {  	_ =	shalt  }
0x6f: {  	_ =	shalt  }
0x70: {  	_ =	shalt  }
0x71: {  	_ =	shalt  }
0x72: {  	_ =	shalt  }
0x73: {  	_ =	shalt  }
0x74: {  	_ =	shalt  }
0x75: {  	_ =	shalt  }
0x76: {  	_ =	shalt  }
0x77: {  	_ =	shalt  }
0x78: {  	_ =	shalt  }
0x79: {  	_ =	shalt  }
0x7a: {  	_ =	shalt  }
0x7b: {  	_ =	shalt  }
0x7c: {  	_ =	shalt  }
0x7d: {  	_ =	shalt  }
0x7e: {  	_ =	shalt  }
0x7f: {  	_ =	shalt  }
0x80: {  	_ =	shalt  }
0x81: {  	_ =	shalt  }
0x82: {  	_ =	shalt  }
0x83: {  	_ =	shalt  }
0x84: {  	_ =	shalt  }
0x85: {  	_ =	shalt  }
0x86: {  	_ =	shalt  }
0x87: {  	_ =	shalt  }
.Lfunc_end0:
.L_simem_size_0:
called_computation.1_lowered:
.L_overlay_start_0:
0x88: {  	s2 =	sld [smem:$0x3FD9]  }
0x89: {  	s3 =	sld [smem:$0x3FFE];
	_ =	sdelay $0x1  }
0x8a: {  	s1 =	srdreg.scid  }
0x8b: {  	s0 =	sand.u32 $0x1, s1  }
0x8c: {  	s16 =	sshll.u32 s0, $0xA;
	s2 =	sadd.s32 s3, s2  }
0x8d: {  	s2 =	sadd.s32 s2, s16  }
0x8e: {  	[smem:$0x3FB9] =	sst s2  }
0x8f: {  	_ = 	snop  }
0x90: {  	(tm) =	ssettm $0x1  }
0x91: {  	s17 =	sld [smem:$0x3FFB];
	_ =	sdelay $0x3  }
0x92: {  	_ =	strace s17  }
0x93: {  	s2 =	sld [smem:$0x3FFC];
	_ =	sdelay $0x3  }
0x94: {  	_ =	strace s2  }
0x95: {  	s2 =	sld [smem:$0x3FFD];
	_ =	sdelay $0x3  }
0x96: {  	_ =	strace s2  }
0x97: {  	_ =	strace $0x8FFFFFFF  }
0x98: {  	s18 =	sld [smem:$0x3FDB];
	_ =	sdelay $0x1  }
0x99: {  	s19 =	simm.s32 $_scs_section_size  }
0x9a: {  	s4 =	simm.s32 $_size__tile_overlayer_lowered;
	s5 =	simm.s32 $_tile_overlayer_lowered  }
0x9b: {  	s22 =	simm.s32 $0x1BFF;
	s21 =	sshll.u32 s5, $0x1;
	s2 =	sadd.s32 s19, s18  }
0x9c: {  	s6 =	simm.s32 $0x0;
	s20 =	sshll.u32 s4, $0x1;
	s4 =	sadd.s32 s21, s2  }
0x9d: {  	[timem:s6], [sflag:s22] =	dma.local [hbm:s4], s20  }
0x9e: {  	_ =	swait.ge [sflag:s22], s20  }
0x9f: {  	s3 =	ssub.s32 $0x0, s20;
	[sflag:s22] =	ssyncset.done $0x0  }
0xa0: {  	[sflag:s22] =	ssyncadd.s32 s3;
	_ =	sdelay $0x1  }
0xa1: {  	s23 =	simm.s32 $0x1B8B  }
0xa2: {  	_ =	swait.ge [sflag:s23], $0x1  }
0xa3: {  	[sflag:s23] =	ssyncset.done $0x0  }
0xa4: {  	s25 =	simm.s32 $0x1B8E;
	s24 =	sld [smem:$0x3FFE];
	[sflag:s23] =	ssyncadd.s32 $0xFFFFFFFF  }
0xa5: {  	s26 =	simm.s32 $execute0_lowered;
	[smem:$0x3FD2] =	sst s25  }
0xa6: {  	s4 =	sshll.u32 s26, $0x1;
	_ =	strace $0x80000049;
	[dreg:$0x1] =	wrdreg $0xFFFFFFFF  }
0xa7: {  	s28 =	simm.s32 $_size_execute0_lowered;
	s2 =	sadd.s32 s2, s4;
	[dreg:$0x0] =	wrdreg $0x0  }
0xa8: {  	s4 =	sshll.u32 s28, $0x1;
	[dreg:$0x2] =	wrdreg s2  }
0xa9: {  	[dreg:$0x3] =	wrdreg s4  }
0xaa: {  	[dreg:$0x4] =	wrdreg $0xC0  }
0xab: {  	_ =	task [dreg:s6], $0x5FFFF  }
0xac: {  	[dreg:$0x1] =	wrdreg $0xFFFFFFFF  }
0xad: {  	[dreg:$0x0] =	wrdreg $0x60  }
0xae: {  	[dreg:$0x2] =	wrdreg s24  }
0xaf: {  	[dreg:$0x3] =	wrdreg $0x91000  }
0xb0: {  	[dreg:$0x4] =	wrdreg $0x9  }
0xb1: {  	_ =	task.clear_ibuf [dreg:s6], $0x5FFFF;
	_ =	strace $0x90000049  }
0xb2: {  	s29 =	simm.s32 $0x9;
	_ =	strace $0x8000004B  }
0xb3: {  	_ =	swait.ge [sflag:s29], $0x1  }
0xb4: {  	[sflag:s29] =	ssyncadd.s32 $0xFFFFFFFF  }
0xb5: {  	_ =	strace $0x9000004B  }
0xb6: {  	_ =	sfence  }
0xb7: {  	s30 =	sld [smem:$0x0];
	_ =	sdelay $0x2  }
0xb8: {  	s31 =	sshll.u32 s1, $0xD;
	s1 =	sshrl.u32 s1, $0x2  }
0xb9: {  	s3 =	sand.u32 $0x4000, s31;
	s1 =	sadd.s32 s1, s30  }
0xba: {  	s0 =	sor.u32 s3, s0;
	s1 =	sshll.u32 s1, $0x11  }
0xbb: {  	s0 =	sor.u32 s1, s0  }
0xbc: {  	s0 =	sadd.s32 $0x8F2B, s0  }
0xbd: {  	[sflag:s0] =	ssyncadd.remote.s32 $0x1  }
0xbe: {  	_ =	sfence.sel $0xFFFF  }
0xbf: {  	[dreg:$0x0] =	wrdreg $0xFFFFFFFF;
	(pc) =	sbr.abs _section_cstart, $3  }
0xc0: {  	[dreg:$0x1] =	wrdreg $0xFFFFFFFF  }
0xc1: {  	_ =	task.clear_ibuf [dreg:s6], $0x2FFFF;
	_ =	strace $0x9FFFFFFF  }
0xc2: {  	(tm) =	ssettm $0x7FFFFFFF  }
0xc3: {  	_ =	shalt  }
tec
execute0_lowered:
.L_overlay_start_1:
0x0: {  	(tag) =	ssettag $0x1  }
0x1: {  	s0 =	rddreg [dreg:$0x0]  }
0x2: {  	s1 =	rddreg [dreg:$0x1]  }
0x3: {  	s2 =	srdreg.scid;
	s3 =	simm.s32 $0x0;
	s13 =	stileid.u32  }
0x4: {  	s11 =	simm.s32 $0x100;
	s12 =	simm.s32 $0x480;
	s14 =	simm.s32 $0x180  }
0x5: {  	s15 =	simm.s32 $0x500;
	s17 =	simm.s32 $0x200;
	s19 =	simm.s32 $0x580  }
0x6: {  	s21 =	simm.s32 $0x280;
	s28 =	simm.s32 $0x2;
	[smem:$0x7FF] =	sst s3  }
0x7: {  	s29 =	simm.s32 $0xE80;
	_ =	strace $0x8000004A;
	[dreg:$0x3] =	wrdreg s11  }
0x8: {  	s30 =	simm.s32 $0xB80;
	s31 =	simm.s32 $0xF00;
	[dreg:$0x4] =	wrdreg s12  }
0x9: {  	s2 =	sand.u32 $0x1, s2;
	s6 =	smul.u32 $0x14000, s13;
	[dreg:$0x5] =	wrdreg s14  }
0xa: {  	s4 =	sadd.s32 $0x53A00, s0;
	s7 =	smul.u32 $0x50000, s13;
	[dreg:$0x6] =	wrdreg s15  }
0xb: {  	s8 =	sadd.s32 $0x22A00, s0;
	s26 =	smul.u32 $0x900, s13;
	[dreg:$0x7] =	wrdreg s17  }
0xc: {  	s9 =	sadd.s32 $0x18C00, s0;
	s5 =	smul.u32 $0x140000, s2;
	[dreg:$0x8] =	wrdreg s19  }
0xd: {  	s23 =	ssub.s32 $0x2, s2;
	[dreg:$0x9] =	wrdreg s21;
	s11 =	simm.s32 $0x680  }
0xe: {  	p0 =	seq.s32 s2, $0x1;
	s12 =	simm.s32 $0x380;
	[dreg:$0xc] =	wrdreg s11  }
0xf: {  	s15 =	simm.s32 $0x700;
	s17 =	simm.s32 $0x880;
	[dreg:$0xd] =	wrdreg s12  }
0x10: {  	s19 =	simm.s32 $0xC80;
	s21 =	simm.s32 $0xD00;
	[dreg:$0xe] =	wrdreg s15  }
0x11: {  	s24 =	sshrl.u32 s23, $0x1;
	s25 =	sshrl.u32 s7, $0x2;
	[dreg:$0x10] =	wrdreg s17  }
0x12: {  	s7 =	sadd.s32 s9, s26;
	s17 =	simm.s32 $0x4;
	[dreg:$0x12] =	wrdreg s19  }
0x13: {  	s19 =	simm.s32 $0x1080;
	[dreg:$0x14] =	wrdreg s21;
	s21 =	simm.s32 $0x1  }
0x14: {  	s5 =	sadd.s32 s6, s5;
	s10 =	ssub.s32 s23, s24;
	s6 =	sadd.s32 s8, s26  }
0x15: {  	s23 =	simm.s32 $0x600;
	s24 =	smul.u32 $0xE0, s13;
	s5 =	sshrl.u32 s5, $0x3  }
0x16: {  	s16 =	smax.u32 s10, $0x1;
	[dreg:$0xa] =	wrdreg s23;
	s23 =	simm.s32 $0xD80  }
0x17: {  	s0 =	sadd.s32 s5, s0;
	s5 =	sadd.s32 s25, s1;
	[dreg:$0x1b] =	wrdreg s16  }
0x18: {  	s25 =	simm.s32 $0x300;
	s8 =	sadd.s32 s24, s8;
	[dreg:$0x16] =	wrdreg s23  }
0x19: {  	s2 =	sadd.s32 s24, s9;
	s16 =	simm.s32 $0x780;
	[dreg:$0xb] =	wrdreg s25  }
0x1a: {  	s24 =	simm.s32 $0xA80;
	s23 =	simm.s32 $0x3;
	[dreg:$0xf] =	wrdreg s16  }
0x1b: {  	s0 =	sadd.s32 $0x7AC00, s0;
	s18 =	sadd.s32 $0x4000, s5;
	[dreg:$0x17] =	wrdreg s24  }
0x1c: {  	s20 =	sadd.s32 $0x8000, s5;
	s22 =	sadd.s32 $0xC000, s5;
	[dreg:$0x1a] =	wrdreg s0  }
0x1d: {  	s26 =	sadd.s32 $0x10000, s5;
	s14 =	sadd.s32 $0x9000, s8;
	[dreg:$0x1c] =	wrdreg s18  }
0x1e: {  	s15 =	sadd.s32 $0x9000, s2;
	s16 =	simm.s32 $0x1100;
	[dreg:$0x1d] =	wrdreg s20  }
0x1f: {  	s25 =	simm.s32 $0xE00;
	s24 =	simm.s32 $0x800;
	[dreg:$0x1e] =	wrdreg s22  }
0x20: {  	s2 =	simm.s32 $0x0;
	[dreg:$0x1f] =	wrdreg s26;
	s18 =	simm.s32 $0x900  }
.Ltmp0:
0x21: {  	s20 =	simm.s32 $0x980;
	[dreg:$0x18] =	wrdreg s25;
	(pc) =	sbr.rel .LBB2_1-.Ltmp0, $4  }
0x22: {  	s22 =	simm.s32 $0xA00;
	s26 =	simm.s32 $0xB00;
	[dreg:$0x11] =	wrdreg s18  }
0x23: {  	s25 =	simm.s32 $0xC00;
	s0 =	simm.s32 $0xF80;
	[dreg:$0x13] =	wrdreg s20  }
0x24: {  	s18 =	simm.s32 $0x1000;
	s20 =	simm.s32 $0x80;
	[dreg:$0x15] =	wrdreg s22  }
0x25: {  	v0 =	vimm.f32 $0.0e+00;
	s22 =	simm.s32 $0x400;
	[dreg:$0x19] =	wrdreg s26;
	s26 =	simm.s32 $0x5100  }
.LBB2_6:
0x26: {  	s9 =	sadd.s32 s8, s6  }
0x27: {  	[sflag:s28] =	ssyncadd.s32 $0xFFFFC000;
	s10 =	sadd.s32 s8, s7;
	s9 =	sadd.s32 $0x80, s9  }
0x28: {  	[tilespmem:s24], [sflag:$0x3] =	stream.linear.gather [hbm4b:s9+s3], $0x400, $0x38;
	[tilespmem:$0x1D100] =	vst v63  }
0x29: {  	s10 =	sadd.s32 $0x80, s10  }
0x2a: {  	[tilespmem:s25], [sflag:$0x3] =	stream.linear.gather [hbm4b:s10+s3], $0x400, $0x38;
	[tilespmem:$0x1D100] =	vst v63  }
0x2b: {  	_ = 	snop  }
0x2c: {  	[tilespmem:s26], [sflag:$0x1] =	stream.indirect.gather [hbm4b:s4+s20], $0x80, s20, s20, $0xb8;
	[tilespmem:$0x1D100] =	vst v63  }
0x2d: {  	_ =	swait.ge [sflag:s21], $0x4000  }
0x2e: {  	[sflag:s21] =	ssyncset.done $0x0  }
0x2f: {  	[sflag:s21] =	ssyncadd.s32 $0xFFFFC000  }
0x30: {  	[spmem:s1] =	stream.indirect.scatter.add.f32 [tilespmem:s16], [sflag:$0x2], $0x80, s22, s20, $0xb8;
	[tilespmem:$0x1D100] =	vst v63  }
0x31: {  	_ =	swait.ge [sflag:s21], $0x4000  }
0x32: {  	[sflag:s21] =	ssyncset.done $0x0  }
0x33: {  	[sflag:s21] =	ssyncadd.s32 $0xFFFFC000  }
0x34: {  	_ =	swait.ge [sflag:s28], $0x4000  }
0x35: {  	[sflag:s28] =	ssyncset.done $0x0  }
0x36: {  	s11 =	rddreg [dreg:$0x3];
	[sflag:s28] =	ssyncadd.s32 $0xFFFFC000  }
0x37: {  	[tilespmem:s16], [sflag:$0x1] =	stream.indirect.gather [hbm4b:s4+s20], $0x80, s11, s20, $0xb8;
	[tilespmem:$0x1D100] =	vst v63  }
0x38: {  	s12 =	rddreg [dreg:$0x4]  }
0x39: {  	[spmem:s1] =	stream.indirect.scatter.add.f32 [tilespmem:s26], [sflag:$0x2], $0x80, s12, s20, $0xb8;
	[tilespmem:$0x1D100] =	vst v63  }
0x3a: {  	_ =	swait.ge [sflag:s28], $0x4000  }
0x3b: {  	[sflag:s28] =	ssyncset.done $0x0  }
0x3c: {  	s13 =	rddreg [dreg:$0x5];
	[sflag:s28] =	ssyncadd.s32 $0xFFFFC000  }
0x3d: {  	[tilespmem:s26], [sflag:$0x1] =	stream.indirect.gather [hbm4b:s4+s20], $0x80, s13, s20, $0xb8;
	[tilespmem:$0x1D100] =	vst v63  }
0x3e: {  	_ =	swait.ge [sflag:s21], $0x4000  }
0x3f: {  	[sflag:s21] =	ssyncset.done $0x0  }
0x40: {  	s10 =	rddreg [dreg:$0x6];
	[sflag:s21] =	ssyncadd.s32 $0xFFFFC000  }
0x41: {  	[spmem:s1] =	stream.indirect.scatter.add.f32 [tilespmem:s16], [sflag:$0x2], $0x80, s10, s20, $0xb8;
	[tilespmem:$0x1D100] =	vst v63  }
0x42: {  	_ =	swait.ge [sflag:s21], $0x4000  }
0x43: {  	[sflag:s21] =	ssyncset.done $0x0  }
0x44: {  	[sflag:s21] =	ssyncadd.s32 $0xFFFFC000  }
0x45: {  	_ =	swait.ge [sflag:s28], $0x4000  }
0x46: {  	[sflag:s28] =	ssyncset.done $0x0  }
0x47: {  	s11 =	rddreg [dreg:$0x7];
	[sflag:s28] =	ssyncadd.s32 $0xFFFFC000  }
0x48: {  	[tilespmem:s16], [sflag:$0x1] =	stream.indirect.gather [hbm4b:s4+s20], $0x80, s11, s20, $0xb8;
	[tilespmem:$0x1D100] =	vst v63  }
0x49: {  	s12 =	rddreg [dreg:$0x8]  }
0x4a: {  	[spmem:s1] =	stream.indirect.scatter.add.f32 [tilespmem:s26], [sflag:$0x2], $0x80, s12, s20, $0xb8;
	[tilespmem:$0x1D100] =	vst v63  }
0x4b: {  	_ =	swait.ge [sflag:s28], $0x4000  }
0x4c: {  	[sflag:s28] =	ssyncset.done $0x0  }
0x4d: {  	s13 =	rddreg [dreg:$0x9];
	[sflag:s28] =	ssyncadd.s32 $0xFFFFC000  }
0x4e: {  	[tilespmem:s26], [sflag:$0x1] =	stream.indirect.gather [hbm4b:s4+s20], $0x80, s13, s20, $0xb8;
	[tilespmem:$0x1D100] =	vst v63  }
0x4f: {  	_ =	swait.ge [sflag:s21], $0x4000  }
0x50: {  	[sflag:s21] =	ssyncset.done $0x0  }
0x51: {  	s10 =	rddreg [dreg:$0xa];
	[sflag:s21] =	ssyncadd.s32 $0xFFFFC000  }
0x52: {  	[spmem:s1] =	stream.indirect.scatter.add.f32 [tilespmem:s16], [sflag:$0x2], $0x80, s10, s20, $0xb8;
	[tilespmem:$0x1D100] =	vst v63  }
0x53: {  	_ =	swait.ge [sflag:s21], $0x4000  }
0x54: {  	[sflag:s21] =	ssyncset.done $0x0  }
0x55: {  	[sflag:s21] =	ssyncadd.s32 $0xFFFFC000  }
0x56: {  	_ =	swait.ge [sflag:s28], $0x4000  }
0x57: {  	[sflag:s28] =	ssyncset.done $0x0  }
0x58: {  	s11 =	rddreg [dreg:$0xb];
	[sflag:s28] =	ssyncadd.s32 $0xFFFFC000  }
0x59: {  	[tilespmem:s16], [sflag:$0x1] =	stream.indirect.gather [hbm4b:s4+s20], $0x80, s11, s20, $0xb8;
	[tilespmem:$0x1D100] =	vst v63  }
0x5a: {  	s12 =	rddreg [dreg:$0xc]  }
0x5b: {  	[spmem:s1] =	stream.indirect.scatter.add.f32 [tilespmem:s26], [sflag:$0x2], $0x80, s12, s20, $0xb8;
	[tilespmem:$0x1D100] =	vst v63  }
0x5c: {  	_ =	swait.ge [sflag:s28], $0x4000  }
0x5d: {  	[sflag:s28] =	ssyncset.done $0x0  }
0x5e: {  	s13 =	rddreg [dreg:$0xd];
	[sflag:s28] =	ssyncadd.s32 $0xFFFFC000  }
0x5f: {  	[tilespmem:s26], [sflag:$0x1] =	stream.indirect.gather [hbm4b:s4+s20], $0x80, s13, s20, $0xb8;
	[tilespmem:$0x1D100] =	vst v63  }
0x60: {  	_ =	swait.ge [sflag:s21], $0x4000  }
0x61: {  	[sflag:s21] =	ssyncset.done $0x0  }
0x62: {  	s10 =	rddreg [dreg:$0xe];
	[sflag:s21] =	ssyncadd.s32 $0xFFFFC000  }
0x63: {  	[spmem:s1] =	stream.indirect.scatter.add.f32 [tilespmem:s16], [sflag:$0x2], $0x80, s10, s20, $0xb8;
	[tilespmem:$0x1D100] =	vst v63  }
0x64: {  	_ =	swait.ge [sflag:s21], $0x4000  }
0x65: {  	[sflag:s21] =	ssyncset.done $0x0  }
0x66: {  	[sflag:s21] =	ssyncadd.s32 $0xFFFFC000  }
0x67: {  	_ =	swait.ge [sflag:s28], $0x4000  }
0x68: {  	[sflag:s28] =	ssyncset.done $0x0  }
0x69: {  	[sflag:s28] =	ssyncadd.s32 $0xFFFFC000  }
0x6a: {  	_ =	swait.ge [sflag:s23], $0x400  }
0x6b: {  	[sflag:s23] =	ssyncset.done $0x0  }
0x6c: {  	[sflag:s23] =	ssyncadd.s32 $0xFFFFFC00  }
0x6d: {  	_ =	swait.ge [sflag:s23], $0x400  }
0x6e: {  	[sflag:s23] =	ssyncset.done $0x0  }
0x6f: {  	[sflag:s23] =	ssyncadd.s32 $0xFFFFFC00  }
0x70: {  	[tilespmem:s16], [sflag:$0x1] =	stream.indirect.gather [hbm4b:s4+s20], $0x80, s24, s20, $0xb8;
	[tilespmem:$0x1D100] =	vst v63  }
0x71: {  	p1 =	seq.s32 s8, $0x800;
	s11 =	rddreg [dreg:$0xf]  }
0x72: {  	[spmem:s1] =	stream.indirect.scatter.add.f32 [tilespmem:s26], [sflag:$0x2], $0x80, s11, s20, $0xb8;
	[tilespmem:$0x1D100] =	vst v63  }
0x73: {  	s9 =	sadd.s32 @!p1 s8, s6;
	_ =	swait.ge [sflag:s28], $0x4000  }
0x74: {  	s9 =	sadd.s32 @!p1 $0x100, s9;
	[sflag:s28] =	ssyncset.done $0x0  }
0x75: {  	s10 =	sadd.s32 @!p1 s8, s7;
	s8 =	simm.s32 @!p1 $0x0;
	[sflag:s28] =	ssyncadd.s32 $0xFFFFC000  }
0x76: {  	[tilespmem:s8], [sflag:$0x3] =	stream.linear.gather @!p1 [hbm4b:s9+s8], $0x400, $0x38;
	[tilespmem:$0x1D100] =	vst v63  }
0x77: {  	s9 =	sadd.s32 @!p1 $0x100, s10;
	s10 =	simm.s32 @!p1 $0x400  }
0x78: {  	[tilespmem:s10], [sflag:$0x3] =	stream.linear.gather @!p1 [hbm4b:s9+s8], $0x400, $0x38;
	[tilespmem:$0x1D100] =	vst v63  }
0x79: {  	s11 =	rddreg [dreg:$0x10]  }
0x7a: {  	[tilespmem:s26], [sflag:$0x1] =	stream.indirect.gather [hbm4b:s4+s20], $0x80, s11, s20, $0xb8;
	[tilespmem:$0x1D100] =	vst v63  }
0x7b: {  	_ =	swait.ge [sflag:s21], $0x4000  }
0x7c: {  	[sflag:s21] =	ssyncset.done $0x0  }
0x7d: {  	[sflag:s21] =	ssyncadd.s32 $0xFFFFC000  }
0x7e: {  	[spmem:s1] =	stream.indirect.scatter.add.f32 [tilespmem:s16], [sflag:$0x2], $0x80, s25, s20, $0xb8;
	[tilespmem:$0x1D100] =	vst v63  }
0x7f: {  	_ =	swait.ge [sflag:s21], $0x4000  }
0x80: {  	[sflag:s21] =	ssyncset.done $0x0  }
0x81: {  	[sflag:s21] =	ssyncadd.s32 $0xFFFFC000  }
0x82: {  	_ =	swait.ge [sflag:s28], $0x4000  }
0x83: {  	[sflag:s28] =	ssyncset.done $0x0  }
0x84: {  	s12 =	rddreg [dreg:$0x11];
	[sflag:s28] =	ssyncadd.s32 $0xFFFFC000  }
0x85: {  	[tilespmem:s16], [sflag:$0x1] =	stream.indirect.gather [hbm4b:s4+s20], $0x80, s12, s20, $0xb8;
	[tilespmem:$0x1D100] =	vst v63  }
0x86: {  	s13 =	rddreg [dreg:$0x12]  }
0x87: {  	[spmem:s1] =	stream.indirect.scatter.add.f32 [tilespmem:s26], [sflag:$0x2], $0x80, s13, s20, $0xb8;
	[tilespmem:$0x1D100] =	vst v63  }
0x88: {  	_ =	swait.ge [sflag:s28], $0x4000  }
0x89: {  	[sflag:s28] =	ssyncset.done $0x0  }
0x8a: {  	s10 =	rddreg [dreg:$0x13];
	[sflag:s28] =	ssyncadd.s32 $0xFFFFC000  }
0x8b: {  	[tilespmem:s26], [sflag:$0x1] =	stream.indirect.gather [hbm4b:s4+s20], $0x80, s10, s20, $0xb8;
	[tilespmem:$0x1D100] =	vst v63  }
0x8c: {  	_ =	swait.ge [sflag:s21], $0x4000  }
0x8d: {  	[sflag:s21] =	ssyncset.done $0x0  }
0x8e: {  	s11 =	rddreg [dreg:$0x14];
	[sflag:s21] =	ssyncadd.s32 $0xFFFFC000  }
0x8f: {  	[spmem:s1] =	stream.indirect.scatter.add.f32 [tilespmem:s16], [sflag:$0x2], $0x80, s11, s20, $0xb8;
	[tilespmem:$0x1D100] =	vst v63  }
0x90: {  	_ =	swait.ge [sflag:s21], $0x4000  }
0x91: {  	[sflag:s21] =	ssyncset.done $0x0  }
0x92: {  	[sflag:s21] =	ssyncadd.s32 $0xFFFFC000  }
0x93: {  	_ =	swait.ge [sflag:s28], $0x4000  }
0x94: {  	[sflag:s28] =	ssyncset.done $0x0  }
0x95: {  	s12 =	rddreg [dreg:$0x15];
	[sflag:s28] =	ssyncadd.s32 $0xFFFFC000  }
0x96: {  	[tilespmem:s16], [sflag:$0x1] =	stream.indirect.gather [hbm4b:s4+s20], $0x80, s12, s20, $0xb8;
	[tilespmem:$0x1D100] =	vst v63  }
0x97: {  	s13 =	rddreg [dreg:$0x16]  }
0x98: {  	[spmem:s1] =	stream.indirect.scatter.add.f32 [tilespmem:s26], [sflag:$0x2], $0x80, s13, s20, $0xb8;
	[tilespmem:$0x1D100] =	vst v63  }
0x99: {  	_ =	swait.ge [sflag:s28], $0x4000  }
0x9a: {  	[sflag:s28] =	ssyncset.done $0x0  }
0x9b: {  	s11 =	rddreg [dreg:$0x17];
	[sflag:s28] =	ssyncadd.s32 $0xFFFFC000  }
0x9c: {  	[tilespmem:s26], [sflag:$0x1] =	stream.indirect.gather [hbm4b:s4+s20], $0x80, s11, s20, $0xb8;
	[tilespmem:$0x1D100] =	vst v63  }
0x9d: {  	_ =	swait.ge [sflag:s21], $0x4000  }
0x9e: {  	[sflag:s21] =	ssyncset.done $0x0  }
0x9f: {  	s12 =	rddreg [dreg:$0x18];
	[sflag:s21] =	ssyncadd.s32 $0xFFFFC000  }
0xa0: {  	[spmem:s1] =	stream.indirect.scatter.add.f32 [tilespmem:s16], [sflag:$0x2], $0x80, s12, s20, $0xb8;
	[tilespmem:$0x1D100] =	vst v63  }
0xa1: {  	_ =	swait.ge [sflag:s21], $0x4000  }
0xa2: {  	[sflag:s21] =	ssyncset.done $0x0  }
0xa3: {  	[sflag:s21] =	ssyncadd.s32 $0xFFFFC000  }
0xa4: {  	_ =	swait.ge [sflag:s28], $0x4000  }
0xa5: {  	[sflag:s28] =	ssyncset.done $0x0  }
0xa6: {  	s13 =	rddreg [dreg:$0x19];
	[sflag:s28] =	ssyncadd.s32 $0xFFFFC000  }
0xa7: {  	[tilespmem:s16], [sflag:$0x1] =	stream.indirect.gather [hbm4b:s4+s20], $0x80, s13, s20, $0xb8;
	[tilespmem:$0x1D100] =	vst v63  }
0xa8: {  	_ = 	snop  }
0xa9: {  	[spmem:s1] =	stream.indirect.scatter.add.f32 [tilespmem:s26], [sflag:$0x2], $0x80, s29, s20, $0xb8;
	[tilespmem:$0x1D100] =	vst v63  }
0xaa: {  	_ =	swait.ge [sflag:s28], $0x4000  }
0xab: {  	[sflag:s28] =	ssyncset.done $0x0  }
0xac: {  	[sflag:s28] =	ssyncadd.s32 $0xFFFFC000  }
0xad: {  	[tilespmem:s26], [sflag:$0x1] =	stream.indirect.gather [hbm4b:s4+s20], $0x80, s30, s20, $0xb8;
	[tilespmem:$0x1D100] =	vst v63  }
0xae: {  	_ =	swait.ge [sflag:s21], $0x4000  }
0xaf: {  	[sflag:s21] =	ssyncset.done $0x0  }
0xb0: {  	[sflag:s21] =	ssyncadd.s32 $0xFFFFC000  }
0xb1: {  	[spmem:s1] =	stream.indirect.scatter.add.f32 [tilespmem:s16], [sflag:$0x2], $0x80, s31, s20, $0xb8;
	[tilespmem:$0x1D100] =	vst v63  }
0xb2: {  	_ =	swait.ge [sflag:s21], $0x4000  }
0xb3: {  	[sflag:s21] =	ssyncset.done $0x0  }
0xb4: {  	[sflag:s21] =	ssyncadd.s32 $0xFFFFC000  }
0xb5: {  	_ =	swait.ge [sflag:s28], $0x4000  }
0xb6: {  	[sflag:s28] =	ssyncset.done $0x0  }
0xb7: {  	s9 =	simm.s32 @!p1 $0x3;
	[sflag:s28] =	ssyncadd.s32 $0xFFFFC000  }
0xb8: {  	_ =	swait.ge @!p1 [sflag:s9], $0x400  }
0xb9: {  	[sflag:s9] =	ssyncset.done @!p1 $0x0  }
0xba: {  	[sflag:s9] =	ssyncadd.s32 @!p1 $0xFFFFFC00  }
0xbb: {  	_ =	swait.ge @!p1 [sflag:s9], $0x400  }
0xbc: {  	[sflag:s9] =	ssyncset.done @!p1 $0x0  }
0xbd: {  	s10 =	simm.s32 @!p1 $0x1100;
	[sflag:s9] =	ssyncadd.s32 @!p1 $0xFFFFFC00;
	s9 =	simm.s32 @!p1 $0x80  }
0xbe: {  	[tilespmem:s10], [sflag:$0x1] =	stream.indirect.gather @!p1 [hbm4b:s4+s9], $0x80, s8, s9, $0xb8;
	[tilespmem:$0x1D100] =	vst v63  }
0xbf: {  	_ = 	snop  }
0xc0: {  	[spmem:s1] =	stream.indirect.scatter.add.f32 [tilespmem:s26], [sflag:$0x2], $0x80, s0, s20, $0xb8;
	[tilespmem:$0x1D100] =	vst v63  }
0xc1: {  	_ =	swait.ge [sflag:s28], $0x4000  }
0xc2: {  	[sflag:s28] =	ssyncset.done $0x0  }
0xc3: {  	s13 =	stileid.u32;
	[sflag:s28] =	ssyncadd.s32 $0xFFFFC000  }
.LBB2_10:
0xc4: {  	s8 =	sshll.u32 s13, $0x6;
	[bflag:$0x0] =	sbarrier.arrive $0xFFFF  }
0xc5: {  	s9 =	sshrl.u32 s5, $0x3;
	s8 =	sor.u32 $0x1C04, s8;
	s10 =	rddreg [dreg:$0x1a]  }
0xc6: {  	[hbm:s10], [sflag:s8] =	dma.local [spmem:s9], $0x2800  }
0xc7: {  	_ =	swait.ge [sflag:s17], $0x2800  }
0xc8: {  	s2 =	sadd.s32 $0x1, s2;
	s12 =	rddreg [dreg:$0x1b]  }
0xc9: {  	p1 =	sne.s32 s2, s12  }
.Ltmp1:
0xca: {  	_ = 	snop;
	(pc) =	sbr.rel @!p1 .LBB2_11-.Ltmp1, $3  }
0xcb: {  	_ =	sdelay $0x1  }
0xcc: {  	[sflag:s17] =	ssyncset.done $0x0  }
0xcd: {  	[sflag:s17] =	ssyncadd.s32 $0xFFFFD800  }
.LBB2_1:
0xce: {  	s8 =	simm.s32 $0x0;
	s9 =	simm.s32 $0x200  }
.LBB2_2:
0xcf: {  	p1 =	sne.s32 s9, $0xFE00;
	[tilespmem:s8+$0x1170] =	vst v0  }
0xd0: {  	[tilespmem:s8+$0x1100] =	vst v0  }
0xd1: {  	[tilespmem:s8+$0x1110] =	vst v0  }
.Ltmp2:
0xd2: {  	[tilespmem:s8+$0x1120] =	vst v0;
	(pc) =	sbr.rel @p1 .LBB2_2-.Ltmp2, $4  }
0xd3: {  	[tilespmem:s8+$0x1130] =	vst v0  }
0xd4: {  	[tilespmem:s8+$0x1140] =	vst v0  }
0xd5: {  	[tilespmem:s8+$0x1150] =	vst v0  }
0xd6: {  	[tilespmem:s8+$0x1160] =	vst v0;
	s8 =	sshra.s32 s9, $0x2;
	s9 =	sadd.s32 $0x200, s9  }
0xd7: {  	[tilespmem:s8+$0x1170] =	vst v0  }
0xd8: {  	[tilespmem:s8+$0x1100] =	vst v0  }
0xd9: {  	[tilespmem:s8+$0x1110] =	vst v0  }
0xda: {  	[tilespmem:s8+$0x1120] =	vst v0  }
0xdb: {  	[tilespmem:s8+$0x1130] =	vst v0  }
0xdc: {  	[tilespmem:s8+$0x1140] =	vst v0  }
0xdd: {  	[tilespmem:s8+$0x1150] =	vst v0  }
0xde: {  	[tilespmem:s8+$0x1160] =	vst v0  }
0xdf: {  	[spmem:s5] =	stream.linear.scatter [tilespmem:s16], [sflag:$0x4], $0x4000, $0x38;
	[tilespmem:$0x1D100] =	vst v63  }
0xe0: {  	_ =	swait.ge [sflag:s17], $0x4000  }
0xe1: {  	[sflag:s17] =	ssyncset.done $0x0  }
0xe2: {  	s9 =	rddreg [dreg:$0x1c];
	[sflag:s17] =	ssyncadd.s32 $0xFFFFC000  }
0xe3: {  	[spmem:s9] =	stream.linear.scatter [tilespmem:s16], [sflag:$0x4], $0x4000, $0x38;
	[tilespmem:$0x1D100] =	vst v63  }
0xe4: {  	_ =	swait.ge [sflag:s17], $0x4000  }
0xe5: {  	[sflag:s17] =	ssyncset.done $0x0  }
0xe6: {  	s10 =	rddreg [dreg:$0x1d];
	[sflag:s17] =	ssyncadd.s32 $0xFFFFC000  }
0xe7: {  	[spmem:s10] =	stream.linear.scatter [tilespmem:s16], [sflag:$0x4], $0x4000, $0x38;
	[tilespmem:$0x1D100] =	vst v63  }
0xe8: {  	_ =	swait.ge [sflag:s17], $0x4000  }
0xe9: {  	[sflag:s17] =	ssyncset.done $0x0  }
0xea: {  	s11 =	rddreg [dreg:$0x1e];
	[sflag:s17] =	ssyncadd.s32 $0xFFFFC000  }
0xeb: {  	[spmem:s11] =	stream.linear.scatter [tilespmem:s16], [sflag:$0x4], $0x4000, $0x38;
	[tilespmem:$0x1D100] =	vst v63  }
0xec: {  	_ =	swait.ge [sflag:s17], $0x4000  }
0xed: {  	[sflag:s17] =	ssyncset.done $0x0  }
0xee: {  	s12 =	rddreg [dreg:$0x1f];
	[sflag:s17] =	ssyncadd.s32 $0xFFFFC000  }
0xef: {  	[spmem:s12] =	stream.linear.scatter [tilespmem:s16], [sflag:$0x4], $0x4000, $0x38;
	[tilespmem:$0x1D100] =	vst v63  }
.Ltmp3:
0xf0: {  	_ =	swait.ge [sflag:s17], $0x4000;
	(pc) =	sbr.rel @!p0 .LBB2_4-.Ltmp3, $4  }
0xf1: {  	[sflag:s17] =	ssyncset.done $0x0  }
0xf2: {  	[sflag:s17] =	ssyncadd.s32 $0xFFFFC000  }
0xf3: {  	[bflag:$0x0] =	sbarrier.arrive $0xFFFF  }
0xf4: {  	s8 =	simm.s32 $0x0  }
0xf5: {  	s8 =	sadd.s32 $0x0, s14  }
0xf6: {  	[tilespmem:s18], [sflag:$0x4] =	stream.linear.gather [hbm4b:s8+s3], $0x80, $0x38;
	[tilespmem:$0x1D100] =	vst v63  }
0xf7: {  	_ =	swait.ge [sflag:s17], $0x80  }
0xf8: {  	[sflag:s17] =	ssyncset.done $0x0  }
0xf9: {  	s12 =	sadd.s32 $0x0, s15;
	[sflag:s17] =	ssyncadd.s32 $0xFFFFFF80  }
0xfa: {  	[tilespmem:s19], [sflag:$0x4] =	stream.linear.gather [hbm4b:s12+s3], $0x80, $0x38;
	[tilespmem:$0x1D100] =	vst v63  }
0xfb: {  	_ =	swait.ge [sflag:s17], $0x80  }
0xfc: {  	[sflag:s17] =	ssyncset.done $0x0  }
0xfd: {  	[sflag:s17] =	ssyncadd.s32 $0xFFFFFF80  }
0xfe: {  	[tilespmem:s16], [sflag:$0x1] =	stream.indirect.gather [hbm4b:s4+s20], $0x80, s18, s20, $0xb8;
	[tilespmem:$0x1D100] =	vst v63  }
0xff: {  	_ =	swait.ge [sflag:s21], $0x4000  }
0x100: {  	[sflag:s21] =	ssyncset.done $0x0  }
0x101: {  	[sflag:s21] =	ssyncadd.s32 $0xFFFFC000  }
0x102: {  	[spmem:s1] =	stream.indirect.scatter.add.f32 [tilespmem:s16], [sflag:$0x4], $0x80, s19, s20, $0xb8;
	[tilespmem:$0x1D100] =	vst v63  }
0x103: {  	_ =	swait.ge [sflag:s17], $0x4000  }
0x104: {  	s9 =	simm.s32 $0x20;
	s8 =	simm.s32 $0x10;
	[sflag:s17] =	ssyncset.done $0x0  }
.LBB2_8:
0x105: {  	s10 =	sadd.s32 s8, s14  }
0x106: {  	[sflag:s17] =	ssyncadd.s32 $0xFFFFC000;
	s11 =	smov.u32 s9;
	s12 =	sadd.s32 $0x10, s9  }
0x107: {  	[tilespmem:s18], [sflag:$0x4] =	stream.linear.gather [hbm4b:s10+s3], $0x80, $0x38;
	[tilespmem:$0x1D100] =	vst v63  }
0x108: {  	p1 =	sne.s32 s9, $0xD0;
	_ =	swait.ge [sflag:s17], $0x80  }
0x109: {  	[sflag:s17] =	ssyncset.done $0x0  }
0x10a: {  	s9 =	sadd.s32 s8, s15;
	s8 =	smov.u32 s11;
	[sflag:s17] =	ssyncadd.s32 $0xFFFFFF80  }
0x10b: {  	[tilespmem:s19], [sflag:$0x4] =	stream.linear.gather [hbm4b:s9+s3], $0x80, $0x38;
	[tilespmem:$0x1D100] =	vst v63  }
0x10c: {  	_ =	swait.ge [sflag:s17], $0x80  }
0x10d: {  	[sflag:s17] =	ssyncset.done $0x0  }
0x10e: {  	[sflag:s17] =	ssyncadd.s32 $0xFFFFFF80  }
0x10f: {  	[tilespmem:s16], [sflag:$0x1] =	stream.indirect.gather [hbm4b:s4+s20], $0x80, s18, s20, $0xb8;
	[tilespmem:$0x1D100] =	vst v63  }
0x110: {  	_ =	swait.ge [sflag:s21], $0x4000  }
.Ltmp4:
0x111: {  	[sflag:s21] =	ssyncset.done $0x0;
	(pc) =	sbr.rel @p1 .LBB2_8-.Ltmp4, $4  }
0x112: {  	[sflag:s21] =	ssyncadd.s32 $0xFFFFC000  }
0x113: {  	[spmem:s1] =	stream.indirect.scatter.add.f32 [tilespmem:s16], [sflag:$0x4], $0x80, s19, s20, $0xb8;
	[tilespmem:$0x1D100] =	vst v63  }
0x114: {  	_ =	swait.ge [sflag:s17], $0x4000  }
0x115: {  	s9 =	smov.u32 s12;
	[sflag:s17] =	ssyncset.done $0x0  }
0x116: {  	s9 =	sadd.s32 s8, s14;
	[sflag:s17] =	ssyncadd.s32 $0xFFFFC000  }
0x117: {  	[tilespmem:s18], [sflag:$0x4] =	stream.linear.gather [hbm4b:s9+s3], $0x80, $0x38;
	[tilespmem:$0x1D100] =	vst v63  }
0x118: {  	_ =	swait.ge [sflag:s17], $0x80  }
0x119: {  	[sflag:s17] =	ssyncset.done $0x0  }
0x11a: {  	s12 =	sadd.s32 s8, s15;
	[sflag:s17] =	ssyncadd.s32 $0xFFFFFF80  }
0x11b: {  	[tilespmem:s19], [sflag:$0x4] =	stream.linear.gather [hbm4b:s12+s3], $0x80, $0x38;
	[tilespmem:$0x1D100] =	vst v63  }
0x11c: {  	_ =	swait.ge [sflag:s17], $0x80  }
0x11d: {  	[sflag:s17] =	ssyncset.done $0x0  }
0x11e: {  	[sflag:s17] =	ssyncadd.s32 $0xFFFFFF80  }
0x11f: {  	[tilespmem:s16], [sflag:$0x1] =	stream.indirect.gather [hbm4b:s4+s20], $0x80, s18, s20, $0xb8;
	[tilespmem:$0x1D100] =	vst v63  }
0x120: {  	_ =	swait.ge [sflag:s21], $0x4000  }
0x121: {  	[sflag:s21] =	ssyncset.done $0x0  }
.Ltmp5:
0x122: {  	[sflag:s21] =	ssyncadd.s32 $0xFFFFC000;
	(pc) =	sbr.rel .LBB2_10-.Ltmp5, $4  }
0x123: {  	[spmem:s1] =	stream.indirect.scatter.add.f32 [tilespmem:s16], [sflag:$0x4], $0x80, s19, s20, $0xb8;
	[tilespmem:$0x1D100] =	vst v63  }
0x124: {  	_ =	swait.ge [sflag:s17], $0x4000  }
0x125: {  	[sflag:s17] =	ssyncset.done $0x0  }
0x126: {  	[sflag:s17] =	ssyncadd.s32 $0xFFFFC000  }
.LBB2_4:
0x127: {  	[tilespmem:s8], [sflag:$0x3] =	stream.linear.gather [hbm4b:s6+s8], $0x400, $0x38;
	[tilespmem:$0x1D100] =	vst v63  }
0x128: {  	_ = 	snop  }
0x129: {  	[tilespmem:s22], [sflag:$0x3] =	stream.linear.gather [hbm4b:s7+s8], $0x400, $0x38;
	[tilespmem:$0x1D100] =	vst v63  }
0x12a: {  	_ =	swait.ge [sflag:s23], $0x400  }
0x12b: {  	[sflag:s23] =	ssyncset.done $0x0  }
0x12c: {  	[sflag:s23] =	ssyncadd.s32 $0xFFFFFC00  }
0x12d: {  	_ =	swait.ge [sflag:s23], $0x400  }
0x12e: {  	[sflag:s23] =	ssyncset.done $0x0  }
0x12f: {  	s10 =	sadd.s32 $0x0, s6;
	[sflag:s23] =	ssyncadd.s32 $0xFFFFFC00  }
0x130: {  	[tilespmem:s16], [sflag:$0x1] =	stream.indirect.gather [hbm4b:s4+s20], $0x80, s8, s20, $0xb8;
	[tilespmem:$0x1D100] =	vst v63  }
0x131: {  	s9 =	sadd.s32 $0x0, s7;
	s8 =	sadd.s32 $0x80, s10  }
0x132: {  	[tilespmem:s24], [sflag:$0x3] =	stream.linear.gather [hbm4b:s8+s3], $0x400, $0x38;
	[tilespmem:$0x1D100] =	vst v63  }
0x133: {  	s11 =	sadd.s32 $0x80, s9  }
0x134: {  	[tilespmem:s25], [sflag:$0x3] =	stream.linear.gather [hbm4b:s11+s3], $0x400, $0x38;
	[tilespmem:$0x1D100] =	vst v63  }
0x135: {  	_ = 	snop  }
0x136: {  	[tilespmem:s26], [sflag:$0x1] =	stream.indirect.gather [hbm4b:s4+s20], $0x80, s20, s20, $0xb8;
	[tilespmem:$0x1D100] =	vst v63  }
0x137: {  	_ =	swait.ge [sflag:s21], $0x4000  }
0x138: {  	[sflag:s21] =	ssyncset.done $0x0  }
0x139: {  	[sflag:s21] =	ssyncadd.s32 $0xFFFFC000  }
0x13a: {  	[spmem:s1] =	stream.indirect.scatter.add.f32 [tilespmem:s16], [sflag:$0x2], $0x80, s22, s20, $0xb8;
	[tilespmem:$0x1D100] =	vst v63  }
0x13b: {  	_ =	swait.ge [sflag:s21], $0x4000  }
0x13c: {  	[sflag:s21] =	ssyncset.done $0x0  }
0x13d: {  	[sflag:s21] =	ssyncadd.s32 $0xFFFFC000  }
0x13e: {  	_ =	swait.ge [sflag:s28], $0x4000  }
0x13f: {  	[sflag:s28] =	ssyncset.done $0x0  }
0x140: {  	s12 =	rddreg [dreg:$0x3];
	[sflag:s28] =	ssyncadd.s32 $0xFFFFC000  }
0x141: {  	[tilespmem:s16], [sflag:$0x1] =	stream.indirect.gather [hbm4b:s4+s20], $0x80, s12, s20, $0xb8;
	[tilespmem:$0x1D100] =	vst v63  }
0x142: {  	s13 =	rddreg [dreg:$0x4]  }
0x143: {  	[spmem:s1] =	stream.indirect.scatter.add.f32 [tilespmem:s26], [sflag:$0x2], $0x80, s13, s20, $0xb8;
	[tilespmem:$0x1D100] =	vst v63  }
0x144: {  	_ =	swait.ge [sflag:s28], $0x4000  }
0x145: {  	[sflag:s28] =	ssyncset.done $0x0  }
0x146: {  	s10 =	rddreg [dreg:$0x5];
	[sflag:s28] =	ssyncadd.s32 $0xFFFFC000  }
0x147: {  	[tilespmem:s26], [sflag:$0x1] =	stream.indirect.gather [hbm4b:s4+s20], $0x80, s10, s20, $0xb8;
	[tilespmem:$0x1D100] =	vst v63  }
0x148: {  	_ =	swait.ge [sflag:s21], $0x4000  }
0x149: {  	[sflag:s21] =	ssyncset.done $0x0  }
0x14a: {  	s11 =	rddreg [dreg:$0x6];
	[sflag:s21] =	ssyncadd.s32 $0xFFFFC000  }
0x14b: {  	[spmem:s1] =	stream.indirect.scatter.add.f32 [tilespmem:s16], [sflag:$0x2], $0x80, s11, s20, $0xb8;
	[tilespmem:$0x1D100] =	vst v63  }
0x14c: {  	_ =	swait.ge [sflag:s21], $0x4000  }
0x14d: {  	[sflag:s21] =	ssyncset.done $0x0  }
0x14e: {  	[sflag:s21] =	ssyncadd.s32 $0xFFFFC000  }
0x14f: {  	_ =	swait.ge [sflag:s28], $0x4000  }
0x150: {  	[sflag:s28] =	ssyncset.done $0x0  }
0x151: {  	s12 =	rddreg [dreg:$0x7];
	[sflag:s28] =	ssyncadd.s32 $0xFFFFC000  }
0x152: {  	[tilespmem:s16], [sflag:$0x1] =	stream.indirect.gather [hbm4b:s4+s20], $0x80, s12, s20, $0xb8;
	[tilespmem:$0x1D100] =	vst v63  }
0x153: {  	s13 =	rddreg [dreg:$0x8]  }
0x154: {  	[spmem:s1] =	stream.indirect.scatter.add.f32 [tilespmem:s26], [sflag:$0x2], $0x80, s13, s20, $0xb8;
	[tilespmem:$0x1D100] =	vst v63  }
0x155: {  	_ =	swait.ge [sflag:s28], $0x4000  }
0x156: {  	[sflag:s28] =	ssyncset.done $0x0  }
0x157: {  	s10 =	rddreg [dreg:$0x9];
	[sflag:s28] =	ssyncadd.s32 $0xFFFFC000  }
0x158: {  	[tilespmem:s26], [sflag:$0x1] =	stream.indirect.gather [hbm4b:s4+s20], $0x80, s10, s20, $0xb8;
	[tilespmem:$0x1D100] =	vst v63  }
0x159: {  	_ =	swait.ge [sflag:s21], $0x4000  }
0x15a: {  	[sflag:s21] =	ssyncset.done $0x0  }
0x15b: {  	s11 =	rddreg [dreg:$0xa];
	[sflag:s21] =	ssyncadd.s32 $0xFFFFC000  }
0x15c: {  	[spmem:s1] =	stream.indirect.scatter.add.f32 [tilespmem:s16], [sflag:$0x2], $0x80, s11, s20, $0xb8;
	[tilespmem:$0x1D100] =	vst v63  }
0x15d: {  	_ =	swait.ge [sflag:s21], $0x4000  }
0x15e: {  	[sflag:s21] =	ssyncset.done $0x0  }
0x15f: {  	[sflag:s21] =	ssyncadd.s32 $0xFFFFC000  }
0x160: {  	_ =	swait.ge [sflag:s28], $0x4000  }
0x161: {  	[sflag:s28] =	ssyncset.done $0x0  }
0x162: {  	s12 =	rddreg [dreg:$0xb];
	[sflag:s28] =	ssyncadd.s32 $0xFFFFC000  }
0x163: {  	[tilespmem:s16], [sflag:$0x1] =	stream.indirect.gather [hbm4b:s4+s20], $0x80, s12, s20, $0xb8;
	[tilespmem:$0x1D100] =	vst v63  }
0x164: {  	s13 =	rddreg [dreg:$0xc]  }
0x165: {  	[spmem:s1] =	stream.indirect.scatter.add.f32 [tilespmem:s26], [sflag:$0x2], $0x80, s13, s20, $0xb8;
	[tilespmem:$0x1D100] =	vst v63  }
0x166: {  	_ =	swait.ge [sflag:s28], $0x4000  }
0x167: {  	[sflag:s28] =	ssyncset.done $0x0  }
0x168: {  	s9 =	rddreg [dreg:$0xd];
	[sflag:s28] =	ssyncadd.s32 $0xFFFFC000  }
0x169: {  	[tilespmem:s26], [sflag:$0x1] =	stream.indirect.gather [hbm4b:s4+s20], $0x80, s9, s20, $0xb8;
	[tilespmem:$0x1D100] =	vst v63  }
0x16a: {  	_ =	swait.ge [sflag:s21], $0x4000  }
0x16b: {  	[sflag:s21] =	ssyncset.done $0x0  }
0x16c: {  	s10 =	rddreg [dreg:$0xe];
	[sflag:s21] =	ssyncadd.s32 $0xFFFFC000  }
0x16d: {  	[spmem:s1] =	stream.indirect.scatter.add.f32 [tilespmem:s16], [sflag:$0x2], $0x80, s10, s20, $0xb8;
	[tilespmem:$0x1D100] =	vst v63  }
0x16e: {  	_ =	swait.ge [sflag:s21], $0x4000  }
0x16f: {  	[sflag:s21] =	ssyncset.done $0x0  }
0x170: {  	[sflag:s21] =	ssyncadd.s32 $0xFFFFC000  }
0x171: {  	_ =	swait.ge [sflag:s28], $0x4000  }
0x172: {  	[sflag:s28] =	ssyncset.done $0x0  }
0x173: {  	[sflag:s28] =	ssyncadd.s32 $0xFFFFC000  }
0x174: {  	_ =	swait.ge [sflag:s23], $0x400  }
0x175: {  	[sflag:s23] =	ssyncset.done $0x0  }
0x176: {  	[sflag:s23] =	ssyncadd.s32 $0xFFFFFC00  }
0x177: {  	_ =	swait.ge [sflag:s23], $0x400  }
0x178: {  	[sflag:s23] =	ssyncset.done $0x0  }
0x179: {  	[sflag:s23] =	ssyncadd.s32 $0xFFFFFC00  }
0x17a: {  	[tilespmem:s16], [sflag:$0x1] =	stream.indirect.gather [hbm4b:s4+s20], $0x80, s24, s20, $0xb8;
	[tilespmem:$0x1D100] =	vst v63  }
0x17b: {  	s11 =	rddreg [dreg:$0xf]  }
0x17c: {  	[spmem:s1] =	stream.indirect.scatter.add.f32 [tilespmem:s26], [sflag:$0x2], $0x80, s11, s20, $0xb8;
	[tilespmem:$0x1D100] =	vst v63  }
0x17d: {  	p1 =	por $0x0, $0x0;
	_ =	swait.ge [sflag:s28], $0x4000  }
0x17e: {  	s8 =	sadd.s32 @!p1 $0x0, s6;
	s9 =	sadd.s32 @!p1 $0x0, s7;
	[sflag:s28] =	ssyncset.done $0x0  }
0x17f: {  	s10 =	sadd.s32 @!p1 $0x100, s8;
	s8 =	simm.s32 @!p1 $0x0;
	[sflag:s28] =	ssyncadd.s32 $0xFFFFC000  }
0x180: {  	[tilespmem:s8], [sflag:$0x3] =	stream.linear.gather @!p1 [hbm4b:s10+s8], $0x400, $0x38;
	[tilespmem:$0x1D100] =	vst v63  }
0x181: {  	s9 =	sadd.s32 @!p1 $0x100, s9;
	s10 =	simm.s32 @!p1 $0x400  }
0x182: {  	[tilespmem:s10], [sflag:$0x3] =	stream.linear.gather @!p1 [hbm4b:s9+s8], $0x400, $0x38;
	[tilespmem:$0x1D100] =	vst v63  }
0x183: {  	s11 =	rddreg [dreg:$0x10]  }
0x184: {  	[tilespmem:s26], [sflag:$0x1] =	stream.indirect.gather [hbm4b:s4+s20], $0x80, s11, s20, $0xb8;
	[tilespmem:$0x1D100] =	vst v63  }
0x185: {  	_ =	swait.ge [sflag:s21], $0x4000  }
0x186: {  	[sflag:s21] =	ssyncset.done $0x0  }
0x187: {  	[sflag:s21] =	ssyncadd.s32 $0xFFFFC000  }
0x188: {  	[spmem:s1] =	stream.indirect.scatter.add.f32 [tilespmem:s16], [sflag:$0x2], $0x80, s25, s20, $0xb8;
	[tilespmem:$0x1D100] =	vst v63  }
0x189: {  	_ =	swait.ge [sflag:s21], $0x4000  }
0x18a: {  	[sflag:s21] =	ssyncset.done $0x0  }
0x18b: {  	[sflag:s21] =	ssyncadd.s32 $0xFFFFC000  }
0x18c: {  	_ =	swait.ge [sflag:s28], $0x4000  }
0x18d: {  	[sflag:s28] =	ssyncset.done $0x0  }
0x18e: {  	s12 =	rddreg [dreg:$0x11];
	[sflag:s28] =	ssyncadd.s32 $0xFFFFC000  }
0x18f: {  	[tilespmem:s16], [sflag:$0x1] =	stream.indirect.gather [hbm4b:s4+s20], $0x80, s12, s20, $0xb8;
	[tilespmem:$0x1D100] =	vst v63  }
0x190: {  	s13 =	rddreg [dreg:$0x12]  }
0x191: {  	[spmem:s1] =	stream.indirect.scatter.add.f32 [tilespmem:s26], [sflag:$0x2], $0x80, s13, s20, $0xb8;
	[tilespmem:$0x1D100] =	vst v63  }
0x192: {  	_ =	swait.ge [sflag:s28], $0x4000  }
0x193: {  	[sflag:s28] =	ssyncset.done $0x0  }
0x194: {  	s10 =	rddreg [dreg:$0x13];
	[sflag:s28] =	ssyncadd.s32 $0xFFFFC000  }
0x195: {  	[tilespmem:s26], [sflag:$0x1] =	stream.indirect.gather [hbm4b:s4+s20], $0x80, s10, s20, $0xb8;
	[tilespmem:$0x1D100] =	vst v63  }
0x196: {  	_ =	swait.ge [sflag:s21], $0x4000  }
0x197: {  	[sflag:s21] =	ssyncset.done $0x0  }
0x198: {  	s11 =	rddreg [dreg:$0x14];
	[sflag:s21] =	ssyncadd.s32 $0xFFFFC000  }
0x199: {  	[spmem:s1] =	stream.indirect.scatter.add.f32 [tilespmem:s16], [sflag:$0x2], $0x80, s11, s20, $0xb8;
	[tilespmem:$0x1D100] =	vst v63  }
0x19a: {  	_ =	swait.ge [sflag:s21], $0x4000  }
0x19b: {  	[sflag:s21] =	ssyncset.done $0x0  }
0x19c: {  	[sflag:s21] =	ssyncadd.s32 $0xFFFFC000  }
0x19d: {  	_ =	swait.ge [sflag:s28], $0x4000  }
0x19e: {  	[sflag:s28] =	ssyncset.done $0x0  }
0x19f: {  	s12 =	rddreg [dreg:$0x15];
	[sflag:s28] =	ssyncadd.s32 $0xFFFFC000  }
0x1a0: {  	[tilespmem:s16], [sflag:$0x1] =	stream.indirect.gather [hbm4b:s4+s20], $0x80, s12, s20, $0xb8;
	[tilespmem:$0x1D100] =	vst v63  }
0x1a1: {  	s13 =	rddreg [dreg:$0x16]  }
0x1a2: {  	[spmem:s1] =	stream.indirect.scatter.add.f32 [tilespmem:s26], [sflag:$0x2], $0x80, s13, s20, $0xb8;
	[tilespmem:$0x1D100] =	vst v63  }
0x1a3: {  	_ =	swait.ge [sflag:s28], $0x4000  }
0x1a4: {  	[sflag:s28] =	ssyncset.done $0x0  }
0x1a5: {  	s11 =	rddreg [dreg:$0x17];
	[sflag:s28] =	ssyncadd.s32 $0xFFFFC000  }
0x1a6: {  	[tilespmem:s26], [sflag:$0x1] =	stream.indirect.gather [hbm4b:s4+s20], $0x80, s11, s20, $0xb8;
	[tilespmem:$0x1D100] =	vst v63  }
0x1a7: {  	_ =	swait.ge [sflag:s21], $0x4000  }
0x1a8: {  	[sflag:s21] =	ssyncset.done $0x0  }
0x1a9: {  	s12 =	rddreg [dreg:$0x18];
	[sflag:s21] =	ssyncadd.s32 $0xFFFFC000  }
0x1aa: {  	[spmem:s1] =	stream.indirect.scatter.add.f32 [tilespmem:s16], [sflag:$0x2], $0x80, s12, s20, $0xb8;
	[tilespmem:$0x1D100] =	vst v63  }
0x1ab: {  	_ =	swait.ge [sflag:s21], $0x4000  }
0x1ac: {  	[sflag:s21] =	ssyncset.done $0x0  }
0x1ad: {  	[sflag:s21] =	ssyncadd.s32 $0xFFFFC000  }
0x1ae: {  	_ =	swait.ge [sflag:s28], $0x4000  }
0x1af: {  	[sflag:s28] =	ssyncset.done $0x0  }
0x1b0: {  	s13 =	rddreg [dreg:$0x19];
	[sflag:s28] =	ssyncadd.s32 $0xFFFFC000  }
0x1b1: {  	[tilespmem:s16], [sflag:$0x1] =	stream.indirect.gather [hbm4b:s4+s20], $0x80, s13, s20, $0xb8;
	[tilespmem:$0x1D100] =	vst v63  }
0x1b2: {  	_ = 	snop  }
0x1b3: {  	[spmem:s1] =	stream.indirect.scatter.add.f32 [tilespmem:s26], [sflag:$0x2], $0x80, s29, s20, $0xb8;
	[tilespmem:$0x1D100] =	vst v63  }
0x1b4: {  	_ =	swait.ge [sflag:s28], $0x4000  }
0x1b5: {  	[sflag:s28] =	ssyncset.done $0x0  }
0x1b6: {  	[sflag:s28] =	ssyncadd.s32 $0xFFFFC000  }
0x1b7: {  	[tilespmem:s26], [sflag:$0x1] =	stream.indirect.gather [hbm4b:s4+s20], $0x80, s30, s20, $0xb8;
	[tilespmem:$0x1D100] =	vst v63  }
0x1b8: {  	_ =	swait.ge [sflag:s21], $0x4000  }
0x1b9: {  	[sflag:s21] =	ssyncset.done $0x0  }
0x1ba: {  	[sflag:s21] =	ssyncadd.s32 $0xFFFFC000  }
0x1bb: {  	[spmem:s1] =	stream.indirect.scatter.add.f32 [tilespmem:s16], [sflag:$0x2], $0x80, s31, s20, $0xb8;
	[tilespmem:$0x1D100] =	vst v63  }
0x1bc: {  	_ =	swait.ge [sflag:s21], $0x4000  }
0x1bd: {  	[sflag:s21] =	ssyncset.done $0x0  }
0x1be: {  	[sflag:s21] =	ssyncadd.s32 $0xFFFFC000  }
0x1bf: {  	_ =	swait.ge [sflag:s28], $0x4000  }
0x1c0: {  	[sflag:s28] =	ssyncset.done $0x0  }
0x1c1: {  	s9 =	simm.s32 @!p1 $0x3;
	[sflag:s28] =	ssyncadd.s32 $0xFFFFC000  }
0x1c2: {  	_ =	swait.ge @!p1 [sflag:s9], $0x400  }
0x1c3: {  	[sflag:s9] =	ssyncset.done @!p1 $0x0  }
0x1c4: {  	[sflag:s9] =	ssyncadd.s32 @!p1 $0xFFFFFC00  }
0x1c5: {  	_ =	swait.ge @!p1 [sflag:s9], $0x400  }
0x1c6: {  	[sflag:s9] =	ssyncset.done @!p1 $0x0  }
0x1c7: {  	s10 =	simm.s32 @!p1 $0x1100;
	[sflag:s9] =	ssyncadd.s32 @!p1 $0xFFFFFC00;
	s9 =	simm.s32 @!p1 $0x80  }
0x1c8: {  	[tilespmem:s10], [sflag:$0x1] =	stream.indirect.gather @!p1 [hbm4b:s4+s9], $0x80, s8, s9, $0xb8;
	[tilespmem:$0x1D100] =	vst v63  }
0x1c9: {  	_ = 	snop  }
0x1ca: {  	[spmem:s1] =	stream.indirect.scatter.add.f32 [tilespmem:s26], [sflag:$0x2], $0x80, s0, s20, $0xb8;
	[tilespmem:$0x1D100] =	vst v63  }
0x1cb: {  	_ =	swait.ge [sflag:s28], $0x4000  }
0x1cc: {  	s8 =	simm.s32 $0x100;
	s9 =	simm.s32 $0x200;
	[sflag:s28] =	ssyncset.done $0x0  }
.LBB2_5:
0x1cd: {  	s11 =	sadd.s32 s8, s6  }
0x1ce: {  	[sflag:s28] =	ssyncadd.s32 $0xFFFFC000;
	s12 =	sadd.s32 s8, s7;
	s11 =	sadd.s32 $0x80, s11  }
0x1cf: {  	[tilespmem:s24], [sflag:$0x3] =	stream.linear.gather [hbm4b:s11+s3], $0x400, $0x38;
	[tilespmem:$0x1D100] =	vst v63  }
0x1d0: {  	s13 =	sadd.s32 $0x80, s12  }
0x1d1: {  	[tilespmem:s25], [sflag:$0x3] =	stream.linear.gather [hbm4b:s13+s3], $0x400, $0x38;
	[tilespmem:$0x1D100] =	vst v63  }
0x1d2: {  	_ = 	snop  }
0x1d3: {  	[tilespmem:s26], [sflag:$0x1] =	stream.indirect.gather [hbm4b:s4+s20], $0x80, s20, s20, $0xb8;
	[tilespmem:$0x1D100] =	vst v63  }
0x1d4: {  	_ =	swait.ge [sflag:s21], $0x4000  }
0x1d5: {  	[sflag:s21] =	ssyncset.done $0x0  }
0x1d6: {  	[sflag:s21] =	ssyncadd.s32 $0xFFFFC000  }
0x1d7: {  	[spmem:s1] =	stream.indirect.scatter.add.f32 [tilespmem:s16], [sflag:$0x2], $0x80, s22, s20, $0xb8;
	[tilespmem:$0x1D100] =	vst v63  }
0x1d8: {  	_ =	swait.ge [sflag:s21], $0x4000  }
0x1d9: {  	[sflag:s21] =	ssyncset.done $0x0  }
0x1da: {  	[sflag:s21] =	ssyncadd.s32 $0xFFFFC000  }
0x1db: {  	_ =	swait.ge [sflag:s28], $0x4000  }
0x1dc: {  	[sflag:s28] =	ssyncset.done $0x0  }
0x1dd: {  	s12 =	rddreg [dreg:$0x3];
	[sflag:s28] =	ssyncadd.s32 $0xFFFFC000  }
0x1de: {  	[tilespmem:s16], [sflag:$0x1] =	stream.indirect.gather [hbm4b:s4+s20], $0x80, s12, s20, $0xb8;
	[tilespmem:$0x1D100] =	vst v63  }
0x1df: {  	s13 =	rddreg [dreg:$0x4]  }
0x1e0: {  	[spmem:s1] =	stream.indirect.scatter.add.f32 [tilespmem:s26], [sflag:$0x2], $0x80, s13, s20, $0xb8;
	[tilespmem:$0x1D100] =	vst v63  }
0x1e1: {  	_ =	swait.ge [sflag:s28], $0x4000  }
0x1e2: {  	[sflag:s28] =	ssyncset.done $0x0  }
0x1e3: {  	s12 =	rddreg [dreg:$0x5];
	[sflag:s28] =	ssyncadd.s32 $0xFFFFC000  }
0x1e4: {  	[tilespmem:s26], [sflag:$0x1] =	stream.indirect.gather [hbm4b:s4+s20], $0x80, s12, s20, $0xb8;
	[tilespmem:$0x1D100] =	vst v63  }
0x1e5: {  	_ =	swait.ge [sflag:s21], $0x4000  }
0x1e6: {  	[sflag:s21] =	ssyncset.done $0x0  }
0x1e7: {  	s13 =	rddreg [dreg:$0x6];
	[sflag:s21] =	ssyncadd.s32 $0xFFFFC000  }
0x1e8: {  	[spmem:s1] =	stream.indirect.scatter.add.f32 [tilespmem:s16], [sflag:$0x2], $0x80, s13, s20, $0xb8;
	[tilespmem:$0x1D100] =	vst v63  }
0x1e9: {  	_ =	swait.ge [sflag:s21], $0x4000  }
0x1ea: {  	[sflag:s21] =	ssyncset.done $0x0  }
0x1eb: {  	[sflag:s21] =	ssyncadd.s32 $0xFFFFC000  }
0x1ec: {  	_ =	swait.ge [sflag:s28], $0x4000  }
0x1ed: {  	[sflag:s28] =	ssyncset.done $0x0  }
0x1ee: {  	s12 =	rddreg [dreg:$0x7];
	[sflag:s28] =	ssyncadd.s32 $0xFFFFC000  }
0x1ef: {  	[tilespmem:s16], [sflag:$0x1] =	stream.indirect.gather [hbm4b:s4+s20], $0x80, s12, s20, $0xb8;
	[tilespmem:$0x1D100] =	vst v63  }
0x1f0: {  	s13 =	rddreg [dreg:$0x8]  }
0x1f1: {  	[spmem:s1] =	stream.indirect.scatter.add.f32 [tilespmem:s26], [sflag:$0x2], $0x80, s13, s20, $0xb8;
	[tilespmem:$0x1D100] =	vst v63  }
0x1f2: {  	_ =	swait.ge [sflag:s28], $0x4000  }
0x1f3: {  	[sflag:s28] =	ssyncset.done $0x0  }
0x1f4: {  	s12 =	rddreg [dreg:$0x9];
	[sflag:s28] =	ssyncadd.s32 $0xFFFFC000  }
0x1f5: {  	[tilespmem:s26], [sflag:$0x1] =	stream.indirect.gather [hbm4b:s4+s20], $0x80, s12, s20, $0xb8;
	[tilespmem:$0x1D100] =	vst v63  }
0x1f6: {  	_ =	swait.ge [sflag:s21], $0x4000  }
0x1f7: {  	[sflag:s21] =	ssyncset.done $0x0  }
0x1f8: {  	s13 =	rddreg [dreg:$0xa];
	[sflag:s21] =	ssyncadd.s32 $0xFFFFC000  }
0x1f9: {  	[spmem:s1] =	stream.indirect.scatter.add.f32 [tilespmem:s16], [sflag:$0x2], $0x80, s13, s20, $0xb8;
	[tilespmem:$0x1D100] =	vst v63  }
0x1fa: {  	_ =	swait.ge [sflag:s21], $0x4000  }
0x1fb: {  	[sflag:s21] =	ssyncset.done $0x0  }
0x1fc: {  	[sflag:s21] =	ssyncadd.s32 $0xFFFFC000  }
0x1fd: {  	_ =	swait.ge [sflag:s28], $0x4000  }
0x1fe: {  	[sflag:s28] =	ssyncset.done $0x0  }
0x1ff: {  	s12 =	rddreg [dreg:$0xb];
	[sflag:s28] =	ssyncadd.s32 $0xFFFFC000  }
0x200: {  	[tilespmem:s16], [sflag:$0x1] =	stream.indirect.gather [hbm4b:s4+s20], $0x80, s12, s20, $0xb8;
	[tilespmem:$0x1D100] =	vst v63  }
0x201: {  	s13 =	rddreg [dreg:$0xc]  }
0x202: {  	[spmem:s1] =	stream.indirect.scatter.add.f32 [tilespmem:s26], [sflag:$0x2], $0x80, s13, s20, $0xb8;
	[tilespmem:$0x1D100] =	vst v63  }
0x203: {  	_ =	swait.ge [sflag:s28], $0x4000  }
0x204: {  	[sflag:s28] =	ssyncset.done $0x0  }
0x205: {  	s13 =	rddreg [dreg:$0xd];
	[sflag:s28] =	ssyncadd.s32 $0xFFFFC000  }
0x206: {  	[tilespmem:s26], [sflag:$0x1] =	stream.indirect.gather [hbm4b:s4+s20], $0x80, s13, s20, $0xb8;
	[tilespmem:$0x1D100] =	vst v63  }
0x207: {  	_ =	swait.ge [sflag:s21], $0x4000  }
0x208: {  	[sflag:s21] =	ssyncset.done $0x0  }
0x209: {  	s12 =	rddreg [dreg:$0xe];
	[sflag:s21] =	ssyncadd.s32 $0xFFFFC000  }
0x20a: {  	[spmem:s1] =	stream.indirect.scatter.add.f32 [tilespmem:s16], [sflag:$0x2], $0x80, s12, s20, $0xb8;
	[tilespmem:$0x1D100] =	vst v63  }
0x20b: {  	_ =	swait.ge [sflag:s21], $0x4000  }
0x20c: {  	[sflag:s21] =	ssyncset.done $0x0  }
0x20d: {  	[sflag:s21] =	ssyncadd.s32 $0xFFFFC000  }
0x20e: {  	_ =	swait.ge [sflag:s28], $0x4000  }
0x20f: {  	[sflag:s28] =	ssyncset.done $0x0  }
0x210: {  	[sflag:s28] =	ssyncadd.s32 $0xFFFFC000  }
0x211: {  	_ =	swait.ge [sflag:s23], $0x400  }
0x212: {  	[sflag:s23] =	ssyncset.done $0x0  }
0x213: {  	[sflag:s23] =	ssyncadd.s32 $0xFFFFFC00  }
0x214: {  	_ =	swait.ge [sflag:s23], $0x400  }
0x215: {  	[sflag:s23] =	ssyncset.done $0x0  }
0x216: {  	[sflag:s23] =	ssyncadd.s32 $0xFFFFFC00  }
0x217: {  	[tilespmem:s16], [sflag:$0x1] =	stream.indirect.gather [hbm4b:s4+s20], $0x80, s24, s20, $0xb8;
	[tilespmem:$0x1D100] =	vst v63  }
0x218: {  	s13 =	rddreg [dreg:$0xf]  }
0x219: {  	[spmem:s1] =	stream.indirect.scatter.add.f32 [tilespmem:s26], [sflag:$0x2], $0x80, s13, s20, $0xb8;
	[tilespmem:$0x1D100] =	vst v63  }
0x21a: {  	p2 =	seq.s32 s8, $0x800;
	_ =	swait.ge [sflag:s28], $0x4000  }
0x21b: {  	s11 =	sadd.s32 @!p2 s8, s6;
	s8 =	sadd.s32 @!p2 s8, s7;
	[sflag:s28] =	ssyncset.done $0x0  }
0x21c: {  	s12 =	sadd.s32 @!p2 $0x100, s11;
	s11 =	simm.s32 @!p2 $0x0;
	[sflag:s28] =	ssyncadd.s32 $0xFFFFC000  }
0x21d: {  	[tilespmem:s11], [sflag:$0x3] =	stream.linear.gather @!p2 [hbm4b:s12+s11], $0x400, $0x38;
	[tilespmem:$0x1D100] =	vst v63  }
0x21e: {  	s8 =	sadd.s32 @!p2 $0x100, s8;
	s12 =	simm.s32 @!p2 $0x400  }
0x21f: {  	[tilespmem:s12], [sflag:$0x3] =	stream.linear.gather @!p2 [hbm4b:s8+s11], $0x400, $0x38;
	[tilespmem:$0x1D100] =	vst v63  }
0x220: {  	s13 =	rddreg [dreg:$0x10]  }
0x221: {  	[tilespmem:s26], [sflag:$0x1] =	stream.indirect.gather [hbm4b:s4+s20], $0x80, s13, s20, $0xb8;
	[tilespmem:$0x1D100] =	vst v63  }
0x222: {  	_ =	swait.ge [sflag:s21], $0x4000  }
0x223: {  	[sflag:s21] =	ssyncset.done $0x0  }
0x224: {  	[sflag:s21] =	ssyncadd.s32 $0xFFFFC000  }
0x225: {  	[spmem:s1] =	stream.indirect.scatter.add.f32 [tilespmem:s16], [sflag:$0x2], $0x80, s25, s20, $0xb8;
	[tilespmem:$0x1D100] =	vst v63  }
0x226: {  	_ =	swait.ge [sflag:s21], $0x4000  }
0x227: {  	[sflag:s21] =	ssyncset.done $0x0  }
0x228: {  	[sflag:s21] =	ssyncadd.s32 $0xFFFFC000  }
0x229: {  	_ =	swait.ge [sflag:s28], $0x4000  }
0x22a: {  	[sflag:s28] =	ssyncset.done $0x0  }
0x22b: {  	s12 =	rddreg [dreg:$0x11];
	[sflag:s28] =	ssyncadd.s32 $0xFFFFC000  }
0x22c: {  	[tilespmem:s16], [sflag:$0x1] =	stream.indirect.gather [hbm4b:s4+s20], $0x80, s12, s20, $0xb8;
	[tilespmem:$0x1D100] =	vst v63  }
0x22d: {  	s13 =	rddreg [dreg:$0x12]  }
0x22e: {  	[spmem:s1] =	stream.indirect.scatter.add.f32 [tilespmem:s26], [sflag:$0x2], $0x80, s13, s20, $0xb8;
	[tilespmem:$0x1D100] =	vst v63  }
0x22f: {  	_ =	swait.ge [sflag:s28], $0x4000  }
0x230: {  	[sflag:s28] =	ssyncset.done $0x0  }
0x231: {  	s12 =	rddreg [dreg:$0x13];
	[sflag:s28] =	ssyncadd.s32 $0xFFFFC000  }
0x232: {  	[tilespmem:s26], [sflag:$0x1] =	stream.indirect.gather [hbm4b:s4+s20], $0x80, s12, s20, $0xb8;
	[tilespmem:$0x1D100] =	vst v63  }
0x233: {  	_ =	swait.ge [sflag:s21], $0x4000  }
0x234: {  	[sflag:s21] =	ssyncset.done $0x0  }
0x235: {  	s13 =	rddreg [dreg:$0x14];
	[sflag:s21] =	ssyncadd.s32 $0xFFFFC000  }
0x236: {  	[spmem:s1] =	stream.indirect.scatter.add.f32 [tilespmem:s16], [sflag:$0x2], $0x80, s13, s20, $0xb8;
	[tilespmem:$0x1D100] =	vst v63  }
0x237: {  	_ =	swait.ge [sflag:s21], $0x4000  }
0x238: {  	[sflag:s21] =	ssyncset.done $0x0  }
0x239: {  	[sflag:s21] =	ssyncadd.s32 $0xFFFFC000  }
0x23a: {  	_ =	swait.ge [sflag:s28], $0x4000  }
0x23b: {  	[sflag:s28] =	ssyncset.done $0x0  }
0x23c: {  	s12 =	rddreg [dreg:$0x15];
	[sflag:s28] =	ssyncadd.s32 $0xFFFFC000  }
0x23d: {  	[tilespmem:s16], [sflag:$0x1] =	stream.indirect.gather [hbm4b:s4+s20], $0x80, s12, s20, $0xb8;
	[tilespmem:$0x1D100] =	vst v63  }
0x23e: {  	s13 =	rddreg [dreg:$0x16]  }
0x23f: {  	[spmem:s1] =	stream.indirect.scatter.add.f32 [tilespmem:s26], [sflag:$0x2], $0x80, s13, s20, $0xb8;
	[tilespmem:$0x1D100] =	vst v63  }
0x240: {  	_ =	swait.ge [sflag:s28], $0x4000  }
0x241: {  	[sflag:s28] =	ssyncset.done $0x0  }
0x242: {  	s13 =	rddreg [dreg:$0x17];
	[sflag:s28] =	ssyncadd.s32 $0xFFFFC000  }
0x243: {  	[tilespmem:s26], [sflag:$0x1] =	stream.indirect.gather [hbm4b:s4+s20], $0x80, s13, s20, $0xb8;
	[tilespmem:$0x1D100] =	vst v63  }
0x244: {  	_ =	swait.ge [sflag:s21], $0x4000  }
0x245: {  	[sflag:s21] =	ssyncset.done $0x0  }
0x246: {  	s12 =	rddreg [dreg:$0x18];
	[sflag:s21] =	ssyncadd.s32 $0xFFFFC000  }
0x247: {  	[spmem:s1] =	stream.indirect.scatter.add.f32 [tilespmem:s16], [sflag:$0x2], $0x80, s12, s20, $0xb8;
	[tilespmem:$0x1D100] =	vst v63  }
0x248: {  	_ =	swait.ge [sflag:s21], $0x4000  }
0x249: {  	[sflag:s21] =	ssyncset.done $0x0  }
0x24a: {  	[sflag:s21] =	ssyncadd.s32 $0xFFFFC000  }
0x24b: {  	_ =	swait.ge [sflag:s28], $0x4000  }
0x24c: {  	[sflag:s28] =	ssyncset.done $0x0  }
0x24d: {  	s13 =	rddreg [dreg:$0x19];
	[sflag:s28] =	ssyncadd.s32 $0xFFFFC000  }
0x24e: {  	[tilespmem:s16], [sflag:$0x1] =	stream.indirect.gather [hbm4b:s4+s20], $0x80, s13, s20, $0xb8;
	[tilespmem:$0x1D100] =	vst v63  }
0x24f: {  	_ = 	snop  }
0x250: {  	[spmem:s1] =	stream.indirect.scatter.add.f32 [tilespmem:s26], [sflag:$0x2], $0x80, s29, s20, $0xb8;
	[tilespmem:$0x1D100] =	vst v63  }
0x251: {  	_ =	swait.ge [sflag:s28], $0x4000  }
0x252: {  	[sflag:s28] =	ssyncset.done $0x0  }
0x253: {  	[sflag:s28] =	ssyncadd.s32 $0xFFFFC000  }
0x254: {  	[tilespmem:s26], [sflag:$0x1] =	stream.indirect.gather [hbm4b:s4+s20], $0x80, s30, s20, $0xb8;
	[tilespmem:$0x1D100] =	vst v63  }
0x255: {  	_ =	swait.ge [sflag:s21], $0x4000  }
0x256: {  	[sflag:s21] =	ssyncset.done $0x0  }
0x257: {  	[sflag:s21] =	ssyncadd.s32 $0xFFFFC000  }
0x258: {  	[spmem:s1] =	stream.indirect.scatter.add.f32 [tilespmem:s16], [sflag:$0x2], $0x80, s31, s20, $0xb8;
	[tilespmem:$0x1D100] =	vst v63  }
0x259: {  	_ =	swait.ge [sflag:s21], $0x4000  }
0x25a: {  	[sflag:s21] =	ssyncset.done $0x0  }
0x25b: {  	[sflag:s21] =	ssyncadd.s32 $0xFFFFC000  }
0x25c: {  	_ =	swait.ge [sflag:s28], $0x4000  }
0x25d: {  	s10 =	smov.u32 s9;
	[sflag:s28] =	ssyncset.done $0x0  }
0x25e: {  	s8 =	smov.u32 s10;
	s10 =	simm.s32 @!p2 $0x3;
	[sflag:s28] =	ssyncadd.s32 $0xFFFFC000  }
0x25f: {  	_ =	swait.ge @!p2 [sflag:s10], $0x400  }
0x260: {  	[sflag:s10] =	ssyncset.done @!p2 $0x0  }
0x261: {  	[sflag:s10] =	ssyncadd.s32 @!p2 $0xFFFFFC00  }
0x262: {  	s9 =	sadd.s32 $0x100, s9;
	_ =	swait.ge @!p2 [sflag:s10], $0x400  }
0x263: {  	p1 =	seq.s32 s9, $0x900;
	[sflag:s10] =	ssyncset.done @!p2 $0x0  }
0x264: {  	s12 =	simm.s32 @!p2 $0x1100;
	[sflag:s10] =	ssyncadd.s32 @!p2 $0xFFFFFC00;
	s10 =	simm.s32 @!p2 $0x80  }
0x265: {  	[tilespmem:s12], [sflag:$0x1] =	stream.indirect.gather @!p2 [hbm4b:s4+s10], $0x80, s11, s10, $0xb8;
	[tilespmem:$0x1D100] =	vst v63  }
.Ltmp6:
0x266: {  	_ = 	snop;
	(pc) =	sbr.rel @!p1 .LBB2_5-.Ltmp6, $4  }
0x267: {  	_ = 	snop  }
0x268: {  	[spmem:s1] =	stream.indirect.scatter.add.f32 [tilespmem:s26], [sflag:$0x2], $0x80, s0, s20, $0xb8;
	[tilespmem:$0x1D100] =	vst v63  }
0x269: {  	_ =	swait.ge [sflag:s28], $0x4000  }
0x26a: {  	[sflag:s28] =	ssyncset.done $0x0  }
.Ltmp7:
0x26b: {  	_ = 	snop;
	(pc) =	sbr.rel .LBB2_6-.Ltmp7, $1  }
0x26c: {  	_ =	sdelay $0x3  }
.LBB2_11:
0x26d: {  	_ =	sfence.sel $0x180000  }
0x26e: {  	[bflag:$0x0] =	sbarrier.arrive $0xFFFF  }
0x26f: {  	_ =	strace $0x9000004A  }
0x270: {  	[bflag:$0x2] =	sbarrier.arrive $0xFFFF  }
0x271: {  	p0 =	sne.s32 s13, $0x0;
	s0 =	rddreg [dreg:$0x2]  }
0x272: {  	s0 =	sadd.s32 @!p0 $0x100000, s0  }
0x273: {  	[sflag:s0] =	ssyncadd.tile.s32 @!p0 $0x1;
	_ =	shalt  }
.Lfunc_end2:
_tile_overlayer_lowered:
.L_overlay_start_2:
0x274: {  	(tag) =	ssettag $0x2  }
0x275: {  	s0 =	rddreg [dreg:$0x0];
	s2 =	stileid.u32  }
0x276: {  	s1 =	rddreg [dreg:$0x1];
	p0 =	sne.s32 s2, $0x0  }
0x277: {  	s3 =	rddreg [dreg:$0x2];
	[bflag:$0x3] =	sbarrier.arrive $0xFFFF;
	s2 =	simm.s32 @!p0 $0x1C04  }
0x278: {  	[timem:s3], [sflag:s2] =	dma.local @!p0 [hbm:s0], s1  }
0x279: {  	s0 =	simm.s32 @!p0 $0x4  }
0x27a: {  	_ =	swait.ge @!p0 [sflag:s0], s1  }
0x27b: {  	s1 =	ssub.s32 @!p0 $0x0, s1;
	[sflag:s0] =	ssyncset.done @!p0 $0x0  }
0x27c: {  	[sflag:s0] =	ssyncadd.s32 @!p0 s1  }
0x27d: {  	[bflag:$0x3] =	sbarrier.arrive $0xFFFF  }
0x27e: {  	_ =	shalt  }

// kernel: kernel.19.cloned.1.call-start
scs
__scs_entry_jumppad:
0x0: {  	(pc) =	sbr.rel $0x88, $3  }
0x1: {  	(tag) =	ssettag $0x0;
	lr =	simm.s32 $0x1  }
0x2: {  	[smem:$0x3F92] =	sst lr;
	_ =	strace $0xD0000000  }
0x3: {  	_ = 	snop  }
0x4: {  	_ = 	snop  }
0x5: {  	_ = 	snop  }
0x6: {  	_ = 	snop  }
0x7: {  	_ = 	snop  }
__scs_overlays_trampoline_lowered:
0x8: {  	[smem:$0x3FA1] =	sst s0  }
0x9: {  	[smem:$0x3FA2] =	sst s1  }
0xa: {  	[smem:$0x3FA3] =	sst s2  }
0xb: {  	[smem:$0x3FA4] =	sst s3  }
0xc: {  	[smem:$0x3FA5] =	sst s4  }
0xd: {  	[smem:$0x3FA6] =	sst s5  }
0xe: {  	[smem:$0x3FA7] =	sst s6  }
0xf: {  	[smem:$0x3FA8] =	sst s7  }
0x10: {  	[smem:$0x3FA9] =	sst s8  }
0x11: {  	[smem:$0x3FAA] =	sst s9;
	s0 =	simm.s32 @!p0 $0x0  }
0x12: {  	s1 =	sld [smem:$0x3F90];
	s0 =	simm.s32 @p0 $0x1  }
0x13: {  	[smem:$0x3FAB] =	sst s0;
	s0 =	simm.s32 @!p1 $0x0  }
0x14: {  	s2 =	sld [smem:$0x3F8F];
	s0 =	simm.s32 @p1 $0x1  }
0x15: {  	[smem:$0x3FAC] =	sst s0;
	s0 =	simm.s32 @!p2 $0x0  }
0x16: {  	s3 =	sld [smem:$0x3FDB];
	s0 =	simm.s32 @p2 $0x1  }
0x17: {  	s4 =	simm.s32 $0x1BF5;
	[smem:$0x3FAE] =	sst s0  }
0x18: {  	s0 =	sld [smem:$0x3F91];
	_ =	swait.ge [sflag:s4], $0x0  }
0x19: {  	s7 =	sld [smem:$0x3F92]  }
0x1a: {  	s8 =	sadd.s32 $0xFFFFE003, lr  }
0x1b: {  	s9 =	sadd.s32 $0xFFFFFEF7, lr;
	s5 =	simm.s32 $0xFFFFFFFF;
	p2 =	slt.u32 s8, $0xFFFFF086  }
0x1c: {  	p1 =	slt.u32 s9, $0xF7A;
	s5 =	simm.s32 @!p2 $0x0  }
0x1d: {  	s5 =	simm.s32 @p1 $0x1;
	p0 =	seq.s32 s7, s2  }
0x1e: {  	s7 =	smul.u32 @!p0 $0xF7A, s2;
	p2 =	seq.s32 @!p0 s5, $0x0  }
0x1f: {  	s9 =	smul.u32 $0xF7A, s1;
	s8 =	simm.s32 @!p0 $0x1BF5;
	p2 =	por !p2, p0  }
0x20: {  	[sflag:s8] =	ssyncset.s32 @!p0 $0xFFFFF086;
	s6 =	sadd.s32 @!p0 s3, s7;
	s7 =	simm.s32 @!p0 $0x108  }
0x21: {  	s3 =	sadd.s32 s3, s9;
	s6 =	sadd.s32 @!p0 $0x88, s6;
	s7 =	simm.s32 @p2 $0x1082  }
0x22: {  	[simem:s7], [sflag:s8] =	dma.local @!p0 [hbm:s6], $0xF7A  }
0x23: {  	s9 =	sor.u32 $0xD0000000, s2;
	s6 =	simm.s32 $0x108;
	_ =	swait.ge @!p0 [sflag:s8], $0x0  }
0x24: {  	s3 =	sadd.s32 $0x88, s3;
	s6 =	simm.s32 @!p1 $0x1082;
	[sflag:s4] =	ssyncset.s32 $0xFFFFF086  }
0x25: {  	[simem:s6], [sflag:s4] =	dma.local [hbm:s3], $0xF7A  }
0x26: {  	[smem:$0x3F92] =	sst s1;
	(tag) =	ssettag s2;
	_ =	strace s9  }
0x27: {  	s1 =	sld [smem:$0x3FA2]  }
0x28: {  	s2 =	sld [smem:$0x3FA3]  }
0x29: {  	s4 =	sld [smem:$0x3FA5]  }
0x2a: {  	p0 =	seq.s32 s5, $0x0;
	s5 =	sld [smem:$0x3FA6]  }
0x2b: {  	s6 =	sld [smem:$0x3FA7]  }
0x2c: {  	s7 =	sld [smem:$0x3FA8]  }
0x2d: {  	s3 =	simm.s32 $0x108;
	s8 =	sld [smem:$0x3FA9]  }
0x2e: {  	s3 =	simm.s32 @!p0 $0x1082;
	s9 =	sld [smem:$0x3FAA]  }
0x2f: {  	lr =	sadd.s32 s0, s3;
	s0 =	sld [smem:$0x3FA1]  }
0x30: {  	s3 =	sld [smem:$0x3FA4]  }
0x31: {  	[smem:$0x3FAD] =	sst s10  }
0x32: {  	s10 =	sld [smem:$0x3FAB];
	_ =	sdelay $0x3  }
0x33: {  	p0 =	seq.s32 s10, $0x1;
	s10 =	sld [smem:$0x3FAD];
	_ =	sdelay $0x3  }
0x34: {  	[smem:$0x3FAD] =	sst s10  }
0x35: {  	s10 =	sld [smem:$0x3FAC];
	_ =	sdelay $0x3  }
0x36: {  	p1 =	seq.s32 s10, $0x1;
	s10 =	sld [smem:$0x3FAD];
	_ =	sdelay $0x3  }
0x37: {  	[smem:$0x3FAD] =	sst s10  }
0x38: {  	s10 =	sld [smem:$0x3FAE]  }
0x39: {  	_ = 	snop;
	(pc) =	sbr.ind lr, $3  }
0x3a: {  	_ = 	snop  }
0x3b: {  	_ = 	snop  }
0x3c: {  	p2 =	seq.s32 s10, $0x1;
	s10 =	sld [smem:$0x3FAD]  }
0x3d: {  	_ =	shalt  }
0x3e: {  	_ =	shalt  }
0x3f: {  	_ =	shalt  }
0x40: {  	_ =	shalt  }
0x41: {  	_ =	shalt  }
0x42: {  	_ =	shalt  }
0x43: {  	_ =	shalt  }
0x44: {  	_ =	shalt  }
0x45: {  	_ =	shalt  }
0x46: {  	_ =	shalt  }
0x47: {  	_ =	shalt  }
0x48: {  	_ =	shalt  }
0x49: {  	_ =	shalt  }
0x4a: {  	_ =	shalt  }
0x4b: {  	_ =	shalt  }
0x4c: {  	_ =	shalt  }
0x4d: {  	_ =	shalt  }
0x4e: {  	_ =	shalt  }
0x4f: {  	_ =	shalt  }
0x50: {  	_ =	shalt  }
0x51: {  	_ =	shalt  }
0x52: {  	_ =	shalt  }
0x53: {  	_ =	shalt  }
0x54: {  	_ =	shalt  }
0x55: {  	_ =	shalt  }
0x56: {  	_ =	shalt  }
0x57: {  	_ =	shalt  }
0x58: {  	_ =	shalt  }
0x59: {  	_ =	shalt  }
0x5a: {  	_ =	shalt  }
0x5b: {  	_ =	shalt  }
0x5c: {  	_ =	shalt  }
0x5d: {  	_ =	shalt  }
0x5e: {  	_ =	shalt  }
0x5f: {  	_ =	shalt  }
0x60: {  	_ =	shalt  }
0x61: {  	_ =	shalt  }
0x62: {  	_ =	shalt  }
0x63: {  	_ =	shalt  }
0x64: {  	_ =	shalt  }
0x65: {  	_ =	shalt  }
0x66: {  	_ =	shalt  }
0x67: {  	_ =	shalt  }
0x68: {  	_ =	shalt  }
0x69: {  	_ =	shalt  }
0x6a: {  	_ =	shalt  }
0x6b: {  	_ =	shalt  }
0x6c: {  	_ =	shalt  }
0x6d: {  	_ =	shalt  }
0x6e: {  	_ =	shalt  }
0x6f: {  	_ =	shalt  }
0x70: {  	_ =	shalt  }
0x71: {  	_ =	shalt  }
0x72: {  	_ =	shalt  }
0x73: {  	_ =	shalt  }
0x74: {  	_ =	shalt  }
0x75: {  	_ =	shalt  }
0x76: {  	_ =	shalt  }
0x77: {  	_ =	shalt  }
0x78: {  	_ =	shalt  }
0x79: {  	_ =	shalt  }
0x7a: {  	_ =	shalt  }
0x7b: {  	_ =	shalt  }
0x7c: {  	_ =	shalt  }
0x7d: {  	_ =	shalt  }
0x7e: {  	_ =	shalt  }
0x7f: {  	_ =	shalt  }
0x80: {  	_ =	shalt  }
0x81: {  	_ =	shalt  }
0x82: {  	_ =	shalt  }
0x83: {  	_ =	shalt  }
0x84: {  	_ =	shalt  }
0x85: {  	_ =	shalt  }
0x86: {  	_ =	shalt  }
0x87: {  	_ =	shalt  }
.Lfunc_end0:
.L_simem_size_0:
called_computation.2_lowered:
.L_overlay_start_0:
0x88: {  	s2 =	sld [smem:$0x3FD9]  }
0x89: {  	s3 =	sld [smem:$0x3FFE];
	_ =	sdelay $0x1  }
0x8a: {  	s1 =	srdreg.scid  }
0x8b: {  	s0 =	sand.u32 $0x1, s1  }
0x8c: {  	s16 =	sshll.u32 s0, $0xA;
	s2 =	sadd.s32 s3, s2  }
0x8d: {  	s2 =	sadd.s32 s2, s16  }
0x8e: {  	[smem:$0x3FB9] =	sst s2  }
0x8f: {  	_ = 	snop  }
0x90: {  	(tm) =	ssettm $0x1  }
0x91: {  	s17 =	sld [smem:$0x3FFB];
	_ =	sdelay $0x3  }
0x92: {  	_ =	strace s17  }
0x93: {  	s2 =	sld [smem:$0x3FFC];
	_ =	sdelay $0x3  }
0x94: {  	_ =	strace s2  }
0x95: {  	s2 =	sld [smem:$0x3FFD];
	_ =	sdelay $0x3  }
0x96: {  	_ =	strace s2  }
0x97: {  	_ =	strace $0x8FFFFFFF  }
0x98: {  	s18 =	sld [smem:$0x3FDB];
	_ =	sdelay $0x1  }
0x99: {  	s19 =	simm.s32 $_scs_section_size  }
0x9a: {  	s4 =	simm.s32 $_size__tile_overlayer_lowered;
	s5 =	simm.s32 $_tile_overlayer_lowered  }
0x9b: {  	s22 =	simm.s32 $0x1BFF;
	s21 =	sshll.u32 s5, $0x1;
	s2 =	sadd.s32 s19, s18  }
0x9c: {  	s6 =	simm.s32 $0x0;
	s20 =	sshll.u32 s4, $0x1;
	s4 =	sadd.s32 s21, s2  }
0x9d: {  	[timem:s6], [sflag:s22] =	dma.local [hbm:s4], s20  }
0x9e: {  	_ =	swait.ge [sflag:s22], s20  }
0x9f: {  	s3 =	ssub.s32 $0x0, s20;
	[sflag:s22] =	ssyncset.done $0x0  }
0xa0: {  	[sflag:s22] =	ssyncadd.s32 s3;
	_ =	sdelay $0x1  }
0xa1: {  	s23 =	simm.s32 $0x1B8B  }
0xa2: {  	_ =	swait.ge [sflag:s23], $0x1  }
0xa3: {  	[sflag:s23] =	ssyncset.done $0x0  }
0xa4: {  	s25 =	simm.s32 $0x1B8E;
	s24 =	sld [smem:$0x3FFE];
	[sflag:s23] =	ssyncadd.s32 $0xFFFFFFFF  }
0xa5: {  	s26 =	simm.s32 $execute0_lowered;
	[smem:$0x3FD2] =	sst s25  }
0xa6: {  	s4 =	sshll.u32 s26, $0x1;
	_ =	strace $0x8000004C;
	[dreg:$0x1] =	wrdreg $0xFFFFFFFF  }
0xa7: {  	s28 =	simm.s32 $_size_execute0_lowered;
	s2 =	sadd.s32 s2, s4;
	[dreg:$0x0] =	wrdreg $0x0  }
0xa8: {  	s4 =	sshll.u32 s28, $0x1;
	[dreg:$0x2] =	wrdreg s2  }
0xa9: {  	[dreg:$0x3] =	wrdreg s4  }
0xaa: {  	[dreg:$0x4] =	wrdreg $0xC0  }
0xab: {  	_ =	task [dreg:s6], $0x5FFFF  }
0xac: {  	[dreg:$0x1] =	wrdreg $0xFFFFFFFF  }
0xad: {  	[dreg:$0x0] =	wrdreg $0x60  }
0xae: {  	[dreg:$0x2] =	wrdreg s24  }
0xaf: {  	[dreg:$0x3] =	wrdreg $0x91000  }
0xb0: {  	[dreg:$0x4] =	wrdreg $0x9  }
0xb1: {  	_ =	task.clear_ibuf [dreg:s6], $0x5FFFF;
	_ =	strace $0x9000004C  }
0xb2: {  	s29 =	simm.s32 $0x9;
	_ =	strace $0x8000004E  }
0xb3: {  	_ =	swait.ge [sflag:s29], $0x1  }
0xb4: {  	[sflag:s29] =	ssyncadd.s32 $0xFFFFFFFF  }
0xb5: {  	_ =	strace $0x9000004E  }
0xb6: {  	_ =	sfence  }
0xb7: {  	s30 =	sld [smem:$0x0];
	_ =	sdelay $0x2  }
0xb8: {  	s31 =	sshll.u32 s1, $0xD;
	s1 =	sshrl.u32 s1, $0x2  }
0xb9: {  	s3 =	sand.u32 $0x4000, s31;
	s1 =	sadd.s32 s1, s30  }
0xba: {  	s0 =	sor.u32 s3, s0;
	s1 =	sshll.u32 s1, $0x11  }
0xbb: {  	s0 =	sor.u32 s1, s0  }
0xbc: {  	s0 =	sadd.s32 $0x8F2B, s0  }
0xbd: {  	[sflag:s0] =	ssyncadd.remote.s32 $0x1  }
0xbe: {  	_ =	sfence.sel $0xFFFF  }
0xbf: {  	[dreg:$0x0] =	wrdreg $0xFFFFFFFF;
	(pc) =	sbr.abs _section_cstart, $3  }
0xc0: {  	[dreg:$0x1] =	wrdreg $0xFFFFFFFF  }
0xc1: {  	_ =	task.clear_ibuf [dreg:s6], $0x2FFFF;
	_ =	strace $0x9FFFFFFF  }
0xc2: {  	(tm) =	ssettm $0x7FFFFFFF  }
0xc3: {  	_ =	shalt  }
tec
execute0_lowered:
.L_overlay_start_1:
0x0: {  	(tag) =	ssettag $0x1  }
0x1: {  	s0 =	rddreg [dreg:$0x0]  }
0x2: {  	s1 =	rddreg [dreg:$0x1]  }
0x3: {  	s2 =	srdreg.scid;
	s3 =	simm.s32 $0x0;
	s13 =	stileid.u32  }
0x4: {  	s11 =	simm.s32 $0x100;
	s12 =	simm.s32 $0x480;
	s14 =	simm.s32 $0x180  }
0x5: {  	s15 =	simm.s32 $0x500;
	s17 =	simm.s32 $0x200;
	s19 =	simm.s32 $0x580  }
0x6: {  	s21 =	simm.s32 $0x280;
	s28 =	simm.s32 $0x2;
	[smem:$0x7FF] =	sst s3  }
0x7: {  	s29 =	simm.s32 $0xE80;
	_ =	strace $0x8000004D;
	[dreg:$0x3] =	wrdreg s11  }
0x8: {  	s30 =	simm.s32 $0xB80;
	s31 =	simm.s32 $0xF00;
	[dreg:$0x4] =	wrdreg s12  }
0x9: {  	s2 =	sand.u32 $0x1, s2;
	s6 =	smul.u32 $0x14000, s13;
	[dreg:$0x5] =	wrdreg s14  }
0xa: {  	s4 =	sadd.s32 $0x53A00, s0;
	s7 =	smul.u32 $0x50000, s13;
	[dreg:$0x6] =	wrdreg s15  }
0xb: {  	s8 =	sadd.s32 $0x22A00, s0;
	s26 =	smul.u32 $0x900, s13;
	[dreg:$0x7] =	wrdreg s17  }
0xc: {  	s9 =	sadd.s32 $0x18C00, s0;
	s5 =	smul.u32 $0x140000, s2;
	[dreg:$0x8] =	wrdreg s19  }
0xd: {  	s23 =	ssub.s32 $0x2, s2;
	[dreg:$0x9] =	wrdreg s21;
	s11 =	simm.s32 $0x680  }
0xe: {  	p0 =	seq.s32 s2, $0x1;
	s12 =	simm.s32 $0x380;
	[dreg:$0xc] =	wrdreg s11  }
0xf: {  	s15 =	simm.s32 $0x700;
	s17 =	simm.s32 $0x880;
	[dreg:$0xd] =	wrdreg s12  }
0x10: {  	s19 =	simm.s32 $0xC80;
	s21 =	simm.s32 $0xD00;
	[dreg:$0xe] =	wrdreg s15  }
0x11: {  	s24 =	sshrl.u32 s23, $0x1;
	s25 =	sshrl.u32 s7, $0x2;
	[dreg:$0x10] =	wrdreg s17  }
0x12: {  	s7 =	sadd.s32 s9, s26;
	s17 =	simm.s32 $0x4;
	[dreg:$0x12] =	wrdreg s19  }
0x13: {  	s19 =	simm.s32 $0x1080;
	[dreg:$0x14] =	wrdreg s21;
	s21 =	simm.s32 $0x1  }
0x14: {  	s5 =	sadd.s32 s6, s5;
	s10 =	ssub.s32 s23, s24;
	s6 =	sadd.s32 s8, s26  }
0x15: {  	s23 =	simm.s32 $0x600;
	s24 =	smul.u32 $0xE0, s13;
	s5 =	sshrl.u32 s5, $0x3  }
0x16: {  	s16 =	smax.u32 s10, $0x1;
	[dreg:$0xa] =	wrdreg s23;
	s23 =	simm.s32 $0xD80  }
0x17: {  	s0 =	sadd.s32 s5, s0;
	s5 =	sadd.s32 s25, s1;
	[dreg:$0x1b] =	wrdreg s16  }
0x18: {  	s25 =	simm.s32 $0x300;
	s8 =	sadd.s32 s24, s8;
	[dreg:$0x16] =	wrdreg s23  }
0x19: {  	s2 =	sadd.s32 s24, s9;
	s16 =	simm.s32 $0x780;
	[dreg:$0xb] =	wrdreg s25  }
0x1a: {  	s24 =	simm.s32 $0xA80;
	s23 =	simm.s32 $0x3;
	[dreg:$0xf] =	wrdreg s16  }
0x1b: {  	s0 =	sadd.s32 $0xA1E00, s0;
	s18 =	sadd.s32 $0x4000, s5;
	[dreg:$0x17] =	wrdreg s24  }
0x1c: {  	s20 =	sadd.s32 $0x8000, s5;
	s22 =	sadd.s32 $0xC000, s5;
	[dreg:$0x1a] =	wrdreg s0  }
0x1d: {  	s26 =	sadd.s32 $0x10000, s5;
	s14 =	sadd.s32 $0x9000, s8;
	[dreg:$0x1c] =	wrdreg s18  }
0x1e: {  	s15 =	sadd.s32 $0x9000, s2;
	s16 =	simm.s32 $0x1100;
	[dreg:$0x1d] =	wrdreg s20  }
0x1f: {  	s25 =	simm.s32 $0xE00;
	s24 =	simm.s32 $0x800;
	[dreg:$0x1e] =	wrdreg s22  }
0x20: {  	s2 =	simm.s32 $0x0;
	[dreg:$0x1f] =	wrdreg s26;
	s18 =	simm.s32 $0x900  }
.Ltmp0:
0x21: {  	s20 =	simm.s32 $0x980;
	[dreg:$0x18] =	wrdreg s25;
	(pc) =	sbr.rel .LBB2_1-.Ltmp0, $4  }
0x22: {  	s22 =	simm.s32 $0xA00;
	s26 =	simm.s32 $0xB00;
	[dreg:$0x11] =	wrdreg s18  }
0x23: {  	s25 =	simm.s32 $0xC00;
	s0 =	simm.s32 $0xF80;
	[dreg:$0x13] =	wrdreg s20  }
0x24: {  	s18 =	simm.s32 $0x1000;
	s20 =	simm.s32 $0x80;
	[dreg:$0x15] =	wrdreg s22  }
0x25: {  	v0 =	vimm.f32 $0.0e+00;
	s22 =	simm.s32 $0x400;
	[dreg:$0x19] =	wrdreg s26;
	s26 =	simm.s32 $0x5100  }
.LBB2_6:
0x26: {  	s9 =	sadd.s32 s8, s6  }
0x27: {  	[sflag:s28] =	ssyncadd.s32 $0xFFFFC000;
	s10 =	sadd.s32 s8, s7;
	s9 =	sadd.s32 $0x80, s9  }
0x28: {  	[tilespmem:s24], [sflag:$0x3] =	stream.linear.gather [hbm4b:s9+s3], $0x400, $0x38;
	[tilespmem:$0x1D100] =	vst v63  }
0x29: {  	s10 =	sadd.s32 $0x80, s10  }
0x2a: {  	[tilespmem:s25], [sflag:$0x3] =	stream.linear.gather [hbm4b:s10+s3], $0x400, $0x38;
	[tilespmem:$0x1D100] =	vst v63  }
0x2b: {  	_ = 	snop  }
0x2c: {  	[tilespmem:s26], [sflag:$0x1] =	stream.indirect.gather [hbm4b:s4+s20], $0x80, s20, s20, $0xb8;
	[tilespmem:$0x1D100] =	vst v63  }
0x2d: {  	_ =	swait.ge [sflag:s21], $0x4000  }
0x2e: {  	[sflag:s21] =	ssyncset.done $0x0  }
0x2f: {  	[sflag:s21] =	ssyncadd.s32 $0xFFFFC000  }
0x30: {  	[spmem:s1] =	stream.indirect.scatter.add.f32 [tilespmem:s16], [sflag:$0x2], $0x80, s22, s20, $0xb8;
	[tilespmem:$0x1D100] =	vst v63  }
0x31: {  	_ =	swait.ge [sflag:s21], $0x4000  }
0x32: {  	[sflag:s21] =	ssyncset.done $0x0  }
0x33: {  	[sflag:s21] =	ssyncadd.s32 $0xFFFFC000  }
0x34: {  	_ =	swait.ge [sflag:s28], $0x4000  }
0x35: {  	[sflag:s28] =	ssyncset.done $0x0  }
0x36: {  	s11 =	rddreg [dreg:$0x3];
	[sflag:s28] =	ssyncadd.s32 $0xFFFFC000  }
0x37: {  	[tilespmem:s16], [sflag:$0x1] =	stream.indirect.gather [hbm4b:s4+s20], $0x80, s11, s20, $0xb8;
	[tilespmem:$0x1D100] =	vst v63  }
0x38: {  	s12 =	rddreg [dreg:$0x4]  }
0x39: {  	[spmem:s1] =	stream.indirect.scatter.add.f32 [tilespmem:s26], [sflag:$0x2], $0x80, s12, s20, $0xb8;
	[tilespmem:$0x1D100] =	vst v63  }
0x3a: {  	_ =	swait.ge [sflag:s28], $0x4000  }
0x3b: {  	[sflag:s28] =	ssyncset.done $0x0  }
0x3c: {  	s13 =	rddreg [dreg:$0x5];
	[sflag:s28] =	ssyncadd.s32 $0xFFFFC000  }
0x3d: {  	[tilespmem:s26], [sflag:$0x1] =	stream.indirect.gather [hbm4b:s4+s20], $0x80, s13, s20, $0xb8;
	[tilespmem:$0x1D100] =	vst v63  }
0x3e: {  	_ =	swait.ge [sflag:s21], $0x4000  }
0x3f: {  	[sflag:s21] =	ssyncset.done $0x0  }
0x40: {  	s10 =	rddreg [dreg:$0x6];
	[sflag:s21] =	ssyncadd.s32 $0xFFFFC000  }
0x41: {  	[spmem:s1] =	stream.indirect.scatter.add.f32 [tilespmem:s16], [sflag:$0x2], $0x80, s10, s20, $0xb8;
	[tilespmem:$0x1D100] =	vst v63  }
0x42: {  	_ =	swait.ge [sflag:s21], $0x4000  }
0x43: {  	[sflag:s21] =	ssyncset.done $0x0  }
0x44: {  	[sflag:s21] =	ssyncadd.s32 $0xFFFFC000  }
0x45: {  	_ =	swait.ge [sflag:s28], $0x4000  }
0x46: {  	[sflag:s28] =	ssyncset.done $0x0  }
0x47: {  	s11 =	rddreg [dreg:$0x7];
	[sflag:s28] =	ssyncadd.s32 $0xFFFFC000  }
0x48: {  	[tilespmem:s16], [sflag:$0x1] =	stream.indirect.gather [hbm4b:s4+s20], $0x80, s11, s20, $0xb8;
	[tilespmem:$0x1D100] =	vst v63  }
0x49: {  	s12 =	rddreg [dreg:$0x8]  }
0x4a: {  	[spmem:s1] =	stream.indirect.scatter.add.f32 [tilespmem:s26], [sflag:$0x2], $0x80, s12, s20, $0xb8;
	[tilespmem:$0x1D100] =	vst v63  }
0x4b: {  	_ =	swait.ge [sflag:s28], $0x4000  }
0x4c: {  	[sflag:s28] =	ssyncset.done $0x0  }
0x4d: {  	s13 =	rddreg [dreg:$0x9];
	[sflag:s28] =	ssyncadd.s32 $0xFFFFC000  }
0x4e: {  	[tilespmem:s26], [sflag:$0x1] =	stream.indirect.gather [hbm4b:s4+s20], $0x80, s13, s20, $0xb8;
	[tilespmem:$0x1D100] =	vst v63  }
0x4f: {  	_ =	swait.ge [sflag:s21], $0x4000  }
0x50: {  	[sflag:s21] =	ssyncset.done $0x0  }
0x51: {  	s10 =	rddreg [dreg:$0xa];
	[sflag:s21] =	ssyncadd.s32 $0xFFFFC000  }
0x52: {  	[spmem:s1] =	stream.indirect.scatter.add.f32 [tilespmem:s16], [sflag:$0x2], $0x80, s10, s20, $0xb8;
	[tilespmem:$0x1D100] =	vst v63  }
0x53: {  	_ =	swait.ge [sflag:s21], $0x4000  }
0x54: {  	[sflag:s21] =	ssyncset.done $0x0  }
0x55: {  	[sflag:s21] =	ssyncadd.s32 $0xFFFFC000  }
0x56: {  	_ =	swait.ge [sflag:s28], $0x4000  }
0x57: {  	[sflag:s28] =	ssyncset.done $0x0  }
0x58: {  	s11 =	rddreg [dreg:$0xb];
	[sflag:s28] =	ssyncadd.s32 $0xFFFFC000  }
0x59: {  	[tilespmem:s16], [sflag:$0x1] =	stream.indirect.gather [hbm4b:s4+s20], $0x80, s11, s20, $0xb8;
	[tilespmem:$0x1D100] =	vst v63  }
0x5a: {  	s12 =	rddreg [dreg:$0xc]  }
0x5b: {  	[spmem:s1] =	stream.indirect.scatter.add.f32 [tilespmem:s26], [sflag:$0x2], $0x80, s12, s20, $0xb8;
	[tilespmem:$0x1D100] =	vst v63  }
0x5c: {  	_ =	swait.ge [sflag:s28], $0x4000  }
0x5d: {  	[sflag:s28] =	ssyncset.done $0x0  }
0x5e: {  	s13 =	rddreg [dreg:$0xd];
	[sflag:s28] =	ssyncadd.s32 $0xFFFFC000  }
0x5f: {  	[tilespmem:s26], [sflag:$0x1] =	stream.indirect.gather [hbm4b:s4+s20], $0x80, s13, s20, $0xb8;
	[tilespmem:$0x1D100] =	vst v63  }
0x60: {  	_ =	swait.ge [sflag:s21], $0x4000  }
0x61: {  	[sflag:s21] =	ssyncset.done $0x0  }
0x62: {  	s10 =	rddreg [dreg:$0xe];
	[sflag:s21] =	ssyncadd.s32 $0xFFFFC000  }
0x63: {  	[spmem:s1] =	stream.indirect.scatter.add.f32 [tilespmem:s16], [sflag:$0x2], $0x80, s10, s20, $0xb8;
	[tilespmem:$0x1D100] =	vst v63  }
0x64: {  	_ =	swait.ge [sflag:s21], $0x4000  }
0x65: {  	[sflag:s21] =	ssyncset.done $0x0  }
0x66: {  	[sflag:s21] =	ssyncadd.s32 $0xFFFFC000  }
0x67: {  	_ =	swait.ge [sflag:s28], $0x4000  }
0x68: {  	[sflag:s28] =	ssyncset.done $0x0  }
0x69: {  	[sflag:s28] =	ssyncadd.s32 $0xFFFFC000  }
0x6a: {  	_ =	swait.ge [sflag:s23], $0x400  }
0x6b: {  	[sflag:s23] =	ssyncset.done $0x0  }
0x6c: {  	[sflag:s23] =	ssyncadd.s32 $0xFFFFFC00  }
0x6d: {  	_ =	swait.ge [sflag:s23], $0x400  }
0x6e: {  	[sflag:s23] =	ssyncset.done $0x0  }
0x6f: {  	[sflag:s23] =	ssyncadd.s32 $0xFFFFFC00  }
0x70: {  	[tilespmem:s16], [sflag:$0x1] =	stream.indirect.gather [hbm4b:s4+s20], $0x80, s24, s20, $0xb8;
	[tilespmem:$0x1D100] =	vst v63  }
0x71: {  	p1 =	seq.s32 s8, $0x800;
	s11 =	rddreg [dreg:$0xf]  }
0x72: {  	[spmem:s1] =	stream.indirect.scatter.add.f32 [tilespmem:s26], [sflag:$0x2], $0x80, s11, s20, $0xb8;
	[tilespmem:$0x1D100] =	vst v63  }
0x73: {  	s9 =	sadd.s32 @!p1 s8, s6;
	_ =	swait.ge [sflag:s28], $0x4000  }
0x74: {  	s9 =	sadd.s32 @!p1 $0x100, s9;
	[sflag:s28] =	ssyncset.done $0x0  }
0x75: {  	s10 =	sadd.s32 @!p1 s8, s7;
	s8 =	simm.s32 @!p1 $0x0;
	[sflag:s28] =	ssyncadd.s32 $0xFFFFC000  }
0x76: {  	[tilespmem:s8], [sflag:$0x3] =	stream.linear.gather @!p1 [hbm4b:s9+s8], $0x400, $0x38;
	[tilespmem:$0x1D100] =	vst v63  }
0x77: {  	s9 =	sadd.s32 @!p1 $0x100, s10;
	s10 =	simm.s32 @!p1 $0x400  }
0x78: {  	[tilespmem:s10], [sflag:$0x3] =	stream.linear.gather @!p1 [hbm4b:s9+s8], $0x400, $0x38;
	[tilespmem:$0x1D100] =	vst v63  }
0x79: {  	s11 =	rddreg [dreg:$0x10]  }
0x7a: {  	[tilespmem:s26], [sflag:$0x1] =	stream.indirect.gather [hbm4b:s4+s20], $0x80, s11, s20, $0xb8;
	[tilespmem:$0x1D100] =	vst v63  }
0x7b: {  	_ =	swait.ge [sflag:s21], $0x4000  }
0x7c: {  	[sflag:s21] =	ssyncset.done $0x0  }
0x7d: {  	[sflag:s21] =	ssyncadd.s32 $0xFFFFC000  }
0x7e: {  	[spmem:s1] =	stream.indirect.scatter.add.f32 [tilespmem:s16], [sflag:$0x2], $0x80, s25, s20, $0xb8;
	[tilespmem:$0x1D100] =	vst v63  }
0x7f: {  	_ =	swait.ge [sflag:s21], $0x4000  }
0x80: {  	[sflag:s21] =	ssyncset.done $0x0  }
0x81: {  	[sflag:s21] =	ssyncadd.s32 $0xFFFFC000  }
0x82: {  	_ =	swait.ge [sflag:s28], $0x4000  }
0x83: {  	[sflag:s28] =	ssyncset.done $0x0  }
0x84: {  	s12 =	rddreg [dreg:$0x11];
	[sflag:s28] =	ssyncadd.s32 $0xFFFFC000  }
0x85: {  	[tilespmem:s16], [sflag:$0x1] =	stream.indirect.gather [hbm4b:s4+s20], $0x80, s12, s20, $0xb8;
	[tilespmem:$0x1D100] =	vst v63  }
0x86: {  	s13 =	rddreg [dreg:$0x12]  }
0x87: {  	[spmem:s1] =	stream.indirect.scatter.add.f32 [tilespmem:s26], [sflag:$0x2], $0x80, s13, s20, $0xb8;
	[tilespmem:$0x1D100] =	vst v63  }
0x88: {  	_ =	swait.ge [sflag:s28], $0x4000  }
0x89: {  	[sflag:s28] =	ssyncset.done $0x0  }
0x8a: {  	s10 =	rddreg [dreg:$0x13];
	[sflag:s28] =	ssyncadd.s32 $0xFFFFC000  }
0x8b: {  	[tilespmem:s26], [sflag:$0x1] =	stream.indirect.gather [hbm4b:s4+s20], $0x80, s10, s20, $0xb8;
	[tilespmem:$0x1D100] =	vst v63  }
0x8c: {  	_ =	swait.ge [sflag:s21], $0x4000  }
0x8d: {  	[sflag:s21] =	ssyncset.done $0x0  }
0x8e: {  	s11 =	rddreg [dreg:$0x14];
	[sflag:s21] =	ssyncadd.s32 $0xFFFFC000  }
0x8f: {  	[spmem:s1] =	stream.indirect.scatter.add.f32 [tilespmem:s16], [sflag:$0x2], $0x80, s11, s20, $0xb8;
	[tilespmem:$0x1D100] =	vst v63  }
0x90: {  	_ =	swait.ge [sflag:s21], $0x4000  }
0x91: {  	[sflag:s21] =	ssyncset.done $0x0  }
0x92: {  	[sflag:s21] =	ssyncadd.s32 $0xFFFFC000  }
0x93: {  	_ =	swait.ge [sflag:s28], $0x4000  }
0x94: {  	[sflag:s28] =	ssyncset.done $0x0  }
0x95: {  	s12 =	rddreg [dreg:$0x15];
	[sflag:s28] =	ssyncadd.s32 $0xFFFFC000  }
0x96: {  	[tilespmem:s16], [sflag:$0x1] =	stream.indirect.gather [hbm4b:s4+s20], $0x80, s12, s20, $0xb8;
	[tilespmem:$0x1D100] =	vst v63  }
0x97: {  	s13 =	rddreg [dreg:$0x16]  }
0x98: {  	[spmem:s1] =	stream.indirect.scatter.add.f32 [tilespmem:s26], [sflag:$0x2], $0x80, s13, s20, $0xb8;
	[tilespmem:$0x1D100] =	vst v63  }
0x99: {  	_ =	swait.ge [sflag:s28], $0x4000  }
0x9a: {  	[sflag:s28] =	ssyncset.done $0x0  }
0x9b: {  	s11 =	rddreg [dreg:$0x17];
	[sflag:s28] =	ssyncadd.s32 $0xFFFFC000  }
0x9c: {  	[tilespmem:s26], [sflag:$0x1] =	stream.indirect.gather [hbm4b:s4+s20], $0x80, s11, s20, $0xb8;
	[tilespmem:$0x1D100] =	vst v63  }
0x9d: {  	_ =	swait.ge [sflag:s21], $0x4000  }
0x9e: {  	[sflag:s21] =	ssyncset.done $0x0  }
0x9f: {  	s12 =	rddreg [dreg:$0x18];
	[sflag:s21] =	ssyncadd.s32 $0xFFFFC000  }
0xa0: {  	[spmem:s1] =	stream.indirect.scatter.add.f32 [tilespmem:s16], [sflag:$0x2], $0x80, s12, s20, $0xb8;
	[tilespmem:$0x1D100] =	vst v63  }
0xa1: {  	_ =	swait.ge [sflag:s21], $0x4000  }
0xa2: {  	[sflag:s21] =	ssyncset.done $0x0  }
0xa3: {  	[sflag:s21] =	ssyncadd.s32 $0xFFFFC000  }
0xa4: {  	_ =	swait.ge [sflag:s28], $0x4000  }
0xa5: {  	[sflag:s28] =	ssyncset.done $0x0  }
0xa6: {  	s13 =	rddreg [dreg:$0x19];
	[sflag:s28] =	ssyncadd.s32 $0xFFFFC000  }
0xa7: {  	[tilespmem:s16], [sflag:$0x1] =	stream.indirect.gather [hbm4b:s4+s20], $0x80, s13, s20, $0xb8;
	[tilespmem:$0x1D100] =	vst v63  }
0xa8: {  	_ = 	snop  }
0xa9: {  	[spmem:s1] =	stream.indirect.scatter.add.f32 [tilespmem:s26], [sflag:$0x2], $0x80, s29, s20, $0xb8;
	[tilespmem:$0x1D100] =	vst v63  }
0xaa: {  	_ =	swait.ge [sflag:s28], $0x4000  }
0xab: {  	[sflag:s28] =	ssyncset.done $0x0  }
0xac: {  	[sflag:s28] =	ssyncadd.s32 $0xFFFFC000  }
0xad: {  	[tilespmem:s26], [sflag:$0x1] =	stream.indirect.gather [hbm4b:s4+s20], $0x80, s30, s20, $0xb8;
	[tilespmem:$0x1D100] =	vst v63  }
0xae: {  	_ =	swait.ge [sflag:s21], $0x4000  }
0xaf: {  	[sflag:s21] =	ssyncset.done $0x0  }
0xb0: {  	[sflag:s21] =	ssyncadd.s32 $0xFFFFC000  }
0xb1: {  	[spmem:s1] =	stream.indirect.scatter.add.f32 [tilespmem:s16], [sflag:$0x2], $0x80, s31, s20, $0xb8;
	[tilespmem:$0x1D100] =	vst v63  }
0xb2: {  	_ =	swait.ge [sflag:s21], $0x4000  }
0xb3: {  	[sflag:s21] =	ssyncset.done $0x0  }
0xb4: {  	[sflag:s21] =	ssyncadd.s32 $0xFFFFC000  }
0xb5: {  	_ =	swait.ge [sflag:s28], $0x4000  }
0xb6: {  	[sflag:s28] =	ssyncset.done $0x0  }
0xb7: {  	s9 =	simm.s32 @!p1 $0x3;
	[sflag:s28] =	ssyncadd.s32 $0xFFFFC000  }
0xb8: {  	_ =	swait.ge @!p1 [sflag:s9], $0x400  }
0xb9: {  	[sflag:s9] =	ssyncset.done @!p1 $0x0  }
0xba: {  	[sflag:s9] =	ssyncadd.s32 @!p1 $0xFFFFFC00  }
0xbb: {  	_ =	swait.ge @!p1 [sflag:s9], $0x400  }
0xbc: {  	[sflag:s9] =	ssyncset.done @!p1 $0x0  }
0xbd: {  	s10 =	simm.s32 @!p1 $0x1100;
	[sflag:s9] =	ssyncadd.s32 @!p1 $0xFFFFFC00;
	s9 =	simm.s32 @!p1 $0x80  }
0xbe: {  	[tilespmem:s10], [sflag:$0x1] =	stream.indirect.gather @!p1 [hbm4b:s4+s9], $0x80, s8, s9, $0xb8;
	[tilespmem:$0x1D100] =	vst v63  }
0xbf: {  	_ = 	snop  }
0xc0: {  	[spmem:s1] =	stream.indirect.scatter.add.f32 [tilespmem:s26], [sflag:$0x2], $0x80, s0, s20, $0xb8;
	[tilespmem:$0x1D100] =	vst v63  }
0xc1: {  	_ =	swait.ge [sflag:s28], $0x4000  }
0xc2: {  	[sflag:s28] =	ssyncset.done $0x0  }
0xc3: {  	s13 =	stileid.u32;
	[sflag:s28] =	ssyncadd.s32 $0xFFFFC000  }
.LBB2_10:
0xc4: {  	s8 =	sshll.u32 s13, $0x6;
	[bflag:$0x0] =	sbarrier.arrive $0xFFFF  }
0xc5: {  	s9 =	sshrl.u32 s5, $0x3;
	s8 =	sor.u32 $0x1C04, s8;
	s10 =	rddreg [dreg:$0x1a]  }
0xc6: {  	[hbm:s10], [sflag:s8] =	dma.local [spmem:s9], $0x2800  }
0xc7: {  	_ =	swait.ge [sflag:s17], $0x2800  }
0xc8: {  	s2 =	sadd.s32 $0x1, s2;
	s12 =	rddreg [dreg:$0x1b]  }
0xc9: {  	p1 =	sne.s32 s2, s12  }
.Ltmp1:
0xca: {  	_ = 	snop;
	(pc) =	sbr.rel @!p1 .LBB2_11-.Ltmp1, $3  }
0xcb: {  	_ =	sdelay $0x1  }
0xcc: {  	[sflag:s17] =	ssyncset.done $0x0  }
0xcd: {  	[sflag:s17] =	ssyncadd.s32 $0xFFFFD800  }
.LBB2_1:
0xce: {  	s8 =	simm.s32 $0x0;
	s9 =	simm.s32 $0x200  }
.LBB2_2:
0xcf: {  	p1 =	sne.s32 s9, $0xFE00;
	[tilespmem:s8+$0x1170] =	vst v0  }
0xd0: {  	[tilespmem:s8+$0x1100] =	vst v0  }
0xd1: {  	[tilespmem:s8+$0x1110] =	vst v0  }
.Ltmp2:
0xd2: {  	[tilespmem:s8+$0x1120] =	vst v0;
	(pc) =	sbr.rel @p1 .LBB2_2-.Ltmp2, $4  }
0xd3: {  	[tilespmem:s8+$0x1130] =	vst v0  }
0xd4: {  	[tilespmem:s8+$0x1140] =	vst v0  }
0xd5: {  	[tilespmem:s8+$0x1150] =	vst v0  }
0xd6: {  	[tilespmem:s8+$0x1160] =	vst v0;
	s8 =	sshra.s32 s9, $0x2;
	s9 =	sadd.s32 $0x200, s9  }
0xd7: {  	[tilespmem:s8+$0x1170] =	vst v0  }
0xd8: {  	[tilespmem:s8+$0x1100] =	vst v0  }
0xd9: {  	[tilespmem:s8+$0x1110] =	vst v0  }
0xda: {  	[tilespmem:s8+$0x1120] =	vst v0  }
0xdb: {  	[tilespmem:s8+$0x1130] =	vst v0  }
0xdc: {  	[tilespmem:s8+$0x1140] =	vst v0  }
0xdd: {  	[tilespmem:s8+$0x1150] =	vst v0  }
0xde: {  	[tilespmem:s8+$0x1160] =	vst v0  }
0xdf: {  	[spmem:s5] =	stream.linear.scatter [tilespmem:s16], [sflag:$0x4], $0x4000, $0x38;
	[tilespmem:$0x1D100] =	vst v63  }
0xe0: {  	_ =	swait.ge [sflag:s17], $0x4000  }
0xe1: {  	[sflag:s17] =	ssyncset.done $0x0  }
0xe2: {  	s9 =	rddreg [dreg:$0x1c];
	[sflag:s17] =	ssyncadd.s32 $0xFFFFC000  }
0xe3: {  	[spmem:s9] =	stream.linear.scatter [tilespmem:s16], [sflag:$0x4], $0x4000, $0x38;
	[tilespmem:$0x1D100] =	vst v63  }
0xe4: {  	_ =	swait.ge [sflag:s17], $0x4000  }
0xe5: {  	[sflag:s17] =	ssyncset.done $0x0  }
0xe6: {  	s10 =	rddreg [dreg:$0x1d];
	[sflag:s17] =	ssyncadd.s32 $0xFFFFC000  }
0xe7: {  	[spmem:s10] =	stream.linear.scatter [tilespmem:s16], [sflag:$0x4], $0x4000, $0x38;
	[tilespmem:$0x1D100] =	vst v63  }
0xe8: {  	_ =	swait.ge [sflag:s17], $0x4000  }
0xe9: {  	[sflag:s17] =	ssyncset.done $0x0  }
0xea: {  	s11 =	rddreg [dreg:$0x1e];
	[sflag:s17] =	ssyncadd.s32 $0xFFFFC000  }
0xeb: {  	[spmem:s11] =	stream.linear.scatter [tilespmem:s16], [sflag:$0x4], $0x4000, $0x38;
	[tilespmem:$0x1D100] =	vst v63  }
0xec: {  	_ =	swait.ge [sflag:s17], $0x4000  }
0xed: {  	[sflag:s17] =	ssyncset.done $0x0  }
0xee: {  	s12 =	rddreg [dreg:$0x1f];
	[sflag:s17] =	ssyncadd.s32 $0xFFFFC000  }
0xef: {  	[spmem:s12] =	stream.linear.scatter [tilespmem:s16], [sflag:$0x4], $0x4000, $0x38;
	[tilespmem:$0x1D100] =	vst v63  }
.Ltmp3:
0xf0: {  	_ =	swait.ge [sflag:s17], $0x4000;
	(pc) =	sbr.rel @!p0 .LBB2_4-.Ltmp3, $4  }
0xf1: {  	[sflag:s17] =	ssyncset.done $0x0  }
0xf2: {  	[sflag:s17] =	ssyncadd.s32 $0xFFFFC000  }
0xf3: {  	[bflag:$0x0] =	sbarrier.arrive $0xFFFF  }
0xf4: {  	s8 =	simm.s32 $0x0  }
0xf5: {  	s8 =	sadd.s32 $0x0, s14  }
0xf6: {  	[tilespmem:s18], [sflag:$0x4] =	stream.linear.gather [hbm4b:s8+s3], $0x80, $0x38;
	[tilespmem:$0x1D100] =	vst v63  }
0xf7: {  	_ =	swait.ge [sflag:s17], $0x80  }
0xf8: {  	[sflag:s17] =	ssyncset.done $0x0  }
0xf9: {  	s12 =	sadd.s32 $0x0, s15;
	[sflag:s17] =	ssyncadd.s32 $0xFFFFFF80  }
0xfa: {  	[tilespmem:s19], [sflag:$0x4] =	stream.linear.gather [hbm4b:s12+s3], $0x80, $0x38;
	[tilespmem:$0x1D100] =	vst v63  }
0xfb: {  	_ =	swait.ge [sflag:s17], $0x80  }
0xfc: {  	[sflag:s17] =	ssyncset.done $0x0  }
0xfd: {  	[sflag:s17] =	ssyncadd.s32 $0xFFFFFF80  }
0xfe: {  	[tilespmem:s16], [sflag:$0x1] =	stream.indirect.gather [hbm4b:s4+s20], $0x80, s18, s20, $0xb8;
	[tilespmem:$0x1D100] =	vst v63  }
0xff: {  	_ =	swait.ge [sflag:s21], $0x4000  }
0x100: {  	[sflag:s21] =	ssyncset.done $0x0  }
0x101: {  	[sflag:s21] =	ssyncadd.s32 $0xFFFFC000  }
0x102: {  	[spmem:s1] =	stream.indirect.scatter.add.f32 [tilespmem:s16], [sflag:$0x4], $0x80, s19, s20, $0xb8;
	[tilespmem:$0x1D100] =	vst v63  }
0x103: {  	_ =	swait.ge [sflag:s17], $0x4000  }
0x104: {  	s9 =	simm.s32 $0x20;
	s8 =	simm.s32 $0x10;
	[sflag:s17] =	ssyncset.done $0x0  }
.LBB2_8:
0x105: {  	s10 =	sadd.s32 s8, s14  }
0x106: {  	[sflag:s17] =	ssyncadd.s32 $0xFFFFC000;
	s11 =	smov.u32 s9;
	s12 =	sadd.s32 $0x10, s9  }
0x107: {  	[tilespmem:s18], [sflag:$0x4] =	stream.linear.gather [hbm4b:s10+s3], $0x80, $0x38;
	[tilespmem:$0x1D100] =	vst v63  }
0x108: {  	p1 =	sne.s32 s9, $0xD0;
	_ =	swait.ge [sflag:s17], $0x80  }
0x109: {  	[sflag:s17] =	ssyncset.done $0x0  }
0x10a: {  	s9 =	sadd.s32 s8, s15;
	s8 =	smov.u32 s11;
	[sflag:s17] =	ssyncadd.s32 $0xFFFFFF80  }
0x10b: {  	[tilespmem:s19], [sflag:$0x4] =	stream.linear.gather [hbm4b:s9+s3], $0x80, $0x38;
	[tilespmem:$0x1D100] =	vst v63  }
0x10c: {  	_ =	swait.ge [sflag:s17], $0x80  }
0x10d: {  	[sflag:s17] =	ssyncset.done $0x0  }
0x10e: {  	[sflag:s17] =	ssyncadd.s32 $0xFFFFFF80  }
0x10f: {  	[tilespmem:s16], [sflag:$0x1] =	stream.indirect.gather [hbm4b:s4+s20], $0x80, s18, s20, $0xb8;
	[tilespmem:$0x1D100] =	vst v63  }
0x110: {  	_ =	swait.ge [sflag:s21], $0x4000  }
.Ltmp4:
0x111: {  	[sflag:s21] =	ssyncset.done $0x0;
	(pc) =	sbr.rel @p1 .LBB2_8-.Ltmp4, $4  }
0x112: {  	[sflag:s21] =	ssyncadd.s32 $0xFFFFC000  }
0x113: {  	[spmem:s1] =	stream.indirect.scatter.add.f32 [tilespmem:s16], [sflag:$0x4], $0x80, s19, s20, $0xb8;
	[tilespmem:$0x1D100] =	vst v63  }
0x114: {  	_ =	swait.ge [sflag:s17], $0x4000  }
0x115: {  	s9 =	smov.u32 s12;
	[sflag:s17] =	ssyncset.done $0x0  }
0x116: {  	s9 =	sadd.s32 s8, s14;
	[sflag:s17] =	ssyncadd.s32 $0xFFFFC000  }
0x117: {  	[tilespmem:s18], [sflag:$0x4] =	stream.linear.gather [hbm4b:s9+s3], $0x80, $0x38;
	[tilespmem:$0x1D100] =	vst v63  }
0x118: {  	_ =	swait.ge [sflag:s17], $0x80  }
0x119: {  	[sflag:s17] =	ssyncset.done $0x0  }
0x11a: {  	s12 =	sadd.s32 s8, s15;
	[sflag:s17] =	ssyncadd.s32 $0xFFFFFF80  }
0x11b: {  	[tilespmem:s19], [sflag:$0x4] =	stream.linear.gather [hbm4b:s12+s3], $0x80, $0x38;
	[tilespmem:$0x1D100] =	vst v63  }
0x11c: {  	_ =	swait.ge [sflag:s17], $0x80  }
0x11d: {  	[sflag:s17] =	ssyncset.done $0x0  }
0x11e: {  	[sflag:s17] =	ssyncadd.s32 $0xFFFFFF80  }
0x11f: {  	[tilespmem:s16], [sflag:$0x1] =	stream.indirect.gather [hbm4b:s4+s20], $0x80, s18, s20, $0xb8;
	[tilespmem:$0x1D100] =	vst v63  }
0x120: {  	_ =	swait.ge [sflag:s21], $0x4000  }
0x121: {  	[sflag:s21] =	ssyncset.done $0x0  }
.Ltmp5:
0x122: {  	[sflag:s21] =	ssyncadd.s32 $0xFFFFC000;
	(pc) =	sbr.rel .LBB2_10-.Ltmp5, $4  }
0x123: {  	[spmem:s1] =	stream.indirect.scatter.add.f32 [tilespmem:s16], [sflag:$0x4], $0x80, s19, s20, $0xb8;
	[tilespmem:$0x1D100] =	vst v63  }
0x124: {  	_ =	swait.ge [sflag:s17], $0x4000  }
0x125: {  	[sflag:s17] =	ssyncset.done $0x0  }
0x126: {  	[sflag:s17] =	ssyncadd.s32 $0xFFFFC000  }
.LBB2_4:
0x127: {  	[tilespmem:s8], [sflag:$0x3] =	stream.linear.gather [hbm4b:s6+s8], $0x400, $0x38;
	[tilespmem:$0x1D100] =	vst v63  }
0x128: {  	_ = 	snop  }
0x129: {  	[tilespmem:s22], [sflag:$0x3] =	stream.linear.gather [hbm4b:s7+s8], $0x400, $0x38;
	[tilespmem:$0x1D100] =	vst v63  }
0x12a: {  	_ =	swait.ge [sflag:s23], $0x400  }
0x12b: {  	[sflag:s23] =	ssyncset.done $0x0  }
0x12c: {  	[sflag:s23] =	ssyncadd.s32 $0xFFFFFC00  }
0x12d: {  	_ =	swait.ge [sflag:s23], $0x400  }
0x12e: {  	[sflag:s23] =	ssyncset.done $0x0  }
0x12f: {  	s10 =	sadd.s32 $0x0, s6;
	[sflag:s23] =	ssyncadd.s32 $0xFFFFFC00  }
0x130: {  	[tilespmem:s16], [sflag:$0x1] =	stream.indirect.gather [hbm4b:s4+s20], $0x80, s8, s20, $0xb8;
	[tilespmem:$0x1D100] =	vst v63  }
0x131: {  	s9 =	sadd.s32 $0x0, s7;
	s8 =	sadd.s32 $0x80, s10  }
0x132: {  	[tilespmem:s24], [sflag:$0x3] =	stream.linear.gather [hbm4b:s8+s3], $0x400, $0x38;
	[tilespmem:$0x1D100] =	vst v63  }
0x133: {  	s11 =	sadd.s32 $0x80, s9  }
0x134: {  	[tilespmem:s25], [sflag:$0x3] =	stream.linear.gather [hbm4b:s11+s3], $0x400, $0x38;
	[tilespmem:$0x1D100] =	vst v63  }
0x135: {  	_ = 	snop  }
0x136: {  	[tilespmem:s26], [sflag:$0x1] =	stream.indirect.gather [hbm4b:s4+s20], $0x80, s20, s20, $0xb8;
	[tilespmem:$0x1D100] =	vst v63  }
0x137: {  	_ =	swait.ge [sflag:s21], $0x4000  }
0x138: {  	[sflag:s21] =	ssyncset.done $0x0  }
0x139: {  	[sflag:s21] =	ssyncadd.s32 $0xFFFFC000  }
0x13a: {  	[spmem:s1] =	stream.indirect.scatter.add.f32 [tilespmem:s16], [sflag:$0x2], $0x80, s22, s20, $0xb8;
	[tilespmem:$0x1D100] =	vst v63  }
0x13b: {  	_ =	swait.ge [sflag:s21], $0x4000  }
0x13c: {  	[sflag:s21] =	ssyncset.done $0x0  }
0x13d: {  	[sflag:s21] =	ssyncadd.s32 $0xFFFFC000  }
0x13e: {  	_ =	swait.ge [sflag:s28], $0x4000  }
0x13f: {  	[sflag:s28] =	ssyncset.done $0x0  }
0x140: {  	s12 =	rddreg [dreg:$0x3];
	[sflag:s28] =	ssyncadd.s32 $0xFFFFC000  }
0x141: {  	[tilespmem:s16], [sflag:$0x1] =	stream.indirect.gather [hbm4b:s4+s20], $0x80, s12, s20, $0xb8;
	[tilespmem:$0x1D100] =	vst v63  }
0x142: {  	s13 =	rddreg [dreg:$0x4]  }
0x143: {  	[spmem:s1] =	stream.indirect.scatter.add.f32 [tilespmem:s26], [sflag:$0x2], $0x80, s13, s20, $0xb8;
	[tilespmem:$0x1D100] =	vst v63  }
0x144: {  	_ =	swait.ge [sflag:s28], $0x4000  }
0x145: {  	[sflag:s28] =	ssyncset.done $0x0  }
0x146: {  	s10 =	rddreg [dreg:$0x5];
	[sflag:s28] =	ssyncadd.s32 $0xFFFFC000  }
0x147: {  	[tilespmem:s26], [sflag:$0x1] =	stream.indirect.gather [hbm4b:s4+s20], $0x80, s10, s20, $0xb8;
	[tilespmem:$0x1D100] =	vst v63  }
0x148: {  	_ =	swait.ge [sflag:s21], $0x4000  }
0x149: {  	[sflag:s21] =	ssyncset.done $0x0  }
0x14a: {  	s11 =	rddreg [dreg:$0x6];
	[sflag:s21] =	ssyncadd.s32 $0xFFFFC000  }
0x14b: {  	[spmem:s1] =	stream.indirect.scatter.add.f32 [tilespmem:s16], [sflag:$0x2], $0x80, s11, s20, $0xb8;
	[tilespmem:$0x1D100] =	vst v63  }
0x14c: {  	_ =	swait.ge [sflag:s21], $0x4000  }
0x14d: {  	[sflag:s21] =	ssyncset.done $0x0  }
0x14e: {  	[sflag:s21] =	ssyncadd.s32 $0xFFFFC000  }
0x14f: {  	_ =	swait.ge [sflag:s28], $0x4000  }
0x150: {  	[sflag:s28] =	ssyncset.done $0x0  }
0x151: {  	s12 =	rddreg [dreg:$0x7];
	[sflag:s28] =	ssyncadd.s32 $0xFFFFC000  }
0x152: {  	[tilespmem:s16], [sflag:$0x1] =	stream.indirect.gather [hbm4b:s4+s20], $0x80, s12, s20, $0xb8;
	[tilespmem:$0x1D100] =	vst v63  }
0x153: {  	s13 =	rddreg [dreg:$0x8]  }
0x154: {  	[spmem:s1] =	stream.indirect.scatter.add.f32 [tilespmem:s26], [sflag:$0x2], $0x80, s13, s20, $0xb8;
	[tilespmem:$0x1D100] =	vst v63  }
0x155: {  	_ =	swait.ge [sflag:s28], $0x4000  }
0x156: {  	[sflag:s28] =	ssyncset.done $0x0  }
0x157: {  	s10 =	rddreg [dreg:$0x9];
	[sflag:s28] =	ssyncadd.s32 $0xFFFFC000  }
0x158: {  	[tilespmem:s26], [sflag:$0x1] =	stream.indirect.gather [hbm4b:s4+s20], $0x80, s10, s20, $0xb8;
	[tilespmem:$0x1D100] =	vst v63  }
0x159: {  	_ =	swait.ge [sflag:s21], $0x4000  }
0x15a: {  	[sflag:s21] =	ssyncset.done $0x0  }
0x15b: {  	s11 =	rddreg [dreg:$0xa];
	[sflag:s21] =	ssyncadd.s32 $0xFFFFC000  }
0x15c: {  	[spmem:s1] =	stream.indirect.scatter.add.f32 [tilespmem:s16], [sflag:$0x2], $0x80, s11, s20, $0xb8;
	[tilespmem:$0x1D100] =	vst v63  }
0x15d: {  	_ =	swait.ge [sflag:s21], $0x4000  }
0x15e: {  	[sflag:s21] =	ssyncset.done $0x0  }
0x15f: {  	[sflag:s21] =	ssyncadd.s32 $0xFFFFC000  }
0x160: {  	_ =	swait.ge [sflag:s28], $0x4000  }
0x161: {  	[sflag:s28] =	ssyncset.done $0x0  }
0x162: {  	s12 =	rddreg [dreg:$0xb];
	[sflag:s28] =	ssyncadd.s32 $0xFFFFC000  }
0x163: {  	[tilespmem:s16], [sflag:$0x1] =	stream.indirect.gather [hbm4b:s4+s20], $0x80, s12, s20, $0xb8;
	[tilespmem:$0x1D100] =	vst v63  }
0x164: {  	s13 =	rddreg [dreg:$0xc]  }
0x165: {  	[spmem:s1] =	stream.indirect.scatter.add.f32 [tilespmem:s26], [sflag:$0x2], $0x80, s13, s20, $0xb8;
	[tilespmem:$0x1D100] =	vst v63  }
0x166: {  	_ =	swait.ge [sflag:s28], $0x4000  }
0x167: {  	[sflag:s28] =	ssyncset.done $0x0  }
0x168: {  	s9 =	rddreg [dreg:$0xd];
	[sflag:s28] =	ssyncadd.s32 $0xFFFFC000  }
0x169: {  	[tilespmem:s26], [sflag:$0x1] =	stream.indirect.gather [hbm4b:s4+s20], $0x80, s9, s20, $0xb8;
	[tilespmem:$0x1D100] =	vst v63  }
0x16a: {  	_ =	swait.ge [sflag:s21], $0x4000  }
0x16b: {  	[sflag:s21] =	ssyncset.done $0x0  }
0x16c: {  	s10 =	rddreg [dreg:$0xe];
	[sflag:s21] =	ssyncadd.s32 $0xFFFFC000  }
0x16d: {  	[spmem:s1] =	stream.indirect.scatter.add.f32 [tilespmem:s16], [sflag:$0x2], $0x80, s10, s20, $0xb8;
	[tilespmem:$0x1D100] =	vst v63  }
0x16e: {  	_ =	swait.ge [sflag:s21], $0x4000  }
0x16f: {  	[sflag:s21] =	ssyncset.done $0x0  }
0x170: {  	[sflag:s21] =	ssyncadd.s32 $0xFFFFC000  }
0x171: {  	_ =	swait.ge [sflag:s28], $0x4000  }
0x172: {  	[sflag:s28] =	ssyncset.done $0x0  }
0x173: {  	[sflag:s28] =	ssyncadd.s32 $0xFFFFC000  }
0x174: {  	_ =	swait.ge [sflag:s23], $0x400  }
0x175: {  	[sflag:s23] =	ssyncset.done $0x0  }
0x176: {  	[sflag:s23] =	ssyncadd.s32 $0xFFFFFC00  }
0x177: {  	_ =	swait.ge [sflag:s23], $0x400  }
0x178: {  	[sflag:s23] =	ssyncset.done $0x0  }
0x179: {  	[sflag:s23] =	ssyncadd.s32 $0xFFFFFC00  }
0x17a: {  	[tilespmem:s16], [sflag:$0x1] =	stream.indirect.gather [hbm4b:s4+s20], $0x80, s24, s20, $0xb8;
	[tilespmem:$0x1D100] =	vst v63  }
0x17b: {  	s11 =	rddreg [dreg:$0xf]  }
0x17c: {  	[spmem:s1] =	stream.indirect.scatter.add.f32 [tilespmem:s26], [sflag:$0x2], $0x80, s11, s20, $0xb8;
	[tilespmem:$0x1D100] =	vst v63  }
0x17d: {  	p1 =	por $0x0, $0x0;
	_ =	swait.ge [sflag:s28], $0x4000  }
0x17e: {  	s8 =	sadd.s32 @!p1 $0x0, s6;
	s9 =	sadd.s32 @!p1 $0x0, s7;
	[sflag:s28] =	ssyncset.done $0x0  }
0x17f: {  	s10 =	sadd.s32 @!p1 $0x100, s8;
	s8 =	simm.s32 @!p1 $0x0;
	[sflag:s28] =	ssyncadd.s32 $0xFFFFC000  }
0x180: {  	[tilespmem:s8], [sflag:$0x3] =	stream.linear.gather @!p1 [hbm4b:s10+s8], $0x400, $0x38;
	[tilespmem:$0x1D100] =	vst v63  }
0x181: {  	s9 =	sadd.s32 @!p1 $0x100, s9;
	s10 =	simm.s32 @!p1 $0x400  }
0x182: {  	[tilespmem:s10], [sflag:$0x3] =	stream.linear.gather @!p1 [hbm4b:s9+s8], $0x400, $0x38;
	[tilespmem:$0x1D100] =	vst v63  }
0x183: {  	s11 =	rddreg [dreg:$0x10]  }
0x184: {  	[tilespmem:s26], [sflag:$0x1] =	stream.indirect.gather [hbm4b:s4+s20], $0x80, s11, s20, $0xb8;
	[tilespmem:$0x1D100] =	vst v63  }
0x185: {  	_ =	swait.ge [sflag:s21], $0x4000  }
0x186: {  	[sflag:s21] =	ssyncset.done $0x0  }
0x187: {  	[sflag:s21] =	ssyncadd.s32 $0xFFFFC000  }
0x188: {  	[spmem:s1] =	stream.indirect.scatter.add.f32 [tilespmem:s16], [sflag:$0x2], $0x80, s25, s20, $0xb8;
	[tilespmem:$0x1D100] =	vst v63  }
0x189: {  	_ =	swait.ge [sflag:s21], $0x4000  }
0x18a: {  	[sflag:s21] =	ssyncset.done $0x0  }
0x18b: {  	[sflag:s21] =	ssyncadd.s32 $0xFFFFC000  }
0x18c: {  	_ =	swait.ge [sflag:s28], $0x4000  }
0x18d: {  	[sflag:s28] =	ssyncset.done $0x0  }
0x18e: {  	s12 =	rddreg [dreg:$0x11];
	[sflag:s28] =	ssyncadd.s32 $0xFFFFC000  }
0x18f: {  	[tilespmem:s16], [sflag:$0x1] =	stream.indirect.gather [hbm4b:s4+s20], $0x80, s12, s20, $0xb8;
	[tilespmem:$0x1D100] =	vst v63  }
0x190: {  	s13 =	rddreg [dreg:$0x12]  }
0x191: {  	[spmem:s1] =	stream.indirect.scatter.add.f32 [tilespmem:s26], [sflag:$0x2], $0x80, s13, s20, $0xb8;
	[tilespmem:$0x1D100] =	vst v63  }
0x192: {  	_ =	swait.ge [sflag:s28], $0x4000  }
0x193: {  	[sflag:s28] =	ssyncset.done $0x0  }
0x194: {  	s10 =	rddreg [dreg:$0x13];
	[sflag:s28] =	ssyncadd.s32 $0xFFFFC000  }
0x195: {  	[tilespmem:s26], [sflag:$0x1] =	stream.indirect.gather [hbm4b:s4+s20], $0x80, s10, s20, $0xb8;
	[tilespmem:$0x1D100] =	vst v63  }
0x196: {  	_ =	swait.ge [sflag:s21], $0x4000  }
0x197: {  	[sflag:s21] =	ssyncset.done $0x0  }
0x198: {  	s11 =	rddreg [dreg:$0x14];
	[sflag:s21] =	ssyncadd.s32 $0xFFFFC000  }
0x199: {  	[spmem:s1] =	stream.indirect.scatter.add.f32 [tilespmem:s16], [sflag:$0x2], $0x80, s11, s20, $0xb8;
	[tilespmem:$0x1D100] =	vst v63  }
0x19a: {  	_ =	swait.ge [sflag:s21], $0x4000  }
0x19b: {  	[sflag:s21] =	ssyncset.done $0x0  }
0x19c: {  	[sflag:s21] =	ssyncadd.s32 $0xFFFFC000  }
0x19d: {  	_ =	swait.ge [sflag:s28], $0x4000  }
0x19e: {  	[sflag:s28] =	ssyncset.done $0x0  }
0x19f: {  	s12 =	rddreg [dreg:$0x15];
	[sflag:s28] =	ssyncadd.s32 $0xFFFFC000  }
0x1a0: {  	[tilespmem:s16], [sflag:$0x1] =	stream.indirect.gather [hbm4b:s4+s20], $0x80, s12, s20, $0xb8;
	[tilespmem:$0x1D100] =	vst v63  }
0x1a1: {  	s13 =	rddreg [dreg:$0x16]  }
0x1a2: {  	[spmem:s1] =	stream.indirect.scatter.add.f32 [tilespmem:s26], [sflag:$0x2], $0x80, s13, s20, $0xb8;
	[tilespmem:$0x1D100] =	vst v63  }
0x1a3: {  	_ =	swait.ge [sflag:s28], $0x4000  }
0x1a4: {  	[sflag:s28] =	ssyncset.done $0x0  }
0x1a5: {  	s11 =	rddreg [dreg:$0x17];
	[sflag:s28] =	ssyncadd.s32 $0xFFFFC000  }
0x1a6: {  	[tilespmem:s26], [sflag:$0x1] =	stream.indirect.gather [hbm4b:s4+s20], $0x80, s11, s20, $0xb8;
	[tilespmem:$0x1D100] =	vst v63  }
0x1a7: {  	_ =	swait.ge [sflag:s21], $0x4000  }
0x1a8: {  	[sflag:s21] =	ssyncset.done $0x0  }
0x1a9: {  	s12 =	rddreg [dreg:$0x18];
	[sflag:s21] =	ssyncadd.s32 $0xFFFFC000  }
0x1aa: {  	[spmem:s1] =	stream.indirect.scatter.add.f32 [tilespmem:s16], [sflag:$0x2], $0x80, s12, s20, $0xb8;
	[tilespmem:$0x1D100] =	vst v63  }
0x1ab: {  	_ =	swait.ge [sflag:s21], $0x4000  }
0x1ac: {  	[sflag:s21] =	ssyncset.done $0x0  }
0x1ad: {  	[sflag:s21] =	ssyncadd.s32 $0xFFFFC000  }
0x1ae: {  	_ =	swait.ge [sflag:s28], $0x4000  }
0x1af: {  	[sflag:s28] =	ssyncset.done $0x0  }
0x1b0: {  	s13 =	rddreg [dreg:$0x19];
	[sflag:s28] =	ssyncadd.s32 $0xFFFFC000  }
0x1b1: {  	[tilespmem:s16], [sflag:$0x1] =	stream.indirect.gather [hbm4b:s4+s20], $0x80, s13, s20, $0xb8;
	[tilespmem:$0x1D100] =	vst v63  }
0x1b2: {  	_ = 	snop  }
0x1b3: {  	[spmem:s1] =	stream.indirect.scatter.add.f32 [tilespmem:s26], [sflag:$0x2], $0x80, s29, s20, $0xb8;
	[tilespmem:$0x1D100] =	vst v63  }
0x1b4: {  	_ =	swait.ge [sflag:s28], $0x4000  }
0x1b5: {  	[sflag:s28] =	ssyncset.done $0x0  }
0x1b6: {  	[sflag:s28] =	ssyncadd.s32 $0xFFFFC000  }
0x1b7: {  	[tilespmem:s26], [sflag:$0x1] =	stream.indirect.gather [hbm4b:s4+s20], $0x80, s30, s20, $0xb8;
	[tilespmem:$0x1D100] =	vst v63  }
0x1b8: {  	_ =	swait.ge [sflag:s21], $0x4000  }
0x1b9: {  	[sflag:s21] =	ssyncset.done $0x0  }
0x1ba: {  	[sflag:s21] =	ssyncadd.s32 $0xFFFFC000  }
0x1bb: {  	[spmem:s1] =	stream.indirect.scatter.add.f32 [tilespmem:s16], [sflag:$0x2], $0x80, s31, s20, $0xb8;
	[tilespmem:$0x1D100] =	vst v63  }
0x1bc: {  	_ =	swait.ge [sflag:s21], $0x4000  }
0x1bd: {  	[sflag:s21] =	ssyncset.done $0x0  }
0x1be: {  	[sflag:s21] =	ssyncadd.s32 $0xFFFFC000  }
0x1bf: {  	_ =	swait.ge [sflag:s28], $0x4000  }
0x1c0: {  	[sflag:s28] =	ssyncset.done $0x0  }
0x1c1: {  	s9 =	simm.s32 @!p1 $0x3;
	[sflag:s28] =	ssyncadd.s32 $0xFFFFC000  }
0x1c2: {  	_ =	swait.ge @!p1 [sflag:s9], $0x400  }
0x1c3: {  	[sflag:s9] =	ssyncset.done @!p1 $0x0  }
0x1c4: {  	[sflag:s9] =	ssyncadd.s32 @!p1 $0xFFFFFC00  }
0x1c5: {  	_ =	swait.ge @!p1 [sflag:s9], $0x400  }
0x1c6: {  	[sflag:s9] =	ssyncset.done @!p1 $0x0  }
0x1c7: {  	s10 =	simm.s32 @!p1 $0x1100;
	[sflag:s9] =	ssyncadd.s32 @!p1 $0xFFFFFC00;
	s9 =	simm.s32 @!p1 $0x80  }
0x1c8: {  	[tilespmem:s10], [sflag:$0x1] =	stream.indirect.gather @!p1 [hbm4b:s4+s9], $0x80, s8, s9, $0xb8;
	[tilespmem:$0x1D100] =	vst v63  }
0x1c9: {  	_ = 	snop  }
0x1ca: {  	[spmem:s1] =	stream.indirect.scatter.add.f32 [tilespmem:s26], [sflag:$0x2], $0x80, s0, s20, $0xb8;
	[tilespmem:$0x1D100] =	vst v63  }
0x1cb: {  	_ =	swait.ge [sflag:s28], $0x4000  }
0x1cc: {  	s8 =	simm.s32 $0x100;
	s9 =	simm.s32 $0x200;
	[sflag:s28] =	ssyncset.done $0x0  }
.LBB2_5:
0x1cd: {  	s11 =	sadd.s32 s8, s6  }
0x1ce: {  	[sflag:s28] =	ssyncadd.s32 $0xFFFFC000;
	s12 =	sadd.s32 s8, s7;
	s11 =	sadd.s32 $0x80, s11  }
0x1cf: {  	[tilespmem:s24], [sflag:$0x3] =	stream.linear.gather [hbm4b:s11+s3], $0x400, $0x38;
	[tilespmem:$0x1D100] =	vst v63  }
0x1d0: {  	s13 =	sadd.s32 $0x80, s12  }
0x1d1: {  	[tilespmem:s25], [sflag:$0x3] =	stream.linear.gather [hbm4b:s13+s3], $0x400, $0x38;
	[tilespmem:$0x1D100] =	vst v63  }
0x1d2: {  	_ = 	snop  }
0x1d3: {  	[tilespmem:s26], [sflag:$0x1] =	stream.indirect.gather [hbm4b:s4+s20], $0x80, s20, s20, $0xb8;
	[tilespmem:$0x1D100] =	vst v63  }
0x1d4: {  	_ =	swait.ge [sflag:s21], $0x4000  }
0x1d5: {  	[sflag:s21] =	ssyncset.done $0x0  }
0x1d6: {  	[sflag:s21] =	ssyncadd.s32 $0xFFFFC000  }
0x1d7: {  	[spmem:s1] =	stream.indirect.scatter.add.f32 [tilespmem:s16], [sflag:$0x2], $0x80, s22, s20, $0xb8;
	[tilespmem:$0x1D100] =	vst v63  }
0x1d8: {  	_ =	swait.ge [sflag:s21], $0x4000  }
0x1d9: {  	[sflag:s21] =	ssyncset.done $0x0  }
0x1da: {  	[sflag:s21] =	ssyncadd.s32 $0xFFFFC000  }
0x1db: {  	_ =	swait.ge [sflag:s28], $0x4000  }
0x1dc: {  	[sflag:s28] =	ssyncset.done $0x0  }
0x1dd: {  	s12 =	rddreg [dreg:$0x3];
	[sflag:s28] =	ssyncadd.s32 $0xFFFFC000  }
0x1de: {  	[tilespmem:s16], [sflag:$0x1] =	stream.indirect.gather [hbm4b:s4+s20], $0x80, s12, s20, $0xb8;
	[tilespmem:$0x1D100] =	vst v63  }
0x1df: {  	s13 =	rddreg [dreg:$0x4]  }
0x1e0: {  	[spmem:s1] =	stream.indirect.scatter.add.f32 [tilespmem:s26], [sflag:$0x2], $0x80, s13, s20, $0xb8;
	[tilespmem:$0x1D100] =	vst v63  }
0x1e1: {  	_ =	swait.ge [sflag:s28], $0x4000  }
0x1e2: {  	[sflag:s28] =	ssyncset.done $0x0  }
0x1e3: {  	s12 =	rddreg [dreg:$0x5];
	[sflag:s28] =	ssyncadd.s32 $0xFFFFC000  }
0x1e4: {  	[tilespmem:s26], [sflag:$0x1] =	stream.indirect.gather [hbm4b:s4+s20], $0x80, s12, s20, $0xb8;
	[tilespmem:$0x1D100] =	vst v63  }
0x1e5: {  	_ =	swait.ge [sflag:s21], $0x4000  }
0x1e6: {  	[sflag:s21] =	ssyncset.done $0x0  }
0x1e7: {  	s13 =	rddreg [dreg:$0x6];
	[sflag:s21] =	ssyncadd.s32 $0xFFFFC000  }
0x1e8: {  	[spmem:s1] =	stream.indirect.scatter.add.f32 [tilespmem:s16], [sflag:$0x2], $0x80, s13, s20, $0xb8;
	[tilespmem:$0x1D100] =	vst v63  }
0x1e9: {  	_ =	swait.ge [sflag:s21], $0x4000  }
0x1ea: {  	[sflag:s21] =	ssyncset.done $0x0  }
0x1eb: {  	[sflag:s21] =	ssyncadd.s32 $0xFFFFC000  }
0x1ec: {  	_ =	swait.ge [sflag:s28], $0x4000  }
0x1ed: {  	[sflag:s28] =	ssyncset.done $0x0  }
0x1ee: {  	s12 =	rddreg [dreg:$0x7];
	[sflag:s28] =	ssyncadd.s32 $0xFFFFC000  }
0x1ef: {  	[tilespmem:s16], [sflag:$0x1] =	stream.indirect.gather [hbm4b:s4+s20], $0x80, s12, s20, $0xb8;
	[tilespmem:$0x1D100] =	vst v63  }
0x1f0: {  	s13 =	rddreg [dreg:$0x8]  }
0x1f1: {  	[spmem:s1] =	stream.indirect.scatter.add.f32 [tilespmem:s26], [sflag:$0x2], $0x80, s13, s20, $0xb8;
	[tilespmem:$0x1D100] =	vst v63  }
0x1f2: {  	_ =	swait.ge [sflag:s28], $0x4000  }
0x1f3: {  	[sflag:s28] =	ssyncset.done $0x0  }
0x1f4: {  	s12 =	rddreg [dreg:$0x9];
	[sflag:s28] =	ssyncadd.s32 $0xFFFFC000  }
0x1f5: {  	[tilespmem:s26], [sflag:$0x1] =	stream.indirect.gather [hbm4b:s4+s20], $0x80, s12, s20, $0xb8;
	[tilespmem:$0x1D100] =	vst v63  }
0x1f6: {  	_ =	swait.ge [sflag:s21], $0x4000  }
0x1f7: {  	[sflag:s21] =	ssyncset.done $0x0  }
0x1f8: {  	s13 =	rddreg [dreg:$0xa];
	[sflag:s21] =	ssyncadd.s32 $0xFFFFC000  }
0x1f9: {  	[spmem:s1] =	stream.indirect.scatter.add.f32 [tilespmem:s16], [sflag:$0x2], $0x80, s13, s20, $0xb8;
	[tilespmem:$0x1D100] =	vst v63  }
0x1fa: {  	_ =	swait.ge [sflag:s21], $0x4000  }
0x1fb: {  	[sflag:s21] =	ssyncset.done $0x0  }
0x1fc: {  	[sflag:s21] =	ssyncadd.s32 $0xFFFFC000  }
0x1fd: {  	_ =	swait.ge [sflag:s28], $0x4000  }
0x1fe: {  	[sflag:s28] =	ssyncset.done $0x0  }
0x1ff: {  	s12 =	rddreg [dreg:$0xb];
	[sflag:s28] =	ssyncadd.s32 $0xFFFFC000  }
0x200: {  	[tilespmem:s16], [sflag:$0x1] =	stream.indirect.gather [hbm4b:s4+s20], $0x80, s12, s20, $0xb8;
	[tilespmem:$0x1D100] =	vst v63  }
0x201: {  	s13 =	rddreg [dreg:$0xc]  }
0x202: {  	[spmem:s1] =	stream.indirect.scatter.add.f32 [tilespmem:s26], [sflag:$0x2], $0x80, s13, s20, $0xb8;
	[tilespmem:$0x1D100] =	vst v63  }
0x203: {  	_ =	swait.ge [sflag:s28], $0x4000  }
0x204: {  	[sflag:s28] =	ssyncset.done $0x0  }
0x205: {  	s13 =	rddreg [dreg:$0xd];
	[sflag:s28] =	ssyncadd.s32 $0xFFFFC000  }
0x206: {  	[tilespmem:s26], [sflag:$0x1] =	stream.indirect.gather [hbm4b:s4+s20], $0x80, s13, s20, $0xb8;
	[tilespmem:$0x1D100] =	vst v63  }
0x207: {  	_ =	swait.ge [sflag:s21], $0x4000  }
0x208: {  	[sflag:s21] =	ssyncset.done $0x0  }
0x209: {  	s12 =	rddreg [dreg:$0xe];
	[sflag:s21] =	ssyncadd.s32 $0xFFFFC000  }
0x20a: {  	[spmem:s1] =	stream.indirect.scatter.add.f32 [tilespmem:s16], [sflag:$0x2], $0x80, s12, s20, $0xb8;
	[tilespmem:$0x1D100] =	vst v63  }
0x20b: {  	_ =	swait.ge [sflag:s21], $0x4000  }
0x20c: {  	[sflag:s21] =	ssyncset.done $0x0  }
0x20d: {  	[sflag:s21] =	ssyncadd.s32 $0xFFFFC000  }
0x20e: {  	_ =	swait.ge [sflag:s28], $0x4000  }
0x20f: {  	[sflag:s28] =	ssyncset.done $0x0  }
0x210: {  	[sflag:s28] =	ssyncadd.s32 $0xFFFFC000  }
0x211: {  	_ =	swait.ge [sflag:s23], $0x400  }
0x212: {  	[sflag:s23] =	ssyncset.done $0x0  }
0x213: {  	[sflag:s23] =	ssyncadd.s32 $0xFFFFFC00  }
0x214: {  	_ =	swait.ge [sflag:s23], $0x400  }
0x215: {  	[sflag:s23] =	ssyncset.done $0x0  }
0x216: {  	[sflag:s23] =	ssyncadd.s32 $0xFFFFFC00  }
0x217: {  	[tilespmem:s16], [sflag:$0x1] =	stream.indirect.gather [hbm4b:s4+s20], $0x80, s24, s20, $0xb8;
	[tilespmem:$0x1D100] =	vst v63  }
0x218: {  	s13 =	rddreg [dreg:$0xf]  }
0x219: {  	[spmem:s1] =	stream.indirect.scatter.add.f32 [tilespmem:s26], [sflag:$0x2], $0x80, s13, s20, $0xb8;
	[tilespmem:$0x1D100] =	vst v63  }
0x21a: {  	p2 =	seq.s32 s8, $0x800;
	_ =	swait.ge [sflag:s28], $0x4000  }
0x21b: {  	s11 =	sadd.s32 @!p2 s8, s6;
	s8 =	sadd.s32 @!p2 s8, s7;
	[sflag:s28] =	ssyncset.done $0x0  }
0x21c: {  	s12 =	sadd.s32 @!p2 $0x100, s11;
	s11 =	simm.s32 @!p2 $0x0;
	[sflag:s28] =	ssyncadd.s32 $0xFFFFC000  }
0x21d: {  	[tilespmem:s11], [sflag:$0x3] =	stream.linear.gather @!p2 [hbm4b:s12+s11], $0x400, $0x38;
	[tilespmem:$0x1D100] =	vst v63  }
0x21e: {  	s8 =	sadd.s32 @!p2 $0x100, s8;
	s12 =	simm.s32 @!p2 $0x400  }
0x21f: {  	[tilespmem:s12], [sflag:$0x3] =	stream.linear.gather @!p2 [hbm4b:s8+s11], $0x400, $0x38;
	[tilespmem:$0x1D100] =	vst v63  }
0x220: {  	s13 =	rddreg [dreg:$0x10]  }
0x221: {  	[tilespmem:s26], [sflag:$0x1] =	stream.indirect.gather [hbm4b:s4+s20], $0x80, s13, s20, $0xb8;
	[tilespmem:$0x1D100] =	vst v63  }
0x222: {  	_ =	swait.ge [sflag:s21], $0x4000  }
0x223: {  	[sflag:s21] =	ssyncset.done $0x0  }
0x224: {  	[sflag:s21] =	ssyncadd.s32 $0xFFFFC000  }
0x225: {  	[spmem:s1] =	stream.indirect.scatter.add.f32 [tilespmem:s16], [sflag:$0x2], $0x80, s25, s20, $0xb8;
	[tilespmem:$0x1D100] =	vst v63  }
0x226: {  	_ =	swait.ge [sflag:s21], $0x4000  }
0x227: {  	[sflag:s21] =	ssyncset.done $0x0  }
0x228: {  	[sflag:s21] =	ssyncadd.s32 $0xFFFFC000  }
0x229: {  	_ =	swait.ge [sflag:s28], $0x4000  }
0x22a: {  	[sflag:s28] =	ssyncset.done $0x0  }
0x22b: {  	s12 =	rddreg [dreg:$0x11];
	[sflag:s28] =	ssyncadd.s32 $0xFFFFC000  }
0x22c: {  	[tilespmem:s16], [sflag:$0x1] =	stream.indirect.gather [hbm4b:s4+s20], $0x80, s12, s20, $0xb8;
	[tilespmem:$0x1D100] =	vst v63  }
0x22d: {  	s13 =	rddreg [dreg:$0x12]  }
0x22e: {  	[spmem:s1] =	stream.indirect.scatter.add.f32 [tilespmem:s26], [sflag:$0x2], $0x80, s13, s20, $0xb8;
	[tilespmem:$0x1D100] =	vst v63  }
0x22f: {  	_ =	swait.ge [sflag:s28], $0x4000  }
0x230: {  	[sflag:s28] =	ssyncset.done $0x0  }
0x231: {  	s12 =	rddreg [dreg:$0x13];
	[sflag:s28] =	ssyncadd.s32 $0xFFFFC000  }
0x232: {  	[tilespmem:s26], [sflag:$0x1] =	stream.indirect.gather [hbm4b:s4+s20], $0x80, s12, s20, $0xb8;
	[tilespmem:$0x1D100] =	vst v63  }
0x233: {  	_ =	swait.ge [sflag:s21], $0x4000  }
0x234: {  	[sflag:s21] =	ssyncset.done $0x0  }
0x235: {  	s13 =	rddreg [dreg:$0x14];
	[sflag:s21] =	ssyncadd.s32 $0xFFFFC000  }
0x236: {  	[spmem:s1] =	stream.indirect.scatter.add.f32 [tilespmem:s16], [sflag:$0x2], $0x80, s13, s20, $0xb8;
	[tilespmem:$0x1D100] =	vst v63  }
0x237: {  	_ =	swait.ge [sflag:s21], $0x4000  }
0x238: {  	[sflag:s21] =	ssyncset.done $0x0  }
0x239: {  	[sflag:s21] =	ssyncadd.s32 $0xFFFFC000  }
0x23a: {  	_ =	swait.ge [sflag:s28], $0x4000  }
0x23b: {  	[sflag:s28] =	ssyncset.done $0x0  }
0x23c: {  	s12 =	rddreg [dreg:$0x15];
	[sflag:s28] =	ssyncadd.s32 $0xFFFFC000  }
0x23d: {  	[tilespmem:s16], [sflag:$0x1] =	stream.indirect.gather [hbm4b:s4+s20], $0x80, s12, s20, $0xb8;
	[tilespmem:$0x1D100] =	vst v63  }
0x23e: {  	s13 =	rddreg [dreg:$0x16]  }
0x23f: {  	[spmem:s1] =	stream.indirect.scatter.add.f32 [tilespmem:s26], [sflag:$0x2], $0x80, s13, s20, $0xb8;
	[tilespmem:$0x1D100] =	vst v63  }
0x240: {  	_ =	swait.ge [sflag:s28], $0x4000  }
0x241: {  	[sflag:s28] =	ssyncset.done $0x0  }
0x242: {  	s13 =	rddreg [dreg:$0x17];
	[sflag:s28] =	ssyncadd.s32 $0xFFFFC000  }
0x243: {  	[tilespmem:s26], [sflag:$0x1] =	stream.indirect.gather [hbm4b:s4+s20], $0x80, s13, s20, $0xb8;
	[tilespmem:$0x1D100] =	vst v63  }
0x244: {  	_ =	swait.ge [sflag:s21], $0x4000  }
0x245: {  	[sflag:s21] =	ssyncset.done $0x0  }
0x246: {  	s12 =	rddreg [dreg:$0x18];
	[sflag:s21] =	ssyncadd.s32 $0xFFFFC000  }
0x247: {  	[spmem:s1] =	stream.indirect.scatter.add.f32 [tilespmem:s16], [sflag:$0x2], $0x80, s12, s20, $0xb8;
	[tilespmem:$0x1D100] =	vst v63  }
0x248: {  	_ =	swait.ge [sflag:s21], $0x4000  }
0x249: {  	[sflag:s21] =	ssyncset.done $0x0  }
0x24a: {  	[sflag:s21] =	ssyncadd.s32 $0xFFFFC000  }
0x24b: {  	_ =	swait.ge [sflag:s28], $0x4000  }
0x24c: {  	[sflag:s28] =	ssyncset.done $0x0  }
0x24d: {  	s13 =	rddreg [dreg:$0x19];
	[sflag:s28] =	ssyncadd.s32 $0xFFFFC000  }
0x24e: {  	[tilespmem:s16], [sflag:$0x1] =	stream.indirect.gather [hbm4b:s4+s20], $0x80, s13, s20, $0xb8;
	[tilespmem:$0x1D100] =	vst v63  }
0x24f: {  	_ = 	snop  }
0x250: {  	[spmem:s1] =	stream.indirect.scatter.add.f32 [tilespmem:s26], [sflag:$0x2], $0x80, s29, s20, $0xb8;
	[tilespmem:$0x1D100] =	vst v63  }
0x251: {  	_ =	swait.ge [sflag:s28], $0x4000  }
0x252: {  	[sflag:s28] =	ssyncset.done $0x0  }
0x253: {  	[sflag:s28] =	ssyncadd.s32 $0xFFFFC000  }
0x254: {  	[tilespmem:s26], [sflag:$0x1] =	stream.indirect.gather [hbm4b:s4+s20], $0x80, s30, s20, $0xb8;
	[tilespmem:$0x1D100] =	vst v63  }
0x255: {  	_ =	swait.ge [sflag:s21], $0x4000  }
0x256: {  	[sflag:s21] =	ssyncset.done $0x0  }
0x257: {  	[sflag:s21] =	ssyncadd.s32 $0xFFFFC000  }
0x258: {  	[spmem:s1] =	stream.indirect.scatter.add.f32 [tilespmem:s16], [sflag:$0x2], $0x80, s31, s20, $0xb8;
	[tilespmem:$0x1D100] =	vst v63  }
0x259: {  	_ =	swait.ge [sflag:s21], $0x4000  }
0x25a: {  	[sflag:s21] =	ssyncset.done $0x0  }
0x25b: {  	[sflag:s21] =	ssyncadd.s32 $0xFFFFC000  }
0x25c: {  	_ =	swait.ge [sflag:s28], $0x4000  }
0x25d: {  	s10 =	smov.u32 s9;
	[sflag:s28] =	ssyncset.done $0x0  }
0x25e: {  	s8 =	smov.u32 s10;
	s10 =	simm.s32 @!p2 $0x3;
	[sflag:s28] =	ssyncadd.s32 $0xFFFFC000  }
0x25f: {  	_ =	swait.ge @!p2 [sflag:s10], $0x400  }
0x260: {  	[sflag:s10] =	ssyncset.done @!p2 $0x0  }
0x261: {  	[sflag:s10] =	ssyncadd.s32 @!p2 $0xFFFFFC00  }
0x262: {  	s9 =	sadd.s32 $0x100, s9;
	_ =	swait.ge @!p2 [sflag:s10], $0x400  }
0x263: {  	p1 =	seq.s32 s9, $0x900;
	[sflag:s10] =	ssyncset.done @!p2 $0x0  }
0x264: {  	s12 =	simm.s32 @!p2 $0x1100;
	[sflag:s10] =	ssyncadd.s32 @!p2 $0xFFFFFC00;
	s10 =	simm.s32 @!p2 $0x80  }
0x265: {  	[tilespmem:s12], [sflag:$0x1] =	stream.indirect.gather @!p2 [hbm4b:s4+s10], $0x80, s11, s10, $0xb8;
	[tilespmem:$0x1D100] =	vst v63  }
.Ltmp6:
0x266: {  	_ = 	snop;
	(pc) =	sbr.rel @!p1 .LBB2_5-.Ltmp6, $4  }
0x267: {  	_ = 	snop  }
0x268: {  	[spmem:s1] =	stream.indirect.scatter.add.f32 [tilespmem:s26], [sflag:$0x2], $0x80, s0, s20, $0xb8;
	[tilespmem:$0x1D100] =	vst v63  }
0x269: {  	_ =	swait.ge [sflag:s28], $0x4000  }
0x26a: {  	[sflag:s28] =	ssyncset.done $0x0  }
.Ltmp7:
0x26b: {  	_ = 	snop;
	(pc) =	sbr.rel .LBB2_6-.Ltmp7, $1  }
0x26c: {  	_ =	sdelay $0x3  }
.LBB2_11:
0x26d: {  	_ =	sfence.sel $0x180000  }
0x26e: {  	[bflag:$0x0] =	sbarrier.arrive $0xFFFF  }
0x26f: {  	_ =	strace $0x9000004D  }
0x270: {  	[bflag:$0x2] =	sbarrier.arrive $0xFFFF  }
0x271: {  	p0 =	sne.s32 s13, $0x0;
	s0 =	rddreg [dreg:$0x2]  }
0x272: {  	s0 =	sadd.s32 @!p0 $0x100000, s0  }
0x273: {  	[sflag:s0] =	ssyncadd.tile.s32 @!p0 $0x1;
	_ =	shalt  }
.Lfunc_end2:
_tile_overlayer_lowered:
.L_overlay_start_2:
0x274: {  	(tag) =	ssettag $0x2  }
0x275: {  	s0 =	rddreg [dreg:$0x0];
	s2 =	stileid.u32  }
0x276: {  	s1 =	rddreg [dreg:$0x1];
	p0 =	sne.s32 s2, $0x0  }
0x277: {  	s3 =	rddreg [dreg:$0x2];
	[bflag:$0x3] =	sbarrier.arrive $0xFFFF;
	s2 =	simm.s32 @!p0 $0x1C04  }
0x278: {  	[timem:s3], [sflag:s2] =	dma.local @!p0 [hbm:s0], s1  }
0x279: {  	s0 =	simm.s32 @!p0 $0x4  }
0x27a: {  	_ =	swait.ge @!p0 [sflag:s0], s1  }
0x27b: {  	s1 =	ssub.s32 @!p0 $0x0, s1;
	[sflag:s0] =	ssyncset.done @!p0 $0x0  }
0x27c: {  	[sflag:s0] =	ssyncadd.s32 @!p0 s1  }
0x27d: {  	[bflag:$0x3] =	sbarrier.arrive $0xFFFF  }
0x27e: {  	_ =	shalt  }

// kernel: kernel.22.cloned.1.call-start
scs
__scs_entry_jumppad:
0x0: {  	(pc) =	sbr.rel $0x88, $3  }
0x1: {  	(tag) =	ssettag $0x0;
	lr =	simm.s32 $0x1  }
0x2: {  	[smem:$0x3F92] =	sst lr;
	_ =	strace $0xD0000000  }
0x3: {  	_ = 	snop  }
0x4: {  	_ = 	snop  }
0x5: {  	_ = 	snop  }
0x6: {  	_ = 	snop  }
0x7: {  	_ = 	snop  }
__scs_overlays_trampoline_lowered:
0x8: {  	[smem:$0x3FA1] =	sst s0  }
0x9: {  	[smem:$0x3FA2] =	sst s1  }
0xa: {  	[smem:$0x3FA3] =	sst s2  }
0xb: {  	[smem:$0x3FA4] =	sst s3  }
0xc: {  	[smem:$0x3FA5] =	sst s4  }
0xd: {  	[smem:$0x3FA6] =	sst s5  }
0xe: {  	[smem:$0x3FA7] =	sst s6  }
0xf: {  	[smem:$0x3FA8] =	sst s7  }
0x10: {  	[smem:$0x3FA9] =	sst s8  }
0x11: {  	[smem:$0x3FAA] =	sst s9;
	s0 =	simm.s32 @!p0 $0x0  }
0x12: {  	s1 =	sld [smem:$0x3F90];
	s0 =	simm.s32 @p0 $0x1  }
0x13: {  	[smem:$0x3FAB] =	sst s0;
	s0 =	simm.s32 @!p1 $0x0  }
0x14: {  	s2 =	sld [smem:$0x3F8F];
	s0 =	simm.s32 @p1 $0x1  }
0x15: {  	[smem:$0x3FAC] =	sst s0;
	s0 =	simm.s32 @!p2 $0x0  }
0x16: {  	s3 =	sld [smem:$0x3FDB];
	s0 =	simm.s32 @p2 $0x1  }
0x17: {  	s4 =	simm.s32 $0x1BF5;
	[smem:$0x3FAE] =	sst s0  }
0x18: {  	s0 =	sld [smem:$0x3F91];
	_ =	swait.ge [sflag:s4], $0x0  }
0x19: {  	s7 =	sld [smem:$0x3F92]  }
0x1a: {  	s8 =	sadd.s32 $0xFFFFE003, lr  }
0x1b: {  	s9 =	sadd.s32 $0xFFFFFEF7, lr;
	s5 =	simm.s32 $0xFFFFFFFF;
	p2 =	slt.u32 s8, $0xFFFFF086  }
0x1c: {  	p1 =	slt.u32 s9, $0xF7A;
	s5 =	simm.s32 @!p2 $0x0  }
0x1d: {  	s5 =	simm.s32 @p1 $0x1;
	p0 =	seq.s32 s7, s2  }
0x1e: {  	s7 =	smul.u32 @!p0 $0xF7A, s2;
	p2 =	seq.s32 @!p0 s5, $0x0  }
0x1f: {  	s9 =	smul.u32 $0xF7A, s1;
	s8 =	simm.s32 @!p0 $0x1BF5;
	p2 =	por !p2, p0  }
0x20: {  	[sflag:s8] =	ssyncset.s32 @!p0 $0xFFFFF086;
	s6 =	sadd.s32 @!p0 s3, s7;
	s7 =	simm.s32 @!p0 $0x108  }
0x21: {  	s3 =	sadd.s32 s3, s9;
	s6 =	sadd.s32 @!p0 $0x88, s6;
	s7 =	simm.s32 @p2 $0x1082  }
0x22: {  	[simem:s7], [sflag:s8] =	dma.local @!p0 [hbm:s6], $0xF7A  }
0x23: {  	s9 =	sor.u32 $0xD0000000, s2;
	s6 =	simm.s32 $0x108;
	_ =	swait.ge @!p0 [sflag:s8], $0x0  }
0x24: {  	s3 =	sadd.s32 $0x88, s3;
	s6 =	simm.s32 @!p1 $0x1082;
	[sflag:s4] =	ssyncset.s32 $0xFFFFF086  }
0x25: {  	[simem:s6], [sflag:s4] =	dma.local [hbm:s3], $0xF7A  }
0x26: {  	[smem:$0x3F92] =	sst s1;
	(tag) =	ssettag s2;
	_ =	strace s9  }
0x27: {  	s1 =	sld [smem:$0x3FA2]  }
0x28: {  	s2 =	sld [smem:$0x3FA3]  }
0x29: {  	s4 =	sld [smem:$0x3FA5]  }
0x2a: {  	p0 =	seq.s32 s5, $0x0;
	s5 =	sld [smem:$0x3FA6]  }
0x2b: {  	s6 =	sld [smem:$0x3FA7]  }
0x2c: {  	s7 =	sld [smem:$0x3FA8]  }
0x2d: {  	s3 =	simm.s32 $0x108;
	s8 =	sld [smem:$0x3FA9]  }
0x2e: {  	s3 =	simm.s32 @!p0 $0x1082;
	s9 =	sld [smem:$0x3FAA]  }
0x2f: {  	lr =	sadd.s32 s0, s3;
	s0 =	sld [smem:$0x3FA1]  }
0x30: {  	s3 =	sld [smem:$0x3FA4]  }
0x31: {  	[smem:$0x3FAD] =	sst s10  }
0x32: {  	s10 =	sld [smem:$0x3FAB];
	_ =	sdelay $0x3  }
0x33: {  	p0 =	seq.s32 s10, $0x1;
	s10 =	sld [smem:$0x3FAD];
	_ =	sdelay $0x3  }
0x34: {  	[smem:$0x3FAD] =	sst s10  }
0x35: {  	s10 =	sld [smem:$0x3FAC];
	_ =	sdelay $0x3  }
0x36: {  	p1 =	seq.s32 s10, $0x1;
	s10 =	sld [smem:$0x3FAD];
	_ =	sdelay $0x3  }
0x37: {  	[smem:$0x3FAD] =	sst s10  }
0x38: {  	s10 =	sld [smem:$0x3FAE]  }
0x39: {  	_ = 	snop;
	(pc) =	sbr.ind lr, $3  }
0x3a: {  	_ = 	snop  }
0x3b: {  	_ = 	snop  }
0x3c: {  	p2 =	seq.s32 s10, $0x1;
	s10 =	sld [smem:$0x3FAD]  }
0x3d: {  	_ =	shalt  }
0x3e: {  	_ =	shalt  }
0x3f: {  	_ =	shalt  }
0x40: {  	_ =	shalt  }
0x41: {  	_ =	shalt  }
0x42: {  	_ =	shalt  }
0x43: {  	_ =	shalt  }
0x44: {  	_ =	shalt  }
0x45: {  	_ =	shalt  }
0x46: {  	_ =	shalt  }
0x47: {  	_ =	shalt  }
0x48: {  	_ =	shalt  }
0x49: {  	_ =	shalt  }
0x4a: {  	_ =	shalt  }
0x4b: {  	_ =	shalt  }
0x4c: {  	_ =	shalt  }
0x4d: {  	_ =	shalt  }
0x4e: {  	_ =	shalt  }
0x4f: {  	_ =	shalt  }
0x50: {  	_ =	shalt  }
0x51: {  	_ =	shalt  }
0x52: {  	_ =	shalt  }
0x53: {  	_ =	shalt  }
0x54: {  	_ =	shalt  }
0x55: {  	_ =	shalt  }
0x56: {  	_ =	shalt  }
0x57: {  	_ =	shalt  }
0x58: {  	_ =	shalt  }
0x59: {  	_ =	shalt  }
0x5a: {  	_ =	shalt  }
0x5b: {  	_ =	shalt  }
0x5c: {  	_ =	shalt  }
0x5d: {  	_ =	shalt  }
0x5e: {  	_ =	shalt  }
0x5f: {  	_ =	shalt  }
0x60: {  	_ =	shalt  }
0x61: {  	_ =	shalt  }
0x62: {  	_ =	shalt  }
0x63: {  	_ =	shalt  }
0x64: {  	_ =	shalt  }
0x65: {  	_ =	shalt  }
0x66: {  	_ =	shalt  }
0x67: {  	_ =	shalt  }
0x68: {  	_ =	shalt  }
0x69: {  	_ =	shalt  }
0x6a: {  	_ =	shalt  }
0x6b: {  	_ =	shalt  }
0x6c: {  	_ =	shalt  }
0x6d: {  	_ =	shalt  }
0x6e: {  	_ =	shalt  }
0x6f: {  	_ =	shalt  }
0x70: {  	_ =	shalt  }
0x71: {  	_ =	shalt  }
0x72: {  	_ =	shalt  }
0x73: {  	_ =	shalt  }
0x74: {  	_ =	shalt  }
0x75: {  	_ =	shalt  }
0x76: {  	_ =	shalt  }
0x77: {  	_ =	shalt  }
0x78: {  	_ =	shalt  }
0x79: {  	_ =	shalt  }
0x7a: {  	_ =	shalt  }
0x7b: {  	_ =	shalt  }
0x7c: {  	_ =	shalt  }
0x7d: {  	_ =	shalt  }
0x7e: {  	_ =	shalt  }
0x7f: {  	_ =	shalt  }
0x80: {  	_ =	shalt  }
0x81: {  	_ =	shalt  }
0x82: {  	_ =	shalt  }
0x83: {  	_ =	shalt  }
0x84: {  	_ =	shalt  }
0x85: {  	_ =	shalt  }
0x86: {  	_ =	shalt  }
0x87: {  	_ =	shalt  }
.Lfunc_end0:
.L_simem_size_0:
called_computation.3_lowered:
.L_overlay_start_0:
0x88: {  	s2 =	sld [smem:$0x3FD9]  }
0x89: {  	s3 =	sld [smem:$0x3FFE];
	_ =	sdelay $0x1  }
0x8a: {  	s1 =	srdreg.scid  }
0x8b: {  	s0 =	sand.u32 $0x1, s1  }
0x8c: {  	s16 =	sshll.u32 s0, $0xA;
	s2 =	sadd.s32 s3, s2  }
0x8d: {  	s2 =	sadd.s32 s2, s16  }
0x8e: {  	[smem:$0x3FB9] =	sst s2  }
0x8f: {  	_ = 	snop  }
0x90: {  	(tm) =	ssettm $0x1  }
0x91: {  	s17 =	sld [smem:$0x3FFB];
	_ =	sdelay $0x3  }
0x92: {  	_ =	strace s17  }
0x93: {  	s2 =	sld [smem:$0x3FFC];
	_ =	sdelay $0x3  }
0x94: {  	_ =	strace s2  }
0x95: {  	s2 =	sld [smem:$0x3FFD];
	_ =	sdelay $0x3  }
0x96: {  	_ =	strace s2  }
0x97: {  	_ =	strace $0x8FFFFFFF  }
0x98: {  	s18 =	sld [smem:$0x3FDB];
	_ =	sdelay $0x1  }
0x99: {  	s19 =	simm.s32 $_scs_section_size  }
0x9a: {  	s4 =	simm.s32 $_size__tile_overlayer_lowered;
	s5 =	simm.s32 $_tile_overlayer_lowered  }
0x9b: {  	s22 =	simm.s32 $0x1BFF;
	s21 =	sshll.u32 s5, $0x1;
	s2 =	sadd.s32 s19, s18  }
0x9c: {  	s6 =	simm.s32 $0x0;
	s20 =	sshll.u32 s4, $0x1;
	s4 =	sadd.s32 s21, s2  }
0x9d: {  	[timem:s6], [sflag:s22] =	dma.local [hbm:s4], s20  }
0x9e: {  	_ =	swait.ge [sflag:s22], s20  }
0x9f: {  	s3 =	ssub.s32 $0x0, s20;
	[sflag:s22] =	ssyncset.done $0x0  }
0xa0: {  	[sflag:s22] =	ssyncadd.s32 s3;
	_ =	sdelay $0x1  }
0xa1: {  	s23 =	simm.s32 $0x1B8B  }
0xa2: {  	_ =	swait.ge [sflag:s23], $0x1  }
0xa3: {  	[sflag:s23] =	ssyncset.done $0x0  }
0xa4: {  	s25 =	simm.s32 $0x1B8E;
	s24 =	sld [smem:$0x3FFE];
	[sflag:s23] =	ssyncadd.s32 $0xFFFFFFFF  }
0xa5: {  	s26 =	simm.s32 $execute0_lowered;
	[smem:$0x3FD2] =	sst s25  }
0xa6: {  	s4 =	sshll.u32 s26, $0x1;
	_ =	strace $0x8000004F;
	[dreg:$0x1] =	wrdreg $0xFFFFFFFF  }
0xa7: {  	s28 =	simm.s32 $_size_execute0_lowered;
	s2 =	sadd.s32 s2, s4;
	[dreg:$0x0] =	wrdreg $0x0  }
0xa8: {  	s4 =	sshll.u32 s28, $0x1;
	[dreg:$0x2] =	wrdreg s2  }
0xa9: {  	[dreg:$0x3] =	wrdreg s4  }
0xaa: {  	[dreg:$0x4] =	wrdreg $0xC0  }
0xab: {  	_ =	task [dreg:s6], $0x5FFFF  }
0xac: {  	[dreg:$0x1] =	wrdreg $0xFFFFFFFF  }
0xad: {  	[dreg:$0x0] =	wrdreg $0x60  }
0xae: {  	[dreg:$0x2] =	wrdreg s24  }
0xaf: {  	[dreg:$0x3] =	wrdreg $0x91000  }
0xb0: {  	[dreg:$0x4] =	wrdreg $0x9  }
0xb1: {  	_ =	task.clear_ibuf [dreg:s6], $0x5FFFF;
	_ =	strace $0x9000004F  }
0xb2: {  	s29 =	simm.s32 $0x9;
	_ =	strace $0x80000051  }
0xb3: {  	_ =	swait.ge [sflag:s29], $0x1  }
0xb4: {  	[sflag:s29] =	ssyncadd.s32 $0xFFFFFFFF  }
0xb5: {  	_ =	strace $0x90000051  }
0xb6: {  	_ =	sfence  }
0xb7: {  	s30 =	sld [smem:$0x0];
	_ =	sdelay $0x2  }
0xb8: {  	s31 =	sshll.u32 s1, $0xD;
	s1 =	sshrl.u32 s1, $0x2  }
0xb9: {  	s3 =	sand.u32 $0x4000, s31;
	s1 =	sadd.s32 s1, s30  }
0xba: {  	s0 =	sor.u32 s3, s0;
	s1 =	sshll.u32 s1, $0x11  }
0xbb: {  	s0 =	sor.u32 s1, s0  }
0xbc: {  	s0 =	sadd.s32 $0x8F2B, s0  }
0xbd: {  	[sflag:s0] =	ssyncadd.remote.s32 $0x1  }
0xbe: {  	_ =	sfence.sel $0xFFFF  }
0xbf: {  	[dreg:$0x0] =	wrdreg $0xFFFFFFFF;
	(pc) =	sbr.abs _section_cstart, $3  }
0xc0: {  	[dreg:$0x1] =	wrdreg $0xFFFFFFFF  }
0xc1: {  	_ =	task.clear_ibuf [dreg:s6], $0x2FFFF;
	_ =	strace $0x9FFFFFFF  }
0xc2: {  	(tm) =	ssettm $0x7FFFFFFF  }
0xc3: {  	_ =	shalt  }
tec
execute0_lowered:
.L_overlay_start_1:
0x0: {  	(tag) =	ssettag $0x1  }
0x1: {  	s0 =	rddreg [dreg:$0x0]  }
0x2: {  	s1 =	rddreg [dreg:$0x1]  }
0x3: {  	s2 =	srdreg.scid;
	s3 =	simm.s32 $0x0;
	s13 =	stileid.u32  }
0x4: {  	s11 =	simm.s32 $0x100;
	s12 =	simm.s32 $0x480;
	s14 =	simm.s32 $0x180  }
0x5: {  	s15 =	simm.s32 $0x500;
	s17 =	simm.s32 $0x200;
	s19 =	simm.s32 $0x580  }
0x6: {  	s21 =	simm.s32 $0x280;
	s28 =	simm.s32 $0x2;
	[smem:$0x7FF] =	sst s3  }
0x7: {  	s29 =	simm.s32 $0xE80;
	_ =	strace $0x80000050;
	[dreg:$0x3] =	wrdreg s11  }
0x8: {  	s30 =	simm.s32 $0xB80;
	s31 =	simm.s32 $0xF00;
	[dreg:$0x4] =	wrdreg s12  }
0x9: {  	s2 =	sand.u32 $0x1, s2;
	s6 =	smul.u32 $0x14000, s13;
	[dreg:$0x5] =	wrdreg s14  }
0xa: {  	s4 =	sadd.s32 $0x53A00, s0;
	s7 =	smul.u32 $0x50000, s13;
	[dreg:$0x6] =	wrdreg s15  }
0xb: {  	s8 =	sadd.s32 $0x22A00, s0;
	s26 =	smul.u32 $0x900, s13;
	[dreg:$0x7] =	wrdreg s17  }
0xc: {  	s9 =	sadd.s32 $0x18C00, s0;
	s5 =	smul.u32 $0x140000, s2;
	[dreg:$0x8] =	wrdreg s19  }
0xd: {  	s23 =	ssub.s32 $0x2, s2;
	[dreg:$0x9] =	wrdreg s21;
	s11 =	simm.s32 $0x680  }
0xe: {  	p0 =	seq.s32 s2, $0x1;
	s12 =	simm.s32 $0x380;
	[dreg:$0xc] =	wrdreg s11  }
0xf: {  	s15 =	simm.s32 $0x700;
	s17 =	simm.s32 $0x880;
	[dreg:$0xd] =	wrdreg s12  }
0x10: {  	s19 =	simm.s32 $0xC80;
	s21 =	simm.s32 $0xD00;
	[dreg:$0xe] =	wrdreg s15  }
0x11: {  	s24 =	sshrl.u32 s23, $0x1;
	s25 =	sshrl.u32 s7, $0x2;
	[dreg:$0x10] =	wrdreg s17  }
0x12: {  	s7 =	sadd.s32 s9, s26;
	s17 =	simm.s32 $0x4;
	[dreg:$0x12] =	wrdreg s19  }
0x13: {  	s19 =	simm.s32 $0x1080;
	[dreg:$0x14] =	wrdreg s21;
	s21 =	simm.s32 $0x1  }
0x14: {  	s5 =	sadd.s32 s6, s5;
	s10 =	ssub.s32 s23, s24;
	s6 =	sadd.s32 s8, s26  }
0x15: {  	s23 =	simm.s32 $0x600;
	s24 =	smul.u32 $0xE0, s13;
	s5 =	sshrl.u32 s5, $0x3  }
0x16: {  	s16 =	smax.u32 s10, $0x1;
	[dreg:$0xa] =	wrdreg s23;
	s23 =	simm.s32 $0xD80  }
0x17: {  	s0 =	sadd.s32 s5, s0;
	s5 =	sadd.s32 s25, s1;
	[dreg:$0x1b] =	wrdreg s16  }
0x18: {  	s25 =	simm.s32 $0x300;
	s8 =	sadd.s32 s24, s8;
	[dreg:$0x16] =	wrdreg s23  }
0x19: {  	s2 =	sadd.s32 s24, s9;
	s16 =	simm.s32 $0x780;
	[dreg:$0xb] =	wrdreg s25  }
0x1a: {  	s24 =	simm.s32 $0xA80;
	s23 =	simm.s32 $0x3;
	[dreg:$0xf] =	wrdreg s16  }
0x1b: {  	s0 =	sadd.s32 $0xA1E00, s0;
	s18 =	sadd.s32 $0x4000, s5;
	[dreg:$0x17] =	wrdreg s24  }
0x1c: {  	s20 =	sadd.s32 $0x8000, s5;
	s22 =	sadd.s32 $0xC000, s5;
	[dreg:$0x1a] =	wrdreg s0  }
0x1d: {  	s26 =	sadd.s32 $0x10000, s5;
	s14 =	sadd.s32 $0x9000, s8;
	[dreg:$0x1c] =	wrdreg s18  }
0x1e: {  	s15 =	sadd.s32 $0x9000, s2;
	s16 =	simm.s32 $0x1100;
	[dreg:$0x1d] =	wrdreg s20  }
0x1f: {  	s25 =	simm.s32 $0xE00;
	s24 =	simm.s32 $0x800;
	[dreg:$0x1e] =	wrdreg s22  }
0x20: {  	s2 =	simm.s32 $0x0;
	[dreg:$0x1f] =	wrdreg s26;
	s18 =	simm.s32 $0x900  }
.Ltmp0:
0x21: {  	s20 =	simm.s32 $0x980;
	[dreg:$0x18] =	wrdreg s25;
	(pc) =	sbr.rel .LBB2_1-.Ltmp0, $4  }
0x22: {  	s22 =	simm.s32 $0xA00;
	s26 =	simm.s32 $0xB00;
	[dreg:$0x11] =	wrdreg s18  }
0x23: {  	s25 =	simm.s32 $0xC00;
	s0 =	simm.s32 $0xF80;
	[dreg:$0x13] =	wrdreg s20  }
0x24: {  	s18 =	simm.s32 $0x1000;
	s20 =	simm.s32 $0x80;
	[dreg:$0x15] =	wrdreg s22  }
0x25: {  	v0 =	vimm.f32 $0.0e+00;
	s22 =	simm.s32 $0x400;
	[dreg:$0x19] =	wrdreg s26;
	s26 =	simm.s32 $0x5100  }
.LBB2_6:
0x26: {  	s9 =	sadd.s32 s8, s6  }
0x27: {  	[sflag:s28] =	ssyncadd.s32 $0xFFFFC000;
	s10 =	sadd.s32 s8, s7;
	s9 =	sadd.s32 $0x80, s9  }
0x28: {  	[tilespmem:s24], [sflag:$0x3] =	stream.linear.gather [hbm4b:s9+s3], $0x400, $0x38;
	[tilespmem:$0x1D100] =	vst v63  }
0x29: {  	s10 =	sadd.s32 $0x80, s10  }
0x2a: {  	[tilespmem:s25], [sflag:$0x3] =	stream.linear.gather [hbm4b:s10+s3], $0x400, $0x38;
	[tilespmem:$0x1D100] =	vst v63  }
0x2b: {  	_ = 	snop  }
0x2c: {  	[tilespmem:s26], [sflag:$0x1] =	stream.indirect.gather [hbm4b:s4+s20], $0x80, s20, s20, $0xb8;
	[tilespmem:$0x1D100] =	vst v63  }
0x2d: {  	_ =	swait.ge [sflag:s21], $0x4000  }
0x2e: {  	[sflag:s21] =	ssyncset.done $0x0  }
0x2f: {  	[sflag:s21] =	ssyncadd.s32 $0xFFFFC000  }
0x30: {  	[spmem:s1] =	stream.indirect.scatter.add.f32 [tilespmem:s16], [sflag:$0x2], $0x80, s22, s20, $0xb8;
	[tilespmem:$0x1D100] =	vst v63  }
0x31: {  	_ =	swait.ge [sflag:s21], $0x4000  }
0x32: {  	[sflag:s21] =	ssyncset.done $0x0  }
0x33: {  	[sflag:s21] =	ssyncadd.s32 $0xFFFFC000  }
0x34: {  	_ =	swait.ge [sflag:s28], $0x4000  }
0x35: {  	[sflag:s28] =	ssyncset.done $0x0  }
0x36: {  	s11 =	rddreg [dreg:$0x3];
	[sflag:s28] =	ssyncadd.s32 $0xFFFFC000  }
0x37: {  	[tilespmem:s16], [sflag:$0x1] =	stream.indirect.gather [hbm4b:s4+s20], $0x80, s11, s20, $0xb8;
	[tilespmem:$0x1D100] =	vst v63  }
0x38: {  	s12 =	rddreg [dreg:$0x4]  }
0x39: {  	[spmem:s1] =	stream.indirect.scatter.add.f32 [tilespmem:s26], [sflag:$0x2], $0x80, s12, s20, $0xb8;
	[tilespmem:$0x1D100] =	vst v63  }
0x3a: {  	_ =	swait.ge [sflag:s28], $0x4000  }
0x3b: {  	[sflag:s28] =	ssyncset.done $0x0  }
0x3c: {  	s13 =	rddreg [dreg:$0x5];
	[sflag:s28] =	ssyncadd.s32 $0xFFFFC000  }
0x3d: {  	[tilespmem:s26], [sflag:$0x1] =	stream.indirect.gather [hbm4b:s4+s20], $0x80, s13, s20, $0xb8;
	[tilespmem:$0x1D100] =	vst v63  }
0x3e: {  	_ =	swait.ge [sflag:s21], $0x4000  }
0x3f: {  	[sflag:s21] =	ssyncset.done $0x0  }
0x40: {  	s10 =	rddreg [dreg:$0x6];
	[sflag:s21] =	ssyncadd.s32 $0xFFFFC000  }
0x41: {  	[spmem:s1] =	stream.indirect.scatter.add.f32 [tilespmem:s16], [sflag:$0x2], $0x80, s10, s20, $0xb8;
	[tilespmem:$0x1D100] =	vst v63  }
0x42: {  	_ =	swait.ge [sflag:s21], $0x4000  }
0x43: {  	[sflag:s21] =	ssyncset.done $0x0  }
0x44: {  	[sflag:s21] =	ssyncadd.s32 $0xFFFFC000  }
0x45: {  	_ =	swait.ge [sflag:s28], $0x4000  }
0x46: {  	[sflag:s28] =	ssyncset.done $0x0  }
0x47: {  	s11 =	rddreg [dreg:$0x7];
	[sflag:s28] =	ssyncadd.s32 $0xFFFFC000  }
0x48: {  	[tilespmem:s16], [sflag:$0x1] =	stream.indirect.gather [hbm4b:s4+s20], $0x80, s11, s20, $0xb8;
	[tilespmem:$0x1D100] =	vst v63  }
0x49: {  	s12 =	rddreg [dreg:$0x8]  }
0x4a: {  	[spmem:s1] =	stream.indirect.scatter.add.f32 [tilespmem:s26], [sflag:$0x2], $0x80, s12, s20, $0xb8;
	[tilespmem:$0x1D100] =	vst v63  }
0x4b: {  	_ =	swait.ge [sflag:s28], $0x4000  }
0x4c: {  	[sflag:s28] =	ssyncset.done $0x0  }
0x4d: {  	s13 =	rddreg [dreg:$0x9];
	[sflag:s28] =	ssyncadd.s32 $0xFFFFC000  }
0x4e: {  	[tilespmem:s26], [sflag:$0x1] =	stream.indirect.gather [hbm4b:s4+s20], $0x80, s13, s20, $0xb8;
	[tilespmem:$0x1D100] =	vst v63  }
0x4f: {  	_ =	swait.ge [sflag:s21], $0x4000  }
0x50: {  	[sflag:s21] =	ssyncset.done $0x0  }
0x51: {  	s10 =	rddreg [dreg:$0xa];
	[sflag:s21] =	ssyncadd.s32 $0xFFFFC000  }
0x52: {  	[spmem:s1] =	stream.indirect.scatter.add.f32 [tilespmem:s16], [sflag:$0x2], $0x80, s10, s20, $0xb8;
	[tilespmem:$0x1D100] =	vst v63  }
0x53: {  	_ =	swait.ge [sflag:s21], $0x4000  }
0x54: {  	[sflag:s21] =	ssyncset.done $0x0  }
0x55: {  	[sflag:s21] =	ssyncadd.s32 $0xFFFFC000  }
0x56: {  	_ =	swait.ge [sflag:s28], $0x4000  }
0x57: {  	[sflag:s28] =	ssyncset.done $0x0  }
0x58: {  	s11 =	rddreg [dreg:$0xb];
	[sflag:s28] =	ssyncadd.s32 $0xFFFFC000  }
0x59: {  	[tilespmem:s16], [sflag:$0x1] =	stream.indirect.gather [hbm4b:s4+s20], $0x80, s11, s20, $0xb8;
	[tilespmem:$0x1D100] =	vst v63  }
0x5a: {  	s12 =	rddreg [dreg:$0xc]  }
0x5b: {  	[spmem:s1] =	stream.indirect.scatter.add.f32 [tilespmem:s26], [sflag:$0x2], $0x80, s12, s20, $0xb8;
	[tilespmem:$0x1D100] =	vst v63  }
0x5c: {  	_ =	swait.ge [sflag:s28], $0x4000  }
0x5d: {  	[sflag:s28] =	ssyncset.done $0x0  }
0x5e: {  	s13 =	rddreg [dreg:$0xd];
	[sflag:s28] =	ssyncadd.s32 $0xFFFFC000  }
0x5f: {  	[tilespmem:s26], [sflag:$0x1] =	stream.indirect.gather [hbm4b:s4+s20], $0x80, s13, s20, $0xb8;
	[tilespmem:$0x1D100] =	vst v63  }
0x60: {  	_ =	swait.ge [sflag:s21], $0x4000  }
0x61: {  	[sflag:s21] =	ssyncset.done $0x0  }
0x62: {  	s10 =	rddreg [dreg:$0xe];
	[sflag:s21] =	ssyncadd.s32 $0xFFFFC000  }
0x63: {  	[spmem:s1] =	stream.indirect.scatter.add.f32 [tilespmem:s16], [sflag:$0x2], $0x80, s10, s20, $0xb8;
	[tilespmem:$0x1D100] =	vst v63  }
0x64: {  	_ =	swait.ge [sflag:s21], $0x4000  }
0x65: {  	[sflag:s21] =	ssyncset.done $0x0  }
0x66: {  	[sflag:s21] =	ssyncadd.s32 $0xFFFFC000  }
0x67: {  	_ =	swait.ge [sflag:s28], $0x4000  }
0x68: {  	[sflag:s28] =	ssyncset.done $0x0  }
0x69: {  	[sflag:s28] =	ssyncadd.s32 $0xFFFFC000  }
0x6a: {  	_ =	swait.ge [sflag:s23], $0x400  }
0x6b: {  	[sflag:s23] =	ssyncset.done $0x0  }
0x6c: {  	[sflag:s23] =	ssyncadd.s32 $0xFFFFFC00  }
0x6d: {  	_ =	swait.ge [sflag:s23], $0x400  }
0x6e: {  	[sflag:s23] =	ssyncset.done $0x0  }
0x6f: {  	[sflag:s23] =	ssyncadd.s32 $0xFFFFFC00  }
0x70: {  	[tilespmem:s16], [sflag:$0x1] =	stream.indirect.gather [hbm4b:s4+s20], $0x80, s24, s20, $0xb8;
	[tilespmem:$0x1D100] =	vst v63  }
0x71: {  	p1 =	seq.s32 s8, $0x800;
	s11 =	rddreg [dreg:$0xf]  }
0x72: {  	[spmem:s1] =	stream.indirect.scatter.add.f32 [tilespmem:s26], [sflag:$0x2], $0x80, s11, s20, $0xb8;
	[tilespmem:$0x1D100] =	vst v63  }
0x73: {  	s9 =	sadd.s32 @!p1 s8, s6;
	_ =	swait.ge [sflag:s28], $0x4000  }
0x74: {  	s9 =	sadd.s32 @!p1 $0x100, s9;
	[sflag:s28] =	ssyncset.done $0x0  }
0x75: {  	s10 =	sadd.s32 @!p1 s8, s7;
	s8 =	simm.s32 @!p1 $0x0;
	[sflag:s28] =	ssyncadd.s32 $0xFFFFC000  }
0x76: {  	[tilespmem:s8], [sflag:$0x3] =	stream.linear.gather @!p1 [hbm4b:s9+s8], $0x400, $0x38;
	[tilespmem:$0x1D100] =	vst v63  }
0x77: {  	s9 =	sadd.s32 @!p1 $0x100, s10;
	s10 =	simm.s32 @!p1 $0x400  }
0x78: {  	[tilespmem:s10], [sflag:$0x3] =	stream.linear.gather @!p1 [hbm4b:s9+s8], $0x400, $0x38;
	[tilespmem:$0x1D100] =	vst v63  }
0x79: {  	s11 =	rddreg [dreg:$0x10]  }
0x7a: {  	[tilespmem:s26], [sflag:$0x1] =	stream.indirect.gather [hbm4b:s4+s20], $0x80, s11, s20, $0xb8;
	[tilespmem:$0x1D100] =	vst v63  }
0x7b: {  	_ =	swait.ge [sflag:s21], $0x4000  }
0x7c: {  	[sflag:s21] =	ssyncset.done $0x0  }
0x7d: {  	[sflag:s21] =	ssyncadd.s32 $0xFFFFC000  }
0x7e: {  	[spmem:s1] =	stream.indirect.scatter.add.f32 [tilespmem:s16], [sflag:$0x2], $0x80, s25, s20, $0xb8;
	[tilespmem:$0x1D100] =	vst v63  }
0x7f: {  	_ =	swait.ge [sflag:s21], $0x4000  }
0x80: {  	[sflag:s21] =	ssyncset.done $0x0  }
0x81: {  	[sflag:s21] =	ssyncadd.s32 $0xFFFFC000  }
0x82: {  	_ =	swait.ge [sflag:s28], $0x4000  }
0x83: {  	[sflag:s28] =	ssyncset.done $0x0  }
0x84: {  	s12 =	rddreg [dreg:$0x11];
	[sflag:s28] =	ssyncadd.s32 $0xFFFFC000  }
0x85: {  	[tilespmem:s16], [sflag:$0x1] =	stream.indirect.gather [hbm4b:s4+s20], $0x80, s12, s20, $0xb8;
	[tilespmem:$0x1D100] =	vst v63  }
0x86: {  	s13 =	rddreg [dreg:$0x12]  }
0x87: {  	[spmem:s1] =	stream.indirect.scatter.add.f32 [tilespmem:s26], [sflag:$0x2], $0x80, s13, s20, $0xb8;
	[tilespmem:$0x1D100] =	vst v63  }
0x88: {  	_ =	swait.ge [sflag:s28], $0x4000  }
0x89: {  	[sflag:s28] =	ssyncset.done $0x0  }
0x8a: {  	s10 =	rddreg [dreg:$0x13];
	[sflag:s28] =	ssyncadd.s32 $0xFFFFC000  }
0x8b: {  	[tilespmem:s26], [sflag:$0x1] =	stream.indirect.gather [hbm4b:s4+s20], $0x80, s10, s20, $0xb8;
	[tilespmem:$0x1D100] =	vst v63  }
0x8c: {  	_ =	swait.ge [sflag:s21], $0x4000  }
0x8d: {  	[sflag:s21] =	ssyncset.done $0x0  }
0x8e: {  	s11 =	rddreg [dreg:$0x14];
	[sflag:s21] =	ssyncadd.s32 $0xFFFFC000  }
0x8f: {  	[spmem:s1] =	stream.indirect.scatter.add.f32 [tilespmem:s16], [sflag:$0x2], $0x80, s11, s20, $0xb8;
	[tilespmem:$0x1D100] =	vst v63  }
0x90: {  	_ =	swait.ge [sflag:s21], $0x4000  }
0x91: {  	[sflag:s21] =	ssyncset.done $0x0  }
0x92: {  	[sflag:s21] =	ssyncadd.s32 $0xFFFFC000  }
0x93: {  	_ =	swait.ge [sflag:s28], $0x4000  }
0x94: {  	[sflag:s28] =	ssyncset.done $0x0  }
0x95: {  	s12 =	rddreg [dreg:$0x15];
	[sflag:s28] =	ssyncadd.s32 $0xFFFFC000  }
0x96: {  	[tilespmem:s16], [sflag:$0x1] =	stream.indirect.gather [hbm4b:s4+s20], $0x80, s12, s20, $0xb8;
	[tilespmem:$0x1D100] =	vst v63  }
0x97: {  	s13 =	rddreg [dreg:$0x16]  }
0x98: {  	[spmem:s1] =	stream.indirect.scatter.add.f32 [tilespmem:s26], [sflag:$0x2], $0x80, s13, s20, $0xb8;
	[tilespmem:$0x1D100] =	vst v63  }
0x99: {  	_ =	swait.ge [sflag:s28], $0x4000  }
0x9a: {  	[sflag:s28] =	ssyncset.done $0x0  }
0x9b: {  	s11 =	rddreg [dreg:$0x17];
	[sflag:s28] =	ssyncadd.s32 $0xFFFFC000  }
0x9c: {  	[tilespmem:s26], [sflag:$0x1] =	stream.indirect.gather [hbm4b:s4+s20], $0x80, s11, s20, $0xb8;
	[tilespmem:$0x1D100] =	vst v63  }
0x9d: {  	_ =	swait.ge [sflag:s21], $0x4000  }
0x9e: {  	[sflag:s21] =	ssyncset.done $0x0  }
0x9f: {  	s12 =	rddreg [dreg:$0x18];
	[sflag:s21] =	ssyncadd.s32 $0xFFFFC000  }
0xa0: {  	[spmem:s1] =	stream.indirect.scatter.add.f32 [tilespmem:s16], [sflag:$0x2], $0x80, s12, s20, $0xb8;
	[tilespmem:$0x1D100] =	vst v63  }
0xa1: {  	_ =	swait.ge [sflag:s21], $0x4000  }
0xa2: {  	[sflag:s21] =	ssyncset.done $0x0  }
0xa3: {  	[sflag:s21] =	ssyncadd.s32 $0xFFFFC000  }
0xa4: {  	_ =	swait.ge [sflag:s28], $0x4000  }
0xa5: {  	[sflag:s28] =	ssyncset.done $0x0  }
0xa6: {  	s13 =	rddreg [dreg:$0x19];
	[sflag:s28] =	ssyncadd.s32 $0xFFFFC000  }
0xa7: {  	[tilespmem:s16], [sflag:$0x1] =	stream.indirect.gather [hbm4b:s4+s20], $0x80, s13, s20, $0xb8;
	[tilespmem:$0x1D100] =	vst v63  }
0xa8: {  	_ = 	snop  }
0xa9: {  	[spmem:s1] =	stream.indirect.scatter.add.f32 [tilespmem:s26], [sflag:$0x2], $0x80, s29, s20, $0xb8;
	[tilespmem:$0x1D100] =	vst v63  }
0xaa: {  	_ =	swait.ge [sflag:s28], $0x4000  }
0xab: {  	[sflag:s28] =	ssyncset.done $0x0  }
0xac: {  	[sflag:s28] =	ssyncadd.s32 $0xFFFFC000  }
0xad: {  	[tilespmem:s26], [sflag:$0x1] =	stream.indirect.gather [hbm4b:s4+s20], $0x80, s30, s20, $0xb8;
	[tilespmem:$0x1D100] =	vst v63  }
0xae: {  	_ =	swait.ge [sflag:s21], $0x4000  }
0xaf: {  	[sflag:s21] =	ssyncset.done $0x0  }
0xb0: {  	[sflag:s21] =	ssyncadd.s32 $0xFFFFC000  }
0xb1: {  	[spmem:s1] =	stream.indirect.scatter.add.f32 [tilespmem:s16], [sflag:$0x2], $0x80, s31, s20, $0xb8;
	[tilespmem:$0x1D100] =	vst v63  }
0xb2: {  	_ =	swait.ge [sflag:s21], $0x4000  }
0xb3: {  	[sflag:s21] =	ssyncset.done $0x0  }
0xb4: {  	[sflag:s21] =	ssyncadd.s32 $0xFFFFC000  }
0xb5: {  	_ =	swait.ge [sflag:s28], $0x4000  }
0xb6: {  	[sflag:s28] =	ssyncset.done $0x0  }
0xb7: {  	s9 =	simm.s32 @!p1 $0x3;
	[sflag:s28] =	ssyncadd.s32 $0xFFFFC000  }
0xb8: {  	_ =	swait.ge @!p1 [sflag:s9], $0x400  }
0xb9: {  	[sflag:s9] =	ssyncset.done @!p1 $0x0  }
0xba: {  	[sflag:s9] =	ssyncadd.s32 @!p1 $0xFFFFFC00  }
0xbb: {  	_ =	swait.ge @!p1 [sflag:s9], $0x400  }
0xbc: {  	[sflag:s9] =	ssyncset.done @!p1 $0x0  }
0xbd: {  	s10 =	simm.s32 @!p1 $0x1100;
	[sflag:s9] =	ssyncadd.s32 @!p1 $0xFFFFFC00;
	s9 =	simm.s32 @!p1 $0x80  }
0xbe: {  	[tilespmem:s10], [sflag:$0x1] =	stream.indirect.gather @!p1 [hbm4b:s4+s9], $0x80, s8, s9, $0xb8;
	[tilespmem:$0x1D100] =	vst v63  }
0xbf: {  	_ = 	snop  }
0xc0: {  	[spmem:s1] =	stream.indirect.scatter.add.f32 [tilespmem:s26], [sflag:$0x2], $0x80, s0, s20, $0xb8;
	[tilespmem:$0x1D100] =	vst v63  }
0xc1: {  	_ =	swait.ge [sflag:s28], $0x4000  }
0xc2: {  	[sflag:s28] =	ssyncset.done $0x0  }
0xc3: {  	s13 =	stileid.u32;
	[sflag:s28] =	ssyncadd.s32 $0xFFFFC000  }
.LBB2_10:
0xc4: {  	s8 =	sshll.u32 s13, $0x6;
	[bflag:$0x0] =	sbarrier.arrive $0xFFFF  }
0xc5: {  	s9 =	sshrl.u32 s5, $0x3;
	s8 =	sor.u32 $0x1C04, s8;
	s10 =	rddreg [dreg:$0x1a]  }
0xc6: {  	[hbm:s10], [sflag:s8] =	dma.local [spmem:s9], $0x2800  }
0xc7: {  	_ =	swait.ge [sflag:s17], $0x2800  }
0xc8: {  	s2 =	sadd.s32 $0x1, s2;
	s12 =	rddreg [dreg:$0x1b]  }
0xc9: {  	p1 =	sne.s32 s2, s12  }
.Ltmp1:
0xca: {  	_ = 	snop;
	(pc) =	sbr.rel @!p1 .LBB2_11-.Ltmp1, $3  }
0xcb: {  	_ =	sdelay $0x1  }
0xcc: {  	[sflag:s17] =	ssyncset.done $0x0  }
0xcd: {  	[sflag:s17] =	ssyncadd.s32 $0xFFFFD800  }
.LBB2_1:
0xce: {  	s8 =	simm.s32 $0x0;
	s9 =	simm.s32 $0x200  }
.LBB2_2:
0xcf: {  	p1 =	sne.s32 s9, $0xFE00;
	[tilespmem:s8+$0x1170] =	vst v0  }
0xd0: {  	[tilespmem:s8+$0x1100] =	vst v0  }
0xd1: {  	[tilespmem:s8+$0x1110] =	vst v0  }
.Ltmp2:
0xd2: {  	[tilespmem:s8+$0x1120] =	vst v0;
	(pc) =	sbr.rel @p1 .LBB2_2-.Ltmp2, $4  }
0xd3: {  	[tilespmem:s8+$0x1130] =	vst v0  }
0xd4: {  	[tilespmem:s8+$0x1140] =	vst v0  }
0xd5: {  	[tilespmem:s8+$0x1150] =	vst v0  }
0xd6: {  	[tilespmem:s8+$0x1160] =	vst v0;
	s8 =	sshra.s32 s9, $0x2;
	s9 =	sadd.s32 $0x200, s9  }
0xd7: {  	[tilespmem:s8+$0x1170] =	vst v0  }
0xd8: {  	[tilespmem:s8+$0x1100] =	vst v0  }
0xd9: {  	[tilespmem:s8+$0x1110] =	vst v0  }
0xda: {  	[tilespmem:s8+$0x1120] =	vst v0  }
0xdb: {  	[tilespmem:s8+$0x1130] =	vst v0  }
0xdc: {  	[tilespmem:s8+$0x1140] =	vst v0  }
0xdd: {  	[tilespmem:s8+$0x1150] =	vst v0  }
0xde: {  	[tilespmem:s8+$0x1160] =	vst v0  }
0xdf: {  	[spmem:s5] =	stream.linear.scatter [tilespmem:s16], [sflag:$0x4], $0x4000, $0x38;
	[tilespmem:$0x1D100] =	vst v63  }
0xe0: {  	_ =	swait.ge [sflag:s17], $0x4000  }
0xe1: {  	[sflag:s17] =	ssyncset.done $0x0  }
0xe2: {  	s9 =	rddreg [dreg:$0x1c];
	[sflag:s17] =	ssyncadd.s32 $0xFFFFC000  }
0xe3: {  	[spmem:s9] =	stream.linear.scatter [tilespmem:s16], [sflag:$0x4], $0x4000, $0x38;
	[tilespmem:$0x1D100] =	vst v63  }
0xe4: {  	_ =	swait.ge [sflag:s17], $0x4000  }
0xe5: {  	[sflag:s17] =	ssyncset.done $0x0  }
0xe6: {  	s10 =	rddreg [dreg:$0x1d];
	[sflag:s17] =	ssyncadd.s32 $0xFFFFC000  }
0xe7: {  	[spmem:s10] =	stream.linear.scatter [tilespmem:s16], [sflag:$0x4], $0x4000, $0x38;
	[tilespmem:$0x1D100] =	vst v63  }
0xe8: {  	_ =	swait.ge [sflag:s17], $0x4000  }
0xe9: {  	[sflag:s17] =	ssyncset.done $0x0  }
0xea: {  	s11 =	rddreg [dreg:$0x1e];
	[sflag:s17] =	ssyncadd.s32 $0xFFFFC000  }
0xeb: {  	[spmem:s11] =	stream.linear.scatter [tilespmem:s16], [sflag:$0x4], $0x4000, $0x38;
	[tilespmem:$0x1D100] =	vst v63  }
0xec: {  	_ =	swait.ge [sflag:s17], $0x4000  }
0xed: {  	[sflag:s17] =	ssyncset.done $0x0  }
0xee: {  	s12 =	rddreg [dreg:$0x1f];
	[sflag:s17] =	ssyncadd.s32 $0xFFFFC000  }
0xef: {  	[spmem:s12] =	stream.linear.scatter [tilespmem:s16], [sflag:$0x4], $0x4000, $0x38;
	[tilespmem:$0x1D100] =	vst v63  }
.Ltmp3:
0xf0: {  	_ =	swait.ge [sflag:s17], $0x4000;
	(pc) =	sbr.rel @!p0 .LBB2_4-.Ltmp3, $4  }
0xf1: {  	[sflag:s17] =	ssyncset.done $0x0  }
0xf2: {  	[sflag:s17] =	ssyncadd.s32 $0xFFFFC000  }
0xf3: {  	[bflag:$0x0] =	sbarrier.arrive $0xFFFF  }
0xf4: {  	s8 =	simm.s32 $0x0  }
0xf5: {  	s8 =	sadd.s32 $0x0, s14  }
0xf6: {  	[tilespmem:s18], [sflag:$0x4] =	stream.linear.gather [hbm4b:s8+s3], $0x80, $0x38;
	[tilespmem:$0x1D100] =	vst v63  }
0xf7: {  	_ =	swait.ge [sflag:s17], $0x80  }
0xf8: {  	[sflag:s17] =	ssyncset.done $0x0  }
0xf9: {  	s12 =	sadd.s32 $0x0, s15;
	[sflag:s17] =	ssyncadd.s32 $0xFFFFFF80  }
0xfa: {  	[tilespmem:s19], [sflag:$0x4] =	stream.linear.gather [hbm4b:s12+s3], $0x80, $0x38;
	[tilespmem:$0x1D100] =	vst v63  }
0xfb: {  	_ =	swait.ge [sflag:s17], $0x80  }
0xfc: {  	[sflag:s17] =	ssyncset.done $0x0  }
0xfd: {  	[sflag:s17] =	ssyncadd.s32 $0xFFFFFF80  }
0xfe: {  	[tilespmem:s16], [sflag:$0x1] =	stream.indirect.gather [hbm4b:s4+s20], $0x80, s18, s20, $0xb8;
	[tilespmem:$0x1D100] =	vst v63  }
0xff: {  	_ =	swait.ge [sflag:s21], $0x4000  }
0x100: {  	[sflag:s21] =	ssyncset.done $0x0  }
0x101: {  	[sflag:s21] =	ssyncadd.s32 $0xFFFFC000  }
0x102: {  	[spmem:s1] =	stream.indirect.scatter.add.f32 [tilespmem:s16], [sflag:$0x4], $0x80, s19, s20, $0xb8;
	[tilespmem:$0x1D100] =	vst v63  }
0x103: {  	_ =	swait.ge [sflag:s17], $0x4000  }
0x104: {  	s9 =	simm.s32 $0x20;
	s8 =	simm.s32 $0x10;
	[sflag:s17] =	ssyncset.done $0x0  }
.LBB2_8:
0x105: {  	s10 =	sadd.s32 s8, s14  }
0x106: {  	[sflag:s17] =	ssyncadd.s32 $0xFFFFC000;
	s11 =	smov.u32 s9;
	s12 =	sadd.s32 $0x10, s9  }
0x107: {  	[tilespmem:s18], [sflag:$0x4] =	stream.linear.gather [hbm4b:s10+s3], $0x80, $0x38;
	[tilespmem:$0x1D100] =	vst v63  }
0x108: {  	p1 =	sne.s32 s9, $0xD0;
	_ =	swait.ge [sflag:s17], $0x80  }
0x109: {  	[sflag:s17] =	ssyncset.done $0x0  }
0x10a: {  	s9 =	sadd.s32 s8, s15;
	s8 =	smov.u32 s11;
	[sflag:s17] =	ssyncadd.s32 $0xFFFFFF80  }
0x10b: {  	[tilespmem:s19], [sflag:$0x4] =	stream.linear.gather [hbm4b:s9+s3], $0x80, $0x38;
	[tilespmem:$0x1D100] =	vst v63  }
0x10c: {  	_ =	swait.ge [sflag:s17], $0x80  }
0x10d: {  	[sflag:s17] =	ssyncset.done $0x0  }
0x10e: {  	[sflag:s17] =	ssyncadd.s32 $0xFFFFFF80  }
0x10f: {  	[tilespmem:s16], [sflag:$0x1] =	stream.indirect.gather [hbm4b:s4+s20], $0x80, s18, s20, $0xb8;
	[tilespmem:$0x1D100] =	vst v63  }
0x110: {  	_ =	swait.ge [sflag:s21], $0x4000  }
.Ltmp4:
0x111: {  	[sflag:s21] =	ssyncset.done $0x0;
	(pc) =	sbr.rel @p1 .LBB2_8-.Ltmp4, $4  }
0x112: {  	[sflag:s21] =	ssyncadd.s32 $0xFFFFC000  }
0x113: {  	[spmem:s1] =	stream.indirect.scatter.add.f32 [tilespmem:s16], [sflag:$0x4], $0x80, s19, s20, $0xb8;
	[tilespmem:$0x1D100] =	vst v63  }
0x114: {  	_ =	swait.ge [sflag:s17], $0x4000  }
0x115: {  	s9 =	smov.u32 s12;
	[sflag:s17] =	ssyncset.done $0x0  }
0x116: {  	s9 =	sadd.s32 s8, s14;
	[sflag:s17] =	ssyncadd.s32 $0xFFFFC000  }
0x117: {  	[tilespmem:s18], [sflag:$0x4] =	stream.linear.gather [hbm4b:s9+s3], $0x80, $0x38;
	[tilespmem:$0x1D100] =	vst v63  }
0x118: {  	_ =	swait.ge [sflag:s17], $0x80  }
0x119: {  	[sflag:s17] =	ssyncset.done $0x0  }
0x11a: {  	s12 =	sadd.s32 s8, s15;
	[sflag:s17] =	ssyncadd.s32 $0xFFFFFF80  }
0x11b: {  	[tilespmem:s19], [sflag:$0x4] =	stream.linear.gather [hbm4b:s12+s3], $0x80, $0x38;
	[tilespmem:$0x1D100] =	vst v63  }
0x11c: {  	_ =	swait.ge [sflag:s17], $0x80  }
0x11d: {  	[sflag:s17] =	ssyncset.done $0x0  }
0x11e: {  	[sflag:s17] =	ssyncadd.s32 $0xFFFFFF80  }
0x11f: {  	[tilespmem:s16], [sflag:$0x1] =	stream.indirect.gather [hbm4b:s4+s20], $0x80, s18, s20, $0xb8;
	[tilespmem:$0x1D100] =	vst v63  }
0x120: {  	_ =	swait.ge [sflag:s21], $0x4000  }
0x121: {  	[sflag:s21] =	ssyncset.done $0x0  }
.Ltmp5:
0x122: {  	[sflag:s21] =	ssyncadd.s32 $0xFFFFC000;
	(pc) =	sbr.rel .LBB2_10-.Ltmp5, $4  }
0x123: {  	[spmem:s1] =	stream.indirect.scatter.add.f32 [tilespmem:s16], [sflag:$0x4], $0x80, s19, s20, $0xb8;
	[tilespmem:$0x1D100] =	vst v63  }
0x124: {  	_ =	swait.ge [sflag:s17], $0x4000  }
0x125: {  	[sflag:s17] =	ssyncset.done $0x0  }
0x126: {  	[sflag:s17] =	ssyncadd.s32 $0xFFFFC000  }
.LBB2_4:
0x127: {  	[tilespmem:s8], [sflag:$0x3] =	stream.linear.gather [hbm4b:s6+s8], $0x400, $0x38;
	[tilespmem:$0x1D100] =	vst v63  }
0x128: {  	_ = 	snop  }
0x129: {  	[tilespmem:s22], [sflag:$0x3] =	stream.linear.gather [hbm4b:s7+s8], $0x400, $0x38;
	[tilespmem:$0x1D100] =	vst v63  }
0x12a: {  	_ =	swait.ge [sflag:s23], $0x400  }
0x12b: {  	[sflag:s23] =	ssyncset.done $0x0  }
0x12c: {  	[sflag:s23] =	ssyncadd.s32 $0xFFFFFC00  }
0x12d: {  	_ =	swait.ge [sflag:s23], $0x400  }
0x12e: {  	[sflag:s23] =	ssyncset.done $0x0  }
0x12f: {  	s10 =	sadd.s32 $0x0, s6;
	[sflag:s23] =	ssyncadd.s32 $0xFFFFFC00  }
0x130: {  	[tilespmem:s16], [sflag:$0x1] =	stream.indirect.gather [hbm4b:s4+s20], $0x80, s8, s20, $0xb8;
	[tilespmem:$0x1D100] =	vst v63  }
0x131: {  	s9 =	sadd.s32 $0x0, s7;
	s8 =	sadd.s32 $0x80, s10  }
0x132: {  	[tilespmem:s24], [sflag:$0x3] =	stream.linear.gather [hbm4b:s8+s3], $0x400, $0x38;
	[tilespmem:$0x1D100] =	vst v63  }
0x133: {  	s11 =	sadd.s32 $0x80, s9  }
0x134: {  	[tilespmem:s25], [sflag:$0x3] =	stream.linear.gather [hbm4b:s11+s3], $0x400, $0x38;
	[tilespmem:$0x1D100] =	vst v63  }
0x135: {  	_ = 	snop  }
0x136: {  	[tilespmem:s26], [sflag:$0x1] =	stream.indirect.gather [hbm4b:s4+s20], $0x80, s20, s20, $0xb8;
	[tilespmem:$0x1D100] =	vst v63  }
0x137: {  	_ =	swait.ge [sflag:s21], $0x4000  }
0x138: {  	[sflag:s21] =	ssyncset.done $0x0  }
0x139: {  	[sflag:s21] =	ssyncadd.s32 $0xFFFFC000  }
0x13a: {  	[spmem:s1] =	stream.indirect.scatter.add.f32 [tilespmem:s16], [sflag:$0x2], $0x80, s22, s20, $0xb8;
	[tilespmem:$0x1D100] =	vst v63  }
0x13b: {  	_ =	swait.ge [sflag:s21], $0x4000  }
0x13c: {  	[sflag:s21] =	ssyncset.done $0x0  }
0x13d: {  	[sflag:s21] =	ssyncadd.s32 $0xFFFFC000  }
0x13e: {  	_ =	swait.ge [sflag:s28], $0x4000  }
0x13f: {  	[sflag:s28] =	ssyncset.done $0x0  }
0x140: {  	s12 =	rddreg [dreg:$0x3];
	[sflag:s28] =	ssyncadd.s32 $0xFFFFC000  }
0x141: {  	[tilespmem:s16], [sflag:$0x1] =	stream.indirect.gather [hbm4b:s4+s20], $0x80, s12, s20, $0xb8;
	[tilespmem:$0x1D100] =	vst v63  }
0x142: {  	s13 =	rddreg [dreg:$0x4]  }
0x143: {  	[spmem:s1] =	stream.indirect.scatter.add.f32 [tilespmem:s26], [sflag:$0x2], $0x80, s13, s20, $0xb8;
	[tilespmem:$0x1D100] =	vst v63  }
0x144: {  	_ =	swait.ge [sflag:s28], $0x4000  }
0x145: {  	[sflag:s28] =	ssyncset.done $0x0  }
0x146: {  	s10 =	rddreg [dreg:$0x5];
	[sflag:s28] =	ssyncadd.s32 $0xFFFFC000  }
0x147: {  	[tilespmem:s26], [sflag:$0x1] =	stream.indirect.gather [hbm4b:s4+s20], $0x80, s10, s20, $0xb8;
	[tilespmem:$0x1D100] =	vst v63  }
0x148: {  	_ =	swait.ge [sflag:s21], $0x4000  }
0x149: {  	[sflag:s21] =	ssyncset.done $0x0  }
0x14a: {  	s11 =	rddreg [dreg:$0x6];
	[sflag:s21] =	ssyncadd.s32 $0xFFFFC000  }
0x14b: {  	[spmem:s1] =	stream.indirect.scatter.add.f32 [tilespmem:s16], [sflag:$0x2], $0x80, s11, s20, $0xb8;
	[tilespmem:$0x1D100] =	vst v63  }
0x14c: {  	_ =	swait.ge [sflag:s21], $0x4000  }
0x14d: {  	[sflag:s21] =	ssyncset.done $0x0  }
0x14e: {  	[sflag:s21] =	ssyncadd.s32 $0xFFFFC000  }
0x14f: {  	_ =	swait.ge [sflag:s28], $0x4000  }
0x150: {  	[sflag:s28] =	ssyncset.done $0x0  }
0x151: {  	s12 =	rddreg [dreg:$0x7];
	[sflag:s28] =	ssyncadd.s32 $0xFFFFC000  }
0x152: {  	[tilespmem:s16], [sflag:$0x1] =	stream.indirect.gather [hbm4b:s4+s20], $0x80, s12, s20, $0xb8;
	[tilespmem:$0x1D100] =	vst v63  }
0x153: {  	s13 =	rddreg [dreg:$0x8]  }
0x154: {  	[spmem:s1] =	stream.indirect.scatter.add.f32 [tilespmem:s26], [sflag:$0x2], $0x80, s13, s20, $0xb8;
	[tilespmem:$0x1D100] =	vst v63  }
0x155: {  	_ =	swait.ge [sflag:s28], $0x4000  }
0x156: {  	[sflag:s28] =	ssyncset.done $0x0  }
0x157: {  	s10 =	rddreg [dreg:$0x9];
	[sflag:s28] =	ssyncadd.s32 $0xFFFFC000  }
0x158: {  	[tilespmem:s26], [sflag:$0x1] =	stream.indirect.gather [hbm4b:s4+s20], $0x80, s10, s20, $0xb8;
	[tilespmem:$0x1D100] =	vst v63  }
0x159: {  	_ =	swait.ge [sflag:s21], $0x4000  }
0x15a: {  	[sflag:s21] =	ssyncset.done $0x0  }
0x15b: {  	s11 =	rddreg [dreg:$0xa];
	[sflag:s21] =	ssyncadd.s32 $0xFFFFC000  }
0x15c: {  	[spmem:s1] =	stream.indirect.scatter.add.f32 [tilespmem:s16], [sflag:$0x2], $0x80, s11, s20, $0xb8;
	[tilespmem:$0x1D100] =	vst v63  }
0x15d: {  	_ =	swait.ge [sflag:s21], $0x4000  }
0x15e: {  	[sflag:s21] =	ssyncset.done $0x0  }
0x15f: {  	[sflag:s21] =	ssyncadd.s32 $0xFFFFC000  }
0x160: {  	_ =	swait.ge [sflag:s28], $0x4000  }
0x161: {  	[sflag:s28] =	ssyncset.done $0x0  }
0x162: {  	s12 =	rddreg [dreg:$0xb];
	[sflag:s28] =	ssyncadd.s32 $0xFFFFC000  }
0x163: {  	[tilespmem:s16], [sflag:$0x1] =	stream.indirect.gather [hbm4b:s4+s20], $0x80, s12, s20, $0xb8;
	[tilespmem:$0x1D100] =	vst v63  }
0x164: {  	s13 =	rddreg [dreg:$0xc]  }
0x165: {  	[spmem:s1] =	stream.indirect.scatter.add.f32 [tilespmem:s26], [sflag:$0x2], $0x80, s13, s20, $0xb8;
	[tilespmem:$0x1D100] =	vst v63  }
0x166: {  	_ =	swait.ge [sflag:s28], $0x4000  }
0x167: {  	[sflag:s28] =	ssyncset.done $0x0  }
0x168: {  	s9 =	rddreg [dreg:$0xd];
	[sflag:s28] =	ssyncadd.s32 $0xFFFFC000  }
0x169: {  	[tilespmem:s26], [sflag:$0x1] =	stream.indirect.gather [hbm4b:s4+s20], $0x80, s9, s20, $0xb8;
	[tilespmem:$0x1D100] =	vst v63  }
0x16a: {  	_ =	swait.ge [sflag:s21], $0x4000  }
0x16b: {  	[sflag:s21] =	ssyncset.done $0x0  }
0x16c: {  	s10 =	rddreg [dreg:$0xe];
	[sflag:s21] =	ssyncadd.s32 $0xFFFFC000  }
0x16d: {  	[spmem:s1] =	stream.indirect.scatter.add.f32 [tilespmem:s16], [sflag:$0x2], $0x80, s10, s20, $0xb8;
	[tilespmem:$0x1D100] =	vst v63  }
0x16e: {  	_ =	swait.ge [sflag:s21], $0x4000  }
0x16f: {  	[sflag:s21] =	ssyncset.done $0x0  }
0x170: {  	[sflag:s21] =	ssyncadd.s32 $0xFFFFC000  }
0x171: {  	_ =	swait.ge [sflag:s28], $0x4000  }
0x172: {  	[sflag:s28] =	ssyncset.done $0x0  }
0x173: {  	[sflag:s28] =	ssyncadd.s32 $0xFFFFC000  }
0x174: {  	_ =	swait.ge [sflag:s23], $0x400  }
0x175: {  	[sflag:s23] =	ssyncset.done $0x0  }
0x176: {  	[sflag:s23] =	ssyncadd.s32 $0xFFFFFC00  }
0x177: {  	_ =	swait.ge [sflag:s23], $0x400  }
0x178: {  	[sflag:s23] =	ssyncset.done $0x0  }
0x179: {  	[sflag:s23] =	ssyncadd.s32 $0xFFFFFC00  }
0x17a: {  	[tilespmem:s16], [sflag:$0x1] =	stream.indirect.gather [hbm4b:s4+s20], $0x80, s24, s20, $0xb8;
	[tilespmem:$0x1D100] =	vst v63  }
0x17b: {  	s11 =	rddreg [dreg:$0xf]  }
0x17c: {  	[spmem:s1] =	stream.indirect.scatter.add.f32 [tilespmem:s26], [sflag:$0x2], $0x80, s11, s20, $0xb8;
	[tilespmem:$0x1D100] =	vst v63  }
0x17d: {  	p1 =	por $0x0, $0x0;
	_ =	swait.ge [sflag:s28], $0x4000  }
0x17e: {  	s8 =	sadd.s32 @!p1 $0x0, s6;
	s9 =	sadd.s32 @!p1 $0x0, s7;
	[sflag:s28] =	ssyncset.done $0x0  }
0x17f: {  	s10 =	sadd.s32 @!p1 $0x100, s8;
	s8 =	simm.s32 @!p1 $0x0;
	[sflag:s28] =	ssyncadd.s32 $0xFFFFC000  }
0x180: {  	[tilespmem:s8], [sflag:$0x3] =	stream.linear.gather @!p1 [hbm4b:s10+s8], $0x400, $0x38;
	[tilespmem:$0x1D100] =	vst v63  }
0x181: {  	s9 =	sadd.s32 @!p1 $0x100, s9;
	s10 =	simm.s32 @!p1 $0x400  }
0x182: {  	[tilespmem:s10], [sflag:$0x3] =	stream.linear.gather @!p1 [hbm4b:s9+s8], $0x400, $0x38;
	[tilespmem:$0x1D100] =	vst v63  }
0x183: {  	s11 =	rddreg [dreg:$0x10]  }
0x184: {  	[tilespmem:s26], [sflag:$0x1] =	stream.indirect.gather [hbm4b:s4+s20], $0x80, s11, s20, $0xb8;
	[tilespmem:$0x1D100] =	vst v63  }
0x185: {  	_ =	swait.ge [sflag:s21], $0x4000  }
0x186: {  	[sflag:s21] =	ssyncset.done $0x0  }
0x187: {  	[sflag:s21] =	ssyncadd.s32 $0xFFFFC000  }
0x188: {  	[spmem:s1] =	stream.indirect.scatter.add.f32 [tilespmem:s16], [sflag:$0x2], $0x80, s25, s20, $0xb8;
	[tilespmem:$0x1D100] =	vst v63  }
0x189: {  	_ =	swait.ge [sflag:s21], $0x4000  }
0x18a: {  	[sflag:s21] =	ssyncset.done $0x0  }
0x18b: {  	[sflag:s21] =	ssyncadd.s32 $0xFFFFC000  }
0x18c: {  	_ =	swait.ge [sflag:s28], $0x4000  }
0x18d: {  	[sflag:s28] =	ssyncset.done $0x0  }
0x18e: {  	s12 =	rddreg [dreg:$0x11];
	[sflag:s28] =	ssyncadd.s32 $0xFFFFC000  }
0x18f: {  	[tilespmem:s16], [sflag:$0x1] =	stream.indirect.gather [hbm4b:s4+s20], $0x80, s12, s20, $0xb8;
	[tilespmem:$0x1D100] =	vst v63  }
0x190: {  	s13 =	rddreg [dreg:$0x12]  }
0x191: {  	[spmem:s1] =	stream.indirect.scatter.add.f32 [tilespmem:s26], [sflag:$0x2], $0x80, s13, s20, $0xb8;
	[tilespmem:$0x1D100] =	vst v63  }
0x192: {  	_ =	swait.ge [sflag:s28], $0x4000  }
0x193: {  	[sflag:s28] =	ssyncset.done $0x0  }
0x194: {  	s10 =	rddreg [dreg:$0x13];
	[sflag:s28] =	ssyncadd.s32 $0xFFFFC000  }
0x195: {  	[tilespmem:s26], [sflag:$0x1] =	stream.indirect.gather [hbm4b:s4+s20], $0x80, s10, s20, $0xb8;
	[tilespmem:$0x1D100] =	vst v63  }
0x196: {  	_ =	swait.ge [sflag:s21], $0x4000  }
0x197: {  	[sflag:s21] =	ssyncset.done $0x0  }
0x198: {  	s11 =	rddreg [dreg:$0x14];
	[sflag:s21] =	ssyncadd.s32 $0xFFFFC000  }
0x199: {  	[spmem:s1] =	stream.indirect.scatter.add.f32 [tilespmem:s16], [sflag:$0x2], $0x80, s11, s20, $0xb8;
	[tilespmem:$0x1D100] =	vst v63  }
0x19a: {  	_ =	swait.ge [sflag:s21], $0x4000  }
0x19b: {  	[sflag:s21] =	ssyncset.done $0x0  }
0x19c: {  	[sflag:s21] =	ssyncadd.s32 $0xFFFFC000  }
0x19d: {  	_ =	swait.ge [sflag:s28], $0x4000  }
0x19e: {  	[sflag:s28] =	ssyncset.done $0x0  }
0x19f: {  	s12 =	rddreg [dreg:$0x15];
	[sflag:s28] =	ssyncadd.s32 $0xFFFFC000  }
0x1a0: {  	[tilespmem:s16], [sflag:$0x1] =	stream.indirect.gather [hbm4b:s4+s20], $0x80, s12, s20, $0xb8;
	[tilespmem:$0x1D100] =	vst v63  }
0x1a1: {  	s13 =	rddreg [dreg:$0x16]  }
0x1a2: {  	[spmem:s1] =	stream.indirect.scatter.add.f32 [tilespmem:s26], [sflag:$0x2], $0x80, s13, s20, $0xb8;
	[tilespmem:$0x1D100] =	vst v63  }
0x1a3: {  	_ =	swait.ge [sflag:s28], $0x4000  }
0x1a4: {  	[sflag:s28] =	ssyncset.done $0x0  }
0x1a5: {  	s11 =	rddreg [dreg:$0x17];
	[sflag:s28] =	ssyncadd.s32 $0xFFFFC000  }
0x1a6: {  	[tilespmem:s26], [sflag:$0x1] =	stream.indirect.gather [hbm4b:s4+s20], $0x80, s11, s20, $0xb8;
	[tilespmem:$0x1D100] =	vst v63  }
0x1a7: {  	_ =	swait.ge [sflag:s21], $0x4000  }
0x1a8: {  	[sflag:s21] =	ssyncset.done $0x0  }
0x1a9: {  	s12 =	rddreg [dreg:$0x18];
	[sflag:s21] =	ssyncadd.s32 $0xFFFFC000  }
0x1aa: {  	[spmem:s1] =	stream.indirect.scatter.add.f32 [tilespmem:s16], [sflag:$0x2], $0x80, s12, s20, $0xb8;
	[tilespmem:$0x1D100] =	vst v63  }
0x1ab: {  	_ =	swait.ge [sflag:s21], $0x4000  }
0x1ac: {  	[sflag:s21] =	ssyncset.done $0x0  }
0x1ad: {  	[sflag:s21] =	ssyncadd.s32 $0xFFFFC000  }
0x1ae: {  	_ =	swait.ge [sflag:s28], $0x4000  }
0x1af: {  	[sflag:s28] =	ssyncset.done $0x0  }
0x1b0: {  	s13 =	rddreg [dreg:$0x19];
	[sflag:s28] =	ssyncadd.s32 $0xFFFFC000  }
0x1b1: {  	[tilespmem:s16], [sflag:$0x1] =	stream.indirect.gather [hbm4b:s4+s20], $0x80, s13, s20, $0xb8;
	[tilespmem:$0x1D100] =	vst v63  }
0x1b2: {  	_ = 	snop  }
0x1b3: {  	[spmem:s1] =	stream.indirect.scatter.add.f32 [tilespmem:s26], [sflag:$0x2], $0x80, s29, s20, $0xb8;
	[tilespmem:$0x1D100] =	vst v63  }
0x1b4: {  	_ =	swait.ge [sflag:s28], $0x4000  }
0x1b5: {  	[sflag:s28] =	ssyncset.done $0x0  }
0x1b6: {  	[sflag:s28] =	ssyncadd.s32 $0xFFFFC000  }
0x1b7: {  	[tilespmem:s26], [sflag:$0x1] =	stream.indirect.gather [hbm4b:s4+s20], $0x80, s30, s20, $0xb8;
	[tilespmem:$0x1D100] =	vst v63  }
0x1b8: {  	_ =	swait.ge [sflag:s21], $0x4000  }
0x1b9: {  	[sflag:s21] =	ssyncset.done $0x0  }
0x1ba: {  	[sflag:s21] =	ssyncadd.s32 $0xFFFFC000  }
0x1bb: {  	[spmem:s1] =	stream.indirect.scatter.add.f32 [tilespmem:s16], [sflag:$0x2], $0x80, s31, s20, $0xb8;
	[tilespmem:$0x1D100] =	vst v63  }
0x1bc: {  	_ =	swait.ge [sflag:s21], $0x4000  }
0x1bd: {  	[sflag:s21] =	ssyncset.done $0x0  }
0x1be: {  	[sflag:s21] =	ssyncadd.s32 $0xFFFFC000  }
0x1bf: {  	_ =	swait.ge [sflag:s28], $0x4000  }
0x1c0: {  	[sflag:s28] =	ssyncset.done $0x0  }
0x1c1: {  	s9 =	simm.s32 @!p1 $0x3;
	[sflag:s28] =	ssyncadd.s32 $0xFFFFC000  }
0x1c2: {  	_ =	swait.ge @!p1 [sflag:s9], $0x400  }
0x1c3: {  	[sflag:s9] =	ssyncset.done @!p1 $0x0  }
0x1c4: {  	[sflag:s9] =	ssyncadd.s32 @!p1 $0xFFFFFC00  }
0x1c5: {  	_ =	swait.ge @!p1 [sflag:s9], $0x400  }
0x1c6: {  	[sflag:s9] =	ssyncset.done @!p1 $0x0  }
0x1c7: {  	s10 =	simm.s32 @!p1 $0x1100;
	[sflag:s9] =	ssyncadd.s32 @!p1 $0xFFFFFC00;
	s9 =	simm.s32 @!p1 $0x80  }
0x1c8: {  	[tilespmem:s10], [sflag:$0x1] =	stream.indirect.gather @!p1 [hbm4b:s4+s9], $0x80, s8, s9, $0xb8;
	[tilespmem:$0x1D100] =	vst v63  }
0x1c9: {  	_ = 	snop  }
0x1ca: {  	[spmem:s1] =	stream.indirect.scatter.add.f32 [tilespmem:s26], [sflag:$0x2], $0x80, s0, s20, $0xb8;
	[tilespmem:$0x1D100] =	vst v63  }
0x1cb: {  	_ =	swait.ge [sflag:s28], $0x4000  }
0x1cc: {  	s8 =	simm.s32 $0x100;
	s9 =	simm.s32 $0x200;
	[sflag:s28] =	ssyncset.done $0x0  }
.LBB2_5:
0x1cd: {  	s11 =	sadd.s32 s8, s6  }
0x1ce: {  	[sflag:s28] =	ssyncadd.s32 $0xFFFFC000;
	s12 =	sadd.s32 s8, s7;
	s11 =	sadd.s32 $0x80, s11  }
0x1cf: {  	[tilespmem:s24], [sflag:$0x3] =	stream.linear.gather [hbm4b:s11+s3], $0x400, $0x38;
	[tilespmem:$0x1D100] =	vst v63  }
0x1d0: {  	s13 =	sadd.s32 $0x80, s12  }
0x1d1: {  	[tilespmem:s25], [sflag:$0x3] =	stream.linear.gather [hbm4b:s13+s3], $0x400, $0x38;
	[tilespmem:$0x1D100] =	vst v63  }
0x1d2: {  	_ = 	snop  }
0x1d3: {  	[tilespmem:s26], [sflag:$0x1] =	stream.indirect.gather [hbm4b:s4+s20], $0x80, s20, s20, $0xb8;
	[tilespmem:$0x1D100] =	vst v63  }
0x1d4: {  	_ =	swait.ge [sflag:s21], $0x4000  }
0x1d5: {  	[sflag:s21] =	ssyncset.done $0x0  }
0x1d6: {  	[sflag:s21] =	ssyncadd.s32 $0xFFFFC000  }
0x1d7: {  	[spmem:s1] =	stream.indirect.scatter.add.f32 [tilespmem:s16], [sflag:$0x2], $0x80, s22, s20, $0xb8;
	[tilespmem:$0x1D100] =	vst v63  }
0x1d8: {  	_ =	swait.ge [sflag:s21], $0x4000  }
0x1d9: {  	[sflag:s21] =	ssyncset.done $0x0  }
0x1da: {  	[sflag:s21] =	ssyncadd.s32 $0xFFFFC000  }
0x1db: {  	_ =	swait.ge [sflag:s28], $0x4000  }
0x1dc: {  	[sflag:s28] =	ssyncset.done $0x0  }
0x1dd: {  	s12 =	rddreg [dreg:$0x3];
	[sflag:s28] =	ssyncadd.s32 $0xFFFFC000  }
0x1de: {  	[tilespmem:s16], [sflag:$0x1] =	stream.indirect.gather [hbm4b:s4+s20], $0x80, s12, s20, $0xb8;
	[tilespmem:$0x1D100] =	vst v63  }
0x1df: {  	s13 =	rddreg [dreg:$0x4]  }
0x1e0: {  	[spmem:s1] =	stream.indirect.scatter.add.f32 [tilespmem:s26], [sflag:$0x2], $0x80, s13, s20, $0xb8;
	[tilespmem:$0x1D100] =	vst v63  }
0x1e1: {  	_ =	swait.ge [sflag:s28], $0x4000  }
0x1e2: {  	[sflag:s28] =	ssyncset.done $0x0  }
0x1e3: {  	s12 =	rddreg [dreg:$0x5];
	[sflag:s28] =	ssyncadd.s32 $0xFFFFC000  }
0x1e4: {  	[tilespmem:s26], [sflag:$0x1] =	stream.indirect.gather [hbm4b:s4+s20], $0x80, s12, s20, $0xb8;
	[tilespmem:$0x1D100] =	vst v63  }
0x1e5: {  	_ =	swait.ge [sflag:s21], $0x4000  }
0x1e6: {  	[sflag:s21] =	ssyncset.done $0x0  }
0x1e7: {  	s13 =	rddreg [dreg:$0x6];
	[sflag:s21] =	ssyncadd.s32 $0xFFFFC000  }
0x1e8: {  	[spmem:s1] =	stream.indirect.scatter.add.f32 [tilespmem:s16], [sflag:$0x2], $0x80, s13, s20, $0xb8;
	[tilespmem:$0x1D100] =	vst v63  }
0x1e9: {  	_ =	swait.ge [sflag:s21], $0x4000  }
0x1ea: {  	[sflag:s21] =	ssyncset.done $0x0  }
0x1eb: {  	[sflag:s21] =	ssyncadd.s32 $0xFFFFC000  }
0x1ec: {  	_ =	swait.ge [sflag:s28], $0x4000  }
0x1ed: {  	[sflag:s28] =	ssyncset.done $0x0  }
0x1ee: {  	s12 =	rddreg [dreg:$0x7];
	[sflag:s28] =	ssyncadd.s32 $0xFFFFC000  }
0x1ef: {  	[tilespmem:s16], [sflag:$0x1] =	stream.indirect.gather [hbm4b:s4+s20], $0x80, s12, s20, $0xb8;
	[tilespmem:$0x1D100] =	vst v63  }
0x1f0: {  	s13 =	rddreg [dreg:$0x8]  }
0x1f1: {  	[spmem:s1] =	stream.indirect.scatter.add.f32 [tilespmem:s26], [sflag:$0x2], $0x80, s13, s20, $0xb8;
	[tilespmem:$0x1D100] =	vst v63  }
0x1f2: {  	_ =	swait.ge [sflag:s28], $0x4000  }
0x1f3: {  	[sflag:s28] =	ssyncset.done $0x0  }
0x1f4: {  	s12 =	rddreg [dreg:$0x9];
	[sflag:s28] =	ssyncadd.s32 $0xFFFFC000  }
0x1f5: {  	[tilespmem:s26], [sflag:$0x1] =	stream.indirect.gather [hbm4b:s4+s20], $0x80, s12, s20, $0xb8;
	[tilespmem:$0x1D100] =	vst v63  }
0x1f6: {  	_ =	swait.ge [sflag:s21], $0x4000  }
0x1f7: {  	[sflag:s21] =	ssyncset.done $0x0  }
0x1f8: {  	s13 =	rddreg [dreg:$0xa];
	[sflag:s21] =	ssyncadd.s32 $0xFFFFC000  }
0x1f9: {  	[spmem:s1] =	stream.indirect.scatter.add.f32 [tilespmem:s16], [sflag:$0x2], $0x80, s13, s20, $0xb8;
	[tilespmem:$0x1D100] =	vst v63  }
0x1fa: {  	_ =	swait.ge [sflag:s21], $0x4000  }
0x1fb: {  	[sflag:s21] =	ssyncset.done $0x0  }
0x1fc: {  	[sflag:s21] =	ssyncadd.s32 $0xFFFFC000  }
0x1fd: {  	_ =	swait.ge [sflag:s28], $0x4000  }
0x1fe: {  	[sflag:s28] =	ssyncset.done $0x0  }
0x1ff: {  	s12 =	rddreg [dreg:$0xb];
	[sflag:s28] =	ssyncadd.s32 $0xFFFFC000  }
0x200: {  	[tilespmem:s16], [sflag:$0x1] =	stream.indirect.gather [hbm4b:s4+s20], $0x80, s12, s20, $0xb8;
	[tilespmem:$0x1D100] =	vst v63  }
0x201: {  	s13 =	rddreg [dreg:$0xc]  }
0x202: {  	[spmem:s1] =	stream.indirect.scatter.add.f32 [tilespmem:s26], [sflag:$0x2], $0x80, s13, s20, $0xb8;
	[tilespmem:$0x1D100] =	vst v63  }
0x203: {  	_ =	swait.ge [sflag:s28], $0x4000  }
0x204: {  	[sflag:s28] =	ssyncset.done $0x0  }
0x205: {  	s13 =	rddreg [dreg:$0xd];
	[sflag:s28] =	ssyncadd.s32 $0xFFFFC000  }
0x206: {  	[tilespmem:s26], [sflag:$0x1] =	stream.indirect.gather [hbm4b:s4+s20], $0x80, s13, s20, $0xb8;
	[tilespmem:$0x1D100] =	vst v63  }
0x207: {  	_ =	swait.ge [sflag:s21], $0x4000  }
0x208: {  	[sflag:s21] =	ssyncset.done $0x0  }
0x209: {  	s12 =	rddreg [dreg:$0xe];
	[sflag:s21] =	ssyncadd.s32 $0xFFFFC000  }
0x20a: {  	[spmem:s1] =	stream.indirect.scatter.add.f32 [tilespmem:s16], [sflag:$0x2], $0x80, s12, s20, $0xb8;
	[tilespmem:$0x1D100] =	vst v63  }
0x20b: {  	_ =	swait.ge [sflag:s21], $0x4000  }
0x20c: {  	[sflag:s21] =	ssyncset.done $0x0  }
0x20d: {  	[sflag:s21] =	ssyncadd.s32 $0xFFFFC000  }
0x20e: {  	_ =	swait.ge [sflag:s28], $0x4000  }
0x20f: {  	[sflag:s28] =	ssyncset.done $0x0  }
0x210: {  	[sflag:s28] =	ssyncadd.s32 $0xFFFFC000  }
0x211: {  	_ =	swait.ge [sflag:s23], $0x400  }
0x212: {  	[sflag:s23] =	ssyncset.done $0x0  }
0x213: {  	[sflag:s23] =	ssyncadd.s32 $0xFFFFFC00  }
0x214: {  	_ =	swait.ge [sflag:s23], $0x400  }
0x215: {  	[sflag:s23] =	ssyncset.done $0x0  }
0x216: {  	[sflag:s23] =	ssyncadd.s32 $0xFFFFFC00  }
0x217: {  	[tilespmem:s16], [sflag:$0x1] =	stream.indirect.gather [hbm4b:s4+s20], $0x80, s24, s20, $0xb8;
	[tilespmem:$0x1D100] =	vst v63  }
0x218: {  	s13 =	rddreg [dreg:$0xf]  }
0x219: {  	[spmem:s1] =	stream.indirect.scatter.add.f32 [tilespmem:s26], [sflag:$0x2], $0x80, s13, s20, $0xb8;
	[tilespmem:$0x1D100] =	vst v63  }
0x21a: {  	p2 =	seq.s32 s8, $0x800;
	_ =	swait.ge [sflag:s28], $0x4000  }
0x21b: {  	s11 =	sadd.s32 @!p2 s8, s6;
	s8 =	sadd.s32 @!p2 s8, s7;
	[sflag:s28] =	ssyncset.done $0x0  }
0x21c: {  	s12 =	sadd.s32 @!p2 $0x100, s11;
	s11 =	simm.s32 @!p2 $0x0;
	[sflag:s28] =	ssyncadd.s32 $0xFFFFC000  }
0x21d: {  	[tilespmem:s11], [sflag:$0x3] =	stream.linear.gather @!p2 [hbm4b:s12+s11], $0x400, $0x38;
	[tilespmem:$0x1D100] =	vst v63  }
0x21e: {  	s8 =	sadd.s32 @!p2 $0x100, s8;
	s12 =	simm.s32 @!p2 $0x400  }
0x21f: {  	[tilespmem:s12], [sflag:$0x3] =	stream.linear.gather @!p2 [hbm4b:s8+s11], $0x400, $0x38;
	[tilespmem:$0x1D100] =	vst v63  }
0x220: {  	s13 =	rddreg [dreg:$0x10]  }
0x221: {  	[tilespmem:s26], [sflag:$0x1] =	stream.indirect.gather [hbm4b:s4+s20], $0x80, s13, s20, $0xb8;
	[tilespmem:$0x1D100] =	vst v63  }
0x222: {  	_ =	swait.ge [sflag:s21], $0x4000  }
0x223: {  	[sflag:s21] =	ssyncset.done $0x0  }
0x224: {  	[sflag:s21] =	ssyncadd.s32 $0xFFFFC000  }
0x225: {  	[spmem:s1] =	stream.indirect.scatter.add.f32 [tilespmem:s16], [sflag:$0x2], $0x80, s25, s20, $0xb8;
	[tilespmem:$0x1D100] =	vst v63  }
0x226: {  	_ =	swait.ge [sflag:s21], $0x4000  }
0x227: {  	[sflag:s21] =	ssyncset.done $0x0  }
0x228: {  	[sflag:s21] =	ssyncadd.s32 $0xFFFFC000  }
0x229: {  	_ =	swait.ge [sflag:s28], $0x4000  }
0x22a: {  	[sflag:s28] =	ssyncset.done $0x0  }
0x22b: {  	s12 =	rddreg [dreg:$0x11];
	[sflag:s28] =	ssyncadd.s32 $0xFFFFC000  }
0x22c: {  	[tilespmem:s16], [sflag:$0x1] =	stream.indirect.gather [hbm4b:s4+s20], $0x80, s12, s20, $0xb8;
	[tilespmem:$0x1D100] =	vst v63  }
0x22d: {  	s13 =	rddreg [dreg:$0x12]  }
0x22e: {  	[spmem:s1] =	stream.indirect.scatter.add.f32 [tilespmem:s26], [sflag:$0x2], $0x80, s13, s20, $0xb8;
	[tilespmem:$0x1D100] =	vst v63  }
0x22f: {  	_ =	swait.ge [sflag:s28], $0x4000  }
0x230: {  	[sflag:s28] =	ssyncset.done $0x0  }
0x231: {  	s12 =	rddreg [dreg:$0x13];
	[sflag:s28] =	ssyncadd.s32 $0xFFFFC000  }
0x232: {  	[tilespmem:s26], [sflag:$0x1] =	stream.indirect.gather [hbm4b:s4+s20], $0x80, s12, s20, $0xb8;
	[tilespmem:$0x1D100] =	vst v63  }
0x233: {  	_ =	swait.ge [sflag:s21], $0x4000  }
0x234: {  	[sflag:s21] =	ssyncset.done $0x0  }
0x235: {  	s13 =	rddreg [dreg:$0x14];
	[sflag:s21] =	ssyncadd.s32 $0xFFFFC000  }
0x236: {  	[spmem:s1] =	stream.indirect.scatter.add.f32 [tilespmem:s16], [sflag:$0x2], $0x80, s13, s20, $0xb8;
	[tilespmem:$0x1D100] =	vst v63  }
0x237: {  	_ =	swait.ge [sflag:s21], $0x4000  }
0x238: {  	[sflag:s21] =	ssyncset.done $0x0  }
0x239: {  	[sflag:s21] =	ssyncadd.s32 $0xFFFFC000  }
0x23a: {  	_ =	swait.ge [sflag:s28], $0x4000  }
0x23b: {  	[sflag:s28] =	ssyncset.done $0x0  }
0x23c: {  	s12 =	rddreg [dreg:$0x15];
	[sflag:s28] =	ssyncadd.s32 $0xFFFFC000  }
0x23d: {  	[tilespmem:s16], [sflag:$0x1] =	stream.indirect.gather [hbm4b:s4+s20], $0x80, s12, s20, $0xb8;
	[tilespmem:$0x1D100] =	vst v63  }
0x23e: {  	s13 =	rddreg [dreg:$0x16]  }
0x23f: {  	[spmem:s1] =	stream.indirect.scatter.add.f32 [tilespmem:s26], [sflag:$0x2], $0x80, s13, s20, $0xb8;
	[tilespmem:$0x1D100] =	vst v63  }
0x240: {  	_ =	swait.ge [sflag:s28], $0x4000  }
0x241: {  	[sflag:s28] =	ssyncset.done $0x0  }
0x242: {  	s13 =	rddreg [dreg:$0x17];
	[sflag:s28] =	ssyncadd.s32 $0xFFFFC000  }
0x243: {  	[tilespmem:s26], [sflag:$0x1] =	stream.indirect.gather [hbm4b:s4+s20], $0x80, s13, s20, $0xb8;
	[tilespmem:$0x1D100] =	vst v63  }
0x244: {  	_ =	swait.ge [sflag:s21], $0x4000  }
0x245: {  	[sflag:s21] =	ssyncset.done $0x0  }
0x246: {  	s12 =	rddreg [dreg:$0x18];
	[sflag:s21] =	ssyncadd.s32 $0xFFFFC000  }
0x247: {  	[spmem:s1] =	stream.indirect.scatter.add.f32 [tilespmem:s16], [sflag:$0x2], $0x80, s12, s20, $0xb8;
	[tilespmem:$0x1D100] =	vst v63  }
0x248: {  	_ =	swait.ge [sflag:s21], $0x4000  }
0x249: {  	[sflag:s21] =	ssyncset.done $0x0  }
0x24a: {  	[sflag:s21] =	ssyncadd.s32 $0xFFFFC000  }
0x24b: {  	_ =	swait.ge [sflag:s28], $0x4000  }
0x24c: {  	[sflag:s28] =	ssyncset.done $0x0  }
0x24d: {  	s13 =	rddreg [dreg:$0x19];
	[sflag:s28] =	ssyncadd.s32 $0xFFFFC000  }
0x24e: {  	[tilespmem:s16], [sflag:$0x1] =	stream.indirect.gather [hbm4b:s4+s20], $0x80, s13, s20, $0xb8;
	[tilespmem:$0x1D100] =	vst v63  }
0x24f: {  	_ = 	snop  }
0x250: {  	[spmem:s1] =	stream.indirect.scatter.add.f32 [tilespmem:s26], [sflag:$0x2], $0x80, s29, s20, $0xb8;
	[tilespmem:$0x1D100] =	vst v63  }
0x251: {  	_ =	swait.ge [sflag:s28], $0x4000  }
0x252: {  	[sflag:s28] =	ssyncset.done $0x0  }
0x253: {  	[sflag:s28] =	ssyncadd.s32 $0xFFFFC000  }
0x254: {  	[tilespmem:s26], [sflag:$0x1] =	stream.indirect.gather [hbm4b:s4+s20], $0x80, s30, s20, $0xb8;
	[tilespmem:$0x1D100] =	vst v63  }
0x255: {  	_ =	swait.ge [sflag:s21], $0x4000  }
0x256: {  	[sflag:s21] =	ssyncset.done $0x0  }
0x257: {  	[sflag:s21] =	ssyncadd.s32 $0xFFFFC000  }
0x258: {  	[spmem:s1] =	stream.indirect.scatter.add.f32 [tilespmem:s16], [sflag:$0x2], $0x80, s31, s20, $0xb8;
	[tilespmem:$0x1D100] =	vst v63  }
0x259: {  	_ =	swait.ge [sflag:s21], $0x4000  }
0x25a: {  	[sflag:s21] =	ssyncset.done $0x0  }
0x25b: {  	[sflag:s21] =	ssyncadd.s32 $0xFFFFC000  }
0x25c: {  	_ =	swait.ge [sflag:s28], $0x4000  }
0x25d: {  	s10 =	smov.u32 s9;
	[sflag:s28] =	ssyncset.done $0x0  }
0x25e: {  	s8 =	smov.u32 s10;
	s10 =	simm.s32 @!p2 $0x3;
	[sflag:s28] =	ssyncadd.s32 $0xFFFFC000  }
0x25f: {  	_ =	swait.ge @!p2 [sflag:s10], $0x400  }
0x260: {  	[sflag:s10] =	ssyncset.done @!p2 $0x0  }
0x261: {  	[sflag:s10] =	ssyncadd.s32 @!p2 $0xFFFFFC00  }
0x262: {  	s9 =	sadd.s32 $0x100, s9;
	_ =	swait.ge @!p2 [sflag:s10], $0x400  }
0x263: {  	p1 =	seq.s32 s9, $0x900;
	[sflag:s10] =	ssyncset.done @!p2 $0x0  }
0x264: {  	s12 =	simm.s32 @!p2 $0x1100;
	[sflag:s10] =	ssyncadd.s32 @!p2 $0xFFFFFC00;
	s10 =	simm.s32 @!p2 $0x80  }
0x265: {  	[tilespmem:s12], [sflag:$0x1] =	stream.indirect.gather @!p2 [hbm4b:s4+s10], $0x80, s11, s10, $0xb8;
	[tilespmem:$0x1D100] =	vst v63  }
.Ltmp6:
0x266: {  	_ = 	snop;
	(pc) =	sbr.rel @!p1 .LBB2_5-.Ltmp6, $4  }
0x267: {  	_ = 	snop  }
0x268: {  	[spmem:s1] =	stream.indirect.scatter.add.f32 [tilespmem:s26], [sflag:$0x2], $0x80, s0, s20, $0xb8;
	[tilespmem:$0x1D100] =	vst v63  }
0x269: {  	_ =	swait.ge [sflag:s28], $0x4000  }
0x26a: {  	[sflag:s28] =	ssyncset.done $0x0  }
.Ltmp7:
0x26b: {  	_ = 	snop;
	(pc) =	sbr.rel .LBB2_6-.Ltmp7, $1  }
0x26c: {  	_ =	sdelay $0x3  }
.LBB2_11:
0x26d: {  	_ =	sfence.sel $0x180000  }
0x26e: {  	[bflag:$0x0] =	sbarrier.arrive $0xFFFF  }
0x26f: {  	_ =	strace $0x90000050  }
0x270: {  	[bflag:$0x2] =	sbarrier.arrive $0xFFFF  }
0x271: {  	p0 =	sne.s32 s13, $0x0;
	s0 =	rddreg [dreg:$0x2]  }
0x272: {  	s0 =	sadd.s32 @!p0 $0x100000, s0  }
0x273: {  	[sflag:s0] =	ssyncadd.tile.s32 @!p0 $0x1;
	_ =	shalt  }
.Lfunc_end2:
_tile_overlayer_lowered:
.L_overlay_start_2:
0x274: {  	(tag) =	ssettag $0x2  }
0x275: {  	s0 =	rddreg [dreg:$0x0];
	s2 =	stileid.u32  }
0x276: {  	s1 =	rddreg [dreg:$0x1];
	p0 =	sne.s32 s2, $0x0  }
0x277: {  	s3 =	rddreg [dreg:$0x2];
	[bflag:$0x3] =	sbarrier.arrive $0xFFFF;
	s2 =	simm.s32 @!p0 $0x1C04  }
0x278: {  	[timem:s3], [sflag:s2] =	dma.local @!p0 [hbm:s0], s1  }
0x279: {  	s0 =	simm.s32 @!p0 $0x4  }
0x27a: {  	_ =	swait.ge @!p0 [sflag:s0], s1  }
0x27b: {  	s1 =	ssub.s32 @!p0 $0x0, s1;
	[sflag:s0] =	ssyncset.done @!p0 $0x0  }
0x27c: {  	[sflag:s0] =	ssyncadd.s32 @!p0 s1  }
0x27d: {  	[bflag:$0x3] =	sbarrier.arrive $0xFFFF  }
0x27e: {  	_ =	shalt  }

</sc_bundles>
